<compile_context>
chip_gen: v7x
topology: tpu7x:2x2x1
jax: 0.10.2.dev20260603
libtpu: 0.0.44.dev20260713+nightly
codegen_flags: <defaults>
</compile_context>

<pallas_src>
import jax
import jax.numpy as jnp
from jax import lax
from jax.experimental import pallas as pl
from jax.experimental.pallas import tpu as pltpu
from jax.experimental.pallas import tpu_sc as plsc

NC = 2
NS = 16
NW = NC * NS

G = 100
GPC = 2
CH = G * GPC


def _body(seq, emb, nchunk, idx_hbm, tok_hbm, pos_hbm, out_hbm,
          idx_all, tmpl_v, bufs, gsems, wsems):
    wid = lax.axis_index("s") * NC + lax.axis_index("c")
    rbase = wid * (nchunk * GPC)
    obase = wid * (nchunk * CH)

    pltpu.sync_copy(idx_hbm.at[pl.ds(rbase, nchunk * GPC)], idx_all)
    pltpu.sync_copy(pos_hbm, tmpl_v)

    def fire_gathers(u, c):
        for j in range(GPC):
            pltpu.async_copy(tok_hbm.at[idx_all.at[c * GPC + j]],
                             bufs[u].at[pl.ds(j * G, G)], gsems[u])

    def wait_gathers(u):
        for j in range(GPC):
            pltpu.make_async_copy(tok_hbm.at[idx_all.at[0]],
                                  bufs[u].at[pl.ds(j * G, G)],
                                  gsems[u]).wait()

    def fire_wb(u, c):
        off = pl.multiple_of(obase + c * CH, 8)
        pltpu.async_copy(bufs[u], out_hbm.at[pl.ds(off, CH)], wsems[u])

    def wait_wb(u):
        pltpu.make_async_copy(bufs[u], out_hbm.at[pl.ds(0, CH)],
                              wsems[u]).wait()

    def add_pos(u):
        def row_body(r, rcarry):
            for j in range(emb // 16):
                sl = pl.ds(j * 16, 16)
                plsc.addupdate(bufs[u].at[r, sl], tmpl_v[r, sl])
            return rcarry
        lax.fori_loop(0, CH, row_body, 0, unroll=4)

    nquad = nchunk // 4

    fire_gathers(0, 0)
    fire_gathers(1, 1)
    wait_gathers(0)
    fire_gathers(2, 2)
    add_pos(0)
    fire_wb(0, 0)
    wait_gathers(1)
    fire_gathers(3, 3)
    add_pos(1)
    fire_wb(1, 1)
    wait_gathers(2)
    wait_wb(0)
    fire_gathers(0, 4)
    add_pos(2)
    fire_wb(2, 2)
    wait_gathers(3)
    wait_wb(1)
    fire_gathers(1, 5)
    add_pos(3)
    fire_wb(3, 3)

    def quad_body(k, carry):
        c = k * 4
        for u in range(4):
            w = (u + 2) % 4
            wait_gathers(u)
            wait_wb(w)
            fire_gathers(w, c + u + 2)
            add_pos(u)
            fire_wb(u, c + u)
        return carry

    lax.fori_loop(1, nquad - 1, quad_body, 0)

    c = nchunk - 4
    wait_gathers(0)
    wait_wb(2)
    fire_gathers(2, c + 2)
    add_pos(0)
    fire_wb(0, c)
    wait_gathers(1)
    wait_wb(3)
    fire_gathers(3, c + 3)
    add_pos(1)
    fire_wb(1, c + 1)
    wait_gathers(2)
    wait_wb(0)
    add_pos(2)
    fire_wb(2, c + 2)
    wait_gathers(3)
    wait_wb(1)
    add_pos(3)
    fire_wb(3, c + 3)
    wait_wb(2)
    wait_wb(3)


@jax.jit
def kernel(inputs, token_table, pos_table):
    batch, seq = inputs.shape
    emb = token_table.shape[1]
    rows = batch * seq
    nchunk = rows // NW // CH

    idx2 = inputs.astype(jnp.int32).reshape(rows // G, G)
    mesh = plsc.VectorSubcoreMesh(core_axis_name="c", subcore_axis_name="s")
    body = lambda *refs: _body(seq, emb, nchunk, *refs)
    out = pl.kernel(
        body,
        out_type=jax.ShapeDtypeStruct((rows, emb), jnp.float32),
        mesh=mesh,
        compiler_params=pltpu.CompilerParams(use_tc_tiling_on_sc=False),
        scratch_types=[
            pltpu.VMEM((rows // NW // G, G), jnp.int32),
            pltpu.VMEM((seq, emb), jnp.float32),
            [pltpu.VMEM((CH, emb), jnp.float32) for _ in range(4)],
            [pltpu.SemaphoreType.DMA for _ in range(4)],
            [pltpu.SemaphoreType.DMA for _ in range(4)],
        ],
    )(idx2, token_table, pos_table)
    return out.reshape(batch, seq, emb)

# --- scband reference (transcript-rebuilt; emitter-appended) ---
"""Pipeline reference for scband-positional-embedding-11871289606311 (READ-ONLY COPY).

The authoritative reference and input builder live on the scoring server;
editing this copy changes nothing except your own understanding.
"""

import jax, jax.numpy as jnp
import numpy as np

VOCAB = 100000
SEQ_LEN = 200
EMBED = 64
BATCH = 4096

def setup_inputs(seed: int = 0) -> dict:
    key = jax.random.key(seed)
    k1, k2, k3 = jax.random.split(key, 3)
    inputs = jax.random.randint(k1, (BATCH, SEQ_LEN), 0, VOCAB, dtype=jnp.int64 if jax.config.jax_enable_x64 else jnp.int32)
    token_table = jax.random.normal(k2, (VOCAB, EMBED), dtype=jnp.float32) * 0.02
    pos_table = jax.random.normal(k3, (SEQ_LEN, EMBED), dtype=jnp.float32) * 0.02
    return {"inputs": inputs, "token_table": token_table, "pos_table": pos_table}

def reference(inputs, token_table, pos_table):
    length = inputs.shape[-1]
    positions = jnp.arange(0, length, 1)
    embedded_tokens = jnp.take(token_table, inputs, axis=0)
    embedded_positions = jnp.take(pos_table, positions, axis=0)
    return embedded_tokens + embedded_positions

if __name__ == "__main__":
    import jax
    _d = setup_inputs()
    print(jax.jit(kernel)(*tuple(_d.values())))

</pallas_src>

<mosaic_0001>
#map = affine_map<(d0, d1) -> (0, 0)>
module attributes {stable_mosaic.version = 14 : i64} {
  func.func @_lambda_(%arg0: i32, %arg1: i32, %arg2: memref<8192x100xi32, #tpu.memory_space<hbm>>, %arg3: memref<100000x64xf32, #tpu.memory_space<hbm>>, %arg4: memref<200x64xf32, #tpu.memory_space<hbm>>, %arg5: memref<819200x64xf32, #tpu.memory_space<hbm>>, %arg6: memref<256x100xi32, #tpu.memory_space<vmem>>, %arg7: memref<200x64xf32, #tpu.memory_space<vmem>>, %arg8: memref<200x64xf32, #tpu.memory_space<vmem>>, %arg9: memref<200x64xf32, #tpu.memory_space<vmem>>, %arg10: memref<200x64xf32, #tpu.memory_space<vmem>>, %arg11: memref<200x64xf32, #tpu.memory_space<vmem>>, %arg12: memref<!tpu.dma_semaphore, #tpu.memory_space<semaphore_mem>>, %arg13: memref<!tpu.dma_semaphore, #tpu.memory_space<semaphore_mem>>, %arg14: memref<!tpu.dma_semaphore, #tpu.memory_space<semaphore_mem>>, %arg15: memref<!tpu.dma_semaphore, #tpu.memory_space<semaphore_mem>>, %arg16: memref<!tpu.dma_semaphore, #tpu.memory_space<semaphore_mem>>, %arg17: memref<!tpu.dma_semaphore, #tpu.memory_space<semaphore_mem>>, %arg18: memref<!tpu.dma_semaphore, #tpu.memory_space<semaphore_mem>>, %arg19: memref<!tpu.dma_semaphore, #tpu.memory_space<semaphore_mem>>) attributes {dimension_semantics = [#tpu.dimension_semantics<core_parallel>, #tpu.dimension_semantics<subcore_parallel>], iteration_bounds = array<i64: 2, 16>, scalar_prefetch = 0 : i64, scratch_operands = 14 : i64, tpu.core_type = #tpu.core_type<sc_vector_subcore>, window_params = [{transform_indices = #map}, {transform_indices = #map}, {transform_indices = #map}, {transform_indices = #map}]} {
    %mul3A = arith.constant 2 : i32
    %mul3A_0 = arith.muli %arg1, %mul3A : i32
    %add3A = arith.addi %mul3A_0, %arg0 : i32
    %mul3A_1 = arith.constant 256 : i32
    %mul3A_2 = arith.muli %add3A, %mul3A_1 : i32
    %mul3A_3 = arith.constant 25600 : i32
    %mul3A_4 = arith.muli %add3A, %mul3A_3 : i32
    "tpu.region"() ({
      %run_scoped3A = tpu.sem_alloc : memref<!tpu.dma_semaphore, #tpu.memory_space<semaphore_mem>>
      %dma_start3A_479 = arith.constant 0 : i32
      %dma_start3A_480 = tpu.memref_slice %arg2[%mul3A_2, %dma_start3A_479] : memref<8192x100xi32, #tpu.memory_space<hbm>> -> memref<256x100xi32, #tpu.memory_space<hbm>>
      %dma_start3A_481 = arith.constant 0 : i32
      %dma_start3A_482 = tpu.memref_slice %arg2[%mul3A_2, %dma_start3A_481] : memref<8192x100xi32, #tpu.memory_space<hbm>> -> memref<256x100xi32, #tpu.memory_space<hbm>>
      tpu.enqueue_dma source(%dma_start3A_482 : memref<256x100xi32, #tpu.memory_space<hbm>>) target(%arg6 : memref<256x100xi32, #tpu.memory_space<vmem>>) target_semaphore(%run_scoped3A : memref<!tpu.dma_semaphore, #tpu.memory_space<semaphore_mem>>)
      %dma_wait3A_483 = arith.constant 0 : i32
      %dma_wait3A_484 = tpu.memref_slice %arg2[%mul3A_2, %dma_wait3A_483] : memref<8192x100xi32, #tpu.memory_space<hbm>> -> memref<256x100xi32, #tpu.memory_space<hbm>>
      %dma_wait3A_485 = arith.constant 0 : i32
      %dma_wait3A_486 = tpu.memref_slice %arg2[%mul3A_2, %dma_wait3A_485] : memref<8192x100xi32, #tpu.memory_space<hbm>> -> memref<256x100xi32, #tpu.memory_space<hbm>>
      tpu.wait_dma2 semaphore(%run_scoped3A : memref<!tpu.dma_semaphore, #tpu.memory_space<semaphore_mem>>) src(%dma_wait3A_486 : memref<256x100xi32, #tpu.memory_space<hbm>>) dst(%arg6 : memref<256x100xi32, #tpu.memory_space<vmem>>)
      tpu.yield
    }) : () -> ()
    "tpu.region"() ({
      %run_scoped3A = tpu.sem_alloc : memref<!tpu.dma_semaphore, #tpu.memory_space<semaphore_mem>>
      tpu.enqueue_dma source(%arg4 : memref<200x64xf32, #tpu.memory_space<hbm>>) target(%arg7 : memref<200x64xf32, #tpu.memory_space<vmem>>) target_semaphore(%run_scoped3A : memref<!tpu.dma_semaphore, #tpu.memory_space<semaphore_mem>>)
      tpu.wait_dma2 semaphore(%run_scoped3A : memref<!tpu.dma_semaphore, #tpu.memory_space<semaphore_mem>>) src(%arg4 : memref<200x64xf32, #tpu.memory_space<hbm>>) dst(%arg7 : memref<200x64xf32, #tpu.memory_space<vmem>>)
      tpu.yield
    }) : () -> ()
    %dma_start3A = arith.constant 0 : i32
    %dma_start3A_5 = arith.constant 0 : i32
    %dma_start3A_6 = arith.constant 0 : i32
    %dma_start3A_7 = tpu.memref_slice %arg8[%dma_start3A_5, %dma_start3A_6] : memref<200x64xf32, #tpu.memory_space<vmem>> -> memref<100x64xf32, #tpu.memory_space<vmem>>
    %dma_start3A_8 = arith.constant 0 : i32
    %dma_start3A_9 = tpu.memref_slice %arg6[%dma_start3A, %dma_start3A_8] : memref<256x100xi32, #tpu.memory_space<vmem>> -> memref<1x100xi32, #tpu.memory_space<vmem>>
    %dma_start3A_10 = tpu.memref_squeeze %dma_start3A_9 : memref<1x100xi32, #tpu.memory_space<vmem>> -> memref<100xi32, #tpu.memory_space<vmem>>
    %dma_start3A_11 = arith.constant 0 : i32
    %dma_start3A_12 = arith.constant 0 : i32
    %dma_start3A_13 = tpu.memref_slice %arg3[%dma_start3A_11, %dma_start3A_12] : memref<100000x64xf32, #tpu.memory_space<hbm>> -> memref<100000x64xf32, #tpu.memory_space<hbm>>
    tpu.enqueue_indirect_dma source(%dma_start3A_13 : memref<100000x64xf32, #tpu.memory_space<hbm>>) target(%dma_start3A_7 : memref<100x64xf32, #tpu.memory_space<vmem>>) offsets(%dma_start3A_10 : memref<100xi32, #tpu.memory_space<vmem>>) semaphore(%arg12 : memref<!tpu.dma_semaphore, #tpu.memory_space<semaphore_mem>>)
    %dma_start3A_14 = arith.constant 1 : i32
    %dma_start3A_15 = arith.constant 100 : i32
    %dma_start3A_16 = arith.constant 0 : i32
    %dma_start3A_17 = tpu.memref_slice %arg8[%dma_start3A_15, %dma_start3A_16] : memref<200x64xf32, #tpu.memory_space<vmem>> -> memref<100x64xf32, #tpu.memory_space<vmem>>
    %dma_start3A_18 = arith.constant 0 : i32
    %dma_start3A_19 = tpu.memref_slice %arg6[%dma_start3A_14, %dma_start3A_18] : memref<256x100xi32, #tpu.memory_space<vmem>> -> memref<1x100xi32, #tpu.memory_space<vmem>>
    %dma_start3A_20 = tpu.memref_squeeze %dma_start3A_19 : memref<1x100xi32, #tpu.memory_space<vmem>> -> memref<100xi32, #tpu.memory_space<vmem>>
    %dma_start3A_21 = arith.constant 0 : i32
    %dma_start3A_22 = arith.constant 0 : i32
    %dma_start3A_23 = tpu.memref_slice %arg3[%dma_start3A_21, %dma_start3A_22] : memref<100000x64xf32, #tpu.memory_space<hbm>> -> memref<100000x64xf32, #tpu.memory_space<hbm>>
    tpu.enqueue_indirect_dma source(%dma_start3A_23 : memref<100000x64xf32, #tpu.memory_space<hbm>>) target(%dma_start3A_17 : memref<100x64xf32, #tpu.memory_space<vmem>>) offsets(%dma_start3A_20 : memref<100xi32, #tpu.memory_space<vmem>>) semaphore(%arg12 : memref<!tpu.dma_semaphore, #tpu.memory_space<semaphore_mem>>)
    %dma_start3A_24 = arith.constant 2 : i32
    %dma_start3A_25 = arith.constant 0 : i32
    %dma_start3A_26 = arith.constant 0 : i32
    %dma_start3A_27 = tpu.memref_slice %arg9[%dma_start3A_25, %dma_start3A_26] : memref<200x64xf32, #tpu.memory_space<vmem>> -> memref<100x64xf32, #tpu.memory_space<vmem>>
    %dma_start3A_28 = arith.constant 0 : i32
    %dma_start3A_29 = tpu.memref_slice %arg6[%dma_start3A_24, %dma_start3A_28] : memref<256x100xi32, #tpu.memory_space<vmem>> -> memref<1x100xi32, #tpu.memory_space<vmem>>
    %dma_start3A_30 = tpu.memref_squeeze %dma_start3A_29 : memref<1x100xi32, #tpu.memory_space<vmem>> -> memref<100xi32, #tpu.memory_space<vmem>>
    %dma_start3A_31 = arith.constant 0 : i32
    %dma_start3A_32 = arith.constant 0 : i32
    %dma_start3A_33 = tpu.memref_slice %arg3[%dma_start3A_31, %dma_start3A_32] : memref<100000x64xf32, #tpu.memory_space<hbm>> -> memref<100000x64xf32, #tpu.memory_space<hbm>>
    tpu.enqueue_indirect_dma source(%dma_start3A_33 : memref<100000x64xf32, #tpu.memory_space<hbm>>) target(%dma_start3A_27 : memref<100x64xf32, #tpu.memory_space<vmem>>) offsets(%dma_start3A_30 : memref<100xi32, #tpu.memory_space<vmem>>) semaphore(%arg13 : memref<!tpu.dma_semaphore, #tpu.memory_space<semaphore_mem>>)
    %dma_start3A_34 = arith.constant 3 : i32
    %dma_start3A_35 = arith.constant 100 : i32
    %dma_start3A_36 = arith.constant 0 : i32
    %dma_start3A_37 = tpu.memref_slice %arg9[%dma_start3A_35, %dma_start3A_36] : memref<200x64xf32, #tpu.memory_space<vmem>> -> memref<100x64xf32, #tpu.memory_space<vmem>>
    %dma_start3A_38 = arith.constant 0 : i32
    %dma_start3A_39 = tpu.memref_slice %arg6[%dma_start3A_34, %dma_start3A_38] : memref<256x100xi32, #tpu.memory_space<vmem>> -> memref<1x100xi32, #tpu.memory_space<vmem>>
    %dma_start3A_40 = tpu.memref_squeeze %dma_start3A_39 : memref<1x100xi32, #tpu.memory_space<vmem>> -> memref<100xi32, #tpu.memory_space<vmem>>
    %dma_start3A_41 = arith.constant 0 : i32
    %dma_start3A_42 = arith.constant 0 : i32
    %dma_start3A_43 = tpu.memref_slice %arg3[%dma_start3A_41, %dma_start3A_42] : memref<100000x64xf32, #tpu.memory_space<hbm>> -> memref<100000x64xf32, #tpu.memory_space<hbm>>
    tpu.enqueue_indirect_dma source(%dma_start3A_43 : memref<100000x64xf32, #tpu.memory_space<hbm>>) target(%dma_start3A_37 : memref<100x64xf32, #tpu.memory_space<vmem>>) offsets(%dma_start3A_40 : memref<100xi32, #tpu.memory_space<vmem>>) semaphore(%arg13 : memref<!tpu.dma_semaphore, #tpu.memory_space<semaphore_mem>>)
    %dma_wait3A = arith.constant 0 : i32
    %dma_wait3A_44 = arith.constant 0 : i32
    %dma_wait3A_45 = arith.constant 0 : i32
    %dma_wait3A_46 = tpu.memref_slice %arg8[%dma_wait3A_44, %dma_wait3A_45] : memref<200x64xf32, #tpu.memory_space<vmem>> -> memref<100x64xf32, #tpu.memory_space<vmem>>
    %dma_wait3A_47 = arith.constant 0 : i32
    %dma_wait3A_48 = tpu.memref_slice %arg6[%dma_wait3A, %dma_wait3A_47] : memref<256x100xi32, #tpu.memory_space<vmem>> -> memref<1x100xi32, #tpu.memory_space<vmem>>
    %dma_wait3A_49 = tpu.memref_squeeze %dma_wait3A_48 : memref<1x100xi32, #tpu.memory_space<vmem>> -> memref<100xi32, #tpu.memory_space<vmem>>
    %dma_wait3A_50 = arith.constant 0 : i32
    %dma_wait3A_51 = arith.constant 0 : i32
    %dma_wait3A_52 = tpu.memref_slice %arg3[%dma_wait3A_50, %dma_wait3A_51] : memref<100000x64xf32, #tpu.memory_space<hbm>> -> memref<100000x64xf32, #tpu.memory_space<hbm>>
    tpu.wait_indirect_dma semaphore(%arg12 : memref<!tpu.dma_semaphore, #tpu.memory_space<semaphore_mem>>) src(%dma_wait3A_52 : memref<100000x64xf32, #tpu.memory_space<hbm>>) dst(%dma_wait3A_46 : memref<100x64xf32, #tpu.memory_space<vmem>>)
    %dma_wait3A_53 = arith.constant 0 : i32
    %dma_wait3A_54 = arith.constant 100 : i32
    %dma_wait3A_55 = arith.constant 0 : i32
    %dma_wait3A_56 = tpu.memref_slice %arg8[%dma_wait3A_54, %dma_wait3A_55] : memref<200x64xf32, #tpu.memory_space<vmem>> -> memref<100x64xf32, #tpu.memory_space<vmem>>
    %dma_wait3A_57 = arith.constant 0 : i32
    %dma_wait3A_58 = tpu.memref_slice %arg6[%dma_wait3A_53, %dma_wait3A_57] : memref<256x100xi32, #tpu.memory_space<vmem>> -> memref<1x100xi32, #tpu.memory_space<vmem>>
    %dma_wait3A_59 = tpu.memref_squeeze %dma_wait3A_58 : memref<1x100xi32, #tpu.memory_space<vmem>> -> memref<100xi32, #tpu.memory_space<vmem>>
    %dma_wait3A_60 = arith.constant 0 : i32
    %dma_wait3A_61 = arith.constant 0 : i32
    %dma_wait3A_62 = tpu.memref_slice %arg3[%dma_wait3A_60, %dma_wait3A_61] : memref<100000x64xf32, #tpu.memory_space<hbm>> -> memref<100000x64xf32, #tpu.memory_space<hbm>>
    tpu.wait_indirect_dma semaphore(%arg12 : memref<!tpu.dma_semaphore, #tpu.memory_space<semaphore_mem>>) src(%dma_wait3A_62 : memref<100000x64xf32, #tpu.memory_space<hbm>>) dst(%dma_wait3A_56 : memref<100x64xf32, #tpu.memory_space<vmem>>)
    %dma_start3A_63 = arith.constant 4 : i32
    %dma_start3A_64 = arith.constant 0 : i32
    %dma_start3A_65 = arith.constant 0 : i32
    %dma_start3A_66 = tpu.memref_slice %arg10[%dma_start3A_64, %dma_start3A_65] : memref<200x64xf32, #tpu.memory_space<vmem>> -> memref<100x64xf32, #tpu.memory_space<vmem>>
    %dma_start3A_67 = arith.constant 0 : i32
    %dma_start3A_68 = tpu.memref_slice %arg6[%dma_start3A_63, %dma_start3A_67] : memref<256x100xi32, #tpu.memory_space<vmem>> -> memref<1x100xi32, #tpu.memory_space<vmem>>
    %dma_start3A_69 = tpu.memref_squeeze %dma_start3A_68 : memref<1x100xi32, #tpu.memory_space<vmem>> -> memref<100xi32, #tpu.memory_space<vmem>>
    %dma_start3A_70 = arith.constant 0 : i32
    %dma_start3A_71 = arith.constant 0 : i32
    %dma_start3A_72 = tpu.memref_slice %arg3[%dma_start3A_70, %dma_start3A_71] : memref<100000x64xf32, #tpu.memory_space<hbm>> -> memref<100000x64xf32, #tpu.memory_space<hbm>>
    tpu.enqueue_indirect_dma source(%dma_start3A_72 : memref<100000x64xf32, #tpu.memory_space<hbm>>) target(%dma_start3A_66 : memref<100x64xf32, #tpu.memory_space<vmem>>) offsets(%dma_start3A_69 : memref<100xi32, #tpu.memory_space<vmem>>) semaphore(%arg14 : memref<!tpu.dma_semaphore, #tpu.memory_space<semaphore_mem>>)
    %dma_start3A_73 = arith.constant 5 : i32
    %dma_start3A_74 = arith.constant 100 : i32
    %dma_start3A_75 = arith.constant 0 : i32
    %dma_start3A_76 = tpu.memref_slice %arg10[%dma_start3A_74, %dma_start3A_75] : memref<200x64xf32, #tpu.memory_space<vmem>> -> memref<100x64xf32, #tpu.memory_space<vmem>>
    %dma_start3A_77 = arith.constant 0 : i32
    %dma_start3A_78 = tpu.memref_slice %arg6[%dma_start3A_73, %dma_start3A_77] : memref<256x100xi32, #tpu.memory_space<vmem>> -> memref<1x100xi32, #tpu.memory_space<vmem>>
    %dma_start3A_79 = tpu.memref_squeeze %dma_start3A_78 : memref<1x100xi32, #tpu.memory_space<vmem>> -> memref<100xi32, #tpu.memory_space<vmem>>
    %dma_start3A_80 = arith.constant 0 : i32
    %dma_start3A_81 = arith.constant 0 : i32
    %dma_start3A_82 = tpu.memref_slice %arg3[%dma_start3A_80, %dma_start3A_81] : memref<100000x64xf32, #tpu.memory_space<hbm>> -> memref<100000x64xf32, #tpu.memory_space<hbm>>
    tpu.enqueue_indirect_dma source(%dma_start3A_82 : memref<100000x64xf32, #tpu.memory_space<hbm>>) target(%dma_start3A_76 : memref<100x64xf32, #tpu.memory_space<vmem>>) offsets(%dma_start3A_79 : memref<100xi32, #tpu.memory_space<vmem>>) semaphore(%arg14 : memref<!tpu.dma_semaphore, #tpu.memory_space<semaphore_mem>>)
    %scan3A = arith.constant 0 : i32
    %scan3A_83 = arith.constant 0 : i32
    %scan3A_84 = arith.constant 200 : i32
    %scan3A_85 = arith.addi %scan3A_83, %scan3A_84 : i32
    %scan3A_86 = arith.constant 4 : i32
    scf.for %scan3A_479 = %scan3A_83 to %scan3A_85 step %scan3A_86  : i32 {
      %get3A = arith.index_cast %scan3A_479 : i32 to index
      %get3A_480 = arith.constant 0 : index
      %get3A_481 = tpu.vector_load %arg7[%get3A, %get3A_480] {strides = array<i32>} : memref<200x64xf32, #tpu.memory_space<vmem>>, vector<1x16xf32>,
      %get3A_482 = vector.shape_cast %get3A_481 : vector<1x16xf32> to vector<16xf32>
      %swap3A = arith.index_cast %scan3A_479 : i32 to index
      %swap3A_483 = arith.constant 0 : index
      %swap3A_484 = tpu.vector_load %arg8[%swap3A, %swap3A_483] {strides = array<i32>} : memref<200x64xf32, #tpu.memory_space<vmem>>, vector<1x16xf32>,
      %swap3A_485 = vector.shape_cast %swap3A_484 : vector<1x16xf32> to vector<16xf32>
      %swap3A_486 = vector.shape_cast %get3A_482 : vector<16xf32> to vector<1x16xf32>
      tpu.vector_store %arg8[%swap3A, %swap3A_483], %swap3A_486 {add = true, strides = array<i32>} : memref<200x64xf32, #tpu.memory_space<vmem>>, vector<1x16xf32>,
      %get3A_487 = arith.index_cast %scan3A_479 : i32 to index
      %get3A_488 = arith.constant 16 : index
      %get3A_489 = tpu.vector_load %arg7[%get3A_487, %get3A_488] {strides = array<i32>} : memref<200x64xf32, #tpu.memory_space<vmem>>, vector<1x16xf32>,
      %get3A_490 = vector.shape_cast %get3A_489 : vector<1x16xf32> to vector<16xf32>
      %swap3A_491 = arith.index_cast %scan3A_479 : i32 to index
      %swap3A_492 = arith.constant 16 : index
      %swap3A_493 = tpu.vector_load %arg8[%swap3A_491, %swap3A_492] {strides = array<i32>} : memref<200x64xf32, #tpu.memory_space<vmem>>, vector<1x16xf32>,
      %swap3A_494 = vector.shape_cast %swap3A_493 : vector<1x16xf32> to vector<16xf32>
      %swap3A_495 = vector.shape_cast %get3A_490 : vector<16xf32> to vector<1x16xf32>
      tpu.vector_store %arg8[%swap3A_491, %swap3A_492], %swap3A_495 {add = true, strides = array<i32>} : memref<200x64xf32, #tpu.memory_space<vmem>>, vector<1x16xf32>,
      %get3A_496 = arith.index_cast %scan3A_479 : i32 to index
      %get3A_497 = arith.constant 32 : index
      %get3A_498 = tpu.vector_load %arg7[%get3A_496, %get3A_497] {strides = array<i32>} : memref<200x64xf32, #tpu.memory_space<vmem>>, vector<1x16xf32>,
      %get3A_499 = vector.shape_cast %get3A_498 : vector<1x16xf32> to vector<16xf32>
      %swap3A_500 = arith.index_cast %scan3A_479 : i32 to index
      %swap3A_501 = arith.constant 32 : index
      %swap3A_502 = tpu.vector_load %arg8[%swap3A_500, %swap3A_501] {strides = array<i32>} : memref<200x64xf32, #tpu.memory_space<vmem>>, vector<1x16xf32>,
      %swap3A_503 = vector.shape_cast %swap3A_502 : vector<1x16xf32> to vector<16xf32>
      %swap3A_504 = vector.shape_cast %get3A_499 : vector<16xf32> to vector<1x16xf32>
      tpu.vector_store %arg8[%swap3A_500, %swap3A_501], %swap3A_504 {add = true, strides = array<i32>} : memref<200x64xf32, #tpu.memory_space<vmem>>, vector<1x16xf32>,
      %get3A_505 = arith.index_cast %scan3A_479 : i32 to index
      %get3A_506 = arith.constant 48 : index
      %get3A_507 = tpu.vector_load %arg7[%get3A_505, %get3A_506] {strides = array<i32>} : memref<200x64xf32, #tpu.memory_space<vmem>>, vector<1x16xf32>,
      %get3A_508 = vector.shape_cast %get3A_507 : vector<1x16xf32> to vector<16xf32>
      %swap3A_509 = arith.index_cast %scan3A_479 : i32 to index
      %swap3A_510 = arith.constant 48 : index
      %swap3A_511 = tpu.vector_load %arg8[%swap3A_509, %swap3A_510] {strides = array<i32>} : memref<200x64xf32, #tpu.memory_space<vmem>>, vector<1x16xf32>,
      %swap3A_512 = vector.shape_cast %swap3A_511 : vector<1x16xf32> to vector<16xf32>
      %swap3A_513 = vector.shape_cast %get3A_508 : vector<16xf32> to vector<1x16xf32>
      tpu.vector_store %arg8[%swap3A_509, %swap3A_510], %swap3A_513 {add = true, strides = array<i32>} : memref<200x64xf32, #tpu.memory_space<vmem>>, vector<1x16xf32>,
      %scan3A_514 = arith.constant 1 : i32
      %scan3A_515 = arith.addi %scan3A_479, %scan3A_514 : i32
      %get3A_516 = arith.index_cast %scan3A_515 : i32 to index
      %get3A_517 = arith.constant 0 : index
      %get3A_518 = tpu.vector_load %arg7[%get3A_516, %get3A_517] {strides = array<i32>} : memref<200x64xf32, #tpu.memory_space<vmem>>, vector<1x16xf32>,
      %get3A_519 = vector.shape_cast %get3A_518 : vector<1x16xf32> to vector<16xf32>
      %swap3A_520 = arith.index_cast %scan3A_515 : i32 to index
      %swap3A_521 = arith.constant 0 : index
      %swap3A_522 = tpu.vector_load %arg8[%swap3A_520, %swap3A_521] {strides = array<i32>} : memref<200x64xf32, #tpu.memory_space<vmem>>, vector<1x16xf32>,
      %swap3A_523 = vector.shape_cast %swap3A_522 : vector<1x16xf32> to vector<16xf32>
      %swap3A_524 = vector.shape_cast %get3A_519 : vector<16xf32> to vector<1x16xf32>
      tpu.vector_store %arg8[%swap3A_520, %swap3A_521], %swap3A_524 {add = true, strides = array<i32>} : memref<200x64xf32, #tpu.memory_space<vmem>>, vector<1x16xf32>,
      %get3A_525 = arith.index_cast %scan3A_515 : i32 to index
      %get3A_526 = arith.constant 16 : index
      %get3A_527 = tpu.vector_load %arg7[%get3A_525, %get3A_526] {strides = array<i32>} : memref<200x64xf32, #tpu.memory_space<vmem>>, vector<1x16xf32>,
      %get3A_528 = vector.shape_cast %get3A_527 : vector<1x16xf32> to vector<16xf32>
      %swap3A_529 = arith.index_cast %scan3A_515 : i32 to index
      %swap3A_530 = arith.constant 16 : index
      %swap3A_531 = tpu.vector_load %arg8[%swap3A_529, %swap3A_530] {strides = array<i32>} : memref<200x64xf32, #tpu.memory_space<vmem>>, vector<1x16xf32>,
      %swap3A_532 = vector.shape_cast %swap3A_531 : vector<1x16xf32> to vector<16xf32>
      %swap3A_533 = vector.shape_cast %get3A_528 : vector<16xf32> to vector<1x16xf32>
      tpu.vector_store %arg8[%swap3A_529, %swap3A_530], %swap3A_533 {add = true, strides = array<i32>} : memref<200x64xf32, #tpu.memory_space<vmem>>, vector<1x16xf32>,
      %get3A_534 = arith.index_cast %scan3A_515 : i32 to index
      %get3A_535 = arith.constant 32 : index
      %get3A_536 = tpu.vector_load %arg7[%get3A_534, %get3A_535] {strides = array<i32>} : memref<200x64xf32, #tpu.memory_space<vmem>>, vector<1x16xf32>,
      %get3A_537 = vector.shape_cast %get3A_536 : vector<1x16xf32> to vector<16xf32>
      %swap3A_538 = arith.index_cast %scan3A_515 : i32 to index
      %swap3A_539 = arith.constant 32 : index
      %swap3A_540 = tpu.vector_load %arg8[%swap3A_538, %swap3A_539] {strides = array<i32>} : memref<200x64xf32, #tpu.memory_space<vmem>>, vector<1x16xf32>,
      %swap3A_541 = vector.shape_cast %swap3A_540 : vector<1x16xf32> to vector<16xf32>
      %swap3A_542 = vector.shape_cast %get3A_537 : vector<16xf32> to vector<1x16xf32>
      tpu.vector_store %arg8[%swap3A_538, %swap3A_539], %swap3A_542 {add = true, strides = array<i32>} : memref<200x64xf32, #tpu.memory_space<vmem>>, vector<1x16xf32>,
      %get3A_543 = arith.index_cast %scan3A_515 : i32 to index
      %get3A_544 = arith.constant 48 : index
      %get3A_545 = tpu.vector_load %arg7[%get3A_543, %get3A_544] {strides = array<i32>} : memref<200x64xf32, #tpu.memory_space<vmem>>, vector<1x16xf32>,
      %get3A_546 = vector.shape_cast %get3A_545 : vector<1x16xf32> to vector<16xf32>
      %swap3A_547 = arith.index_cast %scan3A_515 : i32 to index
      %swap3A_548 = arith.constant 48 : index
      %swap3A_549 = tpu.vector_load %arg8[%swap3A_547, %swap3A_548] {strides = array<i32>} : memref<200x64xf32, #tpu.memory_space<vmem>>, vector<1x16xf32>,
      %swap3A_550 = vector.shape_cast %swap3A_549 : vector<1x16xf32> to vector<16xf32>
      %swap3A_551 = vector.shape_cast %get3A_546 : vector<16xf32> to vector<1x16xf32>
      tpu.vector_store %arg8[%swap3A_547, %swap3A_548], %swap3A_551 {add = true, strides = array<i32>} : memref<200x64xf32, #tpu.memory_space<vmem>>, vector<1x16xf32>,
      %scan3A_552 = arith.constant 2 : i32
      %scan3A_553 = arith.addi %scan3A_479, %scan3A_552 : i32
      %get3A_554 = arith.index_cast %scan3A_553 : i32 to index
      %get3A_555 = arith.constant 0 : index
      %get3A_556 = tpu.vector_load %arg7[%get3A_554, %get3A_555] {strides = array<i32>} : memref<200x64xf32, #tpu.memory_space<vmem>>, vector<1x16xf32>,
      %get3A_557 = vector.shape_cast %get3A_556 : vector<1x16xf32> to vector<16xf32>
      %swap3A_558 = arith.index_cast %scan3A_553 : i32 to index
      %swap3A_559 = arith.constant 0 : index
      %swap3A_560 = tpu.vector_load %arg8[%swap3A_558, %swap3A_559] {strides = array<i32>} : memref<200x64xf32, #tpu.memory_space<vmem>>, vector<1x16xf32>,
      %swap3A_561 = vector.shape_cast %swap3A_560 : vector<1x16xf32> to vector<16xf32>
      %swap3A_562 = vector.shape_cast %get3A_557 : vector<16xf32> to vector<1x16xf32>
      tpu.vector_store %arg8[%swap3A_558, %swap3A_559], %swap3A_562 {add = true, strides = array<i32>} : memref<200x64xf32, #tpu.memory_space<vmem>>, vector<1x16xf32>,
      %get3A_563 = arith.index_cast %scan3A_553 : i32 to index
      %get3A_564 = arith.constant 16 : index
      %get3A_565 = tpu.vector_load %arg7[%get3A_563, %get3A_564] {strides = array<i32>} : memref<200x64xf32, #tpu.memory_space<vmem>>, vector<1x16xf32>,
      %get3A_566 = vector.shape_cast %get3A_565 : vector<1x16xf32> to vector<16xf32>
      %swap3A_567 = arith.index_cast %scan3A_553 : i32 to index
      %swap3A_568 = arith.constant 16 : index
      %swap3A_569 = tpu.vector_load %arg8[%swap3A_567, %swap3A_568] {strides = array<i32>} : memref<200x64xf32, #tpu.memory_space<vmem>>, vector<1x16xf32>,
      %swap3A_570 = vector.shape_cast %swap3A_569 : vector<1x16xf32> to vector<16xf32>
      %swap3A_571 = vector.shape_cast %get3A_566 : vector<16xf32> to vector<1x16xf32>
      tpu.vector_store %arg8[%swap3A_567, %swap3A_568], %swap3A_571 {add = true, strides = array<i32>} : memref<200x64xf32, #tpu.memory_space<vmem>>, vector<1x16xf32>,
      %get3A_572 = arith.index_cast %scan3A_553 : i32 to index
      %get3A_573 = arith.constant 32 : index
      %get3A_574 = tpu.vector_load %arg7[%get3A_572, %get3A_573] {strides = array<i32>} : memref<200x64xf32, #tpu.memory_space<vmem>>, vector<1x16xf32>,
      %get3A_575 = vector.shape_cast %get3A_574 : vector<1x16xf32> to vector<16xf32>
      %swap3A_576 = arith.index_cast %scan3A_553 : i32 to index
      %swap3A_577 = arith.constant 32 : index
      %swap3A_578 = tpu.vector_load %arg8[%swap3A_576, %swap3A_577] {strides = array<i32>} : memref<200x64xf32, #tpu.memory_space<vmem>>, vector<1x16xf32>,
      %swap3A_579 = vector.shape_cast %swap3A_578 : vector<1x16xf32> to vector<16xf32>
      %swap3A_580 = vector.shape_cast %get3A_575 : vector<16xf32> to vector<1x16xf32>
      tpu.vector_store %arg8[%swap3A_576, %swap3A_577], %swap3A_580 {add = true, strides = array<i32>} : memref<200x64xf32, #tpu.memory_space<vmem>>, vector<1x16xf32>,
      %get3A_581 = arith.index_cast %scan3A_553 : i32 to index
      %get3A_582 = arith.constant 48 : index
      %get3A_583 = tpu.vector_load %arg7[%get3A_581, %get3A_582] {strides = array<i32>} : memref<200x64xf32, #tpu.memory_space<vmem>>, vector<1x16xf32>,
      %get3A_584 = vector.shape_cast %get3A_583 : vector<1x16xf32> to vector<16xf32>
      %swap3A_585 = arith.index_cast %scan3A_553 : i32 to index
      %swap3A_586 = arith.constant 48 : index
      %swap3A_587 = tpu.vector_load %arg8[%swap3A_585, %swap3A_586] {strides = array<i32>} : memref<200x64xf32, #tpu.memory_space<vmem>>, vector<1x16xf32>,
      %swap3A_588 = vector.shape_cast %swap3A_587 : vector<1x16xf32> to vector<16xf32>
      %swap3A_589 = vector.shape_cast %get3A_584 : vector<16xf32> to vector<1x16xf32>
      tpu.vector_store %arg8[%swap3A_585, %swap3A_586], %swap3A_589 {add = true, strides = array<i32>} : memref<200x64xf32, #tpu.memory_space<vmem>>, vector<1x16xf32>,
      %scan3A_590 = arith.constant 3 : i32
      %scan3A_591 = arith.addi %scan3A_479, %scan3A_590 : i32
      %get3A_592 = arith.index_cast %scan3A_591 : i32 to index
      %get3A_593 = arith.constant 0 : index
      %get3A_594 = tpu.vector_load %arg7[%get3A_592, %get3A_593] {strides = array<i32>} : memref<200x64xf32, #tpu.memory_space<vmem>>, vector<1x16xf32>,
      %get3A_595 = vector.shape_cast %get3A_594 : vector<1x16xf32> to vector<16xf32>
      %swap3A_596 = arith.index_cast %scan3A_591 : i32 to index
      %swap3A_597 = arith.constant 0 : index
      %swap3A_598 = tpu.vector_load %arg8[%swap3A_596, %swap3A_597] {strides = array<i32>} : memref<200x64xf32, #tpu.memory_space<vmem>>, vector<1x16xf32>,
      %swap3A_599 = vector.shape_cast %swap3A_598 : vector<1x16xf32> to vector<16xf32>
      %swap3A_600 = vector.shape_cast %get3A_595 : vector<16xf32> to vector<1x16xf32>
      tpu.vector_store %arg8[%swap3A_596, %swap3A_597], %swap3A_600 {add = true, strides = array<i32>} : memref<200x64xf32, #tpu.memory_space<vmem>>, vector<1x16xf32>,
      %get3A_601 = arith.index_cast %scan3A_591 : i32 to index
      %get3A_602 = arith.constant 16 : index
      %get3A_603 = tpu.vector_load %arg7[%get3A_601, %get3A_602] {strides = array<i32>} : memref<200x64xf32, #tpu.memory_space<vmem>>, vector<1x16xf32>,
      %get3A_604 = vector.shape_cast %get3A_603 : vector<1x16xf32> to vector<16xf32>
      %swap3A_605 = arith.index_cast %scan3A_591 : i32 to index
      %swap3A_606 = arith.constant 16 : index
      %swap3A_607 = tpu.vector_load %arg8[%swap3A_605, %swap3A_606] {strides = array<i32>} : memref<200x64xf32, #tpu.memory_space<vmem>>, vector<1x16xf32>,
      %swap3A_608 = vector.shape_cast %swap3A_607 : vector<1x16xf32> to vector<16xf32>
      %swap3A_609 = vector.shape_cast %get3A_604 : vector<16xf32> to vector<1x16xf32>
      tpu.vector_store %arg8[%swap3A_605, %swap3A_606], %swap3A_609 {add = true, strides = array<i32>} : memref<200x64xf32, #tpu.memory_space<vmem>>, vector<1x16xf32>,
      %get3A_610 = arith.index_cast %scan3A_591 : i32 to index
      %get3A_611 = arith.constant 32 : index
      %get3A_612 = tpu.vector_load %arg7[%get3A_610, %get3A_611] {strides = array<i32>} : memref<200x64xf32, #tpu.memory_space<vmem>>, vector<1x16xf32>,
      %get3A_613 = vector.shape_cast %get3A_612 : vector<1x16xf32> to vector<16xf32>
      %swap3A_614 = arith.index_cast %scan3A_591 : i32 to index
      %swap3A_615 = arith.constant 32 : index
      %swap3A_616 = tpu.vector_load %arg8[%swap3A_614, %swap3A_615] {strides = array<i32>} : memref<200x64xf32, #tpu.memory_space<vmem>>, vector<1x16xf32>,
      %swap3A_617 = vector.shape_cast %swap3A_616 : vector<1x16xf32> to vector<16xf32>
      %swap3A_618 = vector.shape_cast %get3A_613 : vector<16xf32> to vector<1x16xf32>
      tpu.vector_store %arg8[%swap3A_614, %swap3A_615], %swap3A_618 {add = true, strides = array<i32>} : memref<200x64xf32, #tpu.memory_space<vmem>>, vector<1x16xf32>,
      %get3A_619 = arith.index_cast %scan3A_591 : i32 to index
      %get3A_620 = arith.constant 48 : index
      %get3A_621 = tpu.vector_load %arg7[%get3A_619, %get3A_620] {strides = array<i32>} : memref<200x64xf32, #tpu.memory_space<vmem>>, vector<1x16xf32>,
      %get3A_622 = vector.shape_cast %get3A_621 : vector<1x16xf32> to vector<16xf32>
      %swap3A_623 = arith.index_cast %scan3A_591 : i32 to index
      %swap3A_624 = arith.constant 48 : index
      %swap3A_625 = tpu.vector_load %arg8[%swap3A_623, %swap3A_624] {strides = array<i32>} : memref<200x64xf32, #tpu.memory_space<vmem>>, vector<1x16xf32>,
      %swap3A_626 = vector.shape_cast %swap3A_625 : vector<1x16xf32> to vector<16xf32>
      %swap3A_627 = vector.shape_cast %get3A_622 : vector<16xf32> to vector<1x16xf32>
      tpu.vector_store %arg8[%swap3A_623, %swap3A_624], %swap3A_627 {add = true, strides = array<i32>} : memref<200x64xf32, #tpu.memory_space<vmem>>, vector<1x16xf32>,
    }
    %scan3A_87 = arith.constant 200 : i32
    %add3A_88 = arith.constant 0 : i32
    %add3A_89 = arith.addi %mul3A_4, %add3A_88 : i32
    %multiple_of3A = tpu.assume_multiple %add3A_89, 8 : i32
    %dma_start3A_90 = arith.constant 0 : i32
    %dma_start3A_91 = tpu.memref_slice %arg5[%multiple_of3A, %dma_start3A_90] : memref<819200x64xf32, #tpu.memory_space<hbm>> -> memref<200x64xf32, #tpu.memory_space<hbm>>
    %dma_start3A_92 = arith.constant 0 : i32
    %dma_start3A_93 = tpu.memref_slice %arg5[%multiple_of3A, %dma_start3A_92] : memref<819200x64xf32, #tpu.memory_space<hbm>> -> memref<200x64xf32, #tpu.memory_space<hbm>>
    tpu.enqueue_dma source(%arg8 : memref<200x64xf32, #tpu.memory_space<vmem>>) target(%dma_start3A_93 : memref<200x64xf32, #tpu.memory_space<hbm>>) target_semaphore(%arg16 : memref<!tpu.dma_semaphore, #tpu.memory_space<semaphore_mem>>)
    %dma_wait3A_94 = arith.constant 0 : i32
    %dma_wait3A_95 = arith.constant 0 : i32
    %dma_wait3A_96 = arith.constant 0 : i32
    %dma_wait3A_97 = tpu.memref_slice %arg9[%dma_wait3A_95, %dma_wait3A_96] : memref<200x64xf32, #tpu.memory_space<vmem>> -> memref<100x64xf32, #tpu.memory_space<vmem>>
    %dma_wait3A_98 = arith.constant 0 : i32
    %dma_wait3A_99 = tpu.memref_slice %arg6[%dma_wait3A_94, %dma_wait3A_98] : memref<256x100xi32, #tpu.memory_space<vmem>> -> memref<1x100xi32, #tpu.memory_space<vmem>>
    %dma_wait3A_100 = tpu.memref_squeeze %dma_wait3A_99 : memref<1x100xi32, #tpu.memory_space<vmem>> -> memref<100xi32, #tpu.memory_space<vmem>>
    %dma_wait3A_101 = arith.constant 0 : i32
    %dma_wait3A_102 = arith.constant 0 : i32
    %dma_wait3A_103 = tpu.memref_slice %arg3[%dma_wait3A_101, %dma_wait3A_102] : memref<100000x64xf32, #tpu.memory_space<hbm>> -> memref<100000x64xf32, #tpu.memory_space<hbm>>
    tpu.wait_indirect_dma semaphore(%arg13 : memref<!tpu.dma_semaphore, #tpu.memory_space<semaphore_mem>>) src(%dma_wait3A_103 : memref<100000x64xf32, #tpu.memory_space<hbm>>) dst(%dma_wait3A_97 : memref<100x64xf32, #tpu.memory_space<vmem>>)
    %dma_wait3A_104 = arith.constant 0 : i32
    %dma_wait3A_105 = arith.constant 100 : i32
    %dma_wait3A_106 = arith.constant 0 : i32
    %dma_wait3A_107 = tpu.memref_slice %arg9[%dma_wait3A_105, %dma_wait3A_106] : memref<200x64xf32, #tpu.memory_space<vmem>> -> memref<100x64xf32, #tpu.memory_space<vmem>>
    %dma_wait3A_108 = arith.constant 0 : i32
    %dma_wait3A_109 = tpu.memref_slice %arg6[%dma_wait3A_104, %dma_wait3A_108] : memref<256x100xi32, #tpu.memory_space<vmem>> -> memref<1x100xi32, #tpu.memory_space<vmem>>
    %dma_wait3A_110 = tpu.memref_squeeze %dma_wait3A_109 : memref<1x100xi32, #tpu.memory_space<vmem>> -> memref<100xi32, #tpu.memory_space<vmem>>
    %dma_wait3A_111 = arith.constant 0 : i32
    %dma_wait3A_112 = arith.constant 0 : i32
    %dma_wait3A_113 = tpu.memref_slice %arg3[%dma_wait3A_111, %dma_wait3A_112] : memref<100000x64xf32, #tpu.memory_space<hbm>> -> memref<100000x64xf32, #tpu.memory_space<hbm>>
    tpu.wait_indirect_dma semaphore(%arg13 : memref<!tpu.dma_semaphore, #tpu.memory_space<semaphore_mem>>) src(%dma_wait3A_113 : memref<100000x64xf32, #tpu.memory_space<hbm>>) dst(%dma_wait3A_107 : memref<100x64xf32, #tpu.memory_space<vmem>>)
    %dma_start3A_114 = arith.constant 6 : i32
    %dma_start3A_115 = arith.constant 0 : i32
    %dma_start3A_116 = arith.constant 0 : i32
    %dma_start3A_117 = tpu.memref_slice %arg11[%dma_start3A_115, %dma_start3A_116] : memref<200x64xf32, #tpu.memory_space<vmem>> -> memref<100x64xf32, #tpu.memory_space<vmem>>
    %dma_start3A_118 = arith.constant 0 : i32
    %dma_start3A_119 = tpu.memref_slice %arg6[%dma_start3A_114, %dma_start3A_118] : memref<256x100xi32, #tpu.memory_space<vmem>> -> memref<1x100xi32, #tpu.memory_space<vmem>>
    %dma_start3A_120 = tpu.memref_squeeze %dma_start3A_119 : memref<1x100xi32, #tpu.memory_space<vmem>> -> memref<100xi32, #tpu.memory_space<vmem>>
    %dma_start3A_121 = arith.constant 0 : i32
    %dma_start3A_122 = arith.constant 0 : i32
    %dma_start3A_123 = tpu.memref_slice %arg3[%dma_start3A_121, %dma_start3A_122] : memref<100000x64xf32, #tpu.memory_space<hbm>> -> memref<100000x64xf32, #tpu.memory_space<hbm>>
    tpu.enqueue_indirect_dma source(%dma_start3A_123 : memref<100000x64xf32, #tpu.memory_space<hbm>>) target(%dma_start3A_117 : memref<100x64xf32, #tpu.memory_space<vmem>>) offsets(%dma_start3A_120 : memref<100xi32, #tpu.memory_space<vmem>>) semaphore(%arg15 : memref<!tpu.dma_semaphore, #tpu.memory_space<semaphore_mem>>)
    %dma_start3A_124 = arith.constant 7 : i32
    %dma_start3A_125 = arith.constant 100 : i32
    %dma_start3A_126 = arith.constant 0 : i32
    %dma_start3A_127 = tpu.memref_slice %arg11[%dma_start3A_125, %dma_start3A_126] : memref<200x64xf32, #tpu.memory_space<vmem>> -> memref<100x64xf32, #tpu.memory_space<vmem>>
    %dma_start3A_128 = arith.constant 0 : i32
    %dma_start3A_129 = tpu.memref_slice %arg6[%dma_start3A_124, %dma_start3A_128] : memref<256x100xi32, #tpu.memory_space<vmem>> -> memref<1x100xi32, #tpu.memory_space<vmem>>
    %dma_start3A_130 = tpu.memref_squeeze %dma_start3A_129 : memref<1x100xi32, #tpu.memory_space<vmem>> -> memref<100xi32, #tpu.memory_space<vmem>>
    %dma_start3A_131 = arith.constant 0 : i32
    %dma_start3A_132 = arith.constant 0 : i32
    %dma_start3A_133 = tpu.memref_slice %arg3[%dma_start3A_131, %dma_start3A_132] : memref<100000x64xf32, #tpu.memory_space<hbm>> -> memref<100000x64xf32, #tpu.memory_space<hbm>>
    tpu.enqueue_indirect_dma source(%dma_start3A_133 : memref<100000x64xf32, #tpu.memory_space<hbm>>) target(%dma_start3A_127 : memref<100x64xf32, #tpu.memory_space<vmem>>) offsets(%dma_start3A_130 : memref<100xi32, #tpu.memory_space<vmem>>) semaphore(%arg15 : memref<!tpu.dma_semaphore, #tpu.memory_space<semaphore_mem>>)
    %scan3A_134 = arith.constant 0 : i32
    %scan3A_135 = arith.constant 0 : i32
    %scan3A_136 = arith.constant 200 : i32
    %scan3A_137 = arith.addi %scan3A_135, %scan3A_136 : i32
    %scan3A_138 = arith.constant 4 : i32
    scf.for %scan3A_479 = %scan3A_135 to %scan3A_137 step %scan3A_138  : i32 {
      %get3A = arith.index_cast %scan3A_479 : i32 to index
      %get3A_480 = arith.constant 0 : index
      %get3A_481 = tpu.vector_load %arg7[%get3A, %get3A_480] {strides = array<i32>} : memref<200x64xf32, #tpu.memory_space<vmem>>, vector<1x16xf32>,
      %get3A_482 = vector.shape_cast %get3A_481 : vector<1x16xf32> to vector<16xf32>
      %swap3A = arith.index_cast %scan3A_479 : i32 to index
      %swap3A_483 = arith.constant 0 : index
      %swap3A_484 = tpu.vector_load %arg9[%swap3A, %swap3A_483] {strides = array<i32>} : memref<200x64xf32, #tpu.memory_space<vmem>>, vector<1x16xf32>,
      %swap3A_485 = vector.shape_cast %swap3A_484 : vector<1x16xf32> to vector<16xf32>
      %swap3A_486 = vector.shape_cast %get3A_482 : vector<16xf32> to vector<1x16xf32>
      tpu.vector_store %arg9[%swap3A, %swap3A_483], %swap3A_486 {add = true, strides = array<i32>} : memref<200x64xf32, #tpu.memory_space<vmem>>, vector<1x16xf32>,
      %get3A_487 = arith.index_cast %scan3A_479 : i32 to index
      %get3A_488 = arith.constant 16 : index
      %get3A_489 = tpu.vector_load %arg7[%get3A_487, %get3A_488] {strides = array<i32>} : memref<200x64xf32, #tpu.memory_space<vmem>>, vector<1x16xf32>,
      %get3A_490 = vector.shape_cast %get3A_489 : vector<1x16xf32> to vector<16xf32>
      %swap3A_491 = arith.index_cast %scan3A_479 : i32 to index
      %swap3A_492 = arith.constant 16 : index
      %swap3A_493 = tpu.vector_load %arg9[%swap3A_491, %swap3A_492] {strides = array<i32>} : memref<200x64xf32, #tpu.memory_space<vmem>>, vector<1x16xf32>,
      %swap3A_494 = vector.shape_cast %swap3A_493 : vector<1x16xf32> to vector<16xf32>
      %swap3A_495 = vector.shape_cast %get3A_490 : vector<16xf32> to vector<1x16xf32>
      tpu.vector_store %arg9[%swap3A_491, %swap3A_492], %swap3A_495 {add = true, strides = array<i32>} : memref<200x64xf32, #tpu.memory_space<vmem>>, vector<1x16xf32>,
      %get3A_496 = arith.index_cast %scan3A_479 : i32 to index
      %get3A_497 = arith.constant 32 : index
      %get3A_498 = tpu.vector_load %arg7[%get3A_496, %get3A_497] {strides = array<i32>} : memref<200x64xf32, #tpu.memory_space<vmem>>, vector<1x16xf32>,
      %get3A_499 = vector.shape_cast %get3A_498 : vector<1x16xf32> to vector<16xf32>
      %swap3A_500 = arith.index_cast %scan3A_479 : i32 to index
      %swap3A_501 = arith.constant 32 : index
      %swap3A_502 = tpu.vector_load %arg9[%swap3A_500, %swap3A_501] {strides = array<i32>} : memref<200x64xf32, #tpu.memory_space<vmem>>, vector<1x16xf32>,
      %swap3A_503 = vector.shape_cast %swap3A_502 : vector<1x16xf32> to vector<16xf32>
      %swap3A_504 = vector.shape_cast %get3A_499 : vector<16xf32> to vector<1x16xf32>
      tpu.vector_store %arg9[%swap3A_500, %swap3A_501], %swap3A_504 {add = true, strides = array<i32>} : memref<200x64xf32, #tpu.memory_space<vmem>>, vector<1x16xf32>,
      %get3A_505 = arith.index_cast %scan3A_479 : i32 to index
      %get3A_506 = arith.constant 48 : index
      %get3A_507 = tpu.vector_load %arg7[%get3A_505, %get3A_506] {strides = array<i32>} : memref<200x64xf32, #tpu.memory_space<vmem>>, vector<1x16xf32>,
      %get3A_508 = vector.shape_cast %get3A_507 : vector<1x16xf32> to vector<16xf32>
      %swap3A_509 = arith.index_cast %scan3A_479 : i32 to index
      %swap3A_510 = arith.constant 48 : index
      %swap3A_511 = tpu.vector_load %arg9[%swap3A_509, %swap3A_510] {strides = array<i32>} : memref<200x64xf32, #tpu.memory_space<vmem>>, vector<1x16xf32>,
      %swap3A_512 = vector.shape_cast %swap3A_511 : vector<1x16xf32> to vector<16xf32>
      %swap3A_513 = vector.shape_cast %get3A_508 : vector<16xf32> to vector<1x16xf32>
      tpu.vector_store %arg9[%swap3A_509, %swap3A_510], %swap3A_513 {add = true, strides = array<i32>} : memref<200x64xf32, #tpu.memory_space<vmem>>, vector<1x16xf32>,
      %scan3A_514 = arith.constant 1 : i32
      %scan3A_515 = arith.addi %scan3A_479, %scan3A_514 : i32
      %get3A_516 = arith.index_cast %scan3A_515 : i32 to index
      %get3A_517 = arith.constant 0 : index
      %get3A_518 = tpu.vector_load %arg7[%get3A_516, %get3A_517] {strides = array<i32>} : memref<200x64xf32, #tpu.memory_space<vmem>>, vector<1x16xf32>,
      %get3A_519 = vector.shape_cast %get3A_518 : vector<1x16xf32> to vector<16xf32>
      %swap3A_520 = arith.index_cast %scan3A_515 : i32 to index
      %swap3A_521 = arith.constant 0 : index
      %swap3A_522 = tpu.vector_load %arg9[%swap3A_520, %swap3A_521] {strides = array<i32>} : memref<200x64xf32, #tpu.memory_space<vmem>>, vector<1x16xf32>,
      %swap3A_523 = vector.shape_cast %swap3A_522 : vector<1x16xf32> to vector<16xf32>
      %swap3A_524 = vector.shape_cast %get3A_519 : vector<16xf32> to vector<1x16xf32>
      tpu.vector_store %arg9[%swap3A_520, %swap3A_521], %swap3A_524 {add = true, strides = array<i32>} : memref<200x64xf32, #tpu.memory_space<vmem>>, vector<1x16xf32>,
      %get3A_525 = arith.index_cast %scan3A_515 : i32 to index
      %get3A_526 = arith.constant 16 : index
      %get3A_527 = tpu.vector_load %arg7[%get3A_525, %get3A_526] {strides = array<i32>} : memref<200x64xf32, #tpu.memory_space<vmem>>, vector<1x16xf32>,
      %get3A_528 = vector.shape_cast %get3A_527 : vector<1x16xf32> to vector<16xf32>
      %swap3A_529 = arith.index_cast %scan3A_515 : i32 to index
      %swap3A_530 = arith.constant 16 : index
      %swap3A_531 = tpu.vector_load %arg9[%swap3A_529, %swap3A_530] {strides = array<i32>} : memref<200x64xf32, #tpu.memory_space<vmem>>, vector<1x16xf32>,
      %swap3A_532 = vector.shape_cast %swap3A_531 : vector<1x16xf32> to vector<16xf32>
      %swap3A_533 = vector.shape_cast %get3A_528 : vector<16xf32> to vector<1x16xf32>
      tpu.vector_store %arg9[%swap3A_529, %swap3A_530], %swap3A_533 {add = true, strides = array<i32>} : memref<200x64xf32, #tpu.memory_space<vmem>>, vector<1x16xf32>,
      %get3A_534 = arith.index_cast %scan3A_515 : i32 to index
      %get3A_535 = arith.constant 32 : index
      %get3A_536 = tpu.vector_load %arg7[%get3A_534, %get3A_535] {strides = array<i32>} : memref<200x64xf32, #tpu.memory_space<vmem>>, vector<1x16xf32>,
      %get3A_537 = vector.shape_cast %get3A_536 : vector<1x16xf32> to vector<16xf32>
      %swap3A_538 = arith.index_cast %scan3A_515 : i32 to index
      %swap3A_539 = arith.constant 32 : index
      %swap3A_540 = tpu.vector_load %arg9[%swap3A_538, %swap3A_539] {strides = array<i32>} : memref<200x64xf32, #tpu.memory_space<vmem>>, vector<1x16xf32>,
      %swap3A_541 = vector.shape_cast %swap3A_540 : vector<1x16xf32> to vector<16xf32>
      %swap3A_542 = vector.shape_cast %get3A_537 : vector<16xf32> to vector<1x16xf32>
      tpu.vector_store %arg9[%swap3A_538, %swap3A_539], %swap3A_542 {add = true, strides = array<i32>} : memref<200x64xf32, #tpu.memory_space<vmem>>, vector<1x16xf32>,
      %get3A_543 = arith.index_cast %scan3A_515 : i32 to index
      %get3A_544 = arith.constant 48 : index
      %get3A_545 = tpu.vector_load %arg7[%get3A_543, %get3A_544] {strides = array<i32>} : memref<200x64xf32, #tpu.memory_space<vmem>>, vector<1x16xf32>,
      %get3A_546 = vector.shape_cast %get3A_545 : vector<1x16xf32> to vector<16xf32>
      %swap3A_547 = arith.index_cast %scan3A_515 : i32 to index
      %swap3A_548 = arith.constant 48 : index
      %swap3A_549 = tpu.vector_load %arg9[%swap3A_547, %swap3A_548] {strides = array<i32>} : memref<200x64xf32, #tpu.memory_space<vmem>>, vector<1x16xf32>,
      %swap3A_550 = vector.shape_cast %swap3A_549 : vector<1x16xf32> to vector<16xf32>
      %swap3A_551 = vector.shape_cast %get3A_546 : vector<16xf32> to vector<1x16xf32>
      tpu.vector_store %arg9[%swap3A_547, %swap3A_548], %swap3A_551 {add = true, strides = array<i32>} : memref<200x64xf32, #tpu.memory_space<vmem>>, vector<1x16xf32>,
      %scan3A_552 = arith.constant 2 : i32
      %scan3A_553 = arith.addi %scan3A_479, %scan3A_552 : i32
      %get3A_554 = arith.index_cast %scan3A_553 : i32 to index
      %get3A_555 = arith.constant 0 : index
      %get3A_556 = tpu.vector_load %arg7[%get3A_554, %get3A_555] {strides = array<i32>} : memref<200x64xf32, #tpu.memory_space<vmem>>, vector<1x16xf32>,
      %get3A_557 = vector.shape_cast %get3A_556 : vector<1x16xf32> to vector<16xf32>
      %swap3A_558 = arith.index_cast %scan3A_553 : i32 to index
      %swap3A_559 = arith.constant 0 : index
      %swap3A_560 = tpu.vector_load %arg9[%swap3A_558, %swap3A_559] {strides = array<i32>} : memref<200x64xf32, #tpu.memory_space<vmem>>, vector<1x16xf32>,
      %swap3A_561 = vector.shape_cast %swap3A_560 : vector<1x16xf32> to vector<16xf32>
      %swap3A_562 = vector.shape_cast %get3A_557 : vector<16xf32> to vector<1x16xf32>
      tpu.vector_store %arg9[%swap3A_558, %swap3A_559], %swap3A_562 {add = true, strides = array<i32>} : memref<200x64xf32, #tpu.memory_space<vmem>>, vector<1x16xf32>,
      %get3A_563 = arith.index_cast %scan3A_553 : i32 to index
      %get3A_564 = arith.constant 16 : index
      %get3A_565 = tpu.vector_load %arg7[%get3A_563, %get3A_564] {strides = array<i32>} : memref<200x64xf32, #tpu.memory_space<vmem>>, vector<1x16xf32>,
      %get3A_566 = vector.shape_cast %get3A_565 : vector<1x16xf32> to vector<16xf32>
      %swap3A_567 = arith.index_cast %scan3A_553 : i32 to index
      %swap3A_568 = arith.constant 16 : index
      %swap3A_569 = tpu.vector_load %arg9[%swap3A_567, %swap3A_568] {strides = array<i32>} : memref<200x64xf32, #tpu.memory_space<vmem>>, vector<1x16xf32>,
      %swap3A_570 = vector.shape_cast %swap3A_569 : vector<1x16xf32> to vector<16xf32>
      %swap3A_571 = vector.shape_cast %get3A_566 : vector<16xf32> to vector<1x16xf32>
      tpu.vector_store %arg9[%swap3A_567, %swap3A_568], %swap3A_571 {add = true, strides = array<i32>} : memref<200x64xf32, #tpu.memory_space<vmem>>, vector<1x16xf32>,
      %get3A_572 = arith.index_cast %scan3A_553 : i32 to index
      %get3A_573 = arith.constant 32 : index
      %get3A_574 = tpu.vector_load %arg7[%get3A_572, %get3A_573] {strides = array<i32>} : memref<200x64xf32, #tpu.memory_space<vmem>>, vector<1x16xf32>,
      %get3A_575 = vector.shape_cast %get3A_574 : vector<1x16xf32> to vector<16xf32>
      %swap3A_576 = arith.index_cast %scan3A_553 : i32 to index
      %swap3A_577 = arith.constant 32 : index
      %swap3A_578 = tpu.vector_load %arg9[%swap3A_576, %swap3A_577] {strides = array<i32>} : memref<200x64xf32, #tpu.memory_space<vmem>>, vector<1x16xf32>,
      %swap3A_579 = vector.shape_cast %swap3A_578 : vector<1x16xf32> to vector<16xf32>
      %swap3A_580 = vector.shape_cast %get3A_575 : vector<16xf32> to vector<1x16xf32>
      tpu.vector_store %arg9[%swap3A_576, %swap3A_577], %swap3A_580 {add = true, strides = array<i32>} : memref<200x64xf32, #tpu.memory_space<vmem>>, vector<1x16xf32>,
      %get3A_581 = arith.index_cast %scan3A_553 : i32 to index
      %get3A_582 = arith.constant 48 : index
      %get3A_583 = tpu.vector_load %arg7[%get3A_581, %get3A_582] {strides = array<i32>} : memref<200x64xf32, #tpu.memory_space<vmem>>, vector<1x16xf32>,
      %get3A_584 = vector.shape_cast %get3A_583 : vector<1x16xf32> to vector<16xf32>
      %swap3A_585 = arith.index_cast %scan3A_553 : i32 to index
      %swap3A_586 = arith.constant 48 : index
      %swap3A_587 = tpu.vector_load %arg9[%swap3A_585, %swap3A_586] {strides = array<i32>} : memref<200x64xf32, #tpu.memory_space<vmem>>, vector<1x16xf32>,
      %swap3A_588 = vector.shape_cast %swap3A_587 : vector<1x16xf32> to vector<16xf32>
      %swap3A_589 = vector.shape_cast %get3A_584 : vector<16xf32> to vector<1x16xf32>
      tpu.vector_store %arg9[%swap3A_585, %swap3A_586], %swap3A_589 {add = true, strides = array<i32>} : memref<200x64xf32, #tpu.memory_space<vmem>>, vector<1x16xf32>,
      %scan3A_590 = arith.constant 3 : i32
      %scan3A_591 = arith.addi %scan3A_479, %scan3A_590 : i32
      %get3A_592 = arith.index_cast %scan3A_591 : i32 to index
      %get3A_593 = arith.constant 0 : index
      %get3A_594 = tpu.vector_load %arg7[%get3A_592, %get3A_593] {strides = array<i32>} : memref<200x64xf32, #tpu.memory_space<vmem>>, vector<1x16xf32>,
      %get3A_595 = vector.shape_cast %get3A_594 : vector<1x16xf32> to vector<16xf32>
      %swap3A_596 = arith.index_cast %scan3A_591 : i32 to index
      %swap3A_597 = arith.constant 0 : index
      %swap3A_598 = tpu.vector_load %arg9[%swap3A_596, %swap3A_597] {strides = array<i32>} : memref<200x64xf32, #tpu.memory_space<vmem>>, vector<1x16xf32>,
      %swap3A_599 = vector.shape_cast %swap3A_598 : vector<1x16xf32> to vector<16xf32>
      %swap3A_600 = vector.shape_cast %get3A_595 : vector<16xf32> to vector<1x16xf32>
      tpu.vector_store %arg9[%swap3A_596, %swap3A_597], %swap3A_600 {add = true, strides = array<i32>} : memref<200x64xf32, #tpu.memory_space<vmem>>, vector<1x16xf32>,
      %get3A_601 = arith.index_cast %scan3A_591 : i32 to index
      %get3A_602 = arith.constant 16 : index
      %get3A_603 = tpu.vector_load %arg7[%get3A_601, %get3A_602] {strides = array<i32>} : memref<200x64xf32, #tpu.memory_space<vmem>>, vector<1x16xf32>,
      %get3A_604 = vector.shape_cast %get3A_603 : vector<1x16xf32> to vector<16xf32>
      %swap3A_605 = arith.index_cast %scan3A_591 : i32 to index
      %swap3A_606 = arith.constant 16 : index
      %swap3A_607 = tpu.vector_load %arg9[%swap3A_605, %swap3A_606] {strides = array<i32>} : memref<200x64xf32, #tpu.memory_space<vmem>>, vector<1x16xf32>,
      %swap3A_608 = vector.shape_cast %swap3A_607 : vector<1x16xf32> to vector<16xf32>
      %swap3A_609 = vector.shape_cast %get3A_604 : vector<16xf32> to vector<1x16xf32>
      tpu.vector_store %arg9[%swap3A_605, %swap3A_606], %swap3A_609 {add = true, strides = array<i32>} : memref<200x64xf32, #tpu.memory_space<vmem>>, vector<1x16xf32>,
      %get3A_610 = arith.index_cast %scan3A_591 : i32 to index
      %get3A_611 = arith.constant 32 : index
      %get3A_612 = tpu.vector_load %arg7[%get3A_610, %get3A_611] {strides = array<i32>} : memref<200x64xf32, #tpu.memory_space<vmem>>, vector<1x16xf32>,
      %get3A_613 = vector.shape_cast %get3A_612 : vector<1x16xf32> to vector<16xf32>
      %swap3A_614 = arith.index_cast %scan3A_591 : i32 to index
      %swap3A_615 = arith.constant 32 : index
      %swap3A_616 = tpu.vector_load %arg9[%swap3A_614, %swap3A_615] {strides = array<i32>} : memref<200x64xf32, #tpu.memory_space<vmem>>, vector<1x16xf32>,
      %swap3A_617 = vector.shape_cast %swap3A_616 : vector<1x16xf32> to vector<16xf32>
      %swap3A_618 = vector.shape_cast %get3A_613 : vector<16xf32> to vector<1x16xf32>
      tpu.vector_store %arg9[%swap3A_614, %swap3A_615], %swap3A_618 {add = true, strides = array<i32>} : memref<200x64xf32, #tpu.memory_space<vmem>>, vector<1x16xf32>,
      %get3A_619 = arith.index_cast %scan3A_591 : i32 to index
      %get3A_620 = arith.constant 48 : index
      %get3A_621 = tpu.vector_load %arg7[%get3A_619, %get3A_620] {strides = array<i32>} : memref<200x64xf32, #tpu.memory_space<vmem>>, vector<1x16xf32>,
      %get3A_622 = vector.shape_cast %get3A_621 : vector<1x16xf32> to vector<16xf32>
      %swap3A_623 = arith.index_cast %scan3A_591 : i32 to index
      %swap3A_624 = arith.constant 48 : index
      %swap3A_625 = tpu.vector_load %arg9[%swap3A_623, %swap3A_624] {strides = array<i32>} : memref<200x64xf32, #tpu.memory_space<vmem>>, vector<1x16xf32>,
      %swap3A_626 = vector.shape_cast %swap3A_625 : vector<1x16xf32> to vector<16xf32>
      %swap3A_627 = vector.shape_cast %get3A_622 : vector<16xf32> to vector<1x16xf32>
      tpu.vector_store %arg9[%swap3A_623, %swap3A_624], %swap3A_627 {add = true, strides = array<i32>} : memref<200x64xf32, #tpu.memory_space<vmem>>, vector<1x16xf32>,
    }
    %scan3A_139 = arith.constant 200 : i32
    %add3A_140 = arith.constant 200 : i32
    %add3A_141 = arith.addi %mul3A_4, %add3A_140 : i32
    %multiple_of3A_142 = tpu.assume_multiple %add3A_141, 8 : i32
    %dma_start3A_143 = arith.constant 0 : i32
    %dma_start3A_144 = tpu.memref_slice %arg5[%multiple_of3A_142, %dma_start3A_143] : memref<819200x64xf32, #tpu.memory_space<hbm>> -> memref<200x64xf32, #tpu.memory_space<hbm>>
    %dma_start3A_145 = arith.constant 0 : i32
    %dma_start3A_146 = tpu.memref_slice %arg5[%multiple_of3A_142, %dma_start3A_145] : memref<819200x64xf32, #tpu.memory_space<hbm>> -> memref<200x64xf32, #tpu.memory_space<hbm>>
    tpu.enqueue_dma source(%arg9 : memref<200x64xf32, #tpu.memory_space<vmem>>) target(%dma_start3A_146 : memref<200x64xf32, #tpu.memory_space<hbm>>) target_semaphore(%arg17 : memref<!tpu.dma_semaphore, #tpu.memory_space<semaphore_mem>>)
    %dma_wait3A_147 = arith.constant 0 : i32
    %dma_wait3A_148 = arith.constant 0 : i32
    %dma_wait3A_149 = arith.constant 0 : i32
    %dma_wait3A_150 = tpu.memref_slice %arg10[%dma_wait3A_148, %dma_wait3A_149] : memref<200x64xf32, #tpu.memory_space<vmem>> -> memref<100x64xf32, #tpu.memory_space<vmem>>
    %dma_wait3A_151 = arith.constant 0 : i32
    %dma_wait3A_152 = tpu.memref_slice %arg6[%dma_wait3A_147, %dma_wait3A_151] : memref<256x100xi32, #tpu.memory_space<vmem>> -> memref<1x100xi32, #tpu.memory_space<vmem>>
    %dma_wait3A_153 = tpu.memref_squeeze %dma_wait3A_152 : memref<1x100xi32, #tpu.memory_space<vmem>> -> memref<100xi32, #tpu.memory_space<vmem>>
    %dma_wait3A_154 = arith.constant 0 : i32
    %dma_wait3A_155 = arith.constant 0 : i32
    %dma_wait3A_156 = tpu.memref_slice %arg3[%dma_wait3A_154, %dma_wait3A_155] : memref<100000x64xf32, #tpu.memory_space<hbm>> -> memref<100000x64xf32, #tpu.memory_space<hbm>>
    tpu.wait_indirect_dma semaphore(%arg14 : memref<!tpu.dma_semaphore, #tpu.memory_space<semaphore_mem>>) src(%dma_wait3A_156 : memref<100000x64xf32, #tpu.memory_space<hbm>>) dst(%dma_wait3A_150 : memref<100x64xf32, #tpu.memory_space<vmem>>)
    %dma_wait3A_157 = arith.constant 0 : i32
    %dma_wait3A_158 = arith.constant 100 : i32
    %dma_wait3A_159 = arith.constant 0 : i32
    %dma_wait3A_160 = tpu.memref_slice %arg10[%dma_wait3A_158, %dma_wait3A_159] : memref<200x64xf32, #tpu.memory_space<vmem>> -> memref<100x64xf32, #tpu.memory_space<vmem>>
    %dma_wait3A_161 = arith.constant 0 : i32
    %dma_wait3A_162 = tpu.memref_slice %arg6[%dma_wait3A_157, %dma_wait3A_161] : memref<256x100xi32, #tpu.memory_space<vmem>> -> memref<1x100xi32, #tpu.memory_space<vmem>>
    %dma_wait3A_163 = tpu.memref_squeeze %dma_wait3A_162 : memref<1x100xi32, #tpu.memory_space<vmem>> -> memref<100xi32, #tpu.memory_space<vmem>>
    %dma_wait3A_164 = arith.constant 0 : i32
    %dma_wait3A_165 = arith.constant 0 : i32
    %dma_wait3A_166 = tpu.memref_slice %arg3[%dma_wait3A_164, %dma_wait3A_165] : memref<100000x64xf32, #tpu.memory_space<hbm>> -> memref<100000x64xf32, #tpu.memory_space<hbm>>
    tpu.wait_indirect_dma semaphore(%arg14 : memref<!tpu.dma_semaphore, #tpu.memory_space<semaphore_mem>>) src(%dma_wait3A_166 : memref<100000x64xf32, #tpu.memory_space<hbm>>) dst(%dma_wait3A_160 : memref<100x64xf32, #tpu.memory_space<vmem>>)
    %dma_wait3A_167 = arith.constant 0 : i32
    %dma_wait3A_168 = arith.constant 0 : i32
    %dma_wait3A_169 = tpu.memref_slice %arg5[%dma_wait3A_167, %dma_wait3A_168] : memref<819200x64xf32, #tpu.memory_space<hbm>> -> memref<200x64xf32, #tpu.memory_space<hbm>>
    %dma_wait3A_170 = arith.constant 0 : i32
    %dma_wait3A_171 = arith.constant 0 : i32
    %dma_wait3A_172 = tpu.memref_slice %arg5[%dma_wait3A_170, %dma_wait3A_171] : memref<819200x64xf32, #tpu.memory_space<hbm>> -> memref<200x64xf32, #tpu.memory_space<hbm>>
    tpu.wait_dma2 semaphore(%arg16 : memref<!tpu.dma_semaphore, #tpu.memory_space<semaphore_mem>>) src(%arg8 : memref<200x64xf32, #tpu.memory_space<vmem>>) dst(%dma_wait3A_172 : memref<200x64xf32, #tpu.memory_space<hbm>>)
    %dma_start3A_173 = arith.constant 8 : i32
    %dma_start3A_174 = arith.constant 0 : i32
    %dma_start3A_175 = arith.constant 0 : i32
    %dma_start3A_176 = tpu.memref_slice %arg8[%dma_start3A_174, %dma_start3A_175] : memref<200x64xf32, #tpu.memory_space<vmem>> -> memref<100x64xf32, #tpu.memory_space<vmem>>
    %dma_start3A_177 = arith.constant 0 : i32
    %dma_start3A_178 = tpu.memref_slice %arg6[%dma_start3A_173, %dma_start3A_177] : memref<256x100xi32, #tpu.memory_space<vmem>> -> memref<1x100xi32, #tpu.memory_space<vmem>>
    %dma_start3A_179 = tpu.memref_squeeze %dma_start3A_178 : memref<1x100xi32, #tpu.memory_space<vmem>> -> memref<100xi32, #tpu.memory_space<vmem>>
    %dma_start3A_180 = arith.constant 0 : i32
    %dma_start3A_181 = arith.constant 0 : i32
    %dma_start3A_182 = tpu.memref_slice %arg3[%dma_start3A_180, %dma_start3A_181] : memref<100000x64xf32, #tpu.memory_space<hbm>> -> memref<100000x64xf32, #tpu.memory_space<hbm>>
    tpu.enqueue_indirect_dma source(%dma_start3A_182 : memref<100000x64xf32, #tpu.memory_space<hbm>>) target(%dma_start3A_176 : memref<100x64xf32, #tpu.memory_space<vmem>>) offsets(%dma_start3A_179 : memref<100xi32, #tpu.memory_space<vmem>>) semaphore(%arg12 : memref<!tpu.dma_semaphore, #tpu.memory_space<semaphore_mem>>)
    %dma_start3A_183 = arith.constant 9 : i32
    %dma_start3A_184 = arith.constant 100 : i32
    %dma_start3A_185 = arith.constant 0 : i32
    %dma_start3A_186 = tpu.memref_slice %arg8[%dma_start3A_184, %dma_start3A_185] : memref<200x64xf32, #tpu.memory_space<vmem>> -> memref<100x64xf32, #tpu.memory_space<vmem>>
    %dma_start3A_187 = arith.constant 0 : i32
    %dma_start3A_188 = tpu.memref_slice %arg6[%dma_start3A_183, %dma_start3A_187] : memref<256x100xi32, #tpu.memory_space<vmem>> -> memref<1x100xi32, #tpu.memory_space<vmem>>
    %dma_start3A_189 = tpu.memref_squeeze %dma_start3A_188 : memref<1x100xi32, #tpu.memory_space<vmem>> -> memref<100xi32, #tpu.memory_space<vmem>>
    %dma_start3A_190 = arith.constant 0 : i32
    %dma_start3A_191 = arith.constant 0 : i32
    %dma_start3A_192 = tpu.memref_slice %arg3[%dma_start3A_190, %dma_start3A_191] : memref<100000x64xf32, #tpu.memory_space<hbm>> -> memref<100000x64xf32, #tpu.memory_space<hbm>>
    tpu.enqueue_indirect_dma source(%dma_start3A_192 : memref<100000x64xf32, #tpu.memory_space<hbm>>) target(%dma_start3A_186 : memref<100x64xf32, #tpu.memory_space<vmem>>) offsets(%dma_start3A_189 : memref<100xi32, #tpu.memory_space<vmem>>) semaphore(%arg12 : memref<!tpu.dma_semaphore, #tpu.memory_space<semaphore_mem>>)
    %scan3A_193 = arith.constant 0 : i32
    %scan3A_194 = arith.constant 0 : i32
    %scan3A_195 = arith.constant 200 : i32
    %scan3A_196 = arith.addi %scan3A_194, %scan3A_195 : i32
    %scan3A_197 = arith.constant 4 : i32
    scf.for %scan3A_479 = %scan3A_194 to %scan3A_196 step %scan3A_197  : i32 {
      %get3A = arith.index_cast %scan3A_479 : i32 to index
      %get3A_480 = arith.constant 0 : index
      %get3A_481 = tpu.vector_load %arg7[%get3A, %get3A_480] {strides = array<i32>} : memref<200x64xf32, #tpu.memory_space<vmem>>, vector<1x16xf32>,
      %get3A_482 = vector.shape_cast %get3A_481 : vector<1x16xf32> to vector<16xf32>
      %swap3A = arith.index_cast %scan3A_479 : i32 to index
      %swap3A_483 = arith.constant 0 : index
      %swap3A_484 = tpu.vector_load %arg10[%swap3A, %swap3A_483] {strides = array<i32>} : memref<200x64xf32, #tpu.memory_space<vmem>>, vector<1x16xf32>,
      %swap3A_485 = vector.shape_cast %swap3A_484 : vector<1x16xf32> to vector<16xf32>
      %swap3A_486 = vector.shape_cast %get3A_482 : vector<16xf32> to vector<1x16xf32>
      tpu.vector_store %arg10[%swap3A, %swap3A_483], %swap3A_486 {add = true, strides = array<i32>} : memref<200x64xf32, #tpu.memory_space<vmem>>, vector<1x16xf32>,
      %get3A_487 = arith.index_cast %scan3A_479 : i32 to index
      %get3A_488 = arith.constant 16 : index
      %get3A_489 = tpu.vector_load %arg7[%get3A_487, %get3A_488] {strides = array<i32>} : memref<200x64xf32, #tpu.memory_space<vmem>>, vector<1x16xf32>,
      %get3A_490 = vector.shape_cast %get3A_489 : vector<1x16xf32> to vector<16xf32>
      %swap3A_491 = arith.index_cast %scan3A_479 : i32 to index
      %swap3A_492 = arith.constant 16 : index
      %swap3A_493 = tpu.vector_load %arg10[%swap3A_491, %swap3A_492] {strides = array<i32>} : memref<200x64xf32, #tpu.memory_space<vmem>>, vector<1x16xf32>,
      %swap3A_494 = vector.shape_cast %swap3A_493 : vector<1x16xf32> to vector<16xf32>
      %swap3A_495 = vector.shape_cast %get3A_490 : vector<16xf32> to vector<1x16xf32>
      tpu.vector_store %arg10[%swap3A_491, %swap3A_492], %swap3A_495 {add = true, strides = array<i32>} : memref<200x64xf32, #tpu.memory_space<vmem>>, vector<1x16xf32>,
      %get3A_496 = arith.index_cast %scan3A_479 : i32 to index
      %get3A_497 = arith.constant 32 : index
      %get3A_498 = tpu.vector_load %arg7[%get3A_496, %get3A_497] {strides = array<i32>} : memref<200x64xf32, #tpu.memory_space<vmem>>, vector<1x16xf32>,
      %get3A_499 = vector.shape_cast %get3A_498 : vector<1x16xf32> to vector<16xf32>
      %swap3A_500 = arith.index_cast %scan3A_479 : i32 to index
      %swap3A_501 = arith.constant 32 : index
      %swap3A_502 = tpu.vector_load %arg10[%swap3A_500, %swap3A_501] {strides = array<i32>} : memref<200x64xf32, #tpu.memory_space<vmem>>, vector<1x16xf32>,
      %swap3A_503 = vector.shape_cast %swap3A_502 : vector<1x16xf32> to vector<16xf32>
      %swap3A_504 = vector.shape_cast %get3A_499 : vector<16xf32> to vector<1x16xf32>
      tpu.vector_store %arg10[%swap3A_500, %swap3A_501], %swap3A_504 {add = true, strides = array<i32>} : memref<200x64xf32, #tpu.memory_space<vmem>>, vector<1x16xf32>,
      %get3A_505 = arith.index_cast %scan3A_479 : i32 to index
      %get3A_506 = arith.constant 48 : index
      %get3A_507 = tpu.vector_load %arg7[%get3A_505, %get3A_506] {strides = array<i32>} : memref<200x64xf32, #tpu.memory_space<vmem>>, vector<1x16xf32>,
      %get3A_508 = vector.shape_cast %get3A_507 : vector<1x16xf32> to vector<16xf32>
      %swap3A_509 = arith.index_cast %scan3A_479 : i32 to index
      %swap3A_510 = arith.constant 48 : index
      %swap3A_511 = tpu.vector_load %arg10[%swap3A_509, %swap3A_510] {strides = array<i32>} : memref<200x64xf32, #tpu.memory_space<vmem>>, vector<1x16xf32>,
      %swap3A_512 = vector.shape_cast %swap3A_511 : vector<1x16xf32> to vector<16xf32>
      %swap3A_513 = vector.shape_cast %get3A_508 : vector<16xf32> to vector<1x16xf32>
      tpu.vector_store %arg10[%swap3A_509, %swap3A_510], %swap3A_513 {add = true, strides = array<i32>} : memref<200x64xf32, #tpu.memory_space<vmem>>, vector<1x16xf32>,
      %scan3A_514 = arith.constant 1 : i32
      %scan3A_515 = arith.addi %scan3A_479, %scan3A_514 : i32
      %get3A_516 = arith.index_cast %scan3A_515 : i32 to index
      %get3A_517 = arith.constant 0 : index
      %get3A_518 = tpu.vector_load %arg7[%get3A_516, %get3A_517] {strides = array<i32>} : memref<200x64xf32, #tpu.memory_space<vmem>>, vector<1x16xf32>,
      %get3A_519 = vector.shape_cast %get3A_518 : vector<1x16xf32> to vector<16xf32>
      %swap3A_520 = arith.index_cast %scan3A_515 : i32 to index
      %swap3A_521 = arith.constant 0 : index
      %swap3A_522 = tpu.vector_load %arg10[%swap3A_520, %swap3A_521] {strides = array<i32>} : memref<200x64xf32, #tpu.memory_space<vmem>>, vector<1x16xf32>,
      %swap3A_523 = vector.shape_cast %swap3A_522 : vector<1x16xf32> to vector<16xf32>
      %swap3A_524 = vector.shape_cast %get3A_519 : vector<16xf32> to vector<1x16xf32>
      tpu.vector_store %arg10[%swap3A_520, %swap3A_521], %swap3A_524 {add = true, strides = array<i32>} : memref<200x64xf32, #tpu.memory_space<vmem>>, vector<1x16xf32>,
      %get3A_525 = arith.index_cast %scan3A_515 : i32 to index
      %get3A_526 = arith.constant 16 : index
      %get3A_527 = tpu.vector_load %arg7[%get3A_525, %get3A_526] {strides = array<i32>} : memref<200x64xf32, #tpu.memory_space<vmem>>, vector<1x16xf32>,
      %get3A_528 = vector.shape_cast %get3A_527 : vector<1x16xf32> to vector<16xf32>
      %swap3A_529 = arith.index_cast %scan3A_515 : i32 to index
      %swap3A_530 = arith.constant 16 : index
      %swap3A_531 = tpu.vector_load %arg10[%swap3A_529, %swap3A_530] {strides = array<i32>} : memref<200x64xf32, #tpu.memory_space<vmem>>, vector<1x16xf32>,
      %swap3A_532 = vector.shape_cast %swap3A_531 : vector<1x16xf32> to vector<16xf32>
      %swap3A_533 = vector.shape_cast %get3A_528 : vector<16xf32> to vector<1x16xf32>
      tpu.vector_store %arg10[%swap3A_529, %swap3A_530], %swap3A_533 {add = true, strides = array<i32>} : memref<200x64xf32, #tpu.memory_space<vmem>>, vector<1x16xf32>,
      %get3A_534 = arith.index_cast %scan3A_515 : i32 to index
      %get3A_535 = arith.constant 32 : index
      %get3A_536 = tpu.vector_load %arg7[%get3A_534, %get3A_535] {strides = array<i32>} : memref<200x64xf32, #tpu.memory_space<vmem>>, vector<1x16xf32>,
      %get3A_537 = vector.shape_cast %get3A_536 : vector<1x16xf32> to vector<16xf32>
      %swap3A_538 = arith.index_cast %scan3A_515 : i32 to index
      %swap3A_539 = arith.constant 32 : index
      %swap3A_540 = tpu.vector_load %arg10[%swap3A_538, %swap3A_539] {strides = array<i32>} : memref<200x64xf32, #tpu.memory_space<vmem>>, vector<1x16xf32>,
      %swap3A_541 = vector.shape_cast %swap3A_540 : vector<1x16xf32> to vector<16xf32>
      %swap3A_542 = vector.shape_cast %get3A_537 : vector<16xf32> to vector<1x16xf32>
      tpu.vector_store %arg10[%swap3A_538, %swap3A_539], %swap3A_542 {add = true, strides = array<i32>} : memref<200x64xf32, #tpu.memory_space<vmem>>, vector<1x16xf32>,
      %get3A_543 = arith.index_cast %scan3A_515 : i32 to index
      %get3A_544 = arith.constant 48 : index
      %get3A_545 = tpu.vector_load %arg7[%get3A_543, %get3A_544] {strides = array<i32>} : memref<200x64xf32, #tpu.memory_space<vmem>>, vector<1x16xf32>,
      %get3A_546 = vector.shape_cast %get3A_545 : vector<1x16xf32> to vector<16xf32>
      %swap3A_547 = arith.index_cast %scan3A_515 : i32 to index
      %swap3A_548 = arith.constant 48 : index
      %swap3A_549 = tpu.vector_load %arg10[%swap3A_547, %swap3A_548] {strides = array<i32>} : memref<200x64xf32, #tpu.memory_space<vmem>>, vector<1x16xf32>,
      %swap3A_550 = vector.shape_cast %swap3A_549 : vector<1x16xf32> to vector<16xf32>
      %swap3A_551 = vector.shape_cast %get3A_546 : vector<16xf32> to vector<1x16xf32>
      tpu.vector_store %arg10[%swap3A_547, %swap3A_548], %swap3A_551 {add = true, strides = array<i32>} : memref<200x64xf32, #tpu.memory_space<vmem>>, vector<1x16xf32>,
      %scan3A_552 = arith.constant 2 : i32
      %scan3A_553 = arith.addi %scan3A_479, %scan3A_552 : i32
      %get3A_554 = arith.index_cast %scan3A_553 : i32 to index
      %get3A_555 = arith.constant 0 : index
      %get3A_556 = tpu.vector_load %arg7[%get3A_554, %get3A_555] {strides = array<i32>} : memref<200x64xf32, #tpu.memory_space<vmem>>, vector<1x16xf32>,
      %get3A_557 = vector.shape_cast %get3A_556 : vector<1x16xf32> to vector<16xf32>
      %swap3A_558 = arith.index_cast %scan3A_553 : i32 to index
      %swap3A_559 = arith.constant 0 : index
      %swap3A_560 = tpu.vector_load %arg10[%swap3A_558, %swap3A_559] {strides = array<i32>} : memref<200x64xf32, #tpu.memory_space<vmem>>, vector<1x16xf32>,
      %swap3A_561 = vector.shape_cast %swap3A_560 : vector<1x16xf32> to vector<16xf32>
      %swap3A_562 = vector.shape_cast %get3A_557 : vector<16xf32> to vector<1x16xf32>
      tpu.vector_store %arg10[%swap3A_558, %swap3A_559], %swap3A_562 {add = true, strides = array<i32>} : memref<200x64xf32, #tpu.memory_space<vmem>>, vector<1x16xf32>,
      %get3A_563 = arith.index_cast %scan3A_553 : i32 to index
      %get3A_564 = arith.constant 16 : index
      %get3A_565 = tpu.vector_load %arg7[%get3A_563, %get3A_564] {strides = array<i32>} : memref<200x64xf32, #tpu.memory_space<vmem>>, vector<1x16xf32>,
      %get3A_566 = vector.shape_cast %get3A_565 : vector<1x16xf32> to vector<16xf32>
      %swap3A_567 = arith.index_cast %scan3A_553 : i32 to index
      %swap3A_568 = arith.constant 16 : index
      %swap3A_569 = tpu.vector_load %arg10[%swap3A_567, %swap3A_568] {strides = array<i32>} : memref<200x64xf32, #tpu.memory_space<vmem>>, vector<1x16xf32>,
      %swap3A_570 = vector.shape_cast %swap3A_569 : vector<1x16xf32> to vector<16xf32>
      %swap3A_571 = vector.shape_cast %get3A_566 : vector<16xf32> to vector<1x16xf32>
      tpu.vector_store %arg10[%swap3A_567, %swap3A_568], %swap3A_571 {add = true, strides = array<i32>} : memref<200x64xf32, #tpu.memory_space<vmem>>, vector<1x16xf32>,
      %get3A_572 = arith.index_cast %scan3A_553 : i32 to index
      %get3A_573 = arith.constant 32 : index
      %get3A_574 = tpu.vector_load %arg7[%get3A_572, %get3A_573] {strides = array<i32>} : memref<200x64xf32, #tpu.memory_space<vmem>>, vector<1x16xf32>,
      %get3A_575 = vector.shape_cast %get3A_574 : vector<1x16xf32> to vector<16xf32>
      %swap3A_576 = arith.index_cast %scan3A_553 : i32 to index
      %swap3A_577 = arith.constant 32 : index
      %swap3A_578 = tpu.vector_load %arg10[%swap3A_576, %swap3A_577] {strides = array<i32>} : memref<200x64xf32, #tpu.memory_space<vmem>>, vector<1x16xf32>,
      %swap3A_579 = vector.shape_cast %swap3A_578 : vector<1x16xf32> to vector<16xf32>
      %swap3A_580 = vector.shape_cast %get3A_575 : vector<16xf32> to vector<1x16xf32>
      tpu.vector_store %arg10[%swap3A_576, %swap3A_577], %swap3A_580 {add = true, strides = array<i32>} : memref<200x64xf32, #tpu.memory_space<vmem>>, vector<1x16xf32>,
      %get3A_581 = arith.index_cast %scan3A_553 : i32 to index
      %get3A_582 = arith.constant 48 : index
      %get3A_583 = tpu.vector_load %arg7[%get3A_581, %get3A_582] {strides = array<i32>} : memref<200x64xf32, #tpu.memory_space<vmem>>, vector<1x16xf32>,
      %get3A_584 = vector.shape_cast %get3A_583 : vector<1x16xf32> to vector<16xf32>
      %swap3A_585 = arith.index_cast %scan3A_553 : i32 to index
      %swap3A_586 = arith.constant 48 : index
      %swap3A_587 = tpu.vector_load %arg10[%swap3A_585, %swap3A_586] {strides = array<i32>} : memref<200x64xf32, #tpu.memory_space<vmem>>, vector<1x16xf32>,
      %swap3A_588 = vector.shape_cast %swap3A_587 : vector<1x16xf32> to vector<16xf32>
      %swap3A_589 = vector.shape_cast %get3A_584 : vector<16xf32> to vector<1x16xf32>
      tpu.vector_store %arg10[%swap3A_585, %swap3A_586], %swap3A_589 {add = true, strides = array<i32>} : memref<200x64xf32, #tpu.memory_space<vmem>>, vector<1x16xf32>,
      %scan3A_590 = arith.constant 3 : i32
      %scan3A_591 = arith.addi %scan3A_479, %scan3A_590 : i32
      %get3A_592 = arith.index_cast %scan3A_591 : i32 to index
      %get3A_593 = arith.constant 0 : index
      %get3A_594 = tpu.vector_load %arg7[%get3A_592, %get3A_593] {strides = array<i32>} : memref<200x64xf32, #tpu.memory_space<vmem>>, vector<1x16xf32>,
      %get3A_595 = vector.shape_cast %get3A_594 : vector<1x16xf32> to vector<16xf32>
      %swap3A_596 = arith.index_cast %scan3A_591 : i32 to index
      %swap3A_597 = arith.constant 0 : index
      %swap3A_598 = tpu.vector_load %arg10[%swap3A_596, %swap3A_597] {strides = array<i32>} : memref<200x64xf32, #tpu.memory_space<vmem>>, vector<1x16xf32>,
      %swap3A_599 = vector.shape_cast %swap3A_598 : vector<1x16xf32> to vector<16xf32>
      %swap3A_600 = vector.shape_cast %get3A_595 : vector<16xf32> to vector<1x16xf32>
      tpu.vector_store %arg10[%swap3A_596, %swap3A_597], %swap3A_600 {add = true, strides = array<i32>} : memref<200x64xf32, #tpu.memory_space<vmem>>, vector<1x16xf32>,
      %get3A_601 = arith.index_cast %scan3A_591 : i32 to index
      %get3A_602 = arith.constant 16 : index
      %get3A_603 = tpu.vector_load %arg7[%get3A_601, %get3A_602] {strides = array<i32>} : memref<200x64xf32, #tpu.memory_space<vmem>>, vector<1x16xf32>,
      %get3A_604 = vector.shape_cast %get3A_603 : vector<1x16xf32> to vector<16xf32>
      %swap3A_605 = arith.index_cast %scan3A_591 : i32 to index
      %swap3A_606 = arith.constant 16 : index
      %swap3A_607 = tpu.vector_load %arg10[%swap3A_605, %swap3A_606] {strides = array<i32>} : memref<200x64xf32, #tpu.memory_space<vmem>>, vector<1x16xf32>,
      %swap3A_608 = vector.shape_cast %swap3A_607 : vector<1x16xf32> to vector<16xf32>
      %swap3A_609 = vector.shape_cast %get3A_604 : vector<16xf32> to vector<1x16xf32>
      tpu.vector_store %arg10[%swap3A_605, %swap3A_606], %swap3A_609 {add = true, strides = array<i32>} : memref<200x64xf32, #tpu.memory_space<vmem>>, vector<1x16xf32>,
      %get3A_610 = arith.index_cast %scan3A_591 : i32 to index
      %get3A_611 = arith.constant 32 : index
      %get3A_612 = tpu.vector_load %arg7[%get3A_610, %get3A_611] {strides = array<i32>} : memref<200x64xf32, #tpu.memory_space<vmem>>, vector<1x16xf32>,
      %get3A_613 = vector.shape_cast %get3A_612 : vector<1x16xf32> to vector<16xf32>
      %swap3A_614 = arith.index_cast %scan3A_591 : i32 to index
      %swap3A_615 = arith.constant 32 : index
      %swap3A_616 = tpu.vector_load %arg10[%swap3A_614, %swap3A_615] {strides = array<i32>} : memref<200x64xf32, #tpu.memory_space<vmem>>, vector<1x16xf32>,
      %swap3A_617 = vector.shape_cast %swap3A_616 : vector<1x16xf32> to vector<16xf32>
      %swap3A_618 = vector.shape_cast %get3A_613 : vector<16xf32> to vector<1x16xf32>
      tpu.vector_store %arg10[%swap3A_614, %swap3A_615], %swap3A_618 {add = true, strides = array<i32>} : memref<200x64xf32, #tpu.memory_space<vmem>>, vector<1x16xf32>,
      %get3A_619 = arith.index_cast %scan3A_591 : i32 to index
      %get3A_620 = arith.constant 48 : index
      %get3A_621 = tpu.vector_load %arg7[%get3A_619, %get3A_620] {strides = array<i32>} : memref<200x64xf32, #tpu.memory_space<vmem>>, vector<1x16xf32>,
      %get3A_622 = vector.shape_cast %get3A_621 : vector<1x16xf32> to vector<16xf32>
      %swap3A_623 = arith.index_cast %scan3A_591 : i32 to index
      %swap3A_624 = arith.constant 48 : index
      %swap3A_625 = tpu.vector_load %arg10[%swap3A_623, %swap3A_624] {strides = array<i32>} : memref<200x64xf32, #tpu.memory_space<vmem>>, vector<1x16xf32>,
      %swap3A_626 = vector.shape_cast %swap3A_625 : vector<1x16xf32> to vector<16xf32>
      %swap3A_627 = vector.shape_cast %get3A_622 : vector<16xf32> to vector<1x16xf32>
      tpu.vector_store %arg10[%swap3A_623, %swap3A_624], %swap3A_627 {add = true, strides = array<i32>} : memref<200x64xf32, #tpu.memory_space<vmem>>, vector<1x16xf32>,
    }
    %scan3A_198 = arith.constant 200 : i32
    %add3A_199 = arith.constant 400 : i32
    %add3A_200 = arith.addi %mul3A_4, %add3A_199 : i32
    %multiple_of3A_201 = tpu.assume_multiple %add3A_200, 8 : i32
    %dma_start3A_202 = arith.constant 0 : i32
    %dma_start3A_203 = tpu.memref_slice %arg5[%multiple_of3A_201, %dma_start3A_202] : memref<819200x64xf32, #tpu.memory_space<hbm>> -> memref<200x64xf32, #tpu.memory_space<hbm>>
    %dma_start3A_204 = arith.constant 0 : i32
    %dma_start3A_205 = tpu.memref_slice %arg5[%multiple_of3A_201, %dma_start3A_204] : memref<819200x64xf32, #tpu.memory_space<hbm>> -> memref<200x64xf32, #tpu.memory_space<hbm>>
    tpu.enqueue_dma source(%arg10 : memref<200x64xf32, #tpu.memory_space<vmem>>) target(%dma_start3A_205 : memref<200x64xf32, #tpu.memory_space<hbm>>) target_semaphore(%arg18 : memref<!tpu.dma_semaphore, #tpu.memory_space<semaphore_mem>>)
    %dma_wait3A_206 = arith.constant 0 : i32
    %dma_wait3A_207 = arith.constant 0 : i32
    %dma_wait3A_208 = arith.constant 0 : i32
    %dma_wait3A_209 = tpu.memref_slice %arg11[%dma_wait3A_207, %dma_wait3A_208] : memref<200x64xf32, #tpu.memory_space<vmem>> -> memref<100x64xf32, #tpu.memory_space<vmem>>
    %dma_wait3A_210 = arith.constant 0 : i32
    %dma_wait3A_211 = tpu.memref_slice %arg6[%dma_wait3A_206, %dma_wait3A_210] : memref<256x100xi32, #tpu.memory_space<vmem>> -> memref<1x100xi32, #tpu.memory_space<vmem>>
    %dma_wait3A_212 = tpu.memref_squeeze %dma_wait3A_211 : memref<1x100xi32, #tpu.memory_space<vmem>> -> memref<100xi32, #tpu.memory_space<vmem>>
    %dma_wait3A_213 = arith.constant 0 : i32
    %dma_wait3A_214 = arith.constant 0 : i32
    %dma_wait3A_215 = tpu.memref_slice %arg3[%dma_wait3A_213, %dma_wait3A_214] : memref<100000x64xf32, #tpu.memory_space<hbm>> -> memref<100000x64xf32, #tpu.memory_space<hbm>>
    tpu.wait_indirect_dma semaphore(%arg15 : memref<!tpu.dma_semaphore, #tpu.memory_space<semaphore_mem>>) src(%dma_wait3A_215 : memref<100000x64xf32, #tpu.memory_space<hbm>>) dst(%dma_wait3A_209 : memref<100x64xf32, #tpu.memory_space<vmem>>)
    %dma_wait3A_216 = arith.constant 0 : i32
    %dma_wait3A_217 = arith.constant 100 : i32
    %dma_wait3A_218 = arith.constant 0 : i32
    %dma_wait3A_219 = tpu.memref_slice %arg11[%dma_wait3A_217, %dma_wait3A_218] : memref<200x64xf32, #tpu.memory_space<vmem>> -> memref<100x64xf32, #tpu.memory_space<vmem>>
    %dma_wait3A_220 = arith.constant 0 : i32
    %dma_wait3A_221 = tpu.memref_slice %arg6[%dma_wait3A_216, %dma_wait3A_220] : memref<256x100xi32, #tpu.memory_space<vmem>> -> memref<1x100xi32, #tpu.memory_space<vmem>>
    %dma_wait3A_222 = tpu.memref_squeeze %dma_wait3A_221 : memref<1x100xi32, #tpu.memory_space<vmem>> -> memref<100xi32, #tpu.memory_space<vmem>>
    %dma_wait3A_223 = arith.constant 0 : i32
    %dma_wait3A_224 = arith.constant 0 : i32
    %dma_wait3A_225 = tpu.memref_slice %arg3[%dma_wait3A_223, %dma_wait3A_224] : memref<100000x64xf32, #tpu.memory_space<hbm>> -> memref<100000x64xf32, #tpu.memory_space<hbm>>
    tpu.wait_indirect_dma semaphore(%arg15 : memref<!tpu.dma_semaphore, #tpu.memory_space<semaphore_mem>>) src(%dma_wait3A_225 : memref<100000x64xf32, #tpu.memory_space<hbm>>) dst(%dma_wait3A_219 : memref<100x64xf32, #tpu.memory_space<vmem>>)
    %dma_wait3A_226 = arith.constant 0 : i32
    %dma_wait3A_227 = arith.constant 0 : i32
    %dma_wait3A_228 = tpu.memref_slice %arg5[%dma_wait3A_226, %dma_wait3A_227] : memref<819200x64xf32, #tpu.memory_space<hbm>> -> memref<200x64xf32, #tpu.memory_space<hbm>>
    %dma_wait3A_229 = arith.constant 0 : i32
    %dma_wait3A_230 = arith.constant 0 : i32
    %dma_wait3A_231 = tpu.memref_slice %arg5[%dma_wait3A_229, %dma_wait3A_230] : memref<819200x64xf32, #tpu.memory_space<hbm>> -> memref<200x64xf32, #tpu.memory_space<hbm>>
    tpu.wait_dma2 semaphore(%arg17 : memref<!tpu.dma_semaphore, #tpu.memory_space<semaphore_mem>>) src(%arg9 : memref<200x64xf32, #tpu.memory_space<vmem>>) dst(%dma_wait3A_231 : memref<200x64xf32, #tpu.memory_space<hbm>>)
    %dma_start3A_232 = arith.constant 10 : i32
    %dma_start3A_233 = arith.constant 0 : i32
    %dma_start3A_234 = arith.constant 0 : i32
    %dma_start3A_235 = tpu.memref_slice %arg9[%dma_start3A_233, %dma_start3A_234] : memref<200x64xf32, #tpu.memory_space<vmem>> -> memref<100x64xf32, #tpu.memory_space<vmem>>
    %dma_start3A_236 = arith.constant 0 : i32
    %dma_start3A_237 = tpu.memref_slice %arg6[%dma_start3A_232, %dma_start3A_236] : memref<256x100xi32, #tpu.memory_space<vmem>> -> memref<1x100xi32, #tpu.memory_space<vmem>>
    %dma_start3A_238 = tpu.memref_squeeze %dma_start3A_237 : memref<1x100xi32, #tpu.memory_space<vmem>> -> memref<100xi32, #tpu.memory_space<vmem>>
    %dma_start3A_239 = arith.constant 0 : i32
    %dma_start3A_240 = arith.constant 0 : i32
    %dma_start3A_241 = tpu.memref_slice %arg3[%dma_start3A_239, %dma_start3A_240] : memref<100000x64xf32, #tpu.memory_space<hbm>> -> memref<100000x64xf32, #tpu.memory_space<hbm>>
    tpu.enqueue_indirect_dma source(%dma_start3A_241 : memref<100000x64xf32, #tpu.memory_space<hbm>>) target(%dma_start3A_235 : memref<100x64xf32, #tpu.memory_space<vmem>>) offsets(%dma_start3A_238 : memref<100xi32, #tpu.memory_space<vmem>>) semaphore(%arg13 : memref<!tpu.dma_semaphore, #tpu.memory_space<semaphore_mem>>)
    %dma_start3A_242 = arith.constant 11 : i32
    %dma_start3A_243 = arith.constant 100 : i32
    %dma_start3A_244 = arith.constant 0 : i32
    %dma_start3A_245 = tpu.memref_slice %arg9[%dma_start3A_243, %dma_start3A_244] : memref<200x64xf32, #tpu.memory_space<vmem>> -> memref<100x64xf32, #tpu.memory_space<vmem>>
    %dma_start3A_246 = arith.constant 0 : i32
    %dma_start3A_247 = tpu.memref_slice %arg6[%dma_start3A_242, %dma_start3A_246] : memref<256x100xi32, #tpu.memory_space<vmem>> -> memref<1x100xi32, #tpu.memory_space<vmem>>
    %dma_start3A_248 = tpu.memref_squeeze %dma_start3A_247 : memref<1x100xi32, #tpu.memory_space<vmem>> -> memref<100xi32, #tpu.memory_space<vmem>>
    %dma_start3A_249 = arith.constant 0 : i32
    %dma_start3A_250 = arith.constant 0 : i32
    %dma_start3A_251 = tpu.memref_slice %arg3[%dma_start3A_249, %dma_start3A_250] : memref<100000x64xf32, #tpu.memory_space<hbm>> -> memref<100000x64xf32, #tpu.memory_space<hbm>>
    tpu.enqueue_indirect_dma source(%dma_start3A_251 : memref<100000x64xf32, #tpu.memory_space<hbm>>) target(%dma_start3A_245 : memref<100x64xf32, #tpu.memory_space<vmem>>) offsets(%dma_start3A_248 : memref<100xi32, #tpu.memory_space<vmem>>) semaphore(%arg13 : memref<!tpu.dma_semaphore, #tpu.memory_space<semaphore_mem>>)
    %scan3A_252 = arith.constant 0 : i32
    %scan3A_253 = arith.constant 0 : i32
    %scan3A_254 = arith.constant 200 : i32
    %scan3A_255 = arith.addi %scan3A_253, %scan3A_254 : i32
    %scan3A_256 = arith.constant 4 : i32
    scf.for %scan3A_479 = %scan3A_253 to %scan3A_255 step %scan3A_256  : i32 {
      %get3A = arith.index_cast %scan3A_479 : i32 to index
      %get3A_480 = arith.constant 0 : index
      %get3A_481 = tpu.vector_load %arg7[%get3A, %get3A_480] {strides = array<i32>} : memref<200x64xf32, #tpu.memory_space<vmem>>, vector<1x16xf32>,
      %get3A_482 = vector.shape_cast %get3A_481 : vector<1x16xf32> to vector<16xf32>
      %swap3A = arith.index_cast %scan3A_479 : i32 to index
      %swap3A_483 = arith.constant 0 : index
      %swap3A_484 = tpu.vector_load %arg11[%swap3A, %swap3A_483] {strides = array<i32>} : memref<200x64xf32, #tpu.memory_space<vmem>>, vector<1x16xf32>,
      %swap3A_485 = vector.shape_cast %swap3A_484 : vector<1x16xf32> to vector<16xf32>
      %swap3A_486 = vector.shape_cast %get3A_482 : vector<16xf32> to vector<1x16xf32>
      tpu.vector_store %arg11[%swap3A, %swap3A_483], %swap3A_486 {add = true, strides = array<i32>} : memref<200x64xf32, #tpu.memory_space<vmem>>, vector<1x16xf32>,
      %get3A_487 = arith.index_cast %scan3A_479 : i32 to index
      %get3A_488 = arith.constant 16 : index
      %get3A_489 = tpu.vector_load %arg7[%get3A_487, %get3A_488] {strides = array<i32>} : memref<200x64xf32, #tpu.memory_space<vmem>>, vector<1x16xf32>,
      %get3A_490 = vector.shape_cast %get3A_489 : vector<1x16xf32> to vector<16xf32>
      %swap3A_491 = arith.index_cast %scan3A_479 : i32 to index
      %swap3A_492 = arith.constant 16 : index
      %swap3A_493 = tpu.vector_load %arg11[%swap3A_491, %swap3A_492] {strides = array<i32>} : memref<200x64xf32, #tpu.memory_space<vmem>>, vector<1x16xf32>,
      %swap3A_494 = vector.shape_cast %swap3A_493 : vector<1x16xf32> to vector<16xf32>
      %swap3A_495 = vector.shape_cast %get3A_490 : vector<16xf32> to vector<1x16xf32>
      tpu.vector_store %arg11[%swap3A_491, %swap3A_492], %swap3A_495 {add = true, strides = array<i32>} : memref<200x64xf32, #tpu.memory_space<vmem>>, vector<1x16xf32>,
      %get3A_496 = arith.index_cast %scan3A_479 : i32 to index
      %get3A_497 = arith.constant 32 : index
      %get3A_498 = tpu.vector_load %arg7[%get3A_496, %get3A_497] {strides = array<i32>} : memref<200x64xf32, #tpu.memory_space<vmem>>, vector<1x16xf32>,
      %get3A_499 = vector.shape_cast %get3A_498 : vector<1x16xf32> to vector<16xf32>
      %swap3A_500 = arith.index_cast %scan3A_479 : i32 to index
      %swap3A_501 = arith.constant 32 : index
      %swap3A_502 = tpu.vector_load %arg11[%swap3A_500, %swap3A_501] {strides = array<i32>} : memref<200x64xf32, #tpu.memory_space<vmem>>, vector<1x16xf32>,
      %swap3A_503 = vector.shape_cast %swap3A_502 : vector<1x16xf32> to vector<16xf32>
      %swap3A_504 = vector.shape_cast %get3A_499 : vector<16xf32> to vector<1x16xf32>
      tpu.vector_store %arg11[%swap3A_500, %swap3A_501], %swap3A_504 {add = true, strides = array<i32>} : memref<200x64xf32, #tpu.memory_space<vmem>>, vector<1x16xf32>,
      %get3A_505 = arith.index_cast %scan3A_479 : i32 to index
      %get3A_506 = arith.constant 48 : index
      %get3A_507 = tpu.vector_load %arg7[%get3A_505, %get3A_506] {strides = array<i32>} : memref<200x64xf32, #tpu.memory_space<vmem>>, vector<1x16xf32>,
      %get3A_508 = vector.shape_cast %get3A_507 : vector<1x16xf32> to vector<16xf32>
      %swap3A_509 = arith.index_cast %scan3A_479 : i32 to index
      %swap3A_510 = arith.constant 48 : index
      %swap3A_511 = tpu.vector_load %arg11[%swap3A_509, %swap3A_510] {strides = array<i32>} : memref<200x64xf32, #tpu.memory_space<vmem>>, vector<1x16xf32>,
      %swap3A_512 = vector.shape_cast %swap3A_511 : vector<1x16xf32> to vector<16xf32>
      %swap3A_513 = vector.shape_cast %get3A_508 : vector<16xf32> to vector<1x16xf32>
      tpu.vector_store %arg11[%swap3A_509, %swap3A_510], %swap3A_513 {add = true, strides = array<i32>} : memref<200x64xf32, #tpu.memory_space<vmem>>, vector<1x16xf32>,
      %scan3A_514 = arith.constant 1 : i32
      %scan3A_515 = arith.addi %scan3A_479, %scan3A_514 : i32
      %get3A_516 = arith.index_cast %scan3A_515 : i32 to index
      %get3A_517 = arith.constant 0 : index
      %get3A_518 = tpu.vector_load %arg7[%get3A_516, %get3A_517] {strides = array<i32>} : memref<200x64xf32, #tpu.memory_space<vmem>>, vector<1x16xf32>,
      %get3A_519 = vector.shape_cast %get3A_518 : vector<1x16xf32> to vector<16xf32>
      %swap3A_520 = arith.index_cast %scan3A_515 : i32 to index
      %swap3A_521 = arith.constant 0 : index
      %swap3A_522 = tpu.vector_load %arg11[%swap3A_520, %swap3A_521] {strides = array<i32>} : memref<200x64xf32, #tpu.memory_space<vmem>>, vector<1x16xf32>,
      %swap3A_523 = vector.shape_cast %swap3A_522 : vector<1x16xf32> to vector<16xf32>
      %swap3A_524 = vector.shape_cast %get3A_519 : vector<16xf32> to vector<1x16xf32>
      tpu.vector_store %arg11[%swap3A_520, %swap3A_521], %swap3A_524 {add = true, strides = array<i32>} : memref<200x64xf32, #tpu.memory_space<vmem>>, vector<1x16xf32>,
      %get3A_525 = arith.index_cast %scan3A_515 : i32 to index
      %get3A_526 = arith.constant 16 : index
      %get3A_527 = tpu.vector_load %arg7[%get3A_525, %get3A_526] {strides = array<i32>} : memref<200x64xf32, #tpu.memory_space<vmem>>, vector<1x16xf32>,
      %get3A_528 = vector.shape_cast %get3A_527 : vector<1x16xf32> to vector<16xf32>
      %swap3A_529 = arith.index_cast %scan3A_515 : i32 to index
      %swap3A_530 = arith.constant 16 : index
      %swap3A_531 = tpu.vector_load %arg11[%swap3A_529, %swap3A_530] {strides = array<i32>} : memref<200x64xf32, #tpu.memory_space<vmem>>, vector<1x16xf32>,
      %swap3A_532 = vector.shape_cast %swap3A_531 : vector<1x16xf32> to vector<16xf32>
      %swap3A_533 = vector.shape_cast %get3A_528 : vector<16xf32> to vector<1x16xf32>
      tpu.vector_store %arg11[%swap3A_529, %swap3A_530], %swap3A_533 {add = true, strides = array<i32>} : memref<200x64xf32, #tpu.memory_space<vmem>>, vector<1x16xf32>,
      %get3A_534 = arith.index_cast %scan3A_515 : i32 to index
      %get3A_535 = arith.constant 32 : index
      %get3A_536 = tpu.vector_load %arg7[%get3A_534, %get3A_535] {strides = array<i32>} : memref<200x64xf32, #tpu.memory_space<vmem>>, vector<1x16xf32>,
      %get3A_537 = vector.shape_cast %get3A_536 : vector<1x16xf32> to vector<16xf32>
      %swap3A_538 = arith.index_cast %scan3A_515 : i32 to index
      %swap3A_539 = arith.constant 32 : index
      %swap3A_540 = tpu.vector_load %arg11[%swap3A_538, %swap3A_539] {strides = array<i32>} : memref<200x64xf32, #tpu.memory_space<vmem>>, vector<1x16xf32>,
      %swap3A_541 = vector.shape_cast %swap3A_540 : vector<1x16xf32> to vector<16xf32>
      %swap3A_542 = vector.shape_cast %get3A_537 : vector<16xf32> to vector<1x16xf32>
      tpu.vector_store %arg11[%swap3A_538, %swap3A_539], %swap3A_542 {add = true, strides = array<i32>} : memref<200x64xf32, #tpu.memory_space<vmem>>, vector<1x16xf32>,
      %get3A_543 = arith.index_cast %scan3A_515 : i32 to index
      %get3A_544 = arith.constant 48 : index
      %get3A_545 = tpu.vector_load %arg7[%get3A_543, %get3A_544] {strides = array<i32>} : memref<200x64xf32, #tpu.memory_space<vmem>>, vector<1x16xf32>,
      %get3A_546 = vector.shape_cast %get3A_545 : vector<1x16xf32> to vector<16xf32>
      %swap3A_547 = arith.index_cast %scan3A_515 : i32 to index
      %swap3A_548 = arith.constant 48 : index
      %swap3A_549 = tpu.vector_load %arg11[%swap3A_547, %swap3A_548] {strides = array<i32>} : memref<200x64xf32, #tpu.memory_space<vmem>>, vector<1x16xf32>,
      %swap3A_550 = vector.shape_cast %swap3A_549 : vector<1x16xf32> to vector<16xf32>
      %swap3A_551 = vector.shape_cast %get3A_546 : vector<16xf32> to vector<1x16xf32>
      tpu.vector_store %arg11[%swap3A_547, %swap3A_548], %swap3A_551 {add = true, strides = array<i32>} : memref<200x64xf32, #tpu.memory_space<vmem>>, vector<1x16xf32>,
      %scan3A_552 = arith.constant 2 : i32
      %scan3A_553 = arith.addi %scan3A_479, %scan3A_552 : i32
      %get3A_554 = arith.index_cast %scan3A_553 : i32 to index
      %get3A_555 = arith.constant 0 : index
      %get3A_556 = tpu.vector_load %arg7[%get3A_554, %get3A_555] {strides = array<i32>} : memref<200x64xf32, #tpu.memory_space<vmem>>, vector<1x16xf32>,
      %get3A_557 = vector.shape_cast %get3A_556 : vector<1x16xf32> to vector<16xf32>
      %swap3A_558 = arith.index_cast %scan3A_553 : i32 to index
      %swap3A_559 = arith.constant 0 : index
      %swap3A_560 = tpu.vector_load %arg11[%swap3A_558, %swap3A_559] {strides = array<i32>} : memref<200x64xf32, #tpu.memory_space<vmem>>, vector<1x16xf32>,
      %swap3A_561 = vector.shape_cast %swap3A_560 : vector<1x16xf32> to vector<16xf32>
      %swap3A_562 = vector.shape_cast %get3A_557 : vector<16xf32> to vector<1x16xf32>
      tpu.vector_store %arg11[%swap3A_558, %swap3A_559], %swap3A_562 {add = true, strides = array<i32>} : memref<200x64xf32, #tpu.memory_space<vmem>>, vector<1x16xf32>,
      %get3A_563 = arith.index_cast %scan3A_553 : i32 to index
      %get3A_564 = arith.constant 16 : index
      %get3A_565 = tpu.vector_load %arg7[%get3A_563, %get3A_564] {strides = array<i32>} : memref<200x64xf32, #tpu.memory_space<vmem>>, vector<1x16xf32>,
      %get3A_566 = vector.shape_cast %get3A_565 : vector<1x16xf32> to vector<16xf32>
      %swap3A_567 = arith.index_cast %scan3A_553 : i32 to index
      %swap3A_568 = arith.constant 16 : index
      %swap3A_569 = tpu.vector_load %arg11[%swap3A_567, %swap3A_568] {strides = array<i32>} : memref<200x64xf32, #tpu.memory_space<vmem>>, vector<1x16xf32>,
      %swap3A_570 = vector.shape_cast %swap3A_569 : vector<1x16xf32> to vector<16xf32>
      %swap3A_571 = vector.shape_cast %get3A_566 : vector<16xf32> to vector<1x16xf32>
      tpu.vector_store %arg11[%swap3A_567, %swap3A_568], %swap3A_571 {add = true, strides = array<i32>} : memref<200x64xf32, #tpu.memory_space<vmem>>, vector<1x16xf32>,
      %get3A_572 = arith.index_cast %scan3A_553 : i32 to index
      %get3A_573 = arith.constant 32 : index
      %get3A_574 = tpu.vector_load %arg7[%get3A_572, %get3A_573] {strides = array<i32>} : memref<200x64xf32, #tpu.memory_space<vmem>>, vector<1x16xf32>,
      %get3A_575 = vector.shape_cast %get3A_574 : vector<1x16xf32> to vector<16xf32>
      %swap3A_576 = arith.index_cast %scan3A_553 : i32 to index
      %swap3A_577 = arith.constant 32 : index
      %swap3A_578 = tpu.vector_load %arg11[%swap3A_576, %swap3A_577] {strides = array<i32>} : memref<200x64xf32, #tpu.memory_space<vmem>>, vector<1x16xf32>,
      %swap3A_579 = vector.shape_cast %swap3A_578 : vector<1x16xf32> to vector<16xf32>
      %swap3A_580 = vector.shape_cast %get3A_575 : vector<16xf32> to vector<1x16xf32>
      tpu.vector_store %arg11[%swap3A_576, %swap3A_577], %swap3A_580 {add = true, strides = array<i32>} : memref<200x64xf32, #tpu.memory_space<vmem>>, vector<1x16xf32>,
      %get3A_581 = arith.index_cast %scan3A_553 : i32 to index
      %get3A_582 = arith.constant 48 : index
      %get3A_583 = tpu.vector_load %arg7[%get3A_581, %get3A_582] {strides = array<i32>} : memref<200x64xf32, #tpu.memory_space<vmem>>, vector<1x16xf32>,
      %get3A_584 = vector.shape_cast %get3A_583 : vector<1x16xf32> to vector<16xf32>
      %swap3A_585 = arith.index_cast %scan3A_553 : i32 to index
      %swap3A_586 = arith.constant 48 : index
      %swap3A_587 = tpu.vector_load %arg11[%swap3A_585, %swap3A_586] {strides = array<i32>} : memref<200x64xf32, #tpu.memory_space<vmem>>, vector<1x16xf32>,
      %swap3A_588 = vector.shape_cast %swap3A_587 : vector<1x16xf32> to vector<16xf32>
      %swap3A_589 = vector.shape_cast %get3A_584 : vector<16xf32> to vector<1x16xf32>
      tpu.vector_store %arg11[%swap3A_585, %swap3A_586], %swap3A_589 {add = true, strides = array<i32>} : memref<200x64xf32, #tpu.memory_space<vmem>>, vector<1x16xf32>,
      %scan3A_590 = arith.constant 3 : i32
      %scan3A_591 = arith.addi %scan3A_479, %scan3A_590 : i32
      %get3A_592 = arith.index_cast %scan3A_591 : i32 to index
      %get3A_593 = arith.constant 0 : index
      %get3A_594 = tpu.vector_load %arg7[%get3A_592, %get3A_593] {strides = array<i32>} : memref<200x64xf32, #tpu.memory_space<vmem>>, vector<1x16xf32>,
      %get3A_595 = vector.shape_cast %get3A_594 : vector<1x16xf32> to vector<16xf32>
      %swap3A_596 = arith.index_cast %scan3A_591 : i32 to index
      %swap3A_597 = arith.constant 0 : index
      %swap3A_598 = tpu.vector_load %arg11[%swap3A_596, %swap3A_597] {strides = array<i32>} : memref<200x64xf32, #tpu.memory_space<vmem>>, vector<1x16xf32>,
      %swap3A_599 = vector.shape_cast %swap3A_598 : vector<1x16xf32> to vector<16xf32>
      %swap3A_600 = vector.shape_cast %get3A_595 : vector<16xf32> to vector<1x16xf32>
      tpu.vector_store %arg11[%swap3A_596, %swap3A_597], %swap3A_600 {add = true, strides = array<i32>} : memref<200x64xf32, #tpu.memory_space<vmem>>, vector<1x16xf32>,
      %get3A_601 = arith.index_cast %scan3A_591 : i32 to index
      %get3A_602 = arith.constant 16 : index
      %get3A_603 = tpu.vector_load %arg7[%get3A_601, %get3A_602] {strides = array<i32>} : memref<200x64xf32, #tpu.memory_space<vmem>>, vector<1x16xf32>,
      %get3A_604 = vector.shape_cast %get3A_603 : vector<1x16xf32> to vector<16xf32>
      %swap3A_605 = arith.index_cast %scan3A_591 : i32 to index
      %swap3A_606 = arith.constant 16 : index
      %swap3A_607 = tpu.vector_load %arg11[%swap3A_605, %swap3A_606] {strides = array<i32>} : memref<200x64xf32, #tpu.memory_space<vmem>>, vector<1x16xf32>,
      %swap3A_608 = vector.shape_cast %swap3A_607 : vector<1x16xf32> to vector<16xf32>
      %swap3A_609 = vector.shape_cast %get3A_604 : vector<16xf32> to vector<1x16xf32>
      tpu.vector_store %arg11[%swap3A_605, %swap3A_606], %swap3A_609 {add = true, strides = array<i32>} : memref<200x64xf32, #tpu.memory_space<vmem>>, vector<1x16xf32>,
      %get3A_610 = arith.index_cast %scan3A_591 : i32 to index
      %get3A_611 = arith.constant 32 : index
      %get3A_612 = tpu.vector_load %arg7[%get3A_610, %get3A_611] {strides = array<i32>} : memref<200x64xf32, #tpu.memory_space<vmem>>, vector<1x16xf32>,
      %get3A_613 = vector.shape_cast %get3A_612 : vector<1x16xf32> to vector<16xf32>
      %swap3A_614 = arith.index_cast %scan3A_591 : i32 to index
      %swap3A_615 = arith.constant 32 : index
      %swap3A_616 = tpu.vector_load %arg11[%swap3A_614, %swap3A_615] {strides = array<i32>} : memref<200x64xf32, #tpu.memory_space<vmem>>, vector<1x16xf32>,
      %swap3A_617 = vector.shape_cast %swap3A_616 : vector<1x16xf32> to vector<16xf32>
      %swap3A_618 = vector.shape_cast %get3A_613 : vector<16xf32> to vector<1x16xf32>
      tpu.vector_store %arg11[%swap3A_614, %swap3A_615], %swap3A_618 {add = true, strides = array<i32>} : memref<200x64xf32, #tpu.memory_space<vmem>>, vector<1x16xf32>,
      %get3A_619 = arith.index_cast %scan3A_591 : i32 to index
      %get3A_620 = arith.constant 48 : index
      %get3A_621 = tpu.vector_load %arg7[%get3A_619, %get3A_620] {strides = array<i32>} : memref<200x64xf32, #tpu.memory_space<vmem>>, vector<1x16xf32>,
      %get3A_622 = vector.shape_cast %get3A_621 : vector<1x16xf32> to vector<16xf32>
      %swap3A_623 = arith.index_cast %scan3A_591 : i32 to index
      %swap3A_624 = arith.constant 48 : index
      %swap3A_625 = tpu.vector_load %arg11[%swap3A_623, %swap3A_624] {strides = array<i32>} : memref<200x64xf32, #tpu.memory_space<vmem>>, vector<1x16xf32>,
      %swap3A_626 = vector.shape_cast %swap3A_625 : vector<1x16xf32> to vector<16xf32>
      %swap3A_627 = vector.shape_cast %get3A_622 : vector<16xf32> to vector<1x16xf32>
      tpu.vector_store %arg11[%swap3A_623, %swap3A_624], %swap3A_627 {add = true, strides = array<i32>} : memref<200x64xf32, #tpu.memory_space<vmem>>, vector<1x16xf32>,
    }
    %scan3A_257 = arith.constant 200 : i32
    %add3A_258 = arith.constant 600 : i32
    %add3A_259 = arith.addi %mul3A_4, %add3A_258 : i32
    %multiple_of3A_260 = tpu.assume_multiple %add3A_259, 8 : i32
    %dma_start3A_261 = arith.constant 0 : i32
    %dma_start3A_262 = tpu.memref_slice %arg5[%multiple_of3A_260, %dma_start3A_261] : memref<819200x64xf32, #tpu.memory_space<hbm>> -> memref<200x64xf32, #tpu.memory_space<hbm>>
    %dma_start3A_263 = arith.constant 0 : i32
    %dma_start3A_264 = tpu.memref_slice %arg5[%multiple_of3A_260, %dma_start3A_263] : memref<819200x64xf32, #tpu.memory_space<hbm>> -> memref<200x64xf32, #tpu.memory_space<hbm>>
    tpu.enqueue_dma source(%arg11 : memref<200x64xf32, #tpu.memory_space<vmem>>) target(%dma_start3A_264 : memref<200x64xf32, #tpu.memory_space<hbm>>) target_semaphore(%arg19 : memref<!tpu.dma_semaphore, #tpu.memory_space<semaphore_mem>>)
    %scan3A_265 = arith.constant 0 : i32
    %scan3A_266 = arith.constant 1 : i32
    %scan3A_267 = arith.constant 30 : i32
    %scan3A_268 = arith.addi %scan3A_266, %scan3A_267 : i32
    %scan3A_269 = arith.constant 1 : i32
    scf.for %scan3A_479 = %scan3A_266 to %scan3A_268 step %scan3A_269  : i32 {
      %mul3A_480 = arith.constant 4 : i32
      %mul3A_481 = arith.muli %scan3A_479, %mul3A_480 : i32
      %dma_wait3A_482 = arith.constant 0 : i32
      %dma_wait3A_483 = arith.constant 0 : i32
      %dma_wait3A_484 = arith.constant 0 : i32
      %dma_wait3A_485 = tpu.memref_slice %arg8[%dma_wait3A_483, %dma_wait3A_484] : memref<200x64xf32, #tpu.memory_space<vmem>> -> memref<100x64xf32, #tpu.memory_space<vmem>>
      %dma_wait3A_486 = arith.constant 0 : i32
      %dma_wait3A_487 = tpu.memref_slice %arg6[%dma_wait3A_482, %dma_wait3A_486] : memref<256x100xi32, #tpu.memory_space<vmem>> -> memref<1x100xi32, #tpu.memory_space<vmem>>
      %dma_wait3A_488 = tpu.memref_squeeze %dma_wait3A_487 : memref<1x100xi32, #tpu.memory_space<vmem>> -> memref<100xi32, #tpu.memory_space<vmem>>
      %dma_wait3A_489 = arith.constant 0 : i32
      %dma_wait3A_490 = arith.constant 0 : i32
      %dma_wait3A_491 = tpu.memref_slice %arg3[%dma_wait3A_489, %dma_wait3A_490] : memref<100000x64xf32, #tpu.memory_space<hbm>> -> memref<100000x64xf32, #tpu.memory_space<hbm>>
      tpu.wait_indirect_dma semaphore(%arg12 : memref<!tpu.dma_semaphore, #tpu.memory_space<semaphore_mem>>) src(%dma_wait3A_491 : memref<100000x64xf32, #tpu.memory_space<hbm>>) dst(%dma_wait3A_485 : memref<100x64xf32, #tpu.memory_space<vmem>>)
      %dma_wait3A_492 = arith.constant 0 : i32
      %dma_wait3A_493 = arith.constant 100 : i32
      %dma_wait3A_494 = arith.constant 0 : i32
      %dma_wait3A_495 = tpu.memref_slice %arg8[%dma_wait3A_493, %dma_wait3A_494] : memref<200x64xf32, #tpu.memory_space<vmem>> -> memref<100x64xf32, #tpu.memory_space<vmem>>
      %dma_wait3A_496 = arith.constant 0 : i32
      %dma_wait3A_497 = tpu.memref_slice %arg6[%dma_wait3A_492, %dma_wait3A_496] : memref<256x100xi32, #tpu.memory_space<vmem>> -> memref<1x100xi32, #tpu.memory_space<vmem>>
      %dma_wait3A_498 = tpu.memref_squeeze %dma_wait3A_497 : memref<1x100xi32, #tpu.memory_space<vmem>> -> memref<100xi32, #tpu.memory_space<vmem>>
      %dma_wait3A_499 = arith.constant 0 : i32
      %dma_wait3A_500 = arith.constant 0 : i32
      %dma_wait3A_501 = tpu.memref_slice %arg3[%dma_wait3A_499, %dma_wait3A_500] : memref<100000x64xf32, #tpu.memory_space<hbm>> -> memref<100000x64xf32, #tpu.memory_space<hbm>>
      tpu.wait_indirect_dma semaphore(%arg12 : memref<!tpu.dma_semaphore, #tpu.memory_space<semaphore_mem>>) src(%dma_wait3A_501 : memref<100000x64xf32, #tpu.memory_space<hbm>>) dst(%dma_wait3A_495 : memref<100x64xf32, #tpu.memory_space<vmem>>)
      %dma_wait3A_502 = arith.constant 0 : i32
      %dma_wait3A_503 = arith.constant 0 : i32
      %dma_wait3A_504 = tpu.memref_slice %arg5[%dma_wait3A_502, %dma_wait3A_503] : memref<819200x64xf32, #tpu.memory_space<hbm>> -> memref<200x64xf32, #tpu.memory_space<hbm>>
      %dma_wait3A_505 = arith.constant 0 : i32
      %dma_wait3A_506 = arith.constant 0 : i32
      %dma_wait3A_507 = tpu.memref_slice %arg5[%dma_wait3A_505, %dma_wait3A_506] : memref<819200x64xf32, #tpu.memory_space<hbm>> -> memref<200x64xf32, #tpu.memory_space<hbm>>
      tpu.wait_dma2 semaphore(%arg18 : memref<!tpu.dma_semaphore, #tpu.memory_space<semaphore_mem>>) src(%arg10 : memref<200x64xf32, #tpu.memory_space<vmem>>) dst(%dma_wait3A_507 : memref<200x64xf32, #tpu.memory_space<hbm>>)
      %add3A_508 = arith.constant 0 : i32
      %add3A_509 = arith.addi %mul3A_481, %add3A_508 : i32
      %add3A_510 = arith.constant 2 : i32
      %add3A_511 = arith.addi %add3A_509, %add3A_510 : i32
      %mul3A_512 = arith.constant 2 : i32
      %mul3A_513 = arith.muli %add3A_511, %mul3A_512 : i32
      %add3A_514 = arith.constant 0 : i32
      %add3A_515 = arith.addi %mul3A_513, %add3A_514 : i32
      %dma_start3A_516 = arith.constant 0 : i32
      %dma_start3A_517 = arith.constant 0 : i32
      %dma_start3A_518 = tpu.memref_slice %arg10[%dma_start3A_516, %dma_start3A_517] : memref<200x64xf32, #tpu.memory_space<vmem>> -> memref<100x64xf32, #tpu.memory_space<vmem>>
      %dma_start3A_519 = arith.constant 0 : i32
      %dma_start3A_520 = tpu.memref_slice %arg6[%add3A_515, %dma_start3A_519] : memref<256x100xi32, #tpu.memory_space<vmem>> -> memref<1x100xi32, #tpu.memory_space<vmem>>
      %dma_start3A_521 = tpu.memref_squeeze %dma_start3A_520 : memref<1x100xi32, #tpu.memory_space<vmem>> -> memref<100xi32, #tpu.memory_space<vmem>>
      %dma_start3A_522 = arith.constant 0 : i32
      %dma_start3A_523 = arith.constant 0 : i32
      %dma_start3A_524 = tpu.memref_slice %arg3[%dma_start3A_522, %dma_start3A_523] : memref<100000x64xf32, #tpu.memory_space<hbm>> -> memref<100000x64xf32, #tpu.memory_space<hbm>>
      tpu.enqueue_indirect_dma source(%dma_start3A_524 : memref<100000x64xf32, #tpu.memory_space<hbm>>) target(%dma_start3A_518 : memref<100x64xf32, #tpu.memory_space<vmem>>) offsets(%dma_start3A_521 : memref<100xi32, #tpu.memory_space<vmem>>) semaphore(%arg14 : memref<!tpu.dma_semaphore, #tpu.memory_space<semaphore_mem>>)
      %mul3A_525 = arith.constant 2 : i32
      %mul3A_526 = arith.muli %add3A_511, %mul3A_525 : i32
      %add3A_527 = arith.constant 1 : i32
      %add3A_528 = arith.addi %mul3A_526, %add3A_527 : i32
      %dma_start3A_529 = arith.constant 100 : i32
      %dma_start3A_530 = arith.constant 0 : i32
      %dma_start3A_531 = tpu.memref_slice %arg10[%dma_start3A_529, %dma_start3A_530] : memref<200x64xf32, #tpu.memory_space<vmem>> -> memref<100x64xf32, #tpu.memory_space<vmem>>
      %dma_start3A_532 = arith.constant 0 : i32
      %dma_start3A_533 = tpu.memref_slice %arg6[%add3A_528, %dma_start3A_532] : memref<256x100xi32, #tpu.memory_space<vmem>> -> memref<1x100xi32, #tpu.memory_space<vmem>>
      %dma_start3A_534 = tpu.memref_squeeze %dma_start3A_533 : memref<1x100xi32, #tpu.memory_space<vmem>> -> memref<100xi32, #tpu.memory_space<vmem>>
      %dma_start3A_535 = arith.constant 0 : i32
      %dma_start3A_536 = arith.constant 0 : i32
      %dma_start3A_537 = tpu.memref_slice %arg3[%dma_start3A_535, %dma_start3A_536] : memref<100000x64xf32, #tpu.memory_space<hbm>> -> memref<100000x64xf32, #tpu.memory_space<hbm>>
      tpu.enqueue_indirect_dma source(%dma_start3A_537 : memref<100000x64xf32, #tpu.memory_space<hbm>>) target(%dma_start3A_531 : memref<100x64xf32, #tpu.memory_space<vmem>>) offsets(%dma_start3A_534 : memref<100xi32, #tpu.memory_space<vmem>>) semaphore(%arg14 : memref<!tpu.dma_semaphore, #tpu.memory_space<semaphore_mem>>)
      %scan3A_538 = arith.constant 0 : i32
      %scan3A_539 = arith.constant 0 : i32
      %scan3A_540 = arith.constant 200 : i32
      %scan3A_541 = arith.addi %scan3A_539, %scan3A_540 : i32
      %scan3A_542 = arith.constant 4 : i32
      scf.for %scan3A_770 = %scan3A_539 to %scan3A_541 step %scan3A_542  : i32 {
        %get3A = arith.index_cast %scan3A_770 : i32 to index
        %get3A_771 = arith.constant 0 : index
        %get3A_772 = tpu.vector_load %arg7[%get3A, %get3A_771] {strides = array<i32>} : memref<200x64xf32, #tpu.memory_space<vmem>>, vector<1x16xf32>,
        %get3A_773 = vector.shape_cast %get3A_772 : vector<1x16xf32> to vector<16xf32>
        %swap3A = arith.index_cast %scan3A_770 : i32 to index
        %swap3A_774 = arith.constant 0 : index
        %swap3A_775 = tpu.vector_load %arg8[%swap3A, %swap3A_774] {strides = array<i32>} : memref<200x64xf32, #tpu.memory_space<vmem>>, vector<1x16xf32>,
        %swap3A_776 = vector.shape_cast %swap3A_775 : vector<1x16xf32> to vector<16xf32>
        %swap3A_777 = vector.shape_cast %get3A_773 : vector<16xf32> to vector<1x16xf32>
        tpu.vector_store %arg8[%swap3A, %swap3A_774], %swap3A_777 {add = true, strides = array<i32>} : memref<200x64xf32, #tpu.memory_space<vmem>>, vector<1x16xf32>,
        %get3A_778 = arith.index_cast %scan3A_770 : i32 to index
        %get3A_779 = arith.constant 16 : index
        %get3A_780 = tpu.vector_load %arg7[%get3A_778, %get3A_779] {strides = array<i32>} : memref<200x64xf32, #tpu.memory_space<vmem>>, vector<1x16xf32>,
        %get3A_781 = vector.shape_cast %get3A_780 : vector<1x16xf32> to vector<16xf32>
        %swap3A_782 = arith.index_cast %scan3A_770 : i32 to index
        %swap3A_783 = arith.constant 16 : index
        %swap3A_784 = tpu.vector_load %arg8[%swap3A_782, %swap3A_783] {strides = array<i32>} : memref<200x64xf32, #tpu.memory_space<vmem>>, vector<1x16xf32>,
        %swap3A_785 = vector.shape_cast %swap3A_784 : vector<1x16xf32> to vector<16xf32>
        %swap3A_786 = vector.shape_cast %get3A_781 : vector<16xf32> to vector<1x16xf32>
        tpu.vector_store %arg8[%swap3A_782, %swap3A_783], %swap3A_786 {add = true, strides = array<i32>} : memref<200x64xf32, #tpu.memory_space<vmem>>, vector<1x16xf32>,
        %get3A_787 = arith.index_cast %scan3A_770 : i32 to index
        %get3A_788 = arith.constant 32 : index
        %get3A_789 = tpu.vector_load %arg7[%get3A_787, %get3A_788] {strides = array<i32>} : memref<200x64xf32, #tpu.memory_space<vmem>>, vector<1x16xf32>,
        %get3A_790 = vector.shape_cast %get3A_789 : vector<1x16xf32> to vector<16xf32>
        %swap3A_791 = arith.index_cast %scan3A_770 : i32 to index
        %swap3A_792 = arith.constant 32 : index
        %swap3A_793 = tpu.vector_load %arg8[%swap3A_791, %swap3A_792] {strides = array<i32>} : memref<200x64xf32, #tpu.memory_space<vmem>>, vector<1x16xf32>,
        %swap3A_794 = vector.shape_cast %swap3A_793 : vector<1x16xf32> to vector<16xf32>
        %swap3A_795 = vector.shape_cast %get3A_790 : vector<16xf32> to vector<1x16xf32>
        tpu.vector_store %arg8[%swap3A_791, %swap3A_792], %swap3A_795 {add = true, strides = array<i32>} : memref<200x64xf32, #tpu.memory_space<vmem>>, vector<1x16xf32>,
        %get3A_796 = arith.index_cast %scan3A_770 : i32 to index
        %get3A_797 = arith.constant 48 : index
        %get3A_798 = tpu.vector_load %arg7[%get3A_796, %get3A_797] {strides = array<i32>} : memref<200x64xf32, #tpu.memory_space<vmem>>, vector<1x16xf32>,
        %get3A_799 = vector.shape_cast %get3A_798 : vector<1x16xf32> to vector<16xf32>
        %swap3A_800 = arith.index_cast %scan3A_770 : i32 to index
        %swap3A_801 = arith.constant 48 : index
        %swap3A_802 = tpu.vector_load %arg8[%swap3A_800, %swap3A_801] {strides = array<i32>} : memref<200x64xf32, #tpu.memory_space<vmem>>, vector<1x16xf32>,
        %swap3A_803 = vector.shape_cast %swap3A_802 : vector<1x16xf32> to vector<16xf32>
        %swap3A_804 = vector.shape_cast %get3A_799 : vector<16xf32> to vector<1x16xf32>
        tpu.vector_store %arg8[%swap3A_800, %swap3A_801], %swap3A_804 {add = true, strides = array<i32>} : memref<200x64xf32, #tpu.memory_space<vmem>>, vector<1x16xf32>,
        %scan3A_805 = arith.constant 1 : i32
        %scan3A_806 = arith.addi %scan3A_770, %scan3A_805 : i32
        %get3A_807 = arith.index_cast %scan3A_806 : i32 to index
        %get3A_808 = arith.constant 0 : index
        %get3A_809 = tpu.vector_load %arg7[%get3A_807, %get3A_808] {strides = array<i32>} : memref<200x64xf32, #tpu.memory_space<vmem>>, vector<1x16xf32>,
        %get3A_810 = vector.shape_cast %get3A_809 : vector<1x16xf32> to vector<16xf32>
        %swap3A_811 = arith.index_cast %scan3A_806 : i32 to index
        %swap3A_812 = arith.constant 0 : index
        %swap3A_813 = tpu.vector_load %arg8[%swap3A_811, %swap3A_812] {strides = array<i32>} : memref<200x64xf32, #tpu.memory_space<vmem>>, vector<1x16xf32>,
        %swap3A_814 = vector.shape_cast %swap3A_813 : vector<1x16xf32> to vector<16xf32>
        %swap3A_815 = vector.shape_cast %get3A_810 : vector<16xf32> to vector<1x16xf32>
        tpu.vector_store %arg8[%swap3A_811, %swap3A_812], %swap3A_815 {add = true, strides = array<i32>} : memref<200x64xf32, #tpu.memory_space<vmem>>, vector<1x16xf32>,
        %get3A_816 = arith.index_cast %scan3A_806 : i32 to index
        %get3A_817 = arith.constant 16 : index
        %get3A_818 = tpu.vector_load %arg7[%get3A_816, %get3A_817] {strides = array<i32>} : memref<200x64xf32, #tpu.memory_space<vmem>>, vector<1x16xf32>,
        %get3A_819 = vector.shape_cast %get3A_818 : vector<1x16xf32> to vector<16xf32>
        %swap3A_820 = arith.index_cast %scan3A_806 : i32 to index
        %swap3A_821 = arith.constant 16 : index
        %swap3A_822 = tpu.vector_load %arg8[%swap3A_820, %swap3A_821] {strides = array<i32>} : memref<200x64xf32, #tpu.memory_space<vmem>>, vector<1x16xf32>,
        %swap3A_823 = vector.shape_cast %swap3A_822 : vector<1x16xf32> to vector<16xf32>
        %swap3A_824 = vector.shape_cast %get3A_819 : vector<16xf32> to vector<1x16xf32>
        tpu.vector_store %arg8[%swap3A_820, %swap3A_821], %swap3A_824 {add = true, strides = array<i32>} : memref<200x64xf32, #tpu.memory_space<vmem>>, vector<1x16xf32>,
        %get3A_825 = arith.index_cast %scan3A_806 : i32 to index
        %get3A_826 = arith.constant 32 : index
        %get3A_827 = tpu.vector_load %arg7[%get3A_825, %get3A_826] {strides = array<i32>} : memref<200x64xf32, #tpu.memory_space<vmem>>, vector<1x16xf32>,
        %get3A_828 = vector.shape_cast %get3A_827 : vector<1x16xf32> to vector<16xf32>
        %swap3A_829 = arith.index_cast %scan3A_806 : i32 to index
        %swap3A_830 = arith.constant 32 : index
        %swap3A_831 = tpu.vector_load %arg8[%swap3A_829, %swap3A_830] {strides = array<i32>} : memref<200x64xf32, #tpu.memory_space<vmem>>, vector<1x16xf32>,
        %swap3A_832 = vector.shape_cast %swap3A_831 : vector<1x16xf32> to vector<16xf32>
        %swap3A_833 = vector.shape_cast %get3A_828 : vector<16xf32> to vector<1x16xf32>
        tpu.vector_store %arg8[%swap3A_829, %swap3A_830], %swap3A_833 {add = true, strides = array<i32>} : memref<200x64xf32, #tpu.memory_space<vmem>>, vector<1x16xf32>,
        %get3A_834 = arith.index_cast %scan3A_806 : i32 to index
        %get3A_835 = arith.constant 48 : index
        %get3A_836 = tpu.vector_load %arg7[%get3A_834, %get3A_835] {strides = array<i32>} : memref<200x64xf32, #tpu.memory_space<vmem>>, vector<1x16xf32>,
        %get3A_837 = vector.shape_cast %get3A_836 : vector<1x16xf32> to vector<16xf32>
        %swap3A_838 = arith.index_cast %scan3A_806 : i32 to index
        %swap3A_839 = arith.constant 48 : index
        %swap3A_840 = tpu.vector_load %arg8[%swap3A_838, %swap3A_839] {strides = array<i32>} : memref<200x64xf32, #tpu.memory_space<vmem>>, vector<1x16xf32>,
        %swap3A_841 = vector.shape_cast %swap3A_840 : vector<1x16xf32> to vector<16xf32>
        %swap3A_842 = vector.shape_cast %get3A_837 : vector<16xf32> to vector<1x16xf32>
        tpu.vector_store %arg8[%swap3A_838, %swap3A_839], %swap3A_842 {add = true, strides = array<i32>} : memref<200x64xf32, #tpu.memory_space<vmem>>, vector<1x16xf32>,
        %scan3A_843 = arith.constant 2 : i32
        %scan3A_844 = arith.addi %scan3A_770, %scan3A_843 : i32
        %get3A_845 = arith.index_cast %scan3A_844 : i32 to index
        %get3A_846 = arith.constant 0 : index
        %get3A_847 = tpu.vector_load %arg7[%get3A_845, %get3A_846] {strides = array<i32>} : memref<200x64xf32, #tpu.memory_space<vmem>>, vector<1x16xf32>,
        %get3A_848 = vector.shape_cast %get3A_847 : vector<1x16xf32> to vector<16xf32>
        %swap3A_849 = arith.index_cast %scan3A_844 : i32 to index
        %swap3A_850 = arith.constant 0 : index
        %swap3A_851 = tpu.vector_load %arg8[%swap3A_849, %swap3A_850] {strides = array<i32>} : memref<200x64xf32, #tpu.memory_space<vmem>>, vector<1x16xf32>,
        %swap3A_852 = vector.shape_cast %swap3A_851 : vector<1x16xf32> to vector<16xf32>
        %swap3A_853 = vector.shape_cast %get3A_848 : vector<16xf32> to vector<1x16xf32>
        tpu.vector_store %arg8[%swap3A_849, %swap3A_850], %swap3A_853 {add = true, strides = array<i32>} : memref<200x64xf32, #tpu.memory_space<vmem>>, vector<1x16xf32>,
        %get3A_854 = arith.index_cast %scan3A_844 : i32 to index
        %get3A_855 = arith.constant 16 : index
        %get3A_856 = tpu.vector_load %arg7[%get3A_854, %get3A_855] {strides = array<i32>} : memref<200x64xf32, #tpu.memory_space<vmem>>, vector<1x16xf32>,
        %get3A_857 = vector.shape_cast %get3A_856 : vector<1x16xf32> to vector<16xf32>
        %swap3A_858 = arith.index_cast %scan3A_844 : i32 to index
        %swap3A_859 = arith.constant 16 : index
        %swap3A_860 = tpu.vector_load %arg8[%swap3A_858, %swap3A_859] {strides = array<i32>} : memref<200x64xf32, #tpu.memory_space<vmem>>, vector<1x16xf32>,
        %swap3A_861 = vector.shape_cast %swap3A_860 : vector<1x16xf32> to vector<16xf32>
        %swap3A_862 = vector.shape_cast %get3A_857 : vector<16xf32> to vector<1x16xf32>
        tpu.vector_store %arg8[%swap3A_858, %swap3A_859], %swap3A_862 {add = true, strides = array<i32>} : memref<200x64xf32, #tpu.memory_space<vmem>>, vector<1x16xf32>,
        %get3A_863 = arith.index_cast %scan3A_844 : i32 to index
        %get3A_864 = arith.constant 32 : index
        %get3A_865 = tpu.vector_load %arg7[%get3A_863, %get3A_864] {strides = array<i32>} : memref<200x64xf32, #tpu.memory_space<vmem>>, vector<1x16xf32>,
        %get3A_866 = vector.shape_cast %get3A_865 : vector<1x16xf32> to vector<16xf32>
        %swap3A_867 = arith.index_cast %scan3A_844 : i32 to index
        %swap3A_868 = arith.constant 32 : index
        %swap3A_869 = tpu.vector_load %arg8[%swap3A_867, %swap3A_868] {strides = array<i32>} : memref<200x64xf32, #tpu.memory_space<vmem>>, vector<1x16xf32>,
        %swap3A_870 = vector.shape_cast %swap3A_869 : vector<1x16xf32> to vector<16xf32>
        %swap3A_871 = vector.shape_cast %get3A_866 : vector<16xf32> to vector<1x16xf32>
        tpu.vector_store %arg8[%swap3A_867, %swap3A_868], %swap3A_871 {add = true, strides = array<i32>} : memref<200x64xf32, #tpu.memory_space<vmem>>, vector<1x16xf32>,
        %get3A_872 = arith.index_cast %scan3A_844 : i32 to index
        %get3A_873 = arith.constant 48 : index
        %get3A_874 = tpu.vector_load %arg7[%get3A_872, %get3A_873] {strides = array<i32>} : memref<200x64xf32, #tpu.memory_space<vmem>>, vector<1x16xf32>,
        %get3A_875 = vector.shape_cast %get3A_874 : vector<1x16xf32> to vector<16xf32>
        %swap3A_876 = arith.index_cast %scan3A_844 : i32 to index
        %swap3A_877 = arith.constant 48 : index
        %swap3A_878 = tpu.vector_load %arg8[%swap3A_876, %swap3A_877] {strides = array<i32>} : memref<200x64xf32, #tpu.memory_space<vmem>>, vector<1x16xf32>,
        %swap3A_879 = vector.shape_cast %swap3A_878 : vector<1x16xf32> to vector<16xf32>
        %swap3A_880 = vector.shape_cast %get3A_875 : vector<16xf32> to vector<1x16xf32>
        tpu.vector_store %arg8[%swap3A_876, %swap3A_877], %swap3A_880 {add = true, strides = array<i32>} : memref<200x64xf32, #tpu.memory_space<vmem>>, vector<1x16xf32>,
        %scan3A_881 = arith.constant 3 : i32
        %scan3A_882 = arith.addi %scan3A_770, %scan3A_881 : i32
        %get3A_883 = arith.index_cast %scan3A_882 : i32 to index
        %get3A_884 = arith.constant 0 : index
        %get3A_885 = tpu.vector_load %arg7[%get3A_883, %get3A_884] {strides = array<i32>} : memref<200x64xf32, #tpu.memory_space<vmem>>, vector<1x16xf32>,
        %get3A_886 = vector.shape_cast %get3A_885 : vector<1x16xf32> to vector<16xf32>
        %swap3A_887 = arith.index_cast %scan3A_882 : i32 to index
        %swap3A_888 = arith.constant 0 : index
        %swap3A_889 = tpu.vector_load %arg8[%swap3A_887, %swap3A_888] {strides = array<i32>} : memref<200x64xf32, #tpu.memory_space<vmem>>, vector<1x16xf32>,
        %swap3A_890 = vector.shape_cast %swap3A_889 : vector<1x16xf32> to vector<16xf32>
        %swap3A_891 = vector.shape_cast %get3A_886 : vector<16xf32> to vector<1x16xf32>
        tpu.vector_store %arg8[%swap3A_887, %swap3A_888], %swap3A_891 {add = true, strides = array<i32>} : memref<200x64xf32, #tpu.memory_space<vmem>>, vector<1x16xf32>,
        %get3A_892 = arith.index_cast %scan3A_882 : i32 to index
        %get3A_893 = arith.constant 16 : index
        %get3A_894 = tpu.vector_load %arg7[%get3A_892, %get3A_893] {strides = array<i32>} : memref<200x64xf32, #tpu.memory_space<vmem>>, vector<1x16xf32>,
        %get3A_895 = vector.shape_cast %get3A_894 : vector<1x16xf32> to vector<16xf32>
        %swap3A_896 = arith.index_cast %scan3A_882 : i32 to index
        %swap3A_897 = arith.constant 16 : index
        %swap3A_898 = tpu.vector_load %arg8[%swap3A_896, %swap3A_897] {strides = array<i32>} : memref<200x64xf32, #tpu.memory_space<vmem>>, vector<1x16xf32>,
        %swap3A_899 = vector.shape_cast %swap3A_898 : vector<1x16xf32> to vector<16xf32>
        %swap3A_900 = vector.shape_cast %get3A_895 : vector<16xf32> to vector<1x16xf32>
        tpu.vector_store %arg8[%swap3A_896, %swap3A_897], %swap3A_900 {add = true, strides = array<i32>} : memref<200x64xf32, #tpu.memory_space<vmem>>, vector<1x16xf32>,
        %get3A_901 = arith.index_cast %scan3A_882 : i32 to index
        %get3A_902 = arith.constant 32 : index
        %get3A_903 = tpu.vector_load %arg7[%get3A_901, %get3A_902] {strides = array<i32>} : memref<200x64xf32, #tpu.memory_space<vmem>>, vector<1x16xf32>,
        %get3A_904 = vector.shape_cast %get3A_903 : vector<1x16xf32> to vector<16xf32>
        %swap3A_905 = arith.index_cast %scan3A_882 : i32 to index
        %swap3A_906 = arith.constant 32 : index
        %swap3A_907 = tpu.vector_load %arg8[%swap3A_905, %swap3A_906] {strides = array<i32>} : memref<200x64xf32, #tpu.memory_space<vmem>>, vector<1x16xf32>,
        %swap3A_908 = vector.shape_cast %swap3A_907 : vector<1x16xf32> to vector<16xf32>
        %swap3A_909 = vector.shape_cast %get3A_904 : vector<16xf32> to vector<1x16xf32>
        tpu.vector_store %arg8[%swap3A_905, %swap3A_906], %swap3A_909 {add = true, strides = array<i32>} : memref<200x64xf32, #tpu.memory_space<vmem>>, vector<1x16xf32>,
        %get3A_910 = arith.index_cast %scan3A_882 : i32 to index
        %get3A_911 = arith.constant 48 : index
        %get3A_912 = tpu.vector_load %arg7[%get3A_910, %get3A_911] {strides = array<i32>} : memref<200x64xf32, #tpu.memory_space<vmem>>, vector<1x16xf32>,
        %get3A_913 = vector.shape_cast %get3A_912 : vector<1x16xf32> to vector<16xf32>
        %swap3A_914 = arith.index_cast %scan3A_882 : i32 to index
        %swap3A_915 = arith.constant 48 : index
        %swap3A_916 = tpu.vector_load %arg8[%swap3A_914, %swap3A_915] {strides = array<i32>} : memref<200x64xf32, #tpu.memory_space<vmem>>, vector<1x16xf32>,
        %swap3A_917 = vector.shape_cast %swap3A_916 : vector<1x16xf32> to vector<16xf32>
        %swap3A_918 = vector.shape_cast %get3A_913 : vector<16xf32> to vector<1x16xf32>
        tpu.vector_store %arg8[%swap3A_914, %swap3A_915], %swap3A_918 {add = true, strides = array<i32>} : memref<200x64xf32, #tpu.memory_space<vmem>>, vector<1x16xf32>,
      }
      %scan3A_543 = arith.constant 200 : i32
      %add3A_544 = arith.constant 0 : i32
      %add3A_545 = arith.addi %mul3A_481, %add3A_544 : i32
      %mul3A_546 = arith.constant 200 : i32
      %mul3A_547 = arith.muli %add3A_545, %mul3A_546 : i32
      %add3A_548 = arith.addi %mul3A_4, %mul3A_547 : i32
      %multiple_of3A_549 = tpu.assume_multiple %add3A_548, 8 : i32
      %dma_start3A_550 = arith.constant 0 : i32
      %dma_start3A_551 = tpu.memref_slice %arg5[%multiple_of3A_549, %dma_start3A_550] : memref<819200x64xf32, #tpu.memory_space<hbm>> -> memref<200x64xf32, #tpu.memory_space<hbm>>
      %dma_start3A_552 = arith.constant 0 : i32
      %dma_start3A_553 = tpu.memref_slice %arg5[%multiple_of3A_549, %dma_start3A_552] : memref<819200x64xf32, #tpu.memory_space<hbm>> -> memref<200x64xf32, #tpu.memory_space<hbm>>
      tpu.enqueue_dma source(%arg8 : memref<200x64xf32, #tpu.memory_space<vmem>>) target(%dma_start3A_553 : memref<200x64xf32, #tpu.memory_space<hbm>>) target_semaphore(%arg16 : memref<!tpu.dma_semaphore, #tpu.memory_space<semaphore_mem>>)
      %dma_wait3A_554 = arith.constant 0 : i32
      %dma_wait3A_555 = arith.constant 0 : i32
      %dma_wait3A_556 = arith.constant 0 : i32
      %dma_wait3A_557 = tpu.memref_slice %arg9[%dma_wait3A_555, %dma_wait3A_556] : memref<200x64xf32, #tpu.memory_space<vmem>> -> memref<100x64xf32, #tpu.memory_space<vmem>>
      %dma_wait3A_558 = arith.constant 0 : i32
      %dma_wait3A_559 = tpu.memref_slice %arg6[%dma_wait3A_554, %dma_wait3A_558] : memref<256x100xi32, #tpu.memory_space<vmem>> -> memref<1x100xi32, #tpu.memory_space<vmem>>
      %dma_wait3A_560 = tpu.memref_squeeze %dma_wait3A_559 : memref<1x100xi32, #tpu.memory_space<vmem>> -> memref<100xi32, #tpu.memory_space<vmem>>
      %dma_wait3A_561 = arith.constant 0 : i32
      %dma_wait3A_562 = arith.constant 0 : i32
      %dma_wait3A_563 = tpu.memref_slice %arg3[%dma_wait3A_561, %dma_wait3A_562] : memref<100000x64xf32, #tpu.memory_space<hbm>> -> memref<100000x64xf32, #tpu.memory_space<hbm>>
      tpu.wait_indirect_dma semaphore(%arg13 : memref<!tpu.dma_semaphore, #tpu.memory_space<semaphore_mem>>) src(%dma_wait3A_563 : memref<100000x64xf32, #tpu.memory_space<hbm>>) dst(%dma_wait3A_557 : memref<100x64xf32, #tpu.memory_space<vmem>>)
      %dma_wait3A_564 = arith.constant 0 : i32
      %dma_wait3A_565 = arith.constant 100 : i32
      %dma_wait3A_566 = arith.constant 0 : i32
      %dma_wait3A_567 = tpu.memref_slice %arg9[%dma_wait3A_565, %dma_wait3A_566] : memref<200x64xf32, #tpu.memory_space<vmem>> -> memref<100x64xf32, #tpu.memory_space<vmem>>
      %dma_wait3A_568 = arith.constant 0 : i32
      %dma_wait3A_569 = tpu.memref_slice %arg6[%dma_wait3A_564, %dma_wait3A_568] : memref<256x100xi32, #tpu.memory_space<vmem>> -> memref<1x100xi32, #tpu.memory_space<vmem>>
      %dma_wait3A_570 = tpu.memref_squeeze %dma_wait3A_569 : memref<1x100xi32, #tpu.memory_space<vmem>> -> memref<100xi32, #tpu.memory_space<vmem>>
      %dma_wait3A_571 = arith.constant 0 : i32
      %dma_wait3A_572 = arith.constant 0 : i32
      %dma_wait3A_573 = tpu.memref_slice %arg3[%dma_wait3A_571, %dma_wait3A_572] : memref<100000x64xf32, #tpu.memory_space<hbm>> -> memref<100000x64xf32, #tpu.memory_space<hbm>>
      tpu.wait_indirect_dma semaphore(%arg13 : memref<!tpu.dma_semaphore, #tpu.memory_space<semaphore_mem>>) src(%dma_wait3A_573 : memref<100000x64xf32, #tpu.memory_space<hbm>>) dst(%dma_wait3A_567 : memref<100x64xf32, #tpu.memory_space<vmem>>)
      %dma_wait3A_574 = arith.constant 0 : i32
      %dma_wait3A_575 = arith.constant 0 : i32
      %dma_wait3A_576 = tpu.memref_slice %arg5[%dma_wait3A_574, %dma_wait3A_575] : memref<819200x64xf32, #tpu.memory_space<hbm>> -> memref<200x64xf32, #tpu.memory_space<hbm>>
      %dma_wait3A_577 = arith.constant 0 : i32
      %dma_wait3A_578 = arith.constant 0 : i32
      %dma_wait3A_579 = tpu.memref_slice %arg5[%dma_wait3A_577, %dma_wait3A_578] : memref<819200x64xf32, #tpu.memory_space<hbm>> -> memref<200x64xf32, #tpu.memory_space<hbm>>
      tpu.wait_dma2 semaphore(%arg19 : memref<!tpu.dma_semaphore, #tpu.memory_space<semaphore_mem>>) src(%arg11 : memref<200x64xf32, #tpu.memory_space<vmem>>) dst(%dma_wait3A_579 : memref<200x64xf32, #tpu.memory_space<hbm>>)
      %add3A_580 = arith.constant 1 : i32
      %add3A_581 = arith.addi %mul3A_481, %add3A_580 : i32
      %add3A_582 = arith.constant 2 : i32
      %add3A_583 = arith.addi %add3A_581, %add3A_582 : i32
      %mul3A_584 = arith.constant 2 : i32
      %mul3A_585 = arith.muli %add3A_583, %mul3A_584 : i32
      %add3A_586 = arith.constant 0 : i32
      %add3A_587 = arith.addi %mul3A_585, %add3A_586 : i32
      %dma_start3A_588 = arith.constant 0 : i32
      %dma_start3A_589 = arith.constant 0 : i32
      %dma_start3A_590 = tpu.memref_slice %arg11[%dma_start3A_588, %dma_start3A_589] : memref<200x64xf32, #tpu.memory_space<vmem>> -> memref<100x64xf32, #tpu.memory_space<vmem>>
      %dma_start3A_591 = arith.constant 0 : i32
      %dma_start3A_592 = tpu.memref_slice %arg6[%add3A_587, %dma_start3A_591] : memref<256x100xi32, #tpu.memory_space<vmem>> -> memref<1x100xi32, #tpu.memory_space<vmem>>
      %dma_start3A_593 = tpu.memref_squeeze %dma_start3A_592 : memref<1x100xi32, #tpu.memory_space<vmem>> -> memref<100xi32, #tpu.memory_space<vmem>>
      %dma_start3A_594 = arith.constant 0 : i32
      %dma_start3A_595 = arith.constant 0 : i32
      %dma_start3A_596 = tpu.memref_slice %arg3[%dma_start3A_594, %dma_start3A_595] : memref<100000x64xf32, #tpu.memory_space<hbm>> -> memref<100000x64xf32, #tpu.memory_space<hbm>>
      tpu.enqueue_indirect_dma source(%dma_start3A_596 : memref<100000x64xf32, #tpu.memory_space<hbm>>) target(%dma_start3A_590 : memref<100x64xf32, #tpu.memory_space<vmem>>) offsets(%dma_start3A_593 : memref<100xi32, #tpu.memory_space<vmem>>) semaphore(%arg15 : memref<!tpu.dma_semaphore, #tpu.memory_space<semaphore_mem>>)
      %mul3A_597 = arith.constant 2 : i32
      %mul3A_598 = arith.muli %add3A_583, %mul3A_597 : i32
      %add3A_599 = arith.constant 1 : i32
      %add3A_600 = arith.addi %mul3A_598, %add3A_599 : i32
      %dma_start3A_601 = arith.constant 100 : i32
      %dma_start3A_602 = arith.constant 0 : i32
      %dma_start3A_603 = tpu.memref_slice %arg11[%dma_start3A_601, %dma_start3A_602] : memref<200x64xf32, #tpu.memory_space<vmem>> -> memref<100x64xf32, #tpu.memory_space<vmem>>
      %dma_start3A_604 = arith.constant 0 : i32
      %dma_start3A_605 = tpu.memref_slice %arg6[%add3A_600, %dma_start3A_604] : memref<256x100xi32, #tpu.memory_space<vmem>> -> memref<1x100xi32, #tpu.memory_space<vmem>>
      %dma_start3A_606 = tpu.memref_squeeze %dma_start3A_605 : memref<1x100xi32, #tpu.memory_space<vmem>> -> memref<100xi32, #tpu.memory_space<vmem>>
      %dma_start3A_607 = arith.constant 0 : i32
      %dma_start3A_608 = arith.constant 0 : i32
      %dma_start3A_609 = tpu.memref_slice %arg3[%dma_start3A_607, %dma_start3A_608] : memref<100000x64xf32, #tpu.memory_space<hbm>> -> memref<100000x64xf32, #tpu.memory_space<hbm>>
      tpu.enqueue_indirect_dma source(%dma_start3A_609 : memref<100000x64xf32, #tpu.memory_space<hbm>>) target(%dma_start3A_603 : memref<100x64xf32, #tpu.memory_space<vmem>>) offsets(%dma_start3A_606 : memref<100xi32, #tpu.memory_space<vmem>>) semaphore(%arg15 : memref<!tpu.dma_semaphore, #tpu.memory_space<semaphore_mem>>)
      %scan3A_610 = arith.constant 0 : i32
      %scan3A_611 = arith.constant 0 : i32
      %scan3A_612 = arith.constant 200 : i32
      %scan3A_613 = arith.addi %scan3A_611, %scan3A_612 : i32
      %scan3A_614 = arith.constant 4 : i32
      scf.for %scan3A_770 = %scan3A_611 to %scan3A_613 step %scan3A_614  : i32 {
        %get3A = arith.index_cast %scan3A_770 : i32 to index
        %get3A_771 = arith.constant 0 : index
        %get3A_772 = tpu.vector_load %arg7[%get3A, %get3A_771] {strides = array<i32>} : memref<200x64xf32, #tpu.memory_space<vmem>>, vector<1x16xf32>,
        %get3A_773 = vector.shape_cast %get3A_772 : vector<1x16xf32> to vector<16xf32>
        %swap3A = arith.index_cast %scan3A_770 : i32 to index
        %swap3A_774 = arith.constant 0 : index
        %swap3A_775 = tpu.vector_load %arg9[%swap3A, %swap3A_774] {strides = array<i32>} : memref<200x64xf32, #tpu.memory_space<vmem>>, vector<1x16xf32>,
        %swap3A_776 = vector.shape_cast %swap3A_775 : vector<1x16xf32> to vector<16xf32>
        %swap3A_777 = vector.shape_cast %get3A_773 : vector<16xf32> to vector<1x16xf32>
        tpu.vector_store %arg9[%swap3A, %swap3A_774], %swap3A_777 {add = true, strides = array<i32>} : memref<200x64xf32, #tpu.memory_space<vmem>>, vector<1x16xf32>,
        %get3A_778 = arith.index_cast %scan3A_770 : i32 to index
        %get3A_779 = arith.constant 16 : index
        %get3A_780 = tpu.vector_load %arg7[%get3A_778, %get3A_779] {strides = array<i32>} : memref<200x64xf32, #tpu.memory_space<vmem>>, vector<1x16xf32>,
        %get3A_781 = vector.shape_cast %get3A_780 : vector<1x16xf32> to vector<16xf32>
        %swap3A_782 = arith.index_cast %scan3A_770 : i32 to index
        %swap3A_783 = arith.constant 16 : index
        %swap3A_784 = tpu.vector_load %arg9[%swap3A_782, %swap3A_783] {strides = array<i32>} : memref<200x64xf32, #tpu.memory_space<vmem>>, vector<1x16xf32>,
        %swap3A_785 = vector.shape_cast %swap3A_784 : vector<1x16xf32> to vector<16xf32>
        %swap3A_786 = vector.shape_cast %get3A_781 : vector<16xf32> to vector<1x16xf32>
        tpu.vector_store %arg9[%swap3A_782, %swap3A_783], %swap3A_786 {add = true, strides = array<i32>} : memref<200x64xf32, #tpu.memory_space<vmem>>, vector<1x16xf32>,
        %get3A_787 = arith.index_cast %scan3A_770 : i32 to index
        %get3A_788 = arith.constant 32 : index
        %get3A_789 = tpu.vector_load %arg7[%get3A_787, %get3A_788] {strides = array<i32>} : memref<200x64xf32, #tpu.memory_space<vmem>>, vector<1x16xf32>,
        %get3A_790 = vector.shape_cast %get3A_789 : vector<1x16xf32> to vector<16xf32>
        %swap3A_791 = arith.index_cast %scan3A_770 : i32 to index
        %swap3A_792 = arith.constant 32 : index
        %swap3A_793 = tpu.vector_load %arg9[%swap3A_791, %swap3A_792] {strides = array<i32>} : memref<200x64xf32, #tpu.memory_space<vmem>>, vector<1x16xf32>,
        %swap3A_794 = vector.shape_cast %swap3A_793 : vector<1x16xf32> to vector<16xf32>
        %swap3A_795 = vector.shape_cast %get3A_790 : vector<16xf32> to vector<1x16xf32>
        tpu.vector_store %arg9[%swap3A_791, %swap3A_792], %swap3A_795 {add = true, strides = array<i32>} : memref<200x64xf32, #tpu.memory_space<vmem>>, vector<1x16xf32>,
        %get3A_796 = arith.index_cast %scan3A_770 : i32 to index
        %get3A_797 = arith.constant 48 : index
        %get3A_798 = tpu.vector_load %arg7[%get3A_796, %get3A_797] {strides = array<i32>} : memref<200x64xf32, #tpu.memory_space<vmem>>, vector<1x16xf32>,
        %get3A_799 = vector.shape_cast %get3A_798 : vector<1x16xf32> to vector<16xf32>
        %swap3A_800 = arith.index_cast %scan3A_770 : i32 to index
        %swap3A_801 = arith.constant 48 : index
        %swap3A_802 = tpu.vector_load %arg9[%swap3A_800, %swap3A_801] {strides = array<i32>} : memref<200x64xf32, #tpu.memory_space<vmem>>, vector<1x16xf32>,
        %swap3A_803 = vector.shape_cast %swap3A_802 : vector<1x16xf32> to vector<16xf32>
        %swap3A_804 = vector.shape_cast %get3A_799 : vector<16xf32> to vector<1x16xf32>
        tpu.vector_store %arg9[%swap3A_800, %swap3A_801], %swap3A_804 {add = true, strides = array<i32>} : memref<200x64xf32, #tpu.memory_space<vmem>>, vector<1x16xf32>,
        %scan3A_805 = arith.constant 1 : i32
        %scan3A_806 = arith.addi %scan3A_770, %scan3A_805 : i32
        %get3A_807 = arith.index_cast %scan3A_806 : i32 to index
        %get3A_808 = arith.constant 0 : index
        %get3A_809 = tpu.vector_load %arg7[%get3A_807, %get3A_808] {strides = array<i32>} : memref<200x64xf32, #tpu.memory_space<vmem>>, vector<1x16xf32>,
        %get3A_810 = vector.shape_cast %get3A_809 : vector<1x16xf32> to vector<16xf32>
        %swap3A_811 = arith.index_cast %scan3A_806 : i32 to index
        %swap3A_812 = arith.constant 0 : index
        %swap3A_813 = tpu.vector_load %arg9[%swap3A_811, %swap3A_812] {strides = array<i32>} : memref<200x64xf32, #tpu.memory_space<vmem>>, vector<1x16xf32>,
        %swap3A_814 = vector.shape_cast %swap3A_813 : vector<1x16xf32> to vector<16xf32>
        %swap3A_815 = vector.shape_cast %get3A_810 : vector<16xf32> to vector<1x16xf32>
        tpu.vector_store %arg9[%swap3A_811, %swap3A_812], %swap3A_815 {add = true, strides = array<i32>} : memref<200x64xf32, #tpu.memory_space<vmem>>, vector<1x16xf32>,
        %get3A_816 = arith.index_cast %scan3A_806 : i32 to index
        %get3A_817 = arith.constant 16 : index
        %get3A_818 = tpu.vector_load %arg7[%get3A_816, %get3A_817] {strides = array<i32>} : memref<200x64xf32, #tpu.memory_space<vmem>>, vector<1x16xf32>,
        %get3A_819 = vector.shape_cast %get3A_818 : vector<1x16xf32> to vector<16xf32>
        %swap3A_820 = arith.index_cast %scan3A_806 : i32 to index
        %swap3A_821 = arith.constant 16 : index
        %swap3A_822 = tpu.vector_load %arg9[%swap3A_820, %swap3A_821] {strides = array<i32>} : memref<200x64xf32, #tpu.memory_space<vmem>>, vector<1x16xf32>,
        %swap3A_823 = vector.shape_cast %swap3A_822 : vector<1x16xf32> to vector<16xf32>
        %swap3A_824 = vector.shape_cast %get3A_819 : vector<16xf32> to vector<1x16xf32>
        tpu.vector_store %arg9[%swap3A_820, %swap3A_821], %swap3A_824 {add = true, strides = array<i32>} : memref<200x64xf32, #tpu.memory_space<vmem>>, vector<1x16xf32>,
        %get3A_825 = arith.index_cast %scan3A_806 : i32 to index
        %get3A_826 = arith.constant 32 : index
        %get3A_827 = tpu.vector_load %arg7[%get3A_825, %get3A_826] {strides = array<i32>} : memref<200x64xf32, #tpu.memory_space<vmem>>, vector<1x16xf32>,
        %get3A_828 = vector.shape_cast %get3A_827 : vector<1x16xf32> to vector<16xf32>
        %swap3A_829 = arith.index_cast %scan3A_806 : i32 to index
        %swap3A_830 = arith.constant 32 : index
        %swap3A_831 = tpu.vector_load %arg9[%swap3A_829, %swap3A_830] {strides = array<i32>} : memref<200x64xf32, #tpu.memory_space<vmem>>, vector<1x16xf32>,
        %swap3A_832 = vector.shape_cast %swap3A_831 : vector<1x16xf32> to vector<16xf32>
        %swap3A_833 = vector.shape_cast %get3A_828 : vector<16xf32> to vector<1x16xf32>
        tpu.vector_store %arg9[%swap3A_829, %swap3A_830], %swap3A_833 {add = true, strides = array<i32>} : memref<200x64xf32, #tpu.memory_space<vmem>>, vector<1x16xf32>,
        %get3A_834 = arith.index_cast %scan3A_806 : i32 to index
        %get3A_835 = arith.constant 48 : index
        %get3A_836 = tpu.vector_load %arg7[%get3A_834, %get3A_835] {strides = array<i32>} : memref<200x64xf32, #tpu.memory_space<vmem>>, vector<1x16xf32>,
        %get3A_837 = vector.shape_cast %get3A_836 : vector<1x16xf32> to vector<16xf32>
        %swap3A_838 = arith.index_cast %scan3A_806 : i32 to index
        %swap3A_839 = arith.constant 48 : index
        %swap3A_840 = tpu.vector_load %arg9[%swap3A_838, %swap3A_839] {strides = array<i32>} : memref<200x64xf32, #tpu.memory_space<vmem>>, vector<1x16xf32>,
        %swap3A_841 = vector.shape_cast %swap3A_840 : vector<1x16xf32> to vector<16xf32>
        %swap3A_842 = vector.shape_cast %get3A_837 : vector<16xf32> to vector<1x16xf32>
        tpu.vector_store %arg9[%swap3A_838, %swap3A_839], %swap3A_842 {add = true, strides = array<i32>} : memref<200x64xf32, #tpu.memory_space<vmem>>, vector<1x16xf32>,
        %scan3A_843 = arith.constant 2 : i32
        %scan3A_844 = arith.addi %scan3A_770, %scan3A_843 : i32
        %get3A_845 = arith.index_cast %scan3A_844 : i32 to index
        %get3A_846 = arith.constant 0 : index
        %get3A_847 = tpu.vector_load %arg7[%get3A_845, %get3A_846] {strides = array<i32>} : memref<200x64xf32, #tpu.memory_space<vmem>>, vector<1x16xf32>,
        %get3A_848 = vector.shape_cast %get3A_847 : vector<1x16xf32> to vector<16xf32>
        %swap3A_849 = arith.index_cast %scan3A_844 : i32 to index
        %swap3A_850 = arith.constant 0 : index
        %swap3A_851 = tpu.vector_load %arg9[%swap3A_849, %swap3A_850] {strides = array<i32>} : memref<200x64xf32, #tpu.memory_space<vmem>>, vector<1x16xf32>,
        %swap3A_852 = vector.shape_cast %swap3A_851 : vector<1x16xf32> to vector<16xf32>
        %swap3A_853 = vector.shape_cast %get3A_848 : vector<16xf32> to vector<1x16xf32>
        tpu.vector_store %arg9[%swap3A_849, %swap3A_850], %swap3A_853 {add = true, strides = array<i32>} : memref<200x64xf32, #tpu.memory_space<vmem>>, vector<1x16xf32>,
        %get3A_854 = arith.index_cast %scan3A_844 : i32 to index
        %get3A_855 = arith.constant 16 : index
        %get3A_856 = tpu.vector_load %arg7[%get3A_854, %get3A_855] {strides = array<i32>} : memref<200x64xf32, #tpu.memory_space<vmem>>, vector<1x16xf32>,
        %get3A_857 = vector.shape_cast %get3A_856 : vector<1x16xf32> to vector<16xf32>
        %swap3A_858 = arith.index_cast %scan3A_844 : i32 to index
        %swap3A_859 = arith.constant 16 : index
        %swap3A_860 = tpu.vector_load %arg9[%swap3A_858, %swap3A_859] {strides = array<i32>} : memref<200x64xf32, #tpu.memory_space<vmem>>, vector<1x16xf32>,
        %swap3A_861 = vector.shape_cast %swap3A_860 : vector<1x16xf32> to vector<16xf32>
        %swap3A_862 = vector.shape_cast %get3A_857 : vector<16xf32> to vector<1x16xf32>
        tpu.vector_store %arg9[%swap3A_858, %swap3A_859], %swap3A_862 {add = true, strides = array<i32>} : memref<200x64xf32, #tpu.memory_space<vmem>>, vector<1x16xf32>,
        %get3A_863 = arith.index_cast %scan3A_844 : i32 to index
        %get3A_864 = arith.constant 32 : index
        %get3A_865 = tpu.vector_load %arg7[%get3A_863, %get3A_864] {strides = array<i32>} : memref<200x64xf32, #tpu.memory_space<vmem>>, vector<1x16xf32>,
        %get3A_866 = vector.shape_cast %get3A_865 : vector<1x16xf32> to vector<16xf32>
        %swap3A_867 = arith.index_cast %scan3A_844 : i32 to index
        %swap3A_868 = arith.constant 32 : index
        %swap3A_869 = tpu.vector_load %arg9[%swap3A_867, %swap3A_868] {strides = array<i32>} : memref<200x64xf32, #tpu.memory_space<vmem>>, vector<1x16xf32>,
        %swap3A_870 = vector.shape_cast %swap3A_869 : vector<1x16xf32> to vector<16xf32>
        %swap3A_871 = vector.shape_cast %get3A_866 : vector<16xf32> to vector<1x16xf32>
        tpu.vector_store %arg9[%swap3A_867, %swap3A_868], %swap3A_871 {add = true, strides = array<i32>} : memref<200x64xf32, #tpu.memory_space<vmem>>, vector<1x16xf32>,
        %get3A_872 = arith.index_cast %scan3A_844 : i32 to index
        %get3A_873 = arith.constant 48 : index
        %get3A_874 = tpu.vector_load %arg7[%get3A_872, %get3A_873] {strides = array<i32>} : memref<200x64xf32, #tpu.memory_space<vmem>>, vector<1x16xf32>,
        %get3A_875 = vector.shape_cast %get3A_874 : vector<1x16xf32> to vector<16xf32>
        %swap3A_876 = arith.index_cast %scan3A_844 : i32 to index
        %swap3A_877 = arith.constant 48 : index
        %swap3A_878 = tpu.vector_load %arg9[%swap3A_876, %swap3A_877] {strides = array<i32>} : memref<200x64xf32, #tpu.memory_space<vmem>>, vector<1x16xf32>,
        %swap3A_879 = vector.shape_cast %swap3A_878 : vector<1x16xf32> to vector<16xf32>
        %swap3A_880 = vector.shape_cast %get3A_875 : vector<16xf32> to vector<1x16xf32>
        tpu.vector_store %arg9[%swap3A_876, %swap3A_877], %swap3A_880 {add = true, strides = array<i32>} : memref<200x64xf32, #tpu.memory_space<vmem>>, vector<1x16xf32>,
        %scan3A_881 = arith.constant 3 : i32
        %scan3A_882 = arith.addi %scan3A_770, %scan3A_881 : i32
        %get3A_883 = arith.index_cast %scan3A_882 : i32 to index
        %get3A_884 = arith.constant 0 : index
        %get3A_885 = tpu.vector_load %arg7[%get3A_883, %get3A_884] {strides = array<i32>} : memref<200x64xf32, #tpu.memory_space<vmem>>, vector<1x16xf32>,
        %get3A_886 = vector.shape_cast %get3A_885 : vector<1x16xf32> to vector<16xf32>
        %swap3A_887 = arith.index_cast %scan3A_882 : i32 to index
        %swap3A_888 = arith.constant 0 : index
        %swap3A_889 = tpu.vector_load %arg9[%swap3A_887, %swap3A_888] {strides = array<i32>} : memref<200x64xf32, #tpu.memory_space<vmem>>, vector<1x16xf32>,
        %swap3A_890 = vector.shape_cast %swap3A_889 : vector<1x16xf32> to vector<16xf32>
        %swap3A_891 = vector.shape_cast %get3A_886 : vector<16xf32> to vector<1x16xf32>
        tpu.vector_store %arg9[%swap3A_887, %swap3A_888], %swap3A_891 {add = true, strides = array<i32>} : memref<200x64xf32, #tpu.memory_space<vmem>>, vector<1x16xf32>,
        %get3A_892 = arith.index_cast %scan3A_882 : i32 to index
        %get3A_893 = arith.constant 16 : index
        %get3A_894 = tpu.vector_load %arg7[%get3A_892, %get3A_893] {strides = array<i32>} : memref<200x64xf32, #tpu.memory_space<vmem>>, vector<1x16xf32>,
        %get3A_895 = vector.shape_cast %get3A_894 : vector<1x16xf32> to vector<16xf32>
        %swap3A_896 = arith.index_cast %scan3A_882 : i32 to index
        %swap3A_897 = arith.constant 16 : index
        %swap3A_898 = tpu.vector_load %arg9[%swap3A_896, %swap3A_897] {strides = array<i32>} : memref<200x64xf32, #tpu.memory_space<vmem>>, vector<1x16xf32>,
        %swap3A_899 = vector.shape_cast %swap3A_898 : vector<1x16xf32> to vector<16xf32>
        %swap3A_900 = vector.shape_cast %get3A_895 : vector<16xf32> to vector<1x16xf32>
        tpu.vector_store %arg9[%swap3A_896, %swap3A_897], %swap3A_900 {add = true, strides = array<i32>} : memref<200x64xf32, #tpu.memory_space<vmem>>, vector<1x16xf32>,
        %get3A_901 = arith.index_cast %scan3A_882 : i32 to index
        %get3A_902 = arith.constant 32 : index
        %get3A_903 = tpu.vector_load %arg7[%get3A_901, %get3A_902] {strides = array<i32>} : memref<200x64xf32, #tpu.memory_space<vmem>>, vector<1x16xf32>,
        %get3A_904 = vector.shape_cast %get3A_903 : vector<1x16xf32> to vector<16xf32>
        %swap3A_905 = arith.index_cast %scan3A_882 : i32 to index
        %swap3A_906 = arith.constant 32 : index
        %swap3A_907 = tpu.vector_load %arg9[%swap3A_905, %swap3A_906] {strides = array<i32>} : memref<200x64xf32, #tpu.memory_space<vmem>>, vector<1x16xf32>,
        %swap3A_908 = vector.shape_cast %swap3A_907 : vector<1x16xf32> to vector<16xf32>
        %swap3A_909 = vector.shape_cast %get3A_904 : vector<16xf32> to vector<1x16xf32>
        tpu.vector_store %arg9[%swap3A_905, %swap3A_906], %swap3A_909 {add = true, strides = array<i32>} : memref<200x64xf32, #tpu.memory_space<vmem>>, vector<1x16xf32>,
        %get3A_910 = arith.index_cast %scan3A_882 : i32 to index
        %get3A_911 = arith.constant 48 : index
        %get3A_912 = tpu.vector_load %arg7[%get3A_910, %get3A_911] {strides = array<i32>} : memref<200x64xf32, #tpu.memory_space<vmem>>, vector<1x16xf32>,
        %get3A_913 = vector.shape_cast %get3A_912 : vector<1x16xf32> to vector<16xf32>
        %swap3A_914 = arith.index_cast %scan3A_882 : i32 to index
        %swap3A_915 = arith.constant 48 : index
        %swap3A_916 = tpu.vector_load %arg9[%swap3A_914, %swap3A_915] {strides = array<i32>} : memref<200x64xf32, #tpu.memory_space<vmem>>, vector<1x16xf32>,
        %swap3A_917 = vector.shape_cast %swap3A_916 : vector<1x16xf32> to vector<16xf32>
        %swap3A_918 = vector.shape_cast %get3A_913 : vector<16xf32> to vector<1x16xf32>
        tpu.vector_store %arg9[%swap3A_914, %swap3A_915], %swap3A_918 {add = true, strides = array<i32>} : memref<200x64xf32, #tpu.memory_space<vmem>>, vector<1x16xf32>,
      }
      %scan3A_615 = arith.constant 200 : i32
      %add3A_616 = arith.constant 1 : i32
      %add3A_617 = arith.addi %mul3A_481, %add3A_616 : i32
      %mul3A_618 = arith.constant 200 : i32
      %mul3A_619 = arith.muli %add3A_617, %mul3A_618 : i32
      %add3A_620 = arith.addi %mul3A_4, %mul3A_619 : i32
      %multiple_of3A_621 = tpu.assume_multiple %add3A_620, 8 : i32
      %dma_start3A_622 = arith.constant 0 : i32
      %dma_start3A_623 = tpu.memref_slice %arg5[%multiple_of3A_621, %dma_start3A_622] : memref<819200x64xf32, #tpu.memory_space<hbm>> -> memref<200x64xf32, #tpu.memory_space<hbm>>
      %dma_start3A_624 = arith.constant 0 : i32
      %dma_start3A_625 = tpu.memref_slice %arg5[%multiple_of3A_621, %dma_start3A_624] : memref<819200x64xf32, #tpu.memory_space<hbm>> -> memref<200x64xf32, #tpu.memory_space<hbm>>
      tpu.enqueue_dma source(%arg9 : memref<200x64xf32, #tpu.memory_space<vmem>>) target(%dma_start3A_625 : memref<200x64xf32, #tpu.memory_space<hbm>>) target_semaphore(%arg17 : memref<!tpu.dma_semaphore, #tpu.memory_space<semaphore_mem>>)
      %dma_wait3A_626 = arith.constant 0 : i32
      %dma_wait3A_627 = arith.constant 0 : i32
      %dma_wait3A_628 = arith.constant 0 : i32
      %dma_wait3A_629 = tpu.memref_slice %arg10[%dma_wait3A_627, %dma_wait3A_628] : memref<200x64xf32, #tpu.memory_space<vmem>> -> memref<100x64xf32, #tpu.memory_space<vmem>>
      %dma_wait3A_630 = arith.constant 0 : i32
      %dma_wait3A_631 = tpu.memref_slice %arg6[%dma_wait3A_626, %dma_wait3A_630] : memref<256x100xi32, #tpu.memory_space<vmem>> -> memref<1x100xi32, #tpu.memory_space<vmem>>
      %dma_wait3A_632 = tpu.memref_squeeze %dma_wait3A_631 : memref<1x100xi32, #tpu.memory_space<vmem>> -> memref<100xi32, #tpu.memory_space<vmem>>
      %dma_wait3A_633 = arith.constant 0 : i32
      %dma_wait3A_634 = arith.constant 0 : i32
      %dma_wait3A_635 = tpu.memref_slice %arg3[%dma_wait3A_633, %dma_wait3A_634] : memref<100000x64xf32, #tpu.memory_space<hbm>> -> memref<100000x64xf32, #tpu.memory_space<hbm>>
      tpu.wait_indirect_dma semaphore(%arg14 : memref<!tpu.dma_semaphore, #tpu.memory_space<semaphore_mem>>) src(%dma_wait3A_635 : memref<100000x64xf32, #tpu.memory_space<hbm>>) dst(%dma_wait3A_629 : memref<100x64xf32, #tpu.memory_space<vmem>>)
      %dma_wait3A_636 = arith.constant 0 : i32
      %dma_wait3A_637 = arith.constant 100 : i32
      %dma_wait3A_638 = arith.constant 0 : i32
      %dma_wait3A_639 = tpu.memref_slice %arg10[%dma_wait3A_637, %dma_wait3A_638] : memref<200x64xf32, #tpu.memory_space<vmem>> -> memref<100x64xf32, #tpu.memory_space<vmem>>
      %dma_wait3A_640 = arith.constant 0 : i32
      %dma_wait3A_641 = tpu.memref_slice %arg6[%dma_wait3A_636, %dma_wait3A_640] : memref<256x100xi32, #tpu.memory_space<vmem>> -> memref<1x100xi32, #tpu.memory_space<vmem>>
      %dma_wait3A_642 = tpu.memref_squeeze %dma_wait3A_641 : memref<1x100xi32, #tpu.memory_space<vmem>> -> memref<100xi32, #tpu.memory_space<vmem>>
      %dma_wait3A_643 = arith.constant 0 : i32
      %dma_wait3A_644 = arith.constant 0 : i32
      %dma_wait3A_645 = tpu.memref_slice %arg3[%dma_wait3A_643, %dma_wait3A_644] : memref<100000x64xf32, #tpu.memory_space<hbm>> -> memref<100000x64xf32, #tpu.memory_space<hbm>>
      tpu.wait_indirect_dma semaphore(%arg14 : memref<!tpu.dma_semaphore, #tpu.memory_space<semaphore_mem>>) src(%dma_wait3A_645 : memref<100000x64xf32, #tpu.memory_space<hbm>>) dst(%dma_wait3A_639 : memref<100x64xf32, #tpu.memory_space<vmem>>)
      %dma_wait3A_646 = arith.constant 0 : i32
      %dma_wait3A_647 = arith.constant 0 : i32
      %dma_wait3A_648 = tpu.memref_slice %arg5[%dma_wait3A_646, %dma_wait3A_647] : memref<819200x64xf32, #tpu.memory_space<hbm>> -> memref<200x64xf32, #tpu.memory_space<hbm>>
      %dma_wait3A_649 = arith.constant 0 : i32
      %dma_wait3A_650 = arith.constant 0 : i32
      %dma_wait3A_651 = tpu.memref_slice %arg5[%dma_wait3A_649, %dma_wait3A_650] : memref<819200x64xf32, #tpu.memory_space<hbm>> -> memref<200x64xf32, #tpu.memory_space<hbm>>
      tpu.wait_dma2 semaphore(%arg16 : memref<!tpu.dma_semaphore, #tpu.memory_space<semaphore_mem>>) src(%arg8 : memref<200x64xf32, #tpu.memory_space<vmem>>) dst(%dma_wait3A_651 : memref<200x64xf32, #tpu.memory_space<hbm>>)
      %add3A_652 = arith.constant 2 : i32
      %add3A_653 = arith.addi %mul3A_481, %add3A_652 : i32
      %add3A_654 = arith.constant 2 : i32
      %add3A_655 = arith.addi %add3A_653, %add3A_654 : i32
      %mul3A_656 = arith.constant 2 : i32
      %mul3A_657 = arith.muli %add3A_655, %mul3A_656 : i32
      %add3A_658 = arith.constant 0 : i32
      %add3A_659 = arith.addi %mul3A_657, %add3A_658 : i32
      %dma_start3A_660 = arith.constant 0 : i32
      %dma_start3A_661 = arith.constant 0 : i32
      %dma_start3A_662 = tpu.memref_slice %arg8[%dma_start3A_660, %dma_start3A_661] : memref<200x64xf32, #tpu.memory_space<vmem>> -> memref<100x64xf32, #tpu.memory_space<vmem>>
      %dma_start3A_663 = arith.constant 0 : i32
      %dma_start3A_664 = tpu.memref_slice %arg6[%add3A_659, %dma_start3A_663] : memref<256x100xi32, #tpu.memory_space<vmem>> -> memref<1x100xi32, #tpu.memory_space<vmem>>
      %dma_start3A_665 = tpu.memref_squeeze %dma_start3A_664 : memref<1x100xi32, #tpu.memory_space<vmem>> -> memref<100xi32, #tpu.memory_space<vmem>>
      %dma_start3A_666 = arith.constant 0 : i32
      %dma_start3A_667 = arith.constant 0 : i32
      %dma_start3A_668 = tpu.memref_slice %arg3[%dma_start3A_666, %dma_start3A_667] : memref<100000x64xf32, #tpu.memory_space<hbm>> -> memref<100000x64xf32, #tpu.memory_space<hbm>>
      tpu.enqueue_indirect_dma source(%dma_start3A_668 : memref<100000x64xf32, #tpu.memory_space<hbm>>) target(%dma_start3A_662 : memref<100x64xf32, #tpu.memory_space<vmem>>) offsets(%dma_start3A_665 : memref<100xi32, #tpu.memory_space<vmem>>) semaphore(%arg12 : memref<!tpu.dma_semaphore, #tpu.memory_space<semaphore_mem>>)
      %mul3A_669 = arith.constant 2 : i32
      %mul3A_670 = arith.muli %add3A_655, %mul3A_669 : i32
      %add3A_671 = arith.constant 1 : i32
      %add3A_672 = arith.addi %mul3A_670, %add3A_671 : i32
      %dma_start3A_673 = arith.constant 100 : i32
      %dma_start3A_674 = arith.constant 0 : i32
      %dma_start3A_675 = tpu.memref_slice %arg8[%dma_start3A_673, %dma_start3A_674] : memref<200x64xf32, #tpu.memory_space<vmem>> -> memref<100x64xf32, #tpu.memory_space<vmem>>
      %dma_start3A_676 = arith.constant 0 : i32
      %dma_start3A_677 = tpu.memref_slice %arg6[%add3A_672, %dma_start3A_676] : memref<256x100xi32, #tpu.memory_space<vmem>> -> memref<1x100xi32, #tpu.memory_space<vmem>>
      %dma_start3A_678 = tpu.memref_squeeze %dma_start3A_677 : memref<1x100xi32, #tpu.memory_space<vmem>> -> memref<100xi32, #tpu.memory_space<vmem>>
      %dma_start3A_679 = arith.constant 0 : i32
      %dma_start3A_680 = arith.constant 0 : i32
      %dma_start3A_681 = tpu.memref_slice %arg3[%dma_start3A_679, %dma_start3A_680] : memref<100000x64xf32, #tpu.memory_space<hbm>> -> memref<100000x64xf32, #tpu.memory_space<hbm>>
      tpu.enqueue_indirect_dma source(%dma_start3A_681 : memref<100000x64xf32, #tpu.memory_space<hbm>>) target(%dma_start3A_675 : memref<100x64xf32, #tpu.memory_space<vmem>>) offsets(%dma_start3A_678 : memref<100xi32, #tpu.memory_space<vmem>>) semaphore(%arg12 : memref<!tpu.dma_semaphore, #tpu.memory_space<semaphore_mem>>)
      %scan3A_682 = arith.constant 0 : i32
      %scan3A_683 = arith.constant 0 : i32
      %scan3A_684 = arith.constant 200 : i32
      %scan3A_685 = arith.addi %scan3A_683, %scan3A_684 : i32
      %scan3A_686 = arith.constant 4 : i32
      scf.for %scan3A_770 = %scan3A_683 to %scan3A_685 step %scan3A_686  : i32 {
        %get3A = arith.index_cast %scan3A_770 : i32 to index
        %get3A_771 = arith.constant 0 : index
        %get3A_772 = tpu.vector_load %arg7[%get3A, %get3A_771] {strides = array<i32>} : memref<200x64xf32, #tpu.memory_space<vmem>>, vector<1x16xf32>,
        %get3A_773 = vector.shape_cast %get3A_772 : vector<1x16xf32> to vector<16xf32>
        %swap3A = arith.index_cast %scan3A_770 : i32 to index
        %swap3A_774 = arith.constant 0 : index
        %swap3A_775 = tpu.vector_load %arg10[%swap3A, %swap3A_774] {strides = array<i32>} : memref<200x64xf32, #tpu.memory_space<vmem>>, vector<1x16xf32>,
        %swap3A_776 = vector.shape_cast %swap3A_775 : vector<1x16xf32> to vector<16xf32>
        %swap3A_777 = vector.shape_cast %get3A_773 : vector<16xf32> to vector<1x16xf32>
        tpu.vector_store %arg10[%swap3A, %swap3A_774], %swap3A_777 {add = true, strides = array<i32>} : memref<200x64xf32, #tpu.memory_space<vmem>>, vector<1x16xf32>,
        %get3A_778 = arith.index_cast %scan3A_770 : i32 to index
        %get3A_779 = arith.constant 16 : index
        %get3A_780 = tpu.vector_load %arg7[%get3A_778, %get3A_779] {strides = array<i32>} : memref<200x64xf32, #tpu.memory_space<vmem>>, vector<1x16xf32>,
        %get3A_781 = vector.shape_cast %get3A_780 : vector<1x16xf32> to vector<16xf32>
        %swap3A_782 = arith.index_cast %scan3A_770 : i32 to index
        %swap3A_783 = arith.constant 16 : index
        %swap3A_784 = tpu.vector_load %arg10[%swap3A_782, %swap3A_783] {strides = array<i32>} : memref<200x64xf32, #tpu.memory_space<vmem>>, vector<1x16xf32>,
        %swap3A_785 = vector.shape_cast %swap3A_784 : vector<1x16xf32> to vector<16xf32>
        %swap3A_786 = vector.shape_cast %get3A_781 : vector<16xf32> to vector<1x16xf32>
        tpu.vector_store %arg10[%swap3A_782, %swap3A_783], %swap3A_786 {add = true, strides = array<i32>} : memref<200x64xf32, #tpu.memory_space<vmem>>, vector<1x16xf32>,
        %get3A_787 = arith.index_cast %scan3A_770 : i32 to index
        %get3A_788 = arith.constant 32 : index
        %get3A_789 = tpu.vector_load %arg7[%get3A_787, %get3A_788] {strides = array<i32>} : memref<200x64xf32, #tpu.memory_space<vmem>>, vector<1x16xf32>,
        %get3A_790 = vector.shape_cast %get3A_789 : vector<1x16xf32> to vector<16xf32>
        %swap3A_791 = arith.index_cast %scan3A_770 : i32 to index
        %swap3A_792 = arith.constant 32 : index
        %swap3A_793 = tpu.vector_load %arg10[%swap3A_791, %swap3A_792] {strides = array<i32>} : memref<200x64xf32, #tpu.memory_space<vmem>>, vector<1x16xf32>,
        %swap3A_794 = vector.shape_cast %swap3A_793 : vector<1x16xf32> to vector<16xf32>
        %swap3A_795 = vector.shape_cast %get3A_790 : vector<16xf32> to vector<1x16xf32>
        tpu.vector_store %arg10[%swap3A_791, %swap3A_792], %swap3A_795 {add = true, strides = array<i32>} : memref<200x64xf32, #tpu.memory_space<vmem>>, vector<1x16xf32>,
        %get3A_796 = arith.index_cast %scan3A_770 : i32 to index
        %get3A_797 = arith.constant 48 : index
        %get3A_798 = tpu.vector_load %arg7[%get3A_796, %get3A_797] {strides = array<i32>} : memref<200x64xf32, #tpu.memory_space<vmem>>, vector<1x16xf32>,
        %get3A_799 = vector.shape_cast %get3A_798 : vector<1x16xf32> to vector<16xf32>
        %swap3A_800 = arith.index_cast %scan3A_770 : i32 to index
        %swap3A_801 = arith.constant 48 : index
        %swap3A_802 = tpu.vector_load %arg10[%swap3A_800, %swap3A_801] {strides = array<i32>} : memref<200x64xf32, #tpu.memory_space<vmem>>, vector<1x16xf32>,
        %swap3A_803 = vector.shape_cast %swap3A_802 : vector<1x16xf32> to vector<16xf32>
        %swap3A_804 = vector.shape_cast %get3A_799 : vector<16xf32> to vector<1x16xf32>
        tpu.vector_store %arg10[%swap3A_800, %swap3A_801], %swap3A_804 {add = true, strides = array<i32>} : memref<200x64xf32, #tpu.memory_space<vmem>>, vector<1x16xf32>,
        %scan3A_805 = arith.constant 1 : i32
        %scan3A_806 = arith.addi %scan3A_770, %scan3A_805 : i32
        %get3A_807 = arith.index_cast %scan3A_806 : i32 to index
        %get3A_808 = arith.constant 0 : index
        %get3A_809 = tpu.vector_load %arg7[%get3A_807, %get3A_808] {strides = array<i32>} : memref<200x64xf32, #tpu.memory_space<vmem>>, vector<1x16xf32>,
        %get3A_810 = vector.shape_cast %get3A_809 : vector<1x16xf32> to vector<16xf32>
        %swap3A_811 = arith.index_cast %scan3A_806 : i32 to index
        %swap3A_812 = arith.constant 0 : index
        %swap3A_813 = tpu.vector_load %arg10[%swap3A_811, %swap3A_812] {strides = array<i32>} : memref<200x64xf32, #tpu.memory_space<vmem>>, vector<1x16xf32>,
        %swap3A_814 = vector.shape_cast %swap3A_813 : vector<1x16xf32> to vector<16xf32>
        %swap3A_815 = vector.shape_cast %get3A_810 : vector<16xf32> to vector<1x16xf32>
        tpu.vector_store %arg10[%swap3A_811, %swap3A_812], %swap3A_815 {add = true, strides = array<i32>} : memref<200x64xf32, #tpu.memory_space<vmem>>, vector<1x16xf32>,
        %get3A_816 = arith.index_cast %scan3A_806 : i32 to index
        %get3A_817 = arith.constant 16 : index
        %get3A_818 = tpu.vector_load %arg7[%get3A_816, %get3A_817] {strides = array<i32>} : memref<200x64xf32, #tpu.memory_space<vmem>>, vector<1x16xf32>,
        %get3A_819 = vector.shape_cast %get3A_818 : vector<1x16xf32> to vector<16xf32>
        %swap3A_820 = arith.index_cast %scan3A_806 : i32 to index
        %swap3A_821 = arith.constant 16 : index
        %swap3A_822 = tpu.vector_load %arg10[%swap3A_820, %swap3A_821] {strides = array<i32>} : memref<200x64xf32, #tpu.memory_space<vmem>>, vector<1x16xf32>,
        %swap3A_823 = vector.shape_cast %swap3A_822 : vector<1x16xf32> to vector<16xf32>
        %swap3A_824 = vector.shape_cast %get3A_819 : vector<16xf32> to vector<1x16xf32>
        tpu.vector_store %arg10[%swap3A_820, %swap3A_821], %swap3A_824 {add = true, strides = array<i32>} : memref<200x64xf32, #tpu.memory_space<vmem>>, vector<1x16xf32>,
        %get3A_825 = arith.index_cast %scan3A_806 : i32 to index
        %get3A_826 = arith.constant 32 : index
        %get3A_827 = tpu.vector_load %arg7[%get3A_825, %get3A_826] {strides = array<i32>} : memref<200x64xf32, #tpu.memory_space<vmem>>, vector<1x16xf32>,
        %get3A_828 = vector.shape_cast %get3A_827 : vector<1x16xf32> to vector<16xf32>
        %swap3A_829 = arith.index_cast %scan3A_806 : i32 to index
        %swap3A_830 = arith.constant 32 : index
        %swap3A_831 = tpu.vector_load %arg10[%swap3A_829, %swap3A_830] {strides = array<i32>} : memref<200x64xf32, #tpu.memory_space<vmem>>, vector<1x16xf32>,
        %swap3A_832 = vector.shape_cast %swap3A_831 : vector<1x16xf32> to vector<16xf32>
        %swap3A_833 = vector.shape_cast %get3A_828 : vector<16xf32> to vector<1x16xf32>
        tpu.vector_store %arg10[%swap3A_829, %swap3A_830], %swap3A_833 {add = true, strides = array<i32>} : memref<200x64xf32, #tpu.memory_space<vmem>>, vector<1x16xf32>,
        %get3A_834 = arith.index_cast %scan3A_806 : i32 to index
        %get3A_835 = arith.constant 48 : index
        %get3A_836 = tpu.vector_load %arg7[%get3A_834, %get3A_835] {strides = array<i32>} : memref<200x64xf32, #tpu.memory_space<vmem>>, vector<1x16xf32>,
        %get3A_837 = vector.shape_cast %get3A_836 : vector<1x16xf32> to vector<16xf32>
        %swap3A_838 = arith.index_cast %scan3A_806 : i32 to index
        %swap3A_839 = arith.constant 48 : index
        %swap3A_840 = tpu.vector_load %arg10[%swap3A_838, %swap3A_839] {strides = array<i32>} : memref<200x64xf32, #tpu.memory_space<vmem>>, vector<1x16xf32>,
        %swap3A_841 = vector.shape_cast %swap3A_840 : vector<1x16xf32> to vector<16xf32>
        %swap3A_842 = vector.shape_cast %get3A_837 : vector<16xf32> to vector<1x16xf32>
        tpu.vector_store %arg10[%swap3A_838, %swap3A_839], %swap3A_842 {add = true, strides = array<i32>} : memref<200x64xf32, #tpu.memory_space<vmem>>, vector<1x16xf32>,
        %scan3A_843 = arith.constant 2 : i32
        %scan3A_844 = arith.addi %scan3A_770, %scan3A_843 : i32
        %get3A_845 = arith.index_cast %scan3A_844 : i32 to index
        %get3A_846 = arith.constant 0 : index
        %get3A_847 = tpu.vector_load %arg7[%get3A_845, %get3A_846] {strides = array<i32>} : memref<200x64xf32, #tpu.memory_space<vmem>>, vector<1x16xf32>,
        %get3A_848 = vector.shape_cast %get3A_847 : vector<1x16xf32> to vector<16xf32>
        %swap3A_849 = arith.index_cast %scan3A_844 : i32 to index
        %swap3A_850 = arith.constant 0 : index
        %swap3A_851 = tpu.vector_load %arg10[%swap3A_849, %swap3A_850] {strides = array<i32>} : memref<200x64xf32, #tpu.memory_space<vmem>>, vector<1x16xf32>,
        %swap3A_852 = vector.shape_cast %swap3A_851 : vector<1x16xf32> to vector<16xf32>
        %swap3A_853 = vector.shape_cast %get3A_848 : vector<16xf32> to vector<1x16xf32>
        tpu.vector_store %arg10[%swap3A_849, %swap3A_850], %swap3A_853 {add = true, strides = array<i32>} : memref<200x64xf32, #tpu.memory_space<vmem>>, vector<1x16xf32>,
        %get3A_854 = arith.index_cast %scan3A_844 : i32 to index
        %get3A_855 = arith.constant 16 : index
        %get3A_856 = tpu.vector_load %arg7[%get3A_854, %get3A_855] {strides = array<i32>} : memref<200x64xf32, #tpu.memory_space<vmem>>, vector<1x16xf32>,
        %get3A_857 = vector.shape_cast %get3A_856 : vector<1x16xf32> to vector<16xf32>
        %swap3A_858 = arith.index_cast %scan3A_844 : i32 to index
        %swap3A_859 = arith.constant 16 : index
        %swap3A_860 = tpu.vector_load %arg10[%swap3A_858, %swap3A_859] {strides = array<i32>} : memref<200x64xf32, #tpu.memory_space<vmem>>, vector<1x16xf32>,
        %swap3A_861 = vector.shape_cast %swap3A_860 : vector<1x16xf32> to vector<16xf32>
        %swap3A_862 = vector.shape_cast %get3A_857 : vector<16xf32> to vector<1x16xf32>
        tpu.vector_store %arg10[%swap3A_858, %swap3A_859], %swap3A_862 {add = true, strides = array<i32>} : memref<200x64xf32, #tpu.memory_space<vmem>>, vector<1x16xf32>,
        %get3A_863 = arith.index_cast %scan3A_844 : i32 to index
        %get3A_864 = arith.constant 32 : index
        %get3A_865 = tpu.vector_load %arg7[%get3A_863, %get3A_864] {strides = array<i32>} : memref<200x64xf32, #tpu.memory_space<vmem>>, vector<1x16xf32>,
        %get3A_866 = vector.shape_cast %get3A_865 : vector<1x16xf32> to vector<16xf32>
        %swap3A_867 = arith.index_cast %scan3A_844 : i32 to index
        %swap3A_868 = arith.constant 32 : index
        %swap3A_869 = tpu.vector_load %arg10[%swap3A_867, %swap3A_868] {strides = array<i32>} : memref<200x64xf32, #tpu.memory_space<vmem>>, vector<1x16xf32>,
        %swap3A_870 = vector.shape_cast %swap3A_869 : vector<1x16xf32> to vector<16xf32>
        %swap3A_871 = vector.shape_cast %get3A_866 : vector<16xf32> to vector<1x16xf32>
        tpu.vector_store %arg10[%swap3A_867, %swap3A_868], %swap3A_871 {add = true, strides = array<i32>} : memref<200x64xf32, #tpu.memory_space<vmem>>, vector<1x16xf32>,
        %get3A_872 = arith.index_cast %scan3A_844 : i32 to index
        %get3A_873 = arith.constant 48 : index
        %get3A_874 = tpu.vector_load %arg7[%get3A_872, %get3A_873] {strides = array<i32>} : memref<200x64xf32, #tpu.memory_space<vmem>>, vector<1x16xf32>,
        %get3A_875 = vector.shape_cast %get3A_874 : vector<1x16xf32> to vector<16xf32>
        %swap3A_876 = arith.index_cast %scan3A_844 : i32 to index
        %swap3A_877 = arith.constant 48 : index
        %swap3A_878 = tpu.vector_load %arg10[%swap3A_876, %swap3A_877] {strides = array<i32>} : memref<200x64xf32, #tpu.memory_space<vmem>>, vector<1x16xf32>,
        %swap3A_879 = vector.shape_cast %swap3A_878 : vector<1x16xf32> to vector<16xf32>
        %swap3A_880 = vector.shape_cast %get3A_875 : vector<16xf32> to vector<1x16xf32>
        tpu.vector_store %arg10[%swap3A_876, %swap3A_877], %swap3A_880 {add = true, strides = array<i32>} : memref<200x64xf32, #tpu.memory_space<vmem>>, vector<1x16xf32>,
        %scan3A_881 = arith.constant 3 : i32
        %scan3A_882 = arith.addi %scan3A_770, %scan3A_881 : i32
        %get3A_883 = arith.index_cast %scan3A_882 : i32 to index
        %get3A_884 = arith.constant 0 : index
        %get3A_885 = tpu.vector_load %arg7[%get3A_883, %get3A_884] {strides = array<i32>} : memref<200x64xf32, #tpu.memory_space<vmem>>, vector<1x16xf32>,
        %get3A_886 = vector.shape_cast %get3A_885 : vector<1x16xf32> to vector<16xf32>
        %swap3A_887 = arith.index_cast %scan3A_882 : i32 to index
        %swap3A_888 = arith.constant 0 : index
        %swap3A_889 = tpu.vector_load %arg10[%swap3A_887, %swap3A_888] {strides = array<i32>} : memref<200x64xf32, #tpu.memory_space<vmem>>, vector<1x16xf32>,
        %swap3A_890 = vector.shape_cast %swap3A_889 : vector<1x16xf32> to vector<16xf32>
        %swap3A_891 = vector.shape_cast %get3A_886 : vector<16xf32> to vector<1x16xf32>
        tpu.vector_store %arg10[%swap3A_887, %swap3A_888], %swap3A_891 {add = true, strides = array<i32>} : memref<200x64xf32, #tpu.memory_space<vmem>>, vector<1x16xf32>,
        %get3A_892 = arith.index_cast %scan3A_882 : i32 to index
        %get3A_893 = arith.constant 16 : index
        %get3A_894 = tpu.vector_load %arg7[%get3A_892, %get3A_893] {strides = array<i32>} : memref<200x64xf32, #tpu.memory_space<vmem>>, vector<1x16xf32>,
        %get3A_895 = vector.shape_cast %get3A_894 : vector<1x16xf32> to vector<16xf32>
        %swap3A_896 = arith.index_cast %scan3A_882 : i32 to index
        %swap3A_897 = arith.constant 16 : index
        %swap3A_898 = tpu.vector_load %arg10[%swap3A_896, %swap3A_897] {strides = array<i32>} : memref<200x64xf32, #tpu.memory_space<vmem>>, vector<1x16xf32>,
        %swap3A_899 = vector.shape_cast %swap3A_898 : vector<1x16xf32> to vector<16xf32>
        %swap3A_900 = vector.shape_cast %get3A_895 : vector<16xf32> to vector<1x16xf32>
        tpu.vector_store %arg10[%swap3A_896, %swap3A_897], %swap3A_900 {add = true, strides = array<i32>} : memref<200x64xf32, #tpu.memory_space<vmem>>, vector<1x16xf32>,
        %get3A_901 = arith.index_cast %scan3A_882 : i32 to index
        %get3A_902 = arith.constant 32 : index
        %get3A_903 = tpu.vector_load %arg7[%get3A_901, %get3A_902] {strides = array<i32>} : memref<200x64xf32, #tpu.memory_space<vmem>>, vector<1x16xf32>,
        %get3A_904 = vector.shape_cast %get3A_903 : vector<1x16xf32> to vector<16xf32>
        %swap3A_905 = arith.index_cast %scan3A_882 : i32 to index
        %swap3A_906 = arith.constant 32 : index
        %swap3A_907 = tpu.vector_load %arg10[%swap3A_905, %swap3A_906] {strides = array<i32>} : memref<200x64xf32, #tpu.memory_space<vmem>>, vector<1x16xf32>,
        %swap3A_908 = vector.shape_cast %swap3A_907 : vector<1x16xf32> to vector<16xf32>
        %swap3A_909 = vector.shape_cast %get3A_904 : vector<16xf32> to vector<1x16xf32>
        tpu.vector_store %arg10[%swap3A_905, %swap3A_906], %swap3A_909 {add = true, strides = array<i32>} : memref<200x64xf32, #tpu.memory_space<vmem>>, vector<1x16xf32>,
        %get3A_910 = arith.index_cast %scan3A_882 : i32 to index
        %get3A_911 = arith.constant 48 : index
        %get3A_912 = tpu.vector_load %arg7[%get3A_910, %get3A_911] {strides = array<i32>} : memref<200x64xf32, #tpu.memory_space<vmem>>, vector<1x16xf32>,
        %get3A_913 = vector.shape_cast %get3A_912 : vector<1x16xf32> to vector<16xf32>
        %swap3A_914 = arith.index_cast %scan3A_882 : i32 to index
        %swap3A_915 = arith.constant 48 : index
        %swap3A_916 = tpu.vector_load %arg10[%swap3A_914, %swap3A_915] {strides = array<i32>} : memref<200x64xf32, #tpu.memory_space<vmem>>, vector<1x16xf32>,
        %swap3A_917 = vector.shape_cast %swap3A_916 : vector<1x16xf32> to vector<16xf32>
        %swap3A_918 = vector.shape_cast %get3A_913 : vector<16xf32> to vector<1x16xf32>
        tpu.vector_store %arg10[%swap3A_914, %swap3A_915], %swap3A_918 {add = true, strides = array<i32>} : memref<200x64xf32, #tpu.memory_space<vmem>>, vector<1x16xf32>,
      }
      %scan3A_687 = arith.constant 200 : i32
      %add3A_688 = arith.constant 2 : i32
      %add3A_689 = arith.addi %mul3A_481, %add3A_688 : i32
      %mul3A_690 = arith.constant 200 : i32
      %mul3A_691 = arith.muli %add3A_689, %mul3A_690 : i32
      %add3A_692 = arith.addi %mul3A_4, %mul3A_691 : i32
      %multiple_of3A_693 = tpu.assume_multiple %add3A_692, 8 : i32
      %dma_start3A_694 = arith.constant 0 : i32
      %dma_start3A_695 = tpu.memref_slice %arg5[%multiple_of3A_693, %dma_start3A_694] : memref<819200x64xf32, #tpu.memory_space<hbm>> -> memref<200x64xf32, #tpu.memory_space<hbm>>
      %dma_start3A_696 = arith.constant 0 : i32
      %dma_start3A_697 = tpu.memref_slice %arg5[%multiple_of3A_693, %dma_start3A_696] : memref<819200x64xf32, #tpu.memory_space<hbm>> -> memref<200x64xf32, #tpu.memory_space<hbm>>
      tpu.enqueue_dma source(%arg10 : memref<200x64xf32, #tpu.memory_space<vmem>>) target(%dma_start3A_697 : memref<200x64xf32, #tpu.memory_space<hbm>>) target_semaphore(%arg18 : memref<!tpu.dma_semaphore, #tpu.memory_space<semaphore_mem>>)
      %dma_wait3A_698 = arith.constant 0 : i32
      %dma_wait3A_699 = arith.constant 0 : i32
      %dma_wait3A_700 = arith.constant 0 : i32
      %dma_wait3A_701 = tpu.memref_slice %arg11[%dma_wait3A_699, %dma_wait3A_700] : memref<200x64xf32, #tpu.memory_space<vmem>> -> memref<100x64xf32, #tpu.memory_space<vmem>>
      %dma_wait3A_702 = arith.constant 0 : i32
      %dma_wait3A_703 = tpu.memref_slice %arg6[%dma_wait3A_698, %dma_wait3A_702] : memref<256x100xi32, #tpu.memory_space<vmem>> -> memref<1x100xi32, #tpu.memory_space<vmem>>
      %dma_wait3A_704 = tpu.memref_squeeze %dma_wait3A_703 : memref<1x100xi32, #tpu.memory_space<vmem>> -> memref<100xi32, #tpu.memory_space<vmem>>
      %dma_wait3A_705 = arith.constant 0 : i32
      %dma_wait3A_706 = arith.constant 0 : i32
      %dma_wait3A_707 = tpu.memref_slice %arg3[%dma_wait3A_705, %dma_wait3A_706] : memref<100000x64xf32, #tpu.memory_space<hbm>> -> memref<100000x64xf32, #tpu.memory_space<hbm>>
      tpu.wait_indirect_dma semaphore(%arg15 : memref<!tpu.dma_semaphore, #tpu.memory_space<semaphore_mem>>) src(%dma_wait3A_707 : memref<100000x64xf32, #tpu.memory_space<hbm>>) dst(%dma_wait3A_701 : memref<100x64xf32, #tpu.memory_space<vmem>>)
      %dma_wait3A_708 = arith.constant 0 : i32
      %dma_wait3A_709 = arith.constant 100 : i32
      %dma_wait3A_710 = arith.constant 0 : i32
      %dma_wait3A_711 = tpu.memref_slice %arg11[%dma_wait3A_709, %dma_wait3A_710] : memref<200x64xf32, #tpu.memory_space<vmem>> -> memref<100x64xf32, #tpu.memory_space<vmem>>
      %dma_wait3A_712 = arith.constant 0 : i32
      %dma_wait3A_713 = tpu.memref_slice %arg6[%dma_wait3A_708, %dma_wait3A_712] : memref<256x100xi32, #tpu.memory_space<vmem>> -> memref<1x100xi32, #tpu.memory_space<vmem>>
      %dma_wait3A_714 = tpu.memref_squeeze %dma_wait3A_713 : memref<1x100xi32, #tpu.memory_space<vmem>> -> memref<100xi32, #tpu.memory_space<vmem>>
      %dma_wait3A_715 = arith.constant 0 : i32
      %dma_wait3A_716 = arith.constant 0 : i32
      %dma_wait3A_717 = tpu.memref_slice %arg3[%dma_wait3A_715, %dma_wait3A_716] : memref<100000x64xf32, #tpu.memory_space<hbm>> -> memref<100000x64xf32, #tpu.memory_space<hbm>>
      tpu.wait_indirect_dma semaphore(%arg15 : memref<!tpu.dma_semaphore, #tpu.memory_space<semaphore_mem>>) src(%dma_wait3A_717 : memref<100000x64xf32, #tpu.memory_space<hbm>>) dst(%dma_wait3A_711 : memref<100x64xf32, #tpu.memory_space<vmem>>)
      %dma_wait3A_718 = arith.constant 0 : i32
      %dma_wait3A_719 = arith.constant 0 : i32
      %dma_wait3A_720 = tpu.memref_slice %arg5[%dma_wait3A_718, %dma_wait3A_719] : memref<819200x64xf32, #tpu.memory_space<hbm>> -> memref<200x64xf32, #tpu.memory_space<hbm>>
      %dma_wait3A_721 = arith.constant 0 : i32
      %dma_wait3A_722 = arith.constant 0 : i32
      %dma_wait3A_723 = tpu.memref_slice %arg5[%dma_wait3A_721, %dma_wait3A_722] : memref<819200x64xf32, #tpu.memory_space<hbm>> -> memref<200x64xf32, #tpu.memory_space<hbm>>
      tpu.wait_dma2 semaphore(%arg17 : memref<!tpu.dma_semaphore, #tpu.memory_space<semaphore_mem>>) src(%arg9 : memref<200x64xf32, #tpu.memory_space<vmem>>) dst(%dma_wait3A_723 : memref<200x64xf32, #tpu.memory_space<hbm>>)
      %add3A_724 = arith.constant 3 : i32
      %add3A_725 = arith.addi %mul3A_481, %add3A_724 : i32
      %add3A_726 = arith.constant 2 : i32
      %add3A_727 = arith.addi %add3A_725, %add3A_726 : i32
      %mul3A_728 = arith.constant 2 : i32
      %mul3A_729 = arith.muli %add3A_727, %mul3A_728 : i32
      %add3A_730 = arith.constant 0 : i32
      %add3A_731 = arith.addi %mul3A_729, %add3A_730 : i32
      %dma_start3A_732 = arith.constant 0 : i32
      %dma_start3A_733 = arith.constant 0 : i32
      %dma_start3A_734 = tpu.memref_slice %arg9[%dma_start3A_732, %dma_start3A_733] : memref<200x64xf32, #tpu.memory_space<vmem>> -> memref<100x64xf32, #tpu.memory_space<vmem>>
      %dma_start3A_735 = arith.constant 0 : i32
      %dma_start3A_736 = tpu.memref_slice %arg6[%add3A_731, %dma_start3A_735] : memref<256x100xi32, #tpu.memory_space<vmem>> -> memref<1x100xi32, #tpu.memory_space<vmem>>
      %dma_start3A_737 = tpu.memref_squeeze %dma_start3A_736 : memref<1x100xi32, #tpu.memory_space<vmem>> -> memref<100xi32, #tpu.memory_space<vmem>>
      %dma_start3A_738 = arith.constant 0 : i32
      %dma_start3A_739 = arith.constant 0 : i32
      %dma_start3A_740 = tpu.memref_slice %arg3[%dma_start3A_738, %dma_start3A_739] : memref<100000x64xf32, #tpu.memory_space<hbm>> -> memref<100000x64xf32, #tpu.memory_space<hbm>>
      tpu.enqueue_indirect_dma source(%dma_start3A_740 : memref<100000x64xf32, #tpu.memory_space<hbm>>) target(%dma_start3A_734 : memref<100x64xf32, #tpu.memory_space<vmem>>) offsets(%dma_start3A_737 : memref<100xi32, #tpu.memory_space<vmem>>) semaphore(%arg13 : memref<!tpu.dma_semaphore, #tpu.memory_space<semaphore_mem>>)
      %mul3A_741 = arith.constant 2 : i32
      %mul3A_742 = arith.muli %add3A_727, %mul3A_741 : i32
      %add3A_743 = arith.constant 1 : i32
      %add3A_744 = arith.addi %mul3A_742, %add3A_743 : i32
      %dma_start3A_745 = arith.constant 100 : i32
      %dma_start3A_746 = arith.constant 0 : i32
      %dma_start3A_747 = tpu.memref_slice %arg9[%dma_start3A_745, %dma_start3A_746] : memref<200x64xf32, #tpu.memory_space<vmem>> -> memref<100x64xf32, #tpu.memory_space<vmem>>
      %dma_start3A_748 = arith.constant 0 : i32
      %dma_start3A_749 = tpu.memref_slice %arg6[%add3A_744, %dma_start3A_748] : memref<256x100xi32, #tpu.memory_space<vmem>> -> memref<1x100xi32, #tpu.memory_space<vmem>>
      %dma_start3A_750 = tpu.memref_squeeze %dma_start3A_749 : memref<1x100xi32, #tpu.memory_space<vmem>> -> memref<100xi32, #tpu.memory_space<vmem>>
      %dma_start3A_751 = arith.constant 0 : i32
      %dma_start3A_752 = arith.constant 0 : i32
      %dma_start3A_753 = tpu.memref_slice %arg3[%dma_start3A_751, %dma_start3A_752] : memref<100000x64xf32, #tpu.memory_space<hbm>> -> memref<100000x64xf32, #tpu.memory_space<hbm>>
      tpu.enqueue_indirect_dma source(%dma_start3A_753 : memref<100000x64xf32, #tpu.memory_space<hbm>>) target(%dma_start3A_747 : memref<100x64xf32, #tpu.memory_space<vmem>>) offsets(%dma_start3A_750 : memref<100xi32, #tpu.memory_space<vmem>>) semaphore(%arg13 : memref<!tpu.dma_semaphore, #tpu.memory_space<semaphore_mem>>)
      %scan3A_754 = arith.constant 0 : i32
      %scan3A_755 = arith.constant 0 : i32
      %scan3A_756 = arith.constant 200 : i32
      %scan3A_757 = arith.addi %scan3A_755, %scan3A_756 : i32
      %scan3A_758 = arith.constant 4 : i32
      scf.for %scan3A_770 = %scan3A_755 to %scan3A_757 step %scan3A_758  : i32 {
        %get3A = arith.index_cast %scan3A_770 : i32 to index
        %get3A_771 = arith.constant 0 : index
        %get3A_772 = tpu.vector_load %arg7[%get3A, %get3A_771] {strides = array<i32>} : memref<200x64xf32, #tpu.memory_space<vmem>>, vector<1x16xf32>,
        %get3A_773 = vector.shape_cast %get3A_772 : vector<1x16xf32> to vector<16xf32>
        %swap3A = arith.index_cast %scan3A_770 : i32 to index
        %swap3A_774 = arith.constant 0 : index
        %swap3A_775 = tpu.vector_load %arg11[%swap3A, %swap3A_774] {strides = array<i32>} : memref<200x64xf32, #tpu.memory_space<vmem>>, vector<1x16xf32>,
        %swap3A_776 = vector.shape_cast %swap3A_775 : vector<1x16xf32> to vector<16xf32>
        %swap3A_777 = vector.shape_cast %get3A_773 : vector<16xf32> to vector<1x16xf32>
        tpu.vector_store %arg11[%swap3A, %swap3A_774], %swap3A_777 {add = true, strides = array<i32>} : memref<200x64xf32, #tpu.memory_space<vmem>>, vector<1x16xf32>,
        %get3A_778 = arith.index_cast %scan3A_770 : i32 to index
        %get3A_779 = arith.constant 16 : index
        %get3A_780 = tpu.vector_load %arg7[%get3A_778, %get3A_779] {strides = array<i32>} : memref<200x64xf32, #tpu.memory_space<vmem>>, vector<1x16xf32>,
        %get3A_781 = vector.shape_cast %get3A_780 : vector<1x16xf32> to vector<16xf32>
        %swap3A_782 = arith.index_cast %scan3A_770 : i32 to index
        %swap3A_783 = arith.constant 16 : index
        %swap3A_784 = tpu.vector_load %arg11[%swap3A_782, %swap3A_783] {strides = array<i32>} : memref<200x64xf32, #tpu.memory_space<vmem>>, vector<1x16xf32>,
        %swap3A_785 = vector.shape_cast %swap3A_784 : vector<1x16xf32> to vector<16xf32>
        %swap3A_786 = vector.shape_cast %get3A_781 : vector<16xf32> to vector<1x16xf32>
        tpu.vector_store %arg11[%swap3A_782, %swap3A_783], %swap3A_786 {add = true, strides = array<i32>} : memref<200x64xf32, #tpu.memory_space<vmem>>, vector<1x16xf32>,
        %get3A_787 = arith.index_cast %scan3A_770 : i32 to index
        %get3A_788 = arith.constant 32 : index
        %get3A_789 = tpu.vector_load %arg7[%get3A_787, %get3A_788] {strides = array<i32>} : memref<200x64xf32, #tpu.memory_space<vmem>>, vector<1x16xf32>,
        %get3A_790 = vector.shape_cast %get3A_789 : vector<1x16xf32> to vector<16xf32>
        %swap3A_791 = arith.index_cast %scan3A_770 : i32 to index
        %swap3A_792 = arith.constant 32 : index
        %swap3A_793 = tpu.vector_load %arg11[%swap3A_791, %swap3A_792] {strides = array<i32>} : memref<200x64xf32, #tpu.memory_space<vmem>>, vector<1x16xf32>,
        %swap3A_794 = vector.shape_cast %swap3A_793 : vector<1x16xf32> to vector<16xf32>
        %swap3A_795 = vector.shape_cast %get3A_790 : vector<16xf32> to vector<1x16xf32>
        tpu.vector_store %arg11[%swap3A_791, %swap3A_792], %swap3A_795 {add = true, strides = array<i32>} : memref<200x64xf32, #tpu.memory_space<vmem>>, vector<1x16xf32>,
        %get3A_796 = arith.index_cast %scan3A_770 : i32 to index
        %get3A_797 = arith.constant 48 : index
        %get3A_798 = tpu.vector_load %arg7[%get3A_796, %get3A_797] {strides = array<i32>} : memref<200x64xf32, #tpu.memory_space<vmem>>, vector<1x16xf32>,
        %get3A_799 = vector.shape_cast %get3A_798 : vector<1x16xf32> to vector<16xf32>
        %swap3A_800 = arith.index_cast %scan3A_770 : i32 to index
        %swap3A_801 = arith.constant 48 : index
        %swap3A_802 = tpu.vector_load %arg11[%swap3A_800, %swap3A_801] {strides = array<i32>} : memref<200x64xf32, #tpu.memory_space<vmem>>, vector<1x16xf32>,
        %swap3A_803 = vector.shape_cast %swap3A_802 : vector<1x16xf32> to vector<16xf32>
        %swap3A_804 = vector.shape_cast %get3A_799 : vector<16xf32> to vector<1x16xf32>
        tpu.vector_store %arg11[%swap3A_800, %swap3A_801], %swap3A_804 {add = true, strides = array<i32>} : memref<200x64xf32, #tpu.memory_space<vmem>>, vector<1x16xf32>,
        %scan3A_805 = arith.constant 1 : i32
        %scan3A_806 = arith.addi %scan3A_770, %scan3A_805 : i32
        %get3A_807 = arith.index_cast %scan3A_806 : i32 to index
        %get3A_808 = arith.constant 0 : index
        %get3A_809 = tpu.vector_load %arg7[%get3A_807, %get3A_808] {strides = array<i32>} : memref<200x64xf32, #tpu.memory_space<vmem>>, vector<1x16xf32>,
        %get3A_810 = vector.shape_cast %get3A_809 : vector<1x16xf32> to vector<16xf32>
        %swap3A_811 = arith.index_cast %scan3A_806 : i32 to index
        %swap3A_812 = arith.constant 0 : index
        %swap3A_813 = tpu.vector_load %arg11[%swap3A_811, %swap3A_812] {strides = array<i32>} : memref<200x64xf32, #tpu.memory_space<vmem>>, vector<1x16xf32>,
        %swap3A_814 = vector.shape_cast %swap3A_813 : vector<1x16xf32> to vector<16xf32>
        %swap3A_815 = vector.shape_cast %get3A_810 : vector<16xf32> to vector<1x16xf32>
        tpu.vector_store %arg11[%swap3A_811, %swap3A_812], %swap3A_815 {add = true, strides = array<i32>} : memref<200x64xf32, #tpu.memory_space<vmem>>, vector<1x16xf32>,
        %get3A_816 = arith.index_cast %scan3A_806 : i32 to index
        %get3A_817 = arith.constant 16 : index
        %get3A_818 = tpu.vector_load %arg7[%get3A_816, %get3A_817] {strides = array<i32>} : memref<200x64xf32, #tpu.memory_space<vmem>>, vector<1x16xf32>,
        %get3A_819 = vector.shape_cast %get3A_818 : vector<1x16xf32> to vector<16xf32>
        %swap3A_820 = arith.index_cast %scan3A_806 : i32 to index
        %swap3A_821 = arith.constant 16 : index
        %swap3A_822 = tpu.vector_load %arg11[%swap3A_820, %swap3A_821] {strides = array<i32>} : memref<200x64xf32, #tpu.memory_space<vmem>>, vector<1x16xf32>,
        %swap3A_823 = vector.shape_cast %swap3A_822 : vector<1x16xf32> to vector<16xf32>
        %swap3A_824 = vector.shape_cast %get3A_819 : vector<16xf32> to vector<1x16xf32>
        tpu.vector_store %arg11[%swap3A_820, %swap3A_821], %swap3A_824 {add = true, strides = array<i32>} : memref<200x64xf32, #tpu.memory_space<vmem>>, vector<1x16xf32>,
        %get3A_825 = arith.index_cast %scan3A_806 : i32 to index
        %get3A_826 = arith.constant 32 : index
        %get3A_827 = tpu.vector_load %arg7[%get3A_825, %get3A_826] {strides = array<i32>} : memref<200x64xf32, #tpu.memory_space<vmem>>, vector<1x16xf32>,
        %get3A_828 = vector.shape_cast %get3A_827 : vector<1x16xf32> to vector<16xf32>
        %swap3A_829 = arith.index_cast %scan3A_806 : i32 to index
        %swap3A_830 = arith.constant 32 : index
        %swap3A_831 = tpu.vector_load %arg11[%swap3A_829, %swap3A_830] {strides = array<i32>} : memref<200x64xf32, #tpu.memory_space<vmem>>, vector<1x16xf32>,
        %swap3A_832 = vector.shape_cast %swap3A_831 : vector<1x16xf32> to vector<16xf32>
        %swap3A_833 = vector.shape_cast %get3A_828 : vector<16xf32> to vector<1x16xf32>
        tpu.vector_store %arg11[%swap3A_829, %swap3A_830], %swap3A_833 {add = true, strides = array<i32>} : memref<200x64xf32, #tpu.memory_space<vmem>>, vector<1x16xf32>,
        %get3A_834 = arith.index_cast %scan3A_806 : i32 to index
        %get3A_835 = arith.constant 48 : index
        %get3A_836 = tpu.vector_load %arg7[%get3A_834, %get3A_835] {strides = array<i32>} : memref<200x64xf32, #tpu.memory_space<vmem>>, vector<1x16xf32>,
        %get3A_837 = vector.shape_cast %get3A_836 : vector<1x16xf32> to vector<16xf32>
        %swap3A_838 = arith.index_cast %scan3A_806 : i32 to index
        %swap3A_839 = arith.constant 48 : index
        %swap3A_840 = tpu.vector_load %arg11[%swap3A_838, %swap3A_839] {strides = array<i32>} : memref<200x64xf32, #tpu.memory_space<vmem>>, vector<1x16xf32>,
        %swap3A_841 = vector.shape_cast %swap3A_840 : vector<1x16xf32> to vector<16xf32>
        %swap3A_842 = vector.shape_cast %get3A_837 : vector<16xf32> to vector<1x16xf32>
        tpu.vector_store %arg11[%swap3A_838, %swap3A_839], %swap3A_842 {add = true, strides = array<i32>} : memref<200x64xf32, #tpu.memory_space<vmem>>, vector<1x16xf32>,
        %scan3A_843 = arith.constant 2 : i32
        %scan3A_844 = arith.addi %scan3A_770, %scan3A_843 : i32
        %get3A_845 = arith.index_cast %scan3A_844 : i32 to index
        %get3A_846 = arith.constant 0 : index
        %get3A_847 = tpu.vector_load %arg7[%get3A_845, %get3A_846] {strides = array<i32>} : memref<200x64xf32, #tpu.memory_space<vmem>>, vector<1x16xf32>,
        %get3A_848 = vector.shape_cast %get3A_847 : vector<1x16xf32> to vector<16xf32>
        %swap3A_849 = arith.index_cast %scan3A_844 : i32 to index
        %swap3A_850 = arith.constant 0 : index
        %swap3A_851 = tpu.vector_load %arg11[%swap3A_849, %swap3A_850] {strides = array<i32>} : memref<200x64xf32, #tpu.memory_space<vmem>>, vector<1x16xf32>,
        %swap3A_852 = vector.shape_cast %swap3A_851 : vector<1x16xf32> to vector<16xf32>
        %swap3A_853 = vector.shape_cast %get3A_848 : vector<16xf32> to vector<1x16xf32>
        tpu.vector_store %arg11[%swap3A_849, %swap3A_850], %swap3A_853 {add = true, strides = array<i32>} : memref<200x64xf32, #tpu.memory_space<vmem>>, vector<1x16xf32>,
        %get3A_854 = arith.index_cast %scan3A_844 : i32 to index
        %get3A_855 = arith.constant 16 : index
        %get3A_856 = tpu.vector_load %arg7[%get3A_854, %get3A_855] {strides = array<i32>} : memref<200x64xf32, #tpu.memory_space<vmem>>, vector<1x16xf32>,
        %get3A_857 = vector.shape_cast %get3A_856 : vector<1x16xf32> to vector<16xf32>
        %swap3A_858 = arith.index_cast %scan3A_844 : i32 to index
        %swap3A_859 = arith.constant 16 : index
        %swap3A_860 = tpu.vector_load %arg11[%swap3A_858, %swap3A_859] {strides = array<i32>} : memref<200x64xf32, #tpu.memory_space<vmem>>, vector<1x16xf32>,
        %swap3A_861 = vector.shape_cast %swap3A_860 : vector<1x16xf32> to vector<16xf32>
        %swap3A_862 = vector.shape_cast %get3A_857 : vector<16xf32> to vector<1x16xf32>
        tpu.vector_store %arg11[%swap3A_858, %swap3A_859], %swap3A_862 {add = true, strides = array<i32>} : memref<200x64xf32, #tpu.memory_space<vmem>>, vector<1x16xf32>,
        %get3A_863 = arith.index_cast %scan3A_844 : i32 to index
        %get3A_864 = arith.constant 32 : index
        %get3A_865 = tpu.vector_load %arg7[%get3A_863, %get3A_864] {strides = array<i32>} : memref<200x64xf32, #tpu.memory_space<vmem>>, vector<1x16xf32>,
        %get3A_866 = vector.shape_cast %get3A_865 : vector<1x16xf32> to vector<16xf32>
        %swap3A_867 = arith.index_cast %scan3A_844 : i32 to index
        %swap3A_868 = arith.constant 32 : index
        %swap3A_869 = tpu.vector_load %arg11[%swap3A_867, %swap3A_868] {strides = array<i32>} : memref<200x64xf32, #tpu.memory_space<vmem>>, vector<1x16xf32>,
        %swap3A_870 = vector.shape_cast %swap3A_869 : vector<1x16xf32> to vector<16xf32>
        %swap3A_871 = vector.shape_cast %get3A_866 : vector<16xf32> to vector<1x16xf32>
        tpu.vector_store %arg11[%swap3A_867, %swap3A_868], %swap3A_871 {add = true, strides = array<i32>} : memref<200x64xf32, #tpu.memory_space<vmem>>, vector<1x16xf32>,
        %get3A_872 = arith.index_cast %scan3A_844 : i32 to index
        %get3A_873 = arith.constant 48 : index
        %get3A_874 = tpu.vector_load %arg7[%get3A_872, %get3A_873] {strides = array<i32>} : memref<200x64xf32, #tpu.memory_space<vmem>>, vector<1x16xf32>,
        %get3A_875 = vector.shape_cast %get3A_874 : vector<1x16xf32> to vector<16xf32>
        %swap3A_876 = arith.index_cast %scan3A_844 : i32 to index
        %swap3A_877 = arith.constant 48 : index
        %swap3A_878 = tpu.vector_load %arg11[%swap3A_876, %swap3A_877] {strides = array<i32>} : memref<200x64xf32, #tpu.memory_space<vmem>>, vector<1x16xf32>,
        %swap3A_879 = vector.shape_cast %swap3A_878 : vector<1x16xf32> to vector<16xf32>
        %swap3A_880 = vector.shape_cast %get3A_875 : vector<16xf32> to vector<1x16xf32>
        tpu.vector_store %arg11[%swap3A_876, %swap3A_877], %swap3A_880 {add = true, strides = array<i32>} : memref<200x64xf32, #tpu.memory_space<vmem>>, vector<1x16xf32>,
        %scan3A_881 = arith.constant 3 : i32
        %scan3A_882 = arith.addi %scan3A_770, %scan3A_881 : i32
        %get3A_883 = arith.index_cast %scan3A_882 : i32 to index
        %get3A_884 = arith.constant 0 : index
        %get3A_885 = tpu.vector_load %arg7[%get3A_883, %get3A_884] {strides = array<i32>} : memref<200x64xf32, #tpu.memory_space<vmem>>, vector<1x16xf32>,
        %get3A_886 = vector.shape_cast %get3A_885 : vector<1x16xf32> to vector<16xf32>
        %swap3A_887 = arith.index_cast %scan3A_882 : i32 to index
        %swap3A_888 = arith.constant 0 : index
        %swap3A_889 = tpu.vector_load %arg11[%swap3A_887, %swap3A_888] {strides = array<i32>} : memref<200x64xf32, #tpu.memory_space<vmem>>, vector<1x16xf32>,
        %swap3A_890 = vector.shape_cast %swap3A_889 : vector<1x16xf32> to vector<16xf32>
        %swap3A_891 = vector.shape_cast %get3A_886 : vector<16xf32> to vector<1x16xf32>
        tpu.vector_store %arg11[%swap3A_887, %swap3A_888], %swap3A_891 {add = true, strides = array<i32>} : memref<200x64xf32, #tpu.memory_space<vmem>>, vector<1x16xf32>,
        %get3A_892 = arith.index_cast %scan3A_882 : i32 to index
        %get3A_893 = arith.constant 16 : index
        %get3A_894 = tpu.vector_load %arg7[%get3A_892, %get3A_893] {strides = array<i32>} : memref<200x64xf32, #tpu.memory_space<vmem>>, vector<1x16xf32>,
        %get3A_895 = vector.shape_cast %get3A_894 : vector<1x16xf32> to vector<16xf32>
        %swap3A_896 = arith.index_cast %scan3A_882 : i32 to index
        %swap3A_897 = arith.constant 16 : index
        %swap3A_898 = tpu.vector_load %arg11[%swap3A_896, %swap3A_897] {strides = array<i32>} : memref<200x64xf32, #tpu.memory_space<vmem>>, vector<1x16xf32>,
        %swap3A_899 = vector.shape_cast %swap3A_898 : vector<1x16xf32> to vector<16xf32>
        %swap3A_900 = vector.shape_cast %get3A_895 : vector<16xf32> to vector<1x16xf32>
        tpu.vector_store %arg11[%swap3A_896, %swap3A_897], %swap3A_900 {add = true, strides = array<i32>} : memref<200x64xf32, #tpu.memory_space<vmem>>, vector<1x16xf32>,
        %get3A_901 = arith.index_cast %scan3A_882 : i32 to index
        %get3A_902 = arith.constant 32 : index
        %get3A_903 = tpu.vector_load %arg7[%get3A_901, %get3A_902] {strides = array<i32>} : memref<200x64xf32, #tpu.memory_space<vmem>>, vector<1x16xf32>,
        %get3A_904 = vector.shape_cast %get3A_903 : vector<1x16xf32> to vector<16xf32>
        %swap3A_905 = arith.index_cast %scan3A_882 : i32 to index
        %swap3A_906 = arith.constant 32 : index
        %swap3A_907 = tpu.vector_load %arg11[%swap3A_905, %swap3A_906] {strides = array<i32>} : memref<200x64xf32, #tpu.memory_space<vmem>>, vector<1x16xf32>,
        %swap3A_908 = vector.shape_cast %swap3A_907 : vector<1x16xf32> to vector<16xf32>
        %swap3A_909 = vector.shape_cast %get3A_904 : vector<16xf32> to vector<1x16xf32>
        tpu.vector_store %arg11[%swap3A_905, %swap3A_906], %swap3A_909 {add = true, strides = array<i32>} : memref<200x64xf32, #tpu.memory_space<vmem>>, vector<1x16xf32>,
        %get3A_910 = arith.index_cast %scan3A_882 : i32 to index
        %get3A_911 = arith.constant 48 : index
        %get3A_912 = tpu.vector_load %arg7[%get3A_910, %get3A_911] {strides = array<i32>} : memref<200x64xf32, #tpu.memory_space<vmem>>, vector<1x16xf32>,
        %get3A_913 = vector.shape_cast %get3A_912 : vector<1x16xf32> to vector<16xf32>
        %swap3A_914 = arith.index_cast %scan3A_882 : i32 to index
        %swap3A_915 = arith.constant 48 : index
        %swap3A_916 = tpu.vector_load %arg11[%swap3A_914, %swap3A_915] {strides = array<i32>} : memref<200x64xf32, #tpu.memory_space<vmem>>, vector<1x16xf32>,
        %swap3A_917 = vector.shape_cast %swap3A_916 : vector<1x16xf32> to vector<16xf32>
        %swap3A_918 = vector.shape_cast %get3A_913 : vector<16xf32> to vector<1x16xf32>
        tpu.vector_store %arg11[%swap3A_914, %swap3A_915], %swap3A_918 {add = true, strides = array<i32>} : memref<200x64xf32, #tpu.memory_space<vmem>>, vector<1x16xf32>,
      }
      %scan3A_759 = arith.constant 200 : i32
      %add3A_760 = arith.constant 3 : i32
      %add3A_761 = arith.addi %mul3A_481, %add3A_760 : i32
      %mul3A_762 = arith.constant 200 : i32
      %mul3A_763 = arith.muli %add3A_761, %mul3A_762 : i32
      %add3A_764 = arith.addi %mul3A_4, %mul3A_763 : i32
      %multiple_of3A_765 = tpu.assume_multiple %add3A_764, 8 : i32
      %dma_start3A_766 = arith.constant 0 : i32
      %dma_start3A_767 = tpu.memref_slice %arg5[%multiple_of3A_765, %dma_start3A_766] : memref<819200x64xf32, #tpu.memory_space<hbm>> -> memref<200x64xf32, #tpu.memory_space<hbm>>
      %dma_start3A_768 = arith.constant 0 : i32
      %dma_start3A_769 = tpu.memref_slice %arg5[%multiple_of3A_765, %dma_start3A_768] : memref<819200x64xf32, #tpu.memory_space<hbm>> -> memref<200x64xf32, #tpu.memory_space<hbm>>
      tpu.enqueue_dma source(%arg11 : memref<200x64xf32, #tpu.memory_space<vmem>>) target(%dma_start3A_769 : memref<200x64xf32, #tpu.memory_space<hbm>>) target_semaphore(%arg19 : memref<!tpu.dma_semaphore, #tpu.memory_space<semaphore_mem>>)
    }
    %scan3A_270 = arith.constant 30 : i32
    %dma_wait3A_271 = arith.constant 0 : i32
    %dma_wait3A_272 = arith.constant 0 : i32
    %dma_wait3A_273 = arith.constant 0 : i32
    %dma_wait3A_274 = tpu.memref_slice %arg8[%dma_wait3A_272, %dma_wait3A_273] : memref<200x64xf32, #tpu.memory_space<vmem>> -> memref<100x64xf32, #tpu.memory_space<vmem>>
    %dma_wait3A_275 = arith.constant 0 : i32
    %dma_wait3A_276 = tpu.memref_slice %arg6[%dma_wait3A_271, %dma_wait3A_275] : memref<256x100xi32, #tpu.memory_space<vmem>> -> memref<1x100xi32, #tpu.memory_space<vmem>>
    %dma_wait3A_277 = tpu.memref_squeeze %dma_wait3A_276 : memref<1x100xi32, #tpu.memory_space<vmem>> -> memref<100xi32, #tpu.memory_space<vmem>>
    %dma_wait3A_278 = arith.constant 0 : i32
    %dma_wait3A_279 = arith.constant 0 : i32
    %dma_wait3A_280 = tpu.memref_slice %arg3[%dma_wait3A_278, %dma_wait3A_279] : memref<100000x64xf32, #tpu.memory_space<hbm>> -> memref<100000x64xf32, #tpu.memory_space<hbm>>
    tpu.wait_indirect_dma semaphore(%arg12 : memref<!tpu.dma_semaphore, #tpu.memory_space<semaphore_mem>>) src(%dma_wait3A_280 : memref<100000x64xf32, #tpu.memory_space<hbm>>) dst(%dma_wait3A_274 : memref<100x64xf32, #tpu.memory_space<vmem>>)
    %dma_wait3A_281 = arith.constant 0 : i32
    %dma_wait3A_282 = arith.constant 100 : i32
    %dma_wait3A_283 = arith.constant 0 : i32
    %dma_wait3A_284 = tpu.memref_slice %arg8[%dma_wait3A_282, %dma_wait3A_283] : memref<200x64xf32, #tpu.memory_space<vmem>> -> memref<100x64xf32, #tpu.memory_space<vmem>>
    %dma_wait3A_285 = arith.constant 0 : i32
    %dma_wait3A_286 = tpu.memref_slice %arg6[%dma_wait3A_281, %dma_wait3A_285] : memref<256x100xi32, #tpu.memory_space<vmem>> -> memref<1x100xi32, #tpu.memory_space<vmem>>
    %dma_wait3A_287 = tpu.memref_squeeze %dma_wait3A_286 : memref<1x100xi32, #tpu.memory_space<vmem>> -> memref<100xi32, #tpu.memory_space<vmem>>
    %dma_wait3A_288 = arith.constant 0 : i32
    %dma_wait3A_289 = arith.constant 0 : i32
    %dma_wait3A_290 = tpu.memref_slice %arg3[%dma_wait3A_288, %dma_wait3A_289] : memref<100000x64xf32, #tpu.memory_space<hbm>> -> memref<100000x64xf32, #tpu.memory_space<hbm>>
    tpu.wait_indirect_dma semaphore(%arg12 : memref<!tpu.dma_semaphore, #tpu.memory_space<semaphore_mem>>) src(%dma_wait3A_290 : memref<100000x64xf32, #tpu.memory_space<hbm>>) dst(%dma_wait3A_284 : memref<100x64xf32, #tpu.memory_space<vmem>>)
    %dma_wait3A_291 = arith.constant 0 : i32
    %dma_wait3A_292 = arith.constant 0 : i32
    %dma_wait3A_293 = tpu.memref_slice %arg5[%dma_wait3A_291, %dma_wait3A_292] : memref<819200x64xf32, #tpu.memory_space<hbm>> -> memref<200x64xf32, #tpu.memory_space<hbm>>
    %dma_wait3A_294 = arith.constant 0 : i32
    %dma_wait3A_295 = arith.constant 0 : i32
    %dma_wait3A_296 = tpu.memref_slice %arg5[%dma_wait3A_294, %dma_wait3A_295] : memref<819200x64xf32, #tpu.memory_space<hbm>> -> memref<200x64xf32, #tpu.memory_space<hbm>>
    tpu.wait_dma2 semaphore(%arg18 : memref<!tpu.dma_semaphore, #tpu.memory_space<semaphore_mem>>) src(%arg10 : memref<200x64xf32, #tpu.memory_space<vmem>>) dst(%dma_wait3A_296 : memref<200x64xf32, #tpu.memory_space<hbm>>)
    %dma_start3A_297 = arith.constant 252 : i32
    %dma_start3A_298 = arith.constant 0 : i32
    %dma_start3A_299 = arith.constant 0 : i32
    %dma_start3A_300 = tpu.memref_slice %arg10[%dma_start3A_298, %dma_start3A_299] : memref<200x64xf32, #tpu.memory_space<vmem>> -> memref<100x64xf32, #tpu.memory_space<vmem>>
    %dma_start3A_301 = arith.constant 0 : i32
    %dma_start3A_302 = tpu.memref_slice %arg6[%dma_start3A_297, %dma_start3A_301] : memref<256x100xi32, #tpu.memory_space<vmem>> -> memref<1x100xi32, #tpu.memory_space<vmem>>
    %dma_start3A_303 = tpu.memref_squeeze %dma_start3A_302 : memref<1x100xi32, #tpu.memory_space<vmem>> -> memref<100xi32, #tpu.memory_space<vmem>>
    %dma_start3A_304 = arith.constant 0 : i32
    %dma_start3A_305 = arith.constant 0 : i32
    %dma_start3A_306 = tpu.memref_slice %arg3[%dma_start3A_304, %dma_start3A_305] : memref<100000x64xf32, #tpu.memory_space<hbm>> -> memref<100000x64xf32, #tpu.memory_space<hbm>>
    tpu.enqueue_indirect_dma source(%dma_start3A_306 : memref<100000x64xf32, #tpu.memory_space<hbm>>) target(%dma_start3A_300 : memref<100x64xf32, #tpu.memory_space<vmem>>) offsets(%dma_start3A_303 : memref<100xi32, #tpu.memory_space<vmem>>) semaphore(%arg14 : memref<!tpu.dma_semaphore, #tpu.memory_space<semaphore_mem>>)
    %dma_start3A_307 = arith.constant 253 : i32
    %dma_start3A_308 = arith.constant 100 : i32
    %dma_start3A_309 = arith.constant 0 : i32
    %dma_start3A_310 = tpu.memref_slice %arg10[%dma_start3A_308, %dma_start3A_309] : memref<200x64xf32, #tpu.memory_space<vmem>> -> memref<100x64xf32, #tpu.memory_space<vmem>>
    %dma_start3A_311 = arith.constant 0 : i32
    %dma_start3A_312 = tpu.memref_slice %arg6[%dma_start3A_307, %dma_start3A_311] : memref<256x100xi32, #tpu.memory_space<vmem>> -> memref<1x100xi32, #tpu.memory_space<vmem>>
    %dma_start3A_313 = tpu.memref_squeeze %dma_start3A_312 : memref<1x100xi32, #tpu.memory_space<vmem>> -> memref<100xi32, #tpu.memory_space<vmem>>
    %dma_start3A_314 = arith.constant 0 : i32
    %dma_start3A_315 = arith.constant 0 : i32
    %dma_start3A_316 = tpu.memref_slice %arg3[%dma_start3A_314, %dma_start3A_315] : memref<100000x64xf32, #tpu.memory_space<hbm>> -> memref<100000x64xf32, #tpu.memory_space<hbm>>
    tpu.enqueue_indirect_dma source(%dma_start3A_316 : memref<100000x64xf32, #tpu.memory_space<hbm>>) target(%dma_start3A_310 : memref<100x64xf32, #tpu.memory_space<vmem>>) offsets(%dma_start3A_313 : memref<100xi32, #tpu.memory_space<vmem>>) semaphore(%arg14 : memref<!tpu.dma_semaphore, #tpu.memory_space<semaphore_mem>>)
    %scan3A_317 = arith.constant 0 : i32
    %scan3A_318 = arith.constant 0 : i32
    %scan3A_319 = arith.constant 200 : i32
    %scan3A_320 = arith.addi %scan3A_318, %scan3A_319 : i32
    %scan3A_321 = arith.constant 4 : i32
    scf.for %scan3A_479 = %scan3A_318 to %scan3A_320 step %scan3A_321  : i32 {
      %get3A = arith.index_cast %scan3A_479 : i32 to index
      %get3A_480 = arith.constant 0 : index
      %get3A_481 = tpu.vector_load %arg7[%get3A, %get3A_480] {strides = array<i32>} : memref<200x64xf32, #tpu.memory_space<vmem>>, vector<1x16xf32>,
      %get3A_482 = vector.shape_cast %get3A_481 : vector<1x16xf32> to vector<16xf32>
      %swap3A = arith.index_cast %scan3A_479 : i32 to index
      %swap3A_483 = arith.constant 0 : index
      %swap3A_484 = tpu.vector_load %arg8[%swap3A, %swap3A_483] {strides = array<i32>} : memref<200x64xf32, #tpu.memory_space<vmem>>, vector<1x16xf32>,
      %swap3A_485 = vector.shape_cast %swap3A_484 : vector<1x16xf32> to vector<16xf32>
      %swap3A_486 = vector.shape_cast %get3A_482 : vector<16xf32> to vector<1x16xf32>
      tpu.vector_store %arg8[%swap3A, %swap3A_483], %swap3A_486 {add = true, strides = array<i32>} : memref<200x64xf32, #tpu.memory_space<vmem>>, vector<1x16xf32>,
      %get3A_487 = arith.index_cast %scan3A_479 : i32 to index
      %get3A_488 = arith.constant 16 : index
      %get3A_489 = tpu.vector_load %arg7[%get3A_487, %get3A_488] {strides = array<i32>} : memref<200x64xf32, #tpu.memory_space<vmem>>, vector<1x16xf32>,
      %get3A_490 = vector.shape_cast %get3A_489 : vector<1x16xf32> to vector<16xf32>
      %swap3A_491 = arith.index_cast %scan3A_479 : i32 to index
      %swap3A_492 = arith.constant 16 : index
      %swap3A_493 = tpu.vector_load %arg8[%swap3A_491, %swap3A_492] {strides = array<i32>} : memref<200x64xf32, #tpu.memory_space<vmem>>, vector<1x16xf32>,
      %swap3A_494 = vector.shape_cast %swap3A_493 : vector<1x16xf32> to vector<16xf32>
      %swap3A_495 = vector.shape_cast %get3A_490 : vector<16xf32> to vector<1x16xf32>
      tpu.vector_store %arg8[%swap3A_491, %swap3A_492], %swap3A_495 {add = true, strides = array<i32>} : memref<200x64xf32, #tpu.memory_space<vmem>>, vector<1x16xf32>,
      %get3A_496 = arith.index_cast %scan3A_479 : i32 to index
      %get3A_497 = arith.constant 32 : index
      %get3A_498 = tpu.vector_load %arg7[%get3A_496, %get3A_497] {strides = array<i32>} : memref<200x64xf32, #tpu.memory_space<vmem>>, vector<1x16xf32>,
      %get3A_499 = vector.shape_cast %get3A_498 : vector<1x16xf32> to vector<16xf32>
      %swap3A_500 = arith.index_cast %scan3A_479 : i32 to index
      %swap3A_501 = arith.constant 32 : index
      %swap3A_502 = tpu.vector_load %arg8[%swap3A_500, %swap3A_501] {strides = array<i32>} : memref<200x64xf32, #tpu.memory_space<vmem>>, vector<1x16xf32>,
      %swap3A_503 = vector.shape_cast %swap3A_502 : vector<1x16xf32> to vector<16xf32>
      %swap3A_504 = vector.shape_cast %get3A_499 : vector<16xf32> to vector<1x16xf32>
      tpu.vector_store %arg8[%swap3A_500, %swap3A_501], %swap3A_504 {add = true, strides = array<i32>} : memref<200x64xf32, #tpu.memory_space<vmem>>, vector<1x16xf32>,
      %get3A_505 = arith.index_cast %scan3A_479 : i32 to index
      %get3A_506 = arith.constant 48 : index
      %get3A_507 = tpu.vector_load %arg7[%get3A_505, %get3A_506] {strides = array<i32>} : memref<200x64xf32, #tpu.memory_space<vmem>>, vector<1x16xf32>,
      %get3A_508 = vector.shape_cast %get3A_507 : vector<1x16xf32> to vector<16xf32>
      %swap3A_509 = arith.index_cast %scan3A_479 : i32 to index
      %swap3A_510 = arith.constant 48 : index
      %swap3A_511 = tpu.vector_load %arg8[%swap3A_509, %swap3A_510] {strides = array<i32>} : memref<200x64xf32, #tpu.memory_space<vmem>>, vector<1x16xf32>,
      %swap3A_512 = vector.shape_cast %swap3A_511 : vector<1x16xf32> to vector<16xf32>
      %swap3A_513 = vector.shape_cast %get3A_508 : vector<16xf32> to vector<1x16xf32>
      tpu.vector_store %arg8[%swap3A_509, %swap3A_510], %swap3A_513 {add = true, strides = array<i32>} : memref<200x64xf32, #tpu.memory_space<vmem>>, vector<1x16xf32>,
      %scan3A_514 = arith.constant 1 : i32
      %scan3A_515 = arith.addi %scan3A_479, %scan3A_514 : i32
      %get3A_516 = arith.index_cast %scan3A_515 : i32 to index
      %get3A_517 = arith.constant 0 : index
      %get3A_518 = tpu.vector_load %arg7[%get3A_516, %get3A_517] {strides = array<i32>} : memref<200x64xf32, #tpu.memory_space<vmem>>, vector<1x16xf32>,
      %get3A_519 = vector.shape_cast %get3A_518 : vector<1x16xf32> to vector<16xf32>
      %swap3A_520 = arith.index_cast %scan3A_515 : i32 to index
      %swap3A_521 = arith.constant 0 : index
      %swap3A_522 = tpu.vector_load %arg8[%swap3A_520, %swap3A_521] {strides = array<i32>} : memref<200x64xf32, #tpu.memory_space<vmem>>, vector<1x16xf32>,
      %swap3A_523 = vector.shape_cast %swap3A_522 : vector<1x16xf32> to vector<16xf32>
      %swap3A_524 = vector.shape_cast %get3A_519 : vector<16xf32> to vector<1x16xf32>
      tpu.vector_store %arg8[%swap3A_520, %swap3A_521], %swap3A_524 {add = true, strides = array<i32>} : memref<200x64xf32, #tpu.memory_space<vmem>>, vector<1x16xf32>,
      %get3A_525 = arith.index_cast %scan3A_515 : i32 to index
      %get3A_526 = arith.constant 16 : index
      %get3A_527 = tpu.vector_load %arg7[%get3A_525, %get3A_526] {strides = array<i32>} : memref<200x64xf32, #tpu.memory_space<vmem>>, vector<1x16xf32>,
      %get3A_528 = vector.shape_cast %get3A_527 : vector<1x16xf32> to vector<16xf32>
      %swap3A_529 = arith.index_cast %scan3A_515 : i32 to index
      %swap3A_530 = arith.constant 16 : index
      %swap3A_531 = tpu.vector_load %arg8[%swap3A_529, %swap3A_530] {strides = array<i32>} : memref<200x64xf32, #tpu.memory_space<vmem>>, vector<1x16xf32>,
      %swap3A_532 = vector.shape_cast %swap3A_531 : vector<1x16xf32> to vector<16xf32>
      %swap3A_533 = vector.shape_cast %get3A_528 : vector<16xf32> to vector<1x16xf32>
      tpu.vector_store %arg8[%swap3A_529, %swap3A_530], %swap3A_533 {add = true, strides = array<i32>} : memref<200x64xf32, #tpu.memory_space<vmem>>, vector<1x16xf32>,
      %get3A_534 = arith.index_cast %scan3A_515 : i32 to index
      %get3A_535 = arith.constant 32 : index
      %get3A_536 = tpu.vector_load %arg7[%get3A_534, %get3A_535] {strides = array<i32>} : memref<200x64xf32, #tpu.memory_space<vmem>>, vector<1x16xf32>,
      %get3A_537 = vector.shape_cast %get3A_536 : vector<1x16xf32> to vector<16xf32>
      %swap3A_538 = arith.index_cast %scan3A_515 : i32 to index
      %swap3A_539 = arith.constant 32 : index
      %swap3A_540 = tpu.vector_load %arg8[%swap3A_538, %swap3A_539] {strides = array<i32>} : memref<200x64xf32, #tpu.memory_space<vmem>>, vector<1x16xf32>,
      %swap3A_541 = vector.shape_cast %swap3A_540 : vector<1x16xf32> to vector<16xf32>
      %swap3A_542 = vector.shape_cast %get3A_537 : vector<16xf32> to vector<1x16xf32>
      tpu.vector_store %arg8[%swap3A_538, %swap3A_539], %swap3A_542 {add = true, strides = array<i32>} : memref<200x64xf32, #tpu.memory_space<vmem>>, vector<1x16xf32>,
      %get3A_543 = arith.index_cast %scan3A_515 : i32 to index
      %get3A_544 = arith.constant 48 : index
      %get3A_545 = tpu.vector_load %arg7[%get3A_543, %get3A_544] {strides = array<i32>} : memref<200x64xf32, #tpu.memory_space<vmem>>, vector<1x16xf32>,
      %get3A_546 = vector.shape_cast %get3A_545 : vector<1x16xf32> to vector<16xf32>
      %swap3A_547 = arith.index_cast %scan3A_515 : i32 to index
      %swap3A_548 = arith.constant 48 : index
      %swap3A_549 = tpu.vector_load %arg8[%swap3A_547, %swap3A_548] {strides = array<i32>} : memref<200x64xf32, #tpu.memory_space<vmem>>, vector<1x16xf32>,
      %swap3A_550 = vector.shape_cast %swap3A_549 : vector<1x16xf32> to vector<16xf32>
      %swap3A_551 = vector.shape_cast %get3A_546 : vector<16xf32> to vector<1x16xf32>
      tpu.vector_store %arg8[%swap3A_547, %swap3A_548], %swap3A_551 {add = true, strides = array<i32>} : memref<200x64xf32, #tpu.memory_space<vmem>>, vector<1x16xf32>,
      %scan3A_552 = arith.constant 2 : i32
      %scan3A_553 = arith.addi %scan3A_479, %scan3A_552 : i32
      %get3A_554 = arith.index_cast %scan3A_553 : i32 to index
      %get3A_555 = arith.constant 0 : index
      %get3A_556 = tpu.vector_load %arg7[%get3A_554, %get3A_555] {strides = array<i32>} : memref<200x64xf32, #tpu.memory_space<vmem>>, vector<1x16xf32>,
      %get3A_557 = vector.shape_cast %get3A_556 : vector<1x16xf32> to vector<16xf32>
      %swap3A_558 = arith.index_cast %scan3A_553 : i32 to index
      %swap3A_559 = arith.constant 0 : index
      %swap3A_560 = tpu.vector_load %arg8[%swap3A_558, %swap3A_559] {strides = array<i32>} : memref<200x64xf32, #tpu.memory_space<vmem>>, vector<1x16xf32>,
      %swap3A_561 = vector.shape_cast %swap3A_560 : vector<1x16xf32> to vector<16xf32>
      %swap3A_562 = vector.shape_cast %get3A_557 : vector<16xf32> to vector<1x16xf32>
      tpu.vector_store %arg8[%swap3A_558, %swap3A_559], %swap3A_562 {add = true, strides = array<i32>} : memref<200x64xf32, #tpu.memory_space<vmem>>, vector<1x16xf32>,
      %get3A_563 = arith.index_cast %scan3A_553 : i32 to index
      %get3A_564 = arith.constant 16 : index
      %get3A_565 = tpu.vector_load %arg7[%get3A_563, %get3A_564] {strides = array<i32>} : memref<200x64xf32, #tpu.memory_space<vmem>>, vector<1x16xf32>,
      %get3A_566 = vector.shape_cast %get3A_565 : vector<1x16xf32> to vector<16xf32>
      %swap3A_567 = arith.index_cast %scan3A_553 : i32 to index
      %swap3A_568 = arith.constant 16 : index
      %swap3A_569 = tpu.vector_load %arg8[%swap3A_567, %swap3A_568] {strides = array<i32>} : memref<200x64xf32, #tpu.memory_space<vmem>>, vector<1x16xf32>,
      %swap3A_570 = vector.shape_cast %swap3A_569 : vector<1x16xf32> to vector<16xf32>
      %swap3A_571 = vector.shape_cast %get3A_566 : vector<16xf32> to vector<1x16xf32>
      tpu.vector_store %arg8[%swap3A_567, %swap3A_568], %swap3A_571 {add = true, strides = array<i32>} : memref<200x64xf32, #tpu.memory_space<vmem>>, vector<1x16xf32>,
      %get3A_572 = arith.index_cast %scan3A_553 : i32 to index
      %get3A_573 = arith.constant 32 : index
      %get3A_574 = tpu.vector_load %arg7[%get3A_572, %get3A_573] {strides = array<i32>} : memref<200x64xf32, #tpu.memory_space<vmem>>, vector<1x16xf32>,
      %get3A_575 = vector.shape_cast %get3A_574 : vector<1x16xf32> to vector<16xf32>
      %swap3A_576 = arith.index_cast %scan3A_553 : i32 to index
      %swap3A_577 = arith.constant 32 : index
      %swap3A_578 = tpu.vector_load %arg8[%swap3A_576, %swap3A_577] {strides = array<i32>} : memref<200x64xf32, #tpu.memory_space<vmem>>, vector<1x16xf32>,
      %swap3A_579 = vector.shape_cast %swap3A_578 : vector<1x16xf32> to vector<16xf32>
      %swap3A_580 = vector.shape_cast %get3A_575 : vector<16xf32> to vector<1x16xf32>
      tpu.vector_store %arg8[%swap3A_576, %swap3A_577], %swap3A_580 {add = true, strides = array<i32>} : memref<200x64xf32, #tpu.memory_space<vmem>>, vector<1x16xf32>,
      %get3A_581 = arith.index_cast %scan3A_553 : i32 to index
      %get3A_582 = arith.constant 48 : index
      %get3A_583 = tpu.vector_load %arg7[%get3A_581, %get3A_582] {strides = array<i32>} : memref<200x64xf32, #tpu.memory_space<vmem>>, vector<1x16xf32>,
      %get3A_584 = vector.shape_cast %get3A_583 : vector<1x16xf32> to vector<16xf32>
      %swap3A_585 = arith.index_cast %scan3A_553 : i32 to index
      %swap3A_586 = arith.constant 48 : index
      %swap3A_587 = tpu.vector_load %arg8[%swap3A_585, %swap3A_586] {strides = array<i32>} : memref<200x64xf32, #tpu.memory_space<vmem>>, vector<1x16xf32>,
      %swap3A_588 = vector.shape_cast %swap3A_587 : vector<1x16xf32> to vector<16xf32>
      %swap3A_589 = vector.shape_cast %get3A_584 : vector<16xf32> to vector<1x16xf32>
      tpu.vector_store %arg8[%swap3A_585, %swap3A_586], %swap3A_589 {add = true, strides = array<i32>} : memref<200x64xf32, #tpu.memory_space<vmem>>, vector<1x16xf32>,
      %scan3A_590 = arith.constant 3 : i32
      %scan3A_591 = arith.addi %scan3A_479, %scan3A_590 : i32
      %get3A_592 = arith.index_cast %scan3A_591 : i32 to index
      %get3A_593 = arith.constant 0 : index
      %get3A_594 = tpu.vector_load %arg7[%get3A_592, %get3A_593] {strides = array<i32>} : memref<200x64xf32, #tpu.memory_space<vmem>>, vector<1x16xf32>,
      %get3A_595 = vector.shape_cast %get3A_594 : vector<1x16xf32> to vector<16xf32>
      %swap3A_596 = arith.index_cast %scan3A_591 : i32 to index
      %swap3A_597 = arith.constant 0 : index
      %swap3A_598 = tpu.vector_load %arg8[%swap3A_596, %swap3A_597] {strides = array<i32>} : memref<200x64xf32, #tpu.memory_space<vmem>>, vector<1x16xf32>,
      %swap3A_599 = vector.shape_cast %swap3A_598 : vector<1x16xf32> to vector<16xf32>
      %swap3A_600 = vector.shape_cast %get3A_595 : vector<16xf32> to vector<1x16xf32>
      tpu.vector_store %arg8[%swap3A_596, %swap3A_597], %swap3A_600 {add = true, strides = array<i32>} : memref<200x64xf32, #tpu.memory_space<vmem>>, vector<1x16xf32>,
      %get3A_601 = arith.index_cast %scan3A_591 : i32 to index
      %get3A_602 = arith.constant 16 : index
      %get3A_603 = tpu.vector_load %arg7[%get3A_601, %get3A_602] {strides = array<i32>} : memref<200x64xf32, #tpu.memory_space<vmem>>, vector<1x16xf32>,
      %get3A_604 = vector.shape_cast %get3A_603 : vector<1x16xf32> to vector<16xf32>
      %swap3A_605 = arith.index_cast %scan3A_591 : i32 to index
      %swap3A_606 = arith.constant 16 : index
      %swap3A_607 = tpu.vector_load %arg8[%swap3A_605, %swap3A_606] {strides = array<i32>} : memref<200x64xf32, #tpu.memory_space<vmem>>, vector<1x16xf32>,
      %swap3A_608 = vector.shape_cast %swap3A_607 : vector<1x16xf32> to vector<16xf32>
      %swap3A_609 = vector.shape_cast %get3A_604 : vector<16xf32> to vector<1x16xf32>
      tpu.vector_store %arg8[%swap3A_605, %swap3A_606], %swap3A_609 {add = true, strides = array<i32>} : memref<200x64xf32, #tpu.memory_space<vmem>>, vector<1x16xf32>,
      %get3A_610 = arith.index_cast %scan3A_591 : i32 to index
      %get3A_611 = arith.constant 32 : index
      %get3A_612 = tpu.vector_load %arg7[%get3A_610, %get3A_611] {strides = array<i32>} : memref<200x64xf32, #tpu.memory_space<vmem>>, vector<1x16xf32>,
      %get3A_613 = vector.shape_cast %get3A_612 : vector<1x16xf32> to vector<16xf32>
      %swap3A_614 = arith.index_cast %scan3A_591 : i32 to index
      %swap3A_615 = arith.constant 32 : index
      %swap3A_616 = tpu.vector_load %arg8[%swap3A_614, %swap3A_615] {strides = array<i32>} : memref<200x64xf32, #tpu.memory_space<vmem>>, vector<1x16xf32>,
      %swap3A_617 = vector.shape_cast %swap3A_616 : vector<1x16xf32> to vector<16xf32>
      %swap3A_618 = vector.shape_cast %get3A_613 : vector<16xf32> to vector<1x16xf32>
      tpu.vector_store %arg8[%swap3A_614, %swap3A_615], %swap3A_618 {add = true, strides = array<i32>} : memref<200x64xf32, #tpu.memory_space<vmem>>, vector<1x16xf32>,
      %get3A_619 = arith.index_cast %scan3A_591 : i32 to index
      %get3A_620 = arith.constant 48 : index
      %get3A_621 = tpu.vector_load %arg7[%get3A_619, %get3A_620] {strides = array<i32>} : memref<200x64xf32, #tpu.memory_space<vmem>>, vector<1x16xf32>,
      %get3A_622 = vector.shape_cast %get3A_621 : vector<1x16xf32> to vector<16xf32>
      %swap3A_623 = arith.index_cast %scan3A_591 : i32 to index
      %swap3A_624 = arith.constant 48 : index
      %swap3A_625 = tpu.vector_load %arg8[%swap3A_623, %swap3A_624] {strides = array<i32>} : memref<200x64xf32, #tpu.memory_space<vmem>>, vector<1x16xf32>,
      %swap3A_626 = vector.shape_cast %swap3A_625 : vector<1x16xf32> to vector<16xf32>
      %swap3A_627 = vector.shape_cast %get3A_622 : vector<16xf32> to vector<1x16xf32>
      tpu.vector_store %arg8[%swap3A_623, %swap3A_624], %swap3A_627 {add = true, strides = array<i32>} : memref<200x64xf32, #tpu.memory_space<vmem>>, vector<1x16xf32>,
    }
    %scan3A_322 = arith.constant 200 : i32
    %add3A_323 = arith.constant 24800 : i32
    %add3A_324 = arith.addi %mul3A_4, %add3A_323 : i32
    %multiple_of3A_325 = tpu.assume_multiple %add3A_324, 8 : i32
    %dma_start3A_326 = arith.constant 0 : i32
    %dma_start3A_327 = tpu.memref_slice %arg5[%multiple_of3A_325, %dma_start3A_326] : memref<819200x64xf32, #tpu.memory_space<hbm>> -> memref<200x64xf32, #tpu.memory_space<hbm>>
    %dma_start3A_328 = arith.constant 0 : i32
    %dma_start3A_329 = tpu.memref_slice %arg5[%multiple_of3A_325, %dma_start3A_328] : memref<819200x64xf32, #tpu.memory_space<hbm>> -> memref<200x64xf32, #tpu.memory_space<hbm>>
    tpu.enqueue_dma source(%arg8 : memref<200x64xf32, #tpu.memory_space<vmem>>) target(%dma_start3A_329 : memref<200x64xf32, #tpu.memory_space<hbm>>) target_semaphore(%arg16 : memref<!tpu.dma_semaphore, #tpu.memory_space<semaphore_mem>>)
    %dma_wait3A_330 = arith.constant 0 : i32
    %dma_wait3A_331 = arith.constant 0 : i32
    %dma_wait3A_332 = arith.constant 0 : i32
    %dma_wait3A_333 = tpu.memref_slice %arg9[%dma_wait3A_331, %dma_wait3A_332] : memref<200x64xf32, #tpu.memory_space<vmem>> -> memref<100x64xf32, #tpu.memory_space<vmem>>
    %dma_wait3A_334 = arith.constant 0 : i32
    %dma_wait3A_335 = tpu.memref_slice %arg6[%dma_wait3A_330, %dma_wait3A_334] : memref<256x100xi32, #tpu.memory_space<vmem>> -> memref<1x100xi32, #tpu.memory_space<vmem>>
    %dma_wait3A_336 = tpu.memref_squeeze %dma_wait3A_335 : memref<1x100xi32, #tpu.memory_space<vmem>> -> memref<100xi32, #tpu.memory_space<vmem>>
    %dma_wait3A_337 = arith.constant 0 : i32
    %dma_wait3A_338 = arith.constant 0 : i32
    %dma_wait3A_339 = tpu.memref_slice %arg3[%dma_wait3A_337, %dma_wait3A_338] : memref<100000x64xf32, #tpu.memory_space<hbm>> -> memref<100000x64xf32, #tpu.memory_space<hbm>>
    tpu.wait_indirect_dma semaphore(%arg13 : memref<!tpu.dma_semaphore, #tpu.memory_space<semaphore_mem>>) src(%dma_wait3A_339 : memref<100000x64xf32, #tpu.memory_space<hbm>>) dst(%dma_wait3A_333 : memref<100x64xf32, #tpu.memory_space<vmem>>)
    %dma_wait3A_340 = arith.constant 0 : i32
    %dma_wait3A_341 = arith.constant 100 : i32
    %dma_wait3A_342 = arith.constant 0 : i32
    %dma_wait3A_343 = tpu.memref_slice %arg9[%dma_wait3A_341, %dma_wait3A_342] : memref<200x64xf32, #tpu.memory_space<vmem>> -> memref<100x64xf32, #tpu.memory_space<vmem>>
    %dma_wait3A_344 = arith.constant 0 : i32
    %dma_wait3A_345 = tpu.memref_slice %arg6[%dma_wait3A_340, %dma_wait3A_344] : memref<256x100xi32, #tpu.memory_space<vmem>> -> memref<1x100xi32, #tpu.memory_space<vmem>>
    %dma_wait3A_346 = tpu.memref_squeeze %dma_wait3A_345 : memref<1x100xi32, #tpu.memory_space<vmem>> -> memref<100xi32, #tpu.memory_space<vmem>>
    %dma_wait3A_347 = arith.constant 0 : i32
    %dma_wait3A_348 = arith.constant 0 : i32
    %dma_wait3A_349 = tpu.memref_slice %arg3[%dma_wait3A_347, %dma_wait3A_348] : memref<100000x64xf32, #tpu.memory_space<hbm>> -> memref<100000x64xf32, #tpu.memory_space<hbm>>
    tpu.wait_indirect_dma semaphore(%arg13 : memref<!tpu.dma_semaphore, #tpu.memory_space<semaphore_mem>>) src(%dma_wait3A_349 : memref<100000x64xf32, #tpu.memory_space<hbm>>) dst(%dma_wait3A_343 : memref<100x64xf32, #tpu.memory_space<vmem>>)
    %dma_wait3A_350 = arith.constant 0 : i32
    %dma_wait3A_351 = arith.constant 0 : i32
    %dma_wait3A_352 = tpu.memref_slice %arg5[%dma_wait3A_350, %dma_wait3A_351] : memref<819200x64xf32, #tpu.memory_space<hbm>> -> memref<200x64xf32, #tpu.memory_space<hbm>>
    %dma_wait3A_353 = arith.constant 0 : i32
    %dma_wait3A_354 = arith.constant 0 : i32
    %dma_wait3A_355 = tpu.memref_slice %arg5[%dma_wait3A_353, %dma_wait3A_354] : memref<819200x64xf32, #tpu.memory_space<hbm>> -> memref<200x64xf32, #tpu.memory_space<hbm>>
    tpu.wait_dma2 semaphore(%arg19 : memref<!tpu.dma_semaphore, #tpu.memory_space<semaphore_mem>>) src(%arg11 : memref<200x64xf32, #tpu.memory_space<vmem>>) dst(%dma_wait3A_355 : memref<200x64xf32, #tpu.memory_space<hbm>>)
    %dma_start3A_356 = arith.constant 254 : i32
    %dma_start3A_357 = arith.constant 0 : i32
    %dma_start3A_358 = arith.constant 0 : i32
    %dma_start3A_359 = tpu.memref_slice %arg11[%dma_start3A_357, %dma_start3A_358] : memref<200x64xf32, #tpu.memory_space<vmem>> -> memref<100x64xf32, #tpu.memory_space<vmem>>
    %dma_start3A_360 = arith.constant 0 : i32
    %dma_start3A_361 = tpu.memref_slice %arg6[%dma_start3A_356, %dma_start3A_360] : memref<256x100xi32, #tpu.memory_space<vmem>> -> memref<1x100xi32, #tpu.memory_space<vmem>>
    %dma_start3A_362 = tpu.memref_squeeze %dma_start3A_361 : memref<1x100xi32, #tpu.memory_space<vmem>> -> memref<100xi32, #tpu.memory_space<vmem>>
    %dma_start3A_363 = arith.constant 0 : i32
    %dma_start3A_364 = arith.constant 0 : i32
    %dma_start3A_365 = tpu.memref_slice %arg3[%dma_start3A_363, %dma_start3A_364] : memref<100000x64xf32, #tpu.memory_space<hbm>> -> memref<100000x64xf32, #tpu.memory_space<hbm>>
    tpu.enqueue_indirect_dma source(%dma_start3A_365 : memref<100000x64xf32, #tpu.memory_space<hbm>>) target(%dma_start3A_359 : memref<100x64xf32, #tpu.memory_space<vmem>>) offsets(%dma_start3A_362 : memref<100xi32, #tpu.memory_space<vmem>>) semaphore(%arg15 : memref<!tpu.dma_semaphore, #tpu.memory_space<semaphore_mem>>)
    %dma_start3A_366 = arith.constant 255 : i32
    %dma_start3A_367 = arith.constant 100 : i32
    %dma_start3A_368 = arith.constant 0 : i32
    %dma_start3A_369 = tpu.memref_slice %arg11[%dma_start3A_367, %dma_start3A_368] : memref<200x64xf32, #tpu.memory_space<vmem>> -> memref<100x64xf32, #tpu.memory_space<vmem>>
    %dma_start3A_370 = arith.constant 0 : i32
    %dma_start3A_371 = tpu.memref_slice %arg6[%dma_start3A_366, %dma_start3A_370] : memref<256x100xi32, #tpu.memory_space<vmem>> -> memref<1x100xi32, #tpu.memory_space<vmem>>
    %dma_start3A_372 = tpu.memref_squeeze %dma_start3A_371 : memref<1x100xi32, #tpu.memory_space<vmem>> -> memref<100xi32, #tpu.memory_space<vmem>>
    %dma_start3A_373 = arith.constant 0 : i32
    %dma_start3A_374 = arith.constant 0 : i32
    %dma_start3A_375 = tpu.memref_slice %arg3[%dma_start3A_373, %dma_start3A_374] : memref<100000x64xf32, #tpu.memory_space<hbm>> -> memref<100000x64xf32, #tpu.memory_space<hbm>>
    tpu.enqueue_indirect_dma source(%dma_start3A_375 : memref<100000x64xf32, #tpu.memory_space<hbm>>) target(%dma_start3A_369 : memref<100x64xf32, #tpu.memory_space<vmem>>) offsets(%dma_start3A_372 : memref<100xi32, #tpu.memory_space<vmem>>) semaphore(%arg15 : memref<!tpu.dma_semaphore, #tpu.memory_space<semaphore_mem>>)
    %scan3A_376 = arith.constant 0 : i32
    %scan3A_377 = arith.constant 0 : i32
    %scan3A_378 = arith.constant 200 : i32
    %scan3A_379 = arith.addi %scan3A_377, %scan3A_378 : i32
    %scan3A_380 = arith.constant 4 : i32
    scf.for %scan3A_479 = %scan3A_377 to %scan3A_379 step %scan3A_380  : i32 {
      %get3A = arith.index_cast %scan3A_479 : i32 to index
      %get3A_480 = arith.constant 0 : index
      %get3A_481 = tpu.vector_load %arg7[%get3A, %get3A_480] {strides = array<i32>} : memref<200x64xf32, #tpu.memory_space<vmem>>, vector<1x16xf32>,
      %get3A_482 = vector.shape_cast %get3A_481 : vector<1x16xf32> to vector<16xf32>
      %swap3A = arith.index_cast %scan3A_479 : i32 to index
      %swap3A_483 = arith.constant 0 : index
      %swap3A_484 = tpu.vector_load %arg9[%swap3A, %swap3A_483] {strides = array<i32>} : memref<200x64xf32, #tpu.memory_space<vmem>>, vector<1x16xf32>,
      %swap3A_485 = vector.shape_cast %swap3A_484 : vector<1x16xf32> to vector<16xf32>
      %swap3A_486 = vector.shape_cast %get3A_482 : vector<16xf32> to vector<1x16xf32>
      tpu.vector_store %arg9[%swap3A, %swap3A_483], %swap3A_486 {add = true, strides = array<i32>} : memref<200x64xf32, #tpu.memory_space<vmem>>, vector<1x16xf32>,
      %get3A_487 = arith.index_cast %scan3A_479 : i32 to index
      %get3A_488 = arith.constant 16 : index
      %get3A_489 = tpu.vector_load %arg7[%get3A_487, %get3A_488] {strides = array<i32>} : memref<200x64xf32, #tpu.memory_space<vmem>>, vector<1x16xf32>,
      %get3A_490 = vector.shape_cast %get3A_489 : vector<1x16xf32> to vector<16xf32>
      %swap3A_491 = arith.index_cast %scan3A_479 : i32 to index
      %swap3A_492 = arith.constant 16 : index
      %swap3A_493 = tpu.vector_load %arg9[%swap3A_491, %swap3A_492] {strides = array<i32>} : memref<200x64xf32, #tpu.memory_space<vmem>>, vector<1x16xf32>,
      %swap3A_494 = vector.shape_cast %swap3A_493 : vector<1x16xf32> to vector<16xf32>
      %swap3A_495 = vector.shape_cast %get3A_490 : vector<16xf32> to vector<1x16xf32>
      tpu.vector_store %arg9[%swap3A_491, %swap3A_492], %swap3A_495 {add = true, strides = array<i32>} : memref<200x64xf32, #tpu.memory_space<vmem>>, vector<1x16xf32>,
      %get3A_496 = arith.index_cast %scan3A_479 : i32 to index
      %get3A_497 = arith.constant 32 : index
      %get3A_498 = tpu.vector_load %arg7[%get3A_496, %get3A_497] {strides = array<i32>} : memref<200x64xf32, #tpu.memory_space<vmem>>, vector<1x16xf32>,
      %get3A_499 = vector.shape_cast %get3A_498 : vector<1x16xf32> to vector<16xf32>
      %swap3A_500 = arith.index_cast %scan3A_479 : i32 to index
      %swap3A_501 = arith.constant 32 : index
      %swap3A_502 = tpu.vector_load %arg9[%swap3A_500, %swap3A_501] {strides = array<i32>} : memref<200x64xf32, #tpu.memory_space<vmem>>, vector<1x16xf32>,
      %swap3A_503 = vector.shape_cast %swap3A_502 : vector<1x16xf32> to vector<16xf32>
      %swap3A_504 = vector.shape_cast %get3A_499 : vector<16xf32> to vector<1x16xf32>
      tpu.vector_store %arg9[%swap3A_500, %swap3A_501], %swap3A_504 {add = true, strides = array<i32>} : memref<200x64xf32, #tpu.memory_space<vmem>>, vector<1x16xf32>,
      %get3A_505 = arith.index_cast %scan3A_479 : i32 to index
      %get3A_506 = arith.constant 48 : index
      %get3A_507 = tpu.vector_load %arg7[%get3A_505, %get3A_506] {strides = array<i32>} : memref<200x64xf32, #tpu.memory_space<vmem>>, vector<1x16xf32>,
      %get3A_508 = vector.shape_cast %get3A_507 : vector<1x16xf32> to vector<16xf32>
      %swap3A_509 = arith.index_cast %scan3A_479 : i32 to index
      %swap3A_510 = arith.constant 48 : index
      %swap3A_511 = tpu.vector_load %arg9[%swap3A_509, %swap3A_510] {strides = array<i32>} : memref<200x64xf32, #tpu.memory_space<vmem>>, vector<1x16xf32>,
      %swap3A_512 = vector.shape_cast %swap3A_511 : vector<1x16xf32> to vector<16xf32>
      %swap3A_513 = vector.shape_cast %get3A_508 : vector<16xf32> to vector<1x16xf32>
      tpu.vector_store %arg9[%swap3A_509, %swap3A_510], %swap3A_513 {add = true, strides = array<i32>} : memref<200x64xf32, #tpu.memory_space<vmem>>, vector<1x16xf32>,
      %scan3A_514 = arith.constant 1 : i32
      %scan3A_515 = arith.addi %scan3A_479, %scan3A_514 : i32
      %get3A_516 = arith.index_cast %scan3A_515 : i32 to index
      %get3A_517 = arith.constant 0 : index
      %get3A_518 = tpu.vector_load %arg7[%get3A_516, %get3A_517] {strides = array<i32>} : memref<200x64xf32, #tpu.memory_space<vmem>>, vector<1x16xf32>,
      %get3A_519 = vector.shape_cast %get3A_518 : vector<1x16xf32> to vector<16xf32>
      %swap3A_520 = arith.index_cast %scan3A_515 : i32 to index
      %swap3A_521 = arith.constant 0 : index
      %swap3A_522 = tpu.vector_load %arg9[%swap3A_520, %swap3A_521] {strides = array<i32>} : memref<200x64xf32, #tpu.memory_space<vmem>>, vector<1x16xf32>,
      %swap3A_523 = vector.shape_cast %swap3A_522 : vector<1x16xf32> to vector<16xf32>
      %swap3A_524 = vector.shape_cast %get3A_519 : vector<16xf32> to vector<1x16xf32>
      tpu.vector_store %arg9[%swap3A_520, %swap3A_521], %swap3A_524 {add = true, strides = array<i32>} : memref<200x64xf32, #tpu.memory_space<vmem>>, vector<1x16xf32>,
      %get3A_525 = arith.index_cast %scan3A_515 : i32 to index
      %get3A_526 = arith.constant 16 : index
      %get3A_527 = tpu.vector_load %arg7[%get3A_525, %get3A_526] {strides = array<i32>} : memref<200x64xf32, #tpu.memory_space<vmem>>, vector<1x16xf32>,
      %get3A_528 = vector.shape_cast %get3A_527 : vector<1x16xf32> to vector<16xf32>
      %swap3A_529 = arith.index_cast %scan3A_515 : i32 to index
      %swap3A_530 = arith.constant 16 : index
      %swap3A_531 = tpu.vector_load %arg9[%swap3A_529, %swap3A_530] {strides = array<i32>} : memref<200x64xf32, #tpu.memory_space<vmem>>, vector<1x16xf32>,
      %swap3A_532 = vector.shape_cast %swap3A_531 : vector<1x16xf32> to vector<16xf32>
      %swap3A_533 = vector.shape_cast %get3A_528 : vector<16xf32> to vector<1x16xf32>
      tpu.vector_store %arg9[%swap3A_529, %swap3A_530], %swap3A_533 {add = true, strides = array<i32>} : memref<200x64xf32, #tpu.memory_space<vmem>>, vector<1x16xf32>,
      %get3A_534 = arith.index_cast %scan3A_515 : i32 to index
      %get3A_535 = arith.constant 32 : index
      %get3A_536 = tpu.vector_load %arg7[%get3A_534, %get3A_535] {strides = array<i32>} : memref<200x64xf32, #tpu.memory_space<vmem>>, vector<1x16xf32>,
      %get3A_537 = vector.shape_cast %get3A_536 : vector<1x16xf32> to vector<16xf32>
      %swap3A_538 = arith.index_cast %scan3A_515 : i32 to index
      %swap3A_539 = arith.constant 32 : index
      %swap3A_540 = tpu.vector_load %arg9[%swap3A_538, %swap3A_539] {strides = array<i32>} : memref<200x64xf32, #tpu.memory_space<vmem>>, vector<1x16xf32>,
      %swap3A_541 = vector.shape_cast %swap3A_540 : vector<1x16xf32> to vector<16xf32>
      %swap3A_542 = vector.shape_cast %get3A_537 : vector<16xf32> to vector<1x16xf32>
      tpu.vector_store %arg9[%swap3A_538, %swap3A_539], %swap3A_542 {add = true, strides = array<i32>} : memref<200x64xf32, #tpu.memory_space<vmem>>, vector<1x16xf32>,
      %get3A_543 = arith.index_cast %scan3A_515 : i32 to index
      %get3A_544 = arith.constant 48 : index
      %get3A_545 = tpu.vector_load %arg7[%get3A_543, %get3A_544] {strides = array<i32>} : memref<200x64xf32, #tpu.memory_space<vmem>>, vector<1x16xf32>,
      %get3A_546 = vector.shape_cast %get3A_545 : vector<1x16xf32> to vector<16xf32>
      %swap3A_547 = arith.index_cast %scan3A_515 : i32 to index
      %swap3A_548 = arith.constant 48 : index
      %swap3A_549 = tpu.vector_load %arg9[%swap3A_547, %swap3A_548] {strides = array<i32>} : memref<200x64xf32, #tpu.memory_space<vmem>>, vector<1x16xf32>,
      %swap3A_550 = vector.shape_cast %swap3A_549 : vector<1x16xf32> to vector<16xf32>
      %swap3A_551 = vector.shape_cast %get3A_546 : vector<16xf32> to vector<1x16xf32>
      tpu.vector_store %arg9[%swap3A_547, %swap3A_548], %swap3A_551 {add = true, strides = array<i32>} : memref<200x64xf32, #tpu.memory_space<vmem>>, vector<1x16xf32>,
      %scan3A_552 = arith.constant 2 : i32
      %scan3A_553 = arith.addi %scan3A_479, %scan3A_552 : i32
      %get3A_554 = arith.index_cast %scan3A_553 : i32 to index
      %get3A_555 = arith.constant 0 : index
      %get3A_556 = tpu.vector_load %arg7[%get3A_554, %get3A_555] {strides = array<i32>} : memref<200x64xf32, #tpu.memory_space<vmem>>, vector<1x16xf32>,
      %get3A_557 = vector.shape_cast %get3A_556 : vector<1x16xf32> to vector<16xf32>
      %swap3A_558 = arith.index_cast %scan3A_553 : i32 to index
      %swap3A_559 = arith.constant 0 : index
      %swap3A_560 = tpu.vector_load %arg9[%swap3A_558, %swap3A_559] {strides = array<i32>} : memref<200x64xf32, #tpu.memory_space<vmem>>, vector<1x16xf32>,
      %swap3A_561 = vector.shape_cast %swap3A_560 : vector<1x16xf32> to vector<16xf32>
      %swap3A_562 = vector.shape_cast %get3A_557 : vector<16xf32> to vector<1x16xf32>
      tpu.vector_store %arg9[%swap3A_558, %swap3A_559], %swap3A_562 {add = true, strides = array<i32>} : memref<200x64xf32, #tpu.memory_space<vmem>>, vector<1x16xf32>,
      %get3A_563 = arith.index_cast %scan3A_553 : i32 to index
      %get3A_564 = arith.constant 16 : index
      %get3A_565 = tpu.vector_load %arg7[%get3A_563, %get3A_564] {strides = array<i32>} : memref<200x64xf32, #tpu.memory_space<vmem>>, vector<1x16xf32>,
      %get3A_566 = vector.shape_cast %get3A_565 : vector<1x16xf32> to vector<16xf32>
      %swap3A_567 = arith.index_cast %scan3A_553 : i32 to index
      %swap3A_568 = arith.constant 16 : index
      %swap3A_569 = tpu.vector_load %arg9[%swap3A_567, %swap3A_568] {strides = array<i32>} : memref<200x64xf32, #tpu.memory_space<vmem>>, vector<1x16xf32>,
      %swap3A_570 = vector.shape_cast %swap3A_569 : vector<1x16xf32> to vector<16xf32>
      %swap3A_571 = vector.shape_cast %get3A_566 : vector<16xf32> to vector<1x16xf32>
      tpu.vector_store %arg9[%swap3A_567, %swap3A_568], %swap3A_571 {add = true, strides = array<i32>} : memref<200x64xf32, #tpu.memory_space<vmem>>, vector<1x16xf32>,
      %get3A_572 = arith.index_cast %scan3A_553 : i32 to index
      %get3A_573 = arith.constant 32 : index
      %get3A_574 = tpu.vector_load %arg7[%get3A_572, %get3A_573] {strides = array<i32>} : memref<200x64xf32, #tpu.memory_space<vmem>>, vector<1x16xf32>,
      %get3A_575 = vector.shape_cast %get3A_574 : vector<1x16xf32> to vector<16xf32>
      %swap3A_576 = arith.index_cast %scan3A_553 : i32 to index
      %swap3A_577 = arith.constant 32 : index
      %swap3A_578 = tpu.vector_load %arg9[%swap3A_576, %swap3A_577] {strides = array<i32>} : memref<200x64xf32, #tpu.memory_space<vmem>>, vector<1x16xf32>,
      %swap3A_579 = vector.shape_cast %swap3A_578 : vector<1x16xf32> to vector<16xf32>
      %swap3A_580 = vector.shape_cast %get3A_575 : vector<16xf32> to vector<1x16xf32>
      tpu.vector_store %arg9[%swap3A_576, %swap3A_577], %swap3A_580 {add = true, strides = array<i32>} : memref<200x64xf32, #tpu.memory_space<vmem>>, vector<1x16xf32>,
      %get3A_581 = arith.index_cast %scan3A_553 : i32 to index
      %get3A_582 = arith.constant 48 : index
      %get3A_583 = tpu.vector_load %arg7[%get3A_581, %get3A_582] {strides = array<i32>} : memref<200x64xf32, #tpu.memory_space<vmem>>, vector<1x16xf32>,
      %get3A_584 = vector.shape_cast %get3A_583 : vector<1x16xf32> to vector<16xf32>
      %swap3A_585 = arith.index_cast %scan3A_553 : i32 to index
      %swap3A_586 = arith.constant 48 : index
      %swap3A_587 = tpu.vector_load %arg9[%swap3A_585, %swap3A_586] {strides = array<i32>} : memref<200x64xf32, #tpu.memory_space<vmem>>, vector<1x16xf32>,
      %swap3A_588 = vector.shape_cast %swap3A_587 : vector<1x16xf32> to vector<16xf32>
      %swap3A_589 = vector.shape_cast %get3A_584 : vector<16xf32> to vector<1x16xf32>
      tpu.vector_store %arg9[%swap3A_585, %swap3A_586], %swap3A_589 {add = true, strides = array<i32>} : memref<200x64xf32, #tpu.memory_space<vmem>>, vector<1x16xf32>,
      %scan3A_590 = arith.constant 3 : i32
      %scan3A_591 = arith.addi %scan3A_479, %scan3A_590 : i32
      %get3A_592 = arith.index_cast %scan3A_591 : i32 to index
      %get3A_593 = arith.constant 0 : index
      %get3A_594 = tpu.vector_load %arg7[%get3A_592, %get3A_593] {strides = array<i32>} : memref<200x64xf32, #tpu.memory_space<vmem>>, vector<1x16xf32>,
      %get3A_595 = vector.shape_cast %get3A_594 : vector<1x16xf32> to vector<16xf32>
      %swap3A_596 = arith.index_cast %scan3A_591 : i32 to index
      %swap3A_597 = arith.constant 0 : index
      %swap3A_598 = tpu.vector_load %arg9[%swap3A_596, %swap3A_597] {strides = array<i32>} : memref<200x64xf32, #tpu.memory_space<vmem>>, vector<1x16xf32>,
      %swap3A_599 = vector.shape_cast %swap3A_598 : vector<1x16xf32> to vector<16xf32>
      %swap3A_600 = vector.shape_cast %get3A_595 : vector<16xf32> to vector<1x16xf32>
      tpu.vector_store %arg9[%swap3A_596, %swap3A_597], %swap3A_600 {add = true, strides = array<i32>} : memref<200x64xf32, #tpu.memory_space<vmem>>, vector<1x16xf32>,
      %get3A_601 = arith.index_cast %scan3A_591 : i32 to index
      %get3A_602 = arith.constant 16 : index
      %get3A_603 = tpu.vector_load %arg7[%get3A_601, %get3A_602] {strides = array<i32>} : memref<200x64xf32, #tpu.memory_space<vmem>>, vector<1x16xf32>,
      %get3A_604 = vector.shape_cast %get3A_603 : vector<1x16xf32> to vector<16xf32>
      %swap3A_605 = arith.index_cast %scan3A_591 : i32 to index
      %swap3A_606 = arith.constant 16 : index
      %swap3A_607 = tpu.vector_load %arg9[%swap3A_605, %swap3A_606] {strides = array<i32>} : memref<200x64xf32, #tpu.memory_space<vmem>>, vector<1x16xf32>,
      %swap3A_608 = vector.shape_cast %swap3A_607 : vector<1x16xf32> to vector<16xf32>
      %swap3A_609 = vector.shape_cast %get3A_604 : vector<16xf32> to vector<1x16xf32>
      tpu.vector_store %arg9[%swap3A_605, %swap3A_606], %swap3A_609 {add = true, strides = array<i32>} : memref<200x64xf32, #tpu.memory_space<vmem>>, vector<1x16xf32>,
      %get3A_610 = arith.index_cast %scan3A_591 : i32 to index
      %get3A_611 = arith.constant 32 : index
      %get3A_612 = tpu.vector_load %arg7[%get3A_610, %get3A_611] {strides = array<i32>} : memref<200x64xf32, #tpu.memory_space<vmem>>, vector<1x16xf32>,
      %get3A_613 = vector.shape_cast %get3A_612 : vector<1x16xf32> to vector<16xf32>
      %swap3A_614 = arith.index_cast %scan3A_591 : i32 to index
      %swap3A_615 = arith.constant 32 : index
      %swap3A_616 = tpu.vector_load %arg9[%swap3A_614, %swap3A_615] {strides = array<i32>} : memref<200x64xf32, #tpu.memory_space<vmem>>, vector<1x16xf32>,
      %swap3A_617 = vector.shape_cast %swap3A_616 : vector<1x16xf32> to vector<16xf32>
      %swap3A_618 = vector.shape_cast %get3A_613 : vector<16xf32> to vector<1x16xf32>
      tpu.vector_store %arg9[%swap3A_614, %swap3A_615], %swap3A_618 {add = true, strides = array<i32>} : memref<200x64xf32, #tpu.memory_space<vmem>>, vector<1x16xf32>,
      %get3A_619 = arith.index_cast %scan3A_591 : i32 to index
      %get3A_620 = arith.constant 48 : index
      %get3A_621 = tpu.vector_load %arg7[%get3A_619, %get3A_620] {strides = array<i32>} : memref<200x64xf32, #tpu.memory_space<vmem>>, vector<1x16xf32>,
      %get3A_622 = vector.shape_cast %get3A_621 : vector<1x16xf32> to vector<16xf32>
      %swap3A_623 = arith.index_cast %scan3A_591 : i32 to index
      %swap3A_624 = arith.constant 48 : index
      %swap3A_625 = tpu.vector_load %arg9[%swap3A_623, %swap3A_624] {strides = array<i32>} : memref<200x64xf32, #tpu.memory_space<vmem>>, vector<1x16xf32>,
      %swap3A_626 = vector.shape_cast %swap3A_625 : vector<1x16xf32> to vector<16xf32>
      %swap3A_627 = vector.shape_cast %get3A_622 : vector<16xf32> to vector<1x16xf32>
      tpu.vector_store %arg9[%swap3A_623, %swap3A_624], %swap3A_627 {add = true, strides = array<i32>} : memref<200x64xf32, #tpu.memory_space<vmem>>, vector<1x16xf32>,
    }
    %scan3A_381 = arith.constant 200 : i32
    %add3A_382 = arith.constant 25000 : i32
    %add3A_383 = arith.addi %mul3A_4, %add3A_382 : i32
    %multiple_of3A_384 = tpu.assume_multiple %add3A_383, 8 : i32
    %dma_start3A_385 = arith.constant 0 : i32
    %dma_start3A_386 = tpu.memref_slice %arg5[%multiple_of3A_384, %dma_start3A_385] : memref<819200x64xf32, #tpu.memory_space<hbm>> -> memref<200x64xf32, #tpu.memory_space<hbm>>
    %dma_start3A_387 = arith.constant 0 : i32
    %dma_start3A_388 = tpu.memref_slice %arg5[%multiple_of3A_384, %dma_start3A_387] : memref<819200x64xf32, #tpu.memory_space<hbm>> -> memref<200x64xf32, #tpu.memory_space<hbm>>
    tpu.enqueue_dma source(%arg9 : memref<200x64xf32, #tpu.memory_space<vmem>>) target(%dma_start3A_388 : memref<200x64xf32, #tpu.memory_space<hbm>>) target_semaphore(%arg17 : memref<!tpu.dma_semaphore, #tpu.memory_space<semaphore_mem>>)
    %dma_wait3A_389 = arith.constant 0 : i32
    %dma_wait3A_390 = arith.constant 0 : i32
    %dma_wait3A_391 = arith.constant 0 : i32
    %dma_wait3A_392 = tpu.memref_slice %arg10[%dma_wait3A_390, %dma_wait3A_391] : memref<200x64xf32, #tpu.memory_space<vmem>> -> memref<100x64xf32, #tpu.memory_space<vmem>>
    %dma_wait3A_393 = arith.constant 0 : i32
    %dma_wait3A_394 = tpu.memref_slice %arg6[%dma_wait3A_389, %dma_wait3A_393] : memref<256x100xi32, #tpu.memory_space<vmem>> -> memref<1x100xi32, #tpu.memory_space<vmem>>
    %dma_wait3A_395 = tpu.memref_squeeze %dma_wait3A_394 : memref<1x100xi32, #tpu.memory_space<vmem>> -> memref<100xi32, #tpu.memory_space<vmem>>
    %dma_wait3A_396 = arith.constant 0 : i32
    %dma_wait3A_397 = arith.constant 0 : i32
    %dma_wait3A_398 = tpu.memref_slice %arg3[%dma_wait3A_396, %dma_wait3A_397] : memref<100000x64xf32, #tpu.memory_space<hbm>> -> memref<100000x64xf32, #tpu.memory_space<hbm>>
    tpu.wait_indirect_dma semaphore(%arg14 : memref<!tpu.dma_semaphore, #tpu.memory_space<semaphore_mem>>) src(%dma_wait3A_398 : memref<100000x64xf32, #tpu.memory_space<hbm>>) dst(%dma_wait3A_392 : memref<100x64xf32, #tpu.memory_space<vmem>>)
    %dma_wait3A_399 = arith.constant 0 : i32
    %dma_wait3A_400 = arith.constant 100 : i32
    %dma_wait3A_401 = arith.constant 0 : i32
    %dma_wait3A_402 = tpu.memref_slice %arg10[%dma_wait3A_400, %dma_wait3A_401] : memref<200x64xf32, #tpu.memory_space<vmem>> -> memref<100x64xf32, #tpu.memory_space<vmem>>
    %dma_wait3A_403 = arith.constant 0 : i32
    %dma_wait3A_404 = tpu.memref_slice %arg6[%dma_wait3A_399, %dma_wait3A_403] : memref<256x100xi32, #tpu.memory_space<vmem>> -> memref<1x100xi32, #tpu.memory_space<vmem>>
    %dma_wait3A_405 = tpu.memref_squeeze %dma_wait3A_404 : memref<1x100xi32, #tpu.memory_space<vmem>> -> memref<100xi32, #tpu.memory_space<vmem>>
    %dma_wait3A_406 = arith.constant 0 : i32
    %dma_wait3A_407 = arith.constant 0 : i32
    %dma_wait3A_408 = tpu.memref_slice %arg3[%dma_wait3A_406, %dma_wait3A_407] : memref<100000x64xf32, #tpu.memory_space<hbm>> -> memref<100000x64xf32, #tpu.memory_space<hbm>>
    tpu.wait_indirect_dma semaphore(%arg14 : memref<!tpu.dma_semaphore, #tpu.memory_space<semaphore_mem>>) src(%dma_wait3A_408 : memref<100000x64xf32, #tpu.memory_space<hbm>>) dst(%dma_wait3A_402 : memref<100x64xf32, #tpu.memory_space<vmem>>)
    %dma_wait3A_409 = arith.constant 0 : i32
    %dma_wait3A_410 = arith.constant 0 : i32
    %dma_wait3A_411 = tpu.memref_slice %arg5[%dma_wait3A_409, %dma_wait3A_410] : memref<819200x64xf32, #tpu.memory_space<hbm>> -> memref<200x64xf32, #tpu.memory_space<hbm>>
    %dma_wait3A_412 = arith.constant 0 : i32
    %dma_wait3A_413 = arith.constant 0 : i32
    %dma_wait3A_414 = tpu.memref_slice %arg5[%dma_wait3A_412, %dma_wait3A_413] : memref<819200x64xf32, #tpu.memory_space<hbm>> -> memref<200x64xf32, #tpu.memory_space<hbm>>
    tpu.wait_dma2 semaphore(%arg16 : memref<!tpu.dma_semaphore, #tpu.memory_space<semaphore_mem>>) src(%arg8 : memref<200x64xf32, #tpu.memory_space<vmem>>) dst(%dma_wait3A_414 : memref<200x64xf32, #tpu.memory_space<hbm>>)
    %scan3A_415 = arith.constant 0 : i32
    %scan3A_416 = arith.constant 0 : i32
    %scan3A_417 = arith.constant 200 : i32
    %scan3A_418 = arith.addi %scan3A_416, %scan3A_417 : i32
    %scan3A_419 = arith.constant 4 : i32
    scf.for %scan3A_479 = %scan3A_416 to %scan3A_418 step %scan3A_419  : i32 {
      %get3A = arith.index_cast %scan3A_479 : i32 to index
      %get3A_480 = arith.constant 0 : index
      %get3A_481 = tpu.vector_load %arg7[%get3A, %get3A_480] {strides = array<i32>} : memref<200x64xf32, #tpu.memory_space<vmem>>, vector<1x16xf32>,
      %get3A_482 = vector.shape_cast %get3A_481 : vector<1x16xf32> to vector<16xf32>
      %swap3A = arith.index_cast %scan3A_479 : i32 to index
      %swap3A_483 = arith.constant 0 : index
      %swap3A_484 = tpu.vector_load %arg10[%swap3A, %swap3A_483] {strides = array<i32>} : memref<200x64xf32, #tpu.memory_space<vmem>>, vector<1x16xf32>,
      %swap3A_485 = vector.shape_cast %swap3A_484 : vector<1x16xf32> to vector<16xf32>
      %swap3A_486 = vector.shape_cast %get3A_482 : vector<16xf32> to vector<1x16xf32>
      tpu.vector_store %arg10[%swap3A, %swap3A_483], %swap3A_486 {add = true, strides = array<i32>} : memref<200x64xf32, #tpu.memory_space<vmem>>, vector<1x16xf32>,
      %get3A_487 = arith.index_cast %scan3A_479 : i32 to index
      %get3A_488 = arith.constant 16 : index
      %get3A_489 = tpu.vector_load %arg7[%get3A_487, %get3A_488] {strides = array<i32>} : memref<200x64xf32, #tpu.memory_space<vmem>>, vector<1x16xf32>,
      %get3A_490 = vector.shape_cast %get3A_489 : vector<1x16xf32> to vector<16xf32>
      %swap3A_491 = arith.index_cast %scan3A_479 : i32 to index
      %swap3A_492 = arith.constant 16 : index
      %swap3A_493 = tpu.vector_load %arg10[%swap3A_491, %swap3A_492] {strides = array<i32>} : memref<200x64xf32, #tpu.memory_space<vmem>>, vector<1x16xf32>,
      %swap3A_494 = vector.shape_cast %swap3A_493 : vector<1x16xf32> to vector<16xf32>
      %swap3A_495 = vector.shape_cast %get3A_490 : vector<16xf32> to vector<1x16xf32>
      tpu.vector_store %arg10[%swap3A_491, %swap3A_492], %swap3A_495 {add = true, strides = array<i32>} : memref<200x64xf32, #tpu.memory_space<vmem>>, vector<1x16xf32>,
      %get3A_496 = arith.index_cast %scan3A_479 : i32 to index
      %get3A_497 = arith.constant 32 : index
      %get3A_498 = tpu.vector_load %arg7[%get3A_496, %get3A_497] {strides = array<i32>} : memref<200x64xf32, #tpu.memory_space<vmem>>, vector<1x16xf32>,
      %get3A_499 = vector.shape_cast %get3A_498 : vector<1x16xf32> to vector<16xf32>
      %swap3A_500 = arith.index_cast %scan3A_479 : i32 to index
      %swap3A_501 = arith.constant 32 : index
      %swap3A_502 = tpu.vector_load %arg10[%swap3A_500, %swap3A_501] {strides = array<i32>} : memref<200x64xf32, #tpu.memory_space<vmem>>, vector<1x16xf32>,
      %swap3A_503 = vector.shape_cast %swap3A_502 : vector<1x16xf32> to vector<16xf32>
      %swap3A_504 = vector.shape_cast %get3A_499 : vector<16xf32> to vector<1x16xf32>
      tpu.vector_store %arg10[%swap3A_500, %swap3A_501], %swap3A_504 {add = true, strides = array<i32>} : memref<200x64xf32, #tpu.memory_space<vmem>>, vector<1x16xf32>,
      %get3A_505 = arith.index_cast %scan3A_479 : i32 to index
      %get3A_506 = arith.constant 48 : index
      %get3A_507 = tpu.vector_load %arg7[%get3A_505, %get3A_506] {strides = array<i32>} : memref<200x64xf32, #tpu.memory_space<vmem>>, vector<1x16xf32>,
      %get3A_508 = vector.shape_cast %get3A_507 : vector<1x16xf32> to vector<16xf32>
      %swap3A_509 = arith.index_cast %scan3A_479 : i32 to index
      %swap3A_510 = arith.constant 48 : index
      %swap3A_511 = tpu.vector_load %arg10[%swap3A_509, %swap3A_510] {strides = array<i32>} : memref<200x64xf32, #tpu.memory_space<vmem>>, vector<1x16xf32>,
      %swap3A_512 = vector.shape_cast %swap3A_511 : vector<1x16xf32> to vector<16xf32>
      %swap3A_513 = vector.shape_cast %get3A_508 : vector<16xf32> to vector<1x16xf32>
      tpu.vector_store %arg10[%swap3A_509, %swap3A_510], %swap3A_513 {add = true, strides = array<i32>} : memref<200x64xf32, #tpu.memory_space<vmem>>, vector<1x16xf32>,
      %scan3A_514 = arith.constant 1 : i32
      %scan3A_515 = arith.addi %scan3A_479, %scan3A_514 : i32
      %get3A_516 = arith.index_cast %scan3A_515 : i32 to index
      %get3A_517 = arith.constant 0 : index
      %get3A_518 = tpu.vector_load %arg7[%get3A_516, %get3A_517] {strides = array<i32>} : memref<200x64xf32, #tpu.memory_space<vmem>>, vector<1x16xf32>,
      %get3A_519 = vector.shape_cast %get3A_518 : vector<1x16xf32> to vector<16xf32>
      %swap3A_520 = arith.index_cast %scan3A_515 : i32 to index
      %swap3A_521 = arith.constant 0 : index
      %swap3A_522 = tpu.vector_load %arg10[%swap3A_520, %swap3A_521] {strides = array<i32>} : memref<200x64xf32, #tpu.memory_space<vmem>>, vector<1x16xf32>,
      %swap3A_523 = vector.shape_cast %swap3A_522 : vector<1x16xf32> to vector<16xf32>
      %swap3A_524 = vector.shape_cast %get3A_519 : vector<16xf32> to vector<1x16xf32>
      tpu.vector_store %arg10[%swap3A_520, %swap3A_521], %swap3A_524 {add = true, strides = array<i32>} : memref<200x64xf32, #tpu.memory_space<vmem>>, vector<1x16xf32>,
      %get3A_525 = arith.index_cast %scan3A_515 : i32 to index
      %get3A_526 = arith.constant 16 : index
      %get3A_527 = tpu.vector_load %arg7[%get3A_525, %get3A_526] {strides = array<i32>} : memref<200x64xf32, #tpu.memory_space<vmem>>, vector<1x16xf32>,
      %get3A_528 = vector.shape_cast %get3A_527 : vector<1x16xf32> to vector<16xf32>
      %swap3A_529 = arith.index_cast %scan3A_515 : i32 to index
      %swap3A_530 = arith.constant 16 : index
      %swap3A_531 = tpu.vector_load %arg10[%swap3A_529, %swap3A_530] {strides = array<i32>} : memref<200x64xf32, #tpu.memory_space<vmem>>, vector<1x16xf32>,
      %swap3A_532 = vector.shape_cast %swap3A_531 : vector<1x16xf32> to vector<16xf32>
      %swap3A_533 = vector.shape_cast %get3A_528 : vector<16xf32> to vector<1x16xf32>
      tpu.vector_store %arg10[%swap3A_529, %swap3A_530], %swap3A_533 {add = true, strides = array<i32>} : memref<200x64xf32, #tpu.memory_space<vmem>>, vector<1x16xf32>,
      %get3A_534 = arith.index_cast %scan3A_515 : i32 to index
      %get3A_535 = arith.constant 32 : index
      %get3A_536 = tpu.vector_load %arg7[%get3A_534, %get3A_535] {strides = array<i32>} : memref<200x64xf32, #tpu.memory_space<vmem>>, vector<1x16xf32>,
      %get3A_537 = vector.shape_cast %get3A_536 : vector<1x16xf32> to vector<16xf32>
      %swap3A_538 = arith.index_cast %scan3A_515 : i32 to index
      %swap3A_539 = arith.constant 32 : index
      %swap3A_540 = tpu.vector_load %arg10[%swap3A_538, %swap3A_539] {strides = array<i32>} : memref<200x64xf32, #tpu.memory_space<vmem>>, vector<1x16xf32>,
      %swap3A_541 = vector.shape_cast %swap3A_540 : vector<1x16xf32> to vector<16xf32>
      %swap3A_542 = vector.shape_cast %get3A_537 : vector<16xf32> to vector<1x16xf32>
      tpu.vector_store %arg10[%swap3A_538, %swap3A_539], %swap3A_542 {add = true, strides = array<i32>} : memref<200x64xf32, #tpu.memory_space<vmem>>, vector<1x16xf32>,
      %get3A_543 = arith.index_cast %scan3A_515 : i32 to index
      %get3A_544 = arith.constant 48 : index
      %get3A_545 = tpu.vector_load %arg7[%get3A_543, %get3A_544] {strides = array<i32>} : memref<200x64xf32, #tpu.memory_space<vmem>>, vector<1x16xf32>,
      %get3A_546 = vector.shape_cast %get3A_545 : vector<1x16xf32> to vector<16xf32>
      %swap3A_547 = arith.index_cast %scan3A_515 : i32 to index
      %swap3A_548 = arith.constant 48 : index
      %swap3A_549 = tpu.vector_load %arg10[%swap3A_547, %swap3A_548] {strides = array<i32>} : memref<200x64xf32, #tpu.memory_space<vmem>>, vector<1x16xf32>,
      %swap3A_550 = vector.shape_cast %swap3A_549 : vector<1x16xf32> to vector<16xf32>
      %swap3A_551 = vector.shape_cast %get3A_546 : vector<16xf32> to vector<1x16xf32>
      tpu.vector_store %arg10[%swap3A_547, %swap3A_548], %swap3A_551 {add = true, strides = array<i32>} : memref<200x64xf32, #tpu.memory_space<vmem>>, vector<1x16xf32>,
      %scan3A_552 = arith.constant 2 : i32
      %scan3A_553 = arith.addi %scan3A_479, %scan3A_552 : i32
      %get3A_554 = arith.index_cast %scan3A_553 : i32 to index
      %get3A_555 = arith.constant 0 : index
      %get3A_556 = tpu.vector_load %arg7[%get3A_554, %get3A_555] {strides = array<i32>} : memref<200x64xf32, #tpu.memory_space<vmem>>, vector<1x16xf32>,
      %get3A_557 = vector.shape_cast %get3A_556 : vector<1x16xf32> to vector<16xf32>
      %swap3A_558 = arith.index_cast %scan3A_553 : i32 to index
      %swap3A_559 = arith.constant 0 : index
      %swap3A_560 = tpu.vector_load %arg10[%swap3A_558, %swap3A_559] {strides = array<i32>} : memref<200x64xf32, #tpu.memory_space<vmem>>, vector<1x16xf32>,
      %swap3A_561 = vector.shape_cast %swap3A_560 : vector<1x16xf32> to vector<16xf32>
      %swap3A_562 = vector.shape_cast %get3A_557 : vector<16xf32> to vector<1x16xf32>
      tpu.vector_store %arg10[%swap3A_558, %swap3A_559], %swap3A_562 {add = true, strides = array<i32>} : memref<200x64xf32, #tpu.memory_space<vmem>>, vector<1x16xf32>,
      %get3A_563 = arith.index_cast %scan3A_553 : i32 to index
      %get3A_564 = arith.constant 16 : index
      %get3A_565 = tpu.vector_load %arg7[%get3A_563, %get3A_564] {strides = array<i32>} : memref<200x64xf32, #tpu.memory_space<vmem>>, vector<1x16xf32>,
      %get3A_566 = vector.shape_cast %get3A_565 : vector<1x16xf32> to vector<16xf32>
      %swap3A_567 = arith.index_cast %scan3A_553 : i32 to index
      %swap3A_568 = arith.constant 16 : index
      %swap3A_569 = tpu.vector_load %arg10[%swap3A_567, %swap3A_568] {strides = array<i32>} : memref<200x64xf32, #tpu.memory_space<vmem>>, vector<1x16xf32>,
      %swap3A_570 = vector.shape_cast %swap3A_569 : vector<1x16xf32> to vector<16xf32>
      %swap3A_571 = vector.shape_cast %get3A_566 : vector<16xf32> to vector<1x16xf32>
      tpu.vector_store %arg10[%swap3A_567, %swap3A_568], %swap3A_571 {add = true, strides = array<i32>} : memref<200x64xf32, #tpu.memory_space<vmem>>, vector<1x16xf32>,
      %get3A_572 = arith.index_cast %scan3A_553 : i32 to index
      %get3A_573 = arith.constant 32 : index
      %get3A_574 = tpu.vector_load %arg7[%get3A_572, %get3A_573] {strides = array<i32>} : memref<200x64xf32, #tpu.memory_space<vmem>>, vector<1x16xf32>,
      %get3A_575 = vector.shape_cast %get3A_574 : vector<1x16xf32> to vector<16xf32>
      %swap3A_576 = arith.index_cast %scan3A_553 : i32 to index
      %swap3A_577 = arith.constant 32 : index
      %swap3A_578 = tpu.vector_load %arg10[%swap3A_576, %swap3A_577] {strides = array<i32>} : memref<200x64xf32, #tpu.memory_space<vmem>>, vector<1x16xf32>,
      %swap3A_579 = vector.shape_cast %swap3A_578 : vector<1x16xf32> to vector<16xf32>
      %swap3A_580 = vector.shape_cast %get3A_575 : vector<16xf32> to vector<1x16xf32>
      tpu.vector_store %arg10[%swap3A_576, %swap3A_577], %swap3A_580 {add = true, strides = array<i32>} : memref<200x64xf32, #tpu.memory_space<vmem>>, vector<1x16xf32>,
      %get3A_581 = arith.index_cast %scan3A_553 : i32 to index
      %get3A_582 = arith.constant 48 : index
      %get3A_583 = tpu.vector_load %arg7[%get3A_581, %get3A_582] {strides = array<i32>} : memref<200x64xf32, #tpu.memory_space<vmem>>, vector<1x16xf32>,
      %get3A_584 = vector.shape_cast %get3A_583 : vector<1x16xf32> to vector<16xf32>
      %swap3A_585 = arith.index_cast %scan3A_553 : i32 to index
      %swap3A_586 = arith.constant 48 : index
      %swap3A_587 = tpu.vector_load %arg10[%swap3A_585, %swap3A_586] {strides = array<i32>} : memref<200x64xf32, #tpu.memory_space<vmem>>, vector<1x16xf32>,
      %swap3A_588 = vector.shape_cast %swap3A_587 : vector<1x16xf32> to vector<16xf32>
      %swap3A_589 = vector.shape_cast %get3A_584 : vector<16xf32> to vector<1x16xf32>
      tpu.vector_store %arg10[%swap3A_585, %swap3A_586], %swap3A_589 {add = true, strides = array<i32>} : memref<200x64xf32, #tpu.memory_space<vmem>>, vector<1x16xf32>,
      %scan3A_590 = arith.constant 3 : i32
      %scan3A_591 = arith.addi %scan3A_479, %scan3A_590 : i32
      %get3A_592 = arith.index_cast %scan3A_591 : i32 to index
      %get3A_593 = arith.constant 0 : index
      %get3A_594 = tpu.vector_load %arg7[%get3A_592, %get3A_593] {strides = array<i32>} : memref<200x64xf32, #tpu.memory_space<vmem>>, vector<1x16xf32>,
      %get3A_595 = vector.shape_cast %get3A_594 : vector<1x16xf32> to vector<16xf32>
      %swap3A_596 = arith.index_cast %scan3A_591 : i32 to index
      %swap3A_597 = arith.constant 0 : index
      %swap3A_598 = tpu.vector_load %arg10[%swap3A_596, %swap3A_597] {strides = array<i32>} : memref<200x64xf32, #tpu.memory_space<vmem>>, vector<1x16xf32>,
      %swap3A_599 = vector.shape_cast %swap3A_598 : vector<1x16xf32> to vector<16xf32>
      %swap3A_600 = vector.shape_cast %get3A_595 : vector<16xf32> to vector<1x16xf32>
      tpu.vector_store %arg10[%swap3A_596, %swap3A_597], %swap3A_600 {add = true, strides = array<i32>} : memref<200x64xf32, #tpu.memory_space<vmem>>, vector<1x16xf32>,
      %get3A_601 = arith.index_cast %scan3A_591 : i32 to index
      %get3A_602 = arith.constant 16 : index
      %get3A_603 = tpu.vector_load %arg7[%get3A_601, %get3A_602] {strides = array<i32>} : memref<200x64xf32, #tpu.memory_space<vmem>>, vector<1x16xf32>,
      %get3A_604 = vector.shape_cast %get3A_603 : vector<1x16xf32> to vector<16xf32>
      %swap3A_605 = arith.index_cast %scan3A_591 : i32 to index
      %swap3A_606 = arith.constant 16 : index
      %swap3A_607 = tpu.vector_load %arg10[%swap3A_605, %swap3A_606] {strides = array<i32>} : memref<200x64xf32, #tpu.memory_space<vmem>>, vector<1x16xf32>,
      %swap3A_608 = vector.shape_cast %swap3A_607 : vector<1x16xf32> to vector<16xf32>
      %swap3A_609 = vector.shape_cast %get3A_604 : vector<16xf32> to vector<1x16xf32>
      tpu.vector_store %arg10[%swap3A_605, %swap3A_606], %swap3A_609 {add = true, strides = array<i32>} : memref<200x64xf32, #tpu.memory_space<vmem>>, vector<1x16xf32>,
      %get3A_610 = arith.index_cast %scan3A_591 : i32 to index
      %get3A_611 = arith.constant 32 : index
      %get3A_612 = tpu.vector_load %arg7[%get3A_610, %get3A_611] {strides = array<i32>} : memref<200x64xf32, #tpu.memory_space<vmem>>, vector<1x16xf32>,
      %get3A_613 = vector.shape_cast %get3A_612 : vector<1x16xf32> to vector<16xf32>
      %swap3A_614 = arith.index_cast %scan3A_591 : i32 to index
      %swap3A_615 = arith.constant 32 : index
      %swap3A_616 = tpu.vector_load %arg10[%swap3A_614, %swap3A_615] {strides = array<i32>} : memref<200x64xf32, #tpu.memory_space<vmem>>, vector<1x16xf32>,
      %swap3A_617 = vector.shape_cast %swap3A_616 : vector<1x16xf32> to vector<16xf32>
      %swap3A_618 = vector.shape_cast %get3A_613 : vector<16xf32> to vector<1x16xf32>
      tpu.vector_store %arg10[%swap3A_614, %swap3A_615], %swap3A_618 {add = true, strides = array<i32>} : memref<200x64xf32, #tpu.memory_space<vmem>>, vector<1x16xf32>,
      %get3A_619 = arith.index_cast %scan3A_591 : i32 to index
      %get3A_620 = arith.constant 48 : index
      %get3A_621 = tpu.vector_load %arg7[%get3A_619, %get3A_620] {strides = array<i32>} : memref<200x64xf32, #tpu.memory_space<vmem>>, vector<1x16xf32>,
      %get3A_622 = vector.shape_cast %get3A_621 : vector<1x16xf32> to vector<16xf32>
      %swap3A_623 = arith.index_cast %scan3A_591 : i32 to index
      %swap3A_624 = arith.constant 48 : index
      %swap3A_625 = tpu.vector_load %arg10[%swap3A_623, %swap3A_624] {strides = array<i32>} : memref<200x64xf32, #tpu.memory_space<vmem>>, vector<1x16xf32>,
      %swap3A_626 = vector.shape_cast %swap3A_625 : vector<1x16xf32> to vector<16xf32>
      %swap3A_627 = vector.shape_cast %get3A_622 : vector<16xf32> to vector<1x16xf32>
      tpu.vector_store %arg10[%swap3A_623, %swap3A_624], %swap3A_627 {add = true, strides = array<i32>} : memref<200x64xf32, #tpu.memory_space<vmem>>, vector<1x16xf32>,
    }
    %scan3A_420 = arith.constant 200 : i32
    %add3A_421 = arith.constant 25200 : i32
    %add3A_422 = arith.addi %mul3A_4, %add3A_421 : i32
    %multiple_of3A_423 = tpu.assume_multiple %add3A_422, 8 : i32
    %dma_start3A_424 = arith.constant 0 : i32
    %dma_start3A_425 = tpu.memref_slice %arg5[%multiple_of3A_423, %dma_start3A_424] : memref<819200x64xf32, #tpu.memory_space<hbm>> -> memref<200x64xf32, #tpu.memory_space<hbm>>
    %dma_start3A_426 = arith.constant 0 : i32
    %dma_start3A_427 = tpu.memref_slice %arg5[%multiple_of3A_423, %dma_start3A_426] : memref<819200x64xf32, #tpu.memory_space<hbm>> -> memref<200x64xf32, #tpu.memory_space<hbm>>
    tpu.enqueue_dma source(%arg10 : memref<200x64xf32, #tpu.memory_space<vmem>>) target(%dma_start3A_427 : memref<200x64xf32, #tpu.memory_space<hbm>>) target_semaphore(%arg18 : memref<!tpu.dma_semaphore, #tpu.memory_space<semaphore_mem>>)
    %dma_wait3A_428 = arith.constant 0 : i32
    %dma_wait3A_429 = arith.constant 0 : i32
    %dma_wait3A_430 = arith.constant 0 : i32
    %dma_wait3A_431 = tpu.memref_slice %arg11[%dma_wait3A_429, %dma_wait3A_430] : memref<200x64xf32, #tpu.memory_space<vmem>> -> memref<100x64xf32, #tpu.memory_space<vmem>>
    %dma_wait3A_432 = arith.constant 0 : i32
    %dma_wait3A_433 = tpu.memref_slice %arg6[%dma_wait3A_428, %dma_wait3A_432] : memref<256x100xi32, #tpu.memory_space<vmem>> -> memref<1x100xi32, #tpu.memory_space<vmem>>
    %dma_wait3A_434 = tpu.memref_squeeze %dma_wait3A_433 : memref<1x100xi32, #tpu.memory_space<vmem>> -> memref<100xi32, #tpu.memory_space<vmem>>
    %dma_wait3A_435 = arith.constant 0 : i32
    %dma_wait3A_436 = arith.constant 0 : i32
    %dma_wait3A_437 = tpu.memref_slice %arg3[%dma_wait3A_435, %dma_wait3A_436] : memref<100000x64xf32, #tpu.memory_space<hbm>> -> memref<100000x64xf32, #tpu.memory_space<hbm>>
    tpu.wait_indirect_dma semaphore(%arg15 : memref<!tpu.dma_semaphore, #tpu.memory_space<semaphore_mem>>) src(%dma_wait3A_437 : memref<100000x64xf32, #tpu.memory_space<hbm>>) dst(%dma_wait3A_431 : memref<100x64xf32, #tpu.memory_space<vmem>>)
    %dma_wait3A_438 = arith.constant 0 : i32
    %dma_wait3A_439 = arith.constant 100 : i32
    %dma_wait3A_440 = arith.constant 0 : i32
    %dma_wait3A_441 = tpu.memref_slice %arg11[%dma_wait3A_439, %dma_wait3A_440] : memref<200x64xf32, #tpu.memory_space<vmem>> -> memref<100x64xf32, #tpu.memory_space<vmem>>
    %dma_wait3A_442 = arith.constant 0 : i32
    %dma_wait3A_443 = tpu.memref_slice %arg6[%dma_wait3A_438, %dma_wait3A_442] : memref<256x100xi32, #tpu.memory_space<vmem>> -> memref<1x100xi32, #tpu.memory_space<vmem>>
    %dma_wait3A_444 = tpu.memref_squeeze %dma_wait3A_443 : memref<1x100xi32, #tpu.memory_space<vmem>> -> memref<100xi32, #tpu.memory_space<vmem>>
    %dma_wait3A_445 = arith.constant 0 : i32
    %dma_wait3A_446 = arith.constant 0 : i32
    %dma_wait3A_447 = tpu.memref_slice %arg3[%dma_wait3A_445, %dma_wait3A_446] : memref<100000x64xf32, #tpu.memory_space<hbm>> -> memref<100000x64xf32, #tpu.memory_space<hbm>>
    tpu.wait_indirect_dma semaphore(%arg15 : memref<!tpu.dma_semaphore, #tpu.memory_space<semaphore_mem>>) src(%dma_wait3A_447 : memref<100000x64xf32, #tpu.memory_space<hbm>>) dst(%dma_wait3A_441 : memref<100x64xf32, #tpu.memory_space<vmem>>)
    %dma_wait3A_448 = arith.constant 0 : i32
    %dma_wait3A_449 = arith.constant 0 : i32
    %dma_wait3A_450 = tpu.memref_slice %arg5[%dma_wait3A_448, %dma_wait3A_449] : memref<819200x64xf32, #tpu.memory_space<hbm>> -> memref<200x64xf32, #tpu.memory_space<hbm>>
    %dma_wait3A_451 = arith.constant 0 : i32
    %dma_wait3A_452 = arith.constant 0 : i32
    %dma_wait3A_453 = tpu.memref_slice %arg5[%dma_wait3A_451, %dma_wait3A_452] : memref<819200x64xf32, #tpu.memory_space<hbm>> -> memref<200x64xf32, #tpu.memory_space<hbm>>
    tpu.wait_dma2 semaphore(%arg17 : memref<!tpu.dma_semaphore, #tpu.memory_space<semaphore_mem>>) src(%arg9 : memref<200x64xf32, #tpu.memory_space<vmem>>) dst(%dma_wait3A_453 : memref<200x64xf32, #tpu.memory_space<hbm>>)
    %scan3A_454 = arith.constant 0 : i32
    %scan3A_455 = arith.constant 0 : i32
    %scan3A_456 = arith.constant 200 : i32
    %scan3A_457 = arith.addi %scan3A_455, %scan3A_456 : i32
    %scan3A_458 = arith.constant 4 : i32
    scf.for %scan3A_479 = %scan3A_455 to %scan3A_457 step %scan3A_458  : i32 {
      %get3A = arith.index_cast %scan3A_479 : i32 to index
      %get3A_480 = arith.constant 0 : index
      %get3A_481 = tpu.vector_load %arg7[%get3A, %get3A_480] {strides = array<i32>} : memref<200x64xf32, #tpu.memory_space<vmem>>, vector<1x16xf32>,
      %get3A_482 = vector.shape_cast %get3A_481 : vector<1x16xf32> to vector<16xf32>
      %swap3A = arith.index_cast %scan3A_479 : i32 to index
      %swap3A_483 = arith.constant 0 : index
      %swap3A_484 = tpu.vector_load %arg11[%swap3A, %swap3A_483] {strides = array<i32>} : memref<200x64xf32, #tpu.memory_space<vmem>>, vector<1x16xf32>,
      %swap3A_485 = vector.shape_cast %swap3A_484 : vector<1x16xf32> to vector<16xf32>
      %swap3A_486 = vector.shape_cast %get3A_482 : vector<16xf32> to vector<1x16xf32>
      tpu.vector_store %arg11[%swap3A, %swap3A_483], %swap3A_486 {add = true, strides = array<i32>} : memref<200x64xf32, #tpu.memory_space<vmem>>, vector<1x16xf32>,
      %get3A_487 = arith.index_cast %scan3A_479 : i32 to index
      %get3A_488 = arith.constant 16 : index
      %get3A_489 = tpu.vector_load %arg7[%get3A_487, %get3A_488] {strides = array<i32>} : memref<200x64xf32, #tpu.memory_space<vmem>>, vector<1x16xf32>,
      %get3A_490 = vector.shape_cast %get3A_489 : vector<1x16xf32> to vector<16xf32>
      %swap3A_491 = arith.index_cast %scan3A_479 : i32 to index
      %swap3A_492 = arith.constant 16 : index
      %swap3A_493 = tpu.vector_load %arg11[%swap3A_491, %swap3A_492] {strides = array<i32>} : memref<200x64xf32, #tpu.memory_space<vmem>>, vector<1x16xf32>,
      %swap3A_494 = vector.shape_cast %swap3A_493 : vector<1x16xf32> to vector<16xf32>
      %swap3A_495 = vector.shape_cast %get3A_490 : vector<16xf32> to vector<1x16xf32>
      tpu.vector_store %arg11[%swap3A_491, %swap3A_492], %swap3A_495 {add = true, strides = array<i32>} : memref<200x64xf32, #tpu.memory_space<vmem>>, vector<1x16xf32>,
      %get3A_496 = arith.index_cast %scan3A_479 : i32 to index
      %get3A_497 = arith.constant 32 : index
      %get3A_498 = tpu.vector_load %arg7[%get3A_496, %get3A_497] {strides = array<i32>} : memref<200x64xf32, #tpu.memory_space<vmem>>, vector<1x16xf32>,
      %get3A_499 = vector.shape_cast %get3A_498 : vector<1x16xf32> to vector<16xf32>
      %swap3A_500 = arith.index_cast %scan3A_479 : i32 to index
      %swap3A_501 = arith.constant 32 : index
      %swap3A_502 = tpu.vector_load %arg11[%swap3A_500, %swap3A_501] {strides = array<i32>} : memref<200x64xf32, #tpu.memory_space<vmem>>, vector<1x16xf32>,
      %swap3A_503 = vector.shape_cast %swap3A_502 : vector<1x16xf32> to vector<16xf32>
      %swap3A_504 = vector.shape_cast %get3A_499 : vector<16xf32> to vector<1x16xf32>
      tpu.vector_store %arg11[%swap3A_500, %swap3A_501], %swap3A_504 {add = true, strides = array<i32>} : memref<200x64xf32, #tpu.memory_space<vmem>>, vector<1x16xf32>,
      %get3A_505 = arith.index_cast %scan3A_479 : i32 to index
      %get3A_506 = arith.constant 48 : index
      %get3A_507 = tpu.vector_load %arg7[%get3A_505, %get3A_506] {strides = array<i32>} : memref<200x64xf32, #tpu.memory_space<vmem>>, vector<1x16xf32>,
      %get3A_508 = vector.shape_cast %get3A_507 : vector<1x16xf32> to vector<16xf32>
      %swap3A_509 = arith.index_cast %scan3A_479 : i32 to index
      %swap3A_510 = arith.constant 48 : index
      %swap3A_511 = tpu.vector_load %arg11[%swap3A_509, %swap3A_510] {strides = array<i32>} : memref<200x64xf32, #tpu.memory_space<vmem>>, vector<1x16xf32>,
      %swap3A_512 = vector.shape_cast %swap3A_511 : vector<1x16xf32> to vector<16xf32>
      %swap3A_513 = vector.shape_cast %get3A_508 : vector<16xf32> to vector<1x16xf32>
      tpu.vector_store %arg11[%swap3A_509, %swap3A_510], %swap3A_513 {add = true, strides = array<i32>} : memref<200x64xf32, #tpu.memory_space<vmem>>, vector<1x16xf32>,
      %scan3A_514 = arith.constant 1 : i32
      %scan3A_515 = arith.addi %scan3A_479, %scan3A_514 : i32
      %get3A_516 = arith.index_cast %scan3A_515 : i32 to index
      %get3A_517 = arith.constant 0 : index
      %get3A_518 = tpu.vector_load %arg7[%get3A_516, %get3A_517] {strides = array<i32>} : memref<200x64xf32, #tpu.memory_space<vmem>>, vector<1x16xf32>,
      %get3A_519 = vector.shape_cast %get3A_518 : vector<1x16xf32> to vector<16xf32>
      %swap3A_520 = arith.index_cast %scan3A_515 : i32 to index
      %swap3A_521 = arith.constant 0 : index
      %swap3A_522 = tpu.vector_load %arg11[%swap3A_520, %swap3A_521] {strides = array<i32>} : memref<200x64xf32, #tpu.memory_space<vmem>>, vector<1x16xf32>,
      %swap3A_523 = vector.shape_cast %swap3A_522 : vector<1x16xf32> to vector<16xf32>
      %swap3A_524 = vector.shape_cast %get3A_519 : vector<16xf32> to vector<1x16xf32>
      tpu.vector_store %arg11[%swap3A_520, %swap3A_521], %swap3A_524 {add = true, strides = array<i32>} : memref<200x64xf32, #tpu.memory_space<vmem>>, vector<1x16xf32>,
      %get3A_525 = arith.index_cast %scan3A_515 : i32 to index
      %get3A_526 = arith.constant 16 : index
      %get3A_527 = tpu.vector_load %arg7[%get3A_525, %get3A_526] {strides = array<i32>} : memref<200x64xf32, #tpu.memory_space<vmem>>, vector<1x16xf32>,
      %get3A_528 = vector.shape_cast %get3A_527 : vector<1x16xf32> to vector<16xf32>
      %swap3A_529 = arith.index_cast %scan3A_515 : i32 to index
      %swap3A_530 = arith.constant 16 : index
      %swap3A_531 = tpu.vector_load %arg11[%swap3A_529, %swap3A_530] {strides = array<i32>} : memref<200x64xf32, #tpu.memory_space<vmem>>, vector<1x16xf32>,
      %swap3A_532 = vector.shape_cast %swap3A_531 : vector<1x16xf32> to vector<16xf32>
      %swap3A_533 = vector.shape_cast %get3A_528 : vector<16xf32> to vector<1x16xf32>
      tpu.vector_store %arg11[%swap3A_529, %swap3A_530], %swap3A_533 {add = true, strides = array<i32>} : memref<200x64xf32, #tpu.memory_space<vmem>>, vector<1x16xf32>,
      %get3A_534 = arith.index_cast %scan3A_515 : i32 to index
      %get3A_535 = arith.constant 32 : index
      %get3A_536 = tpu.vector_load %arg7[%get3A_534, %get3A_535] {strides = array<i32>} : memref<200x64xf32, #tpu.memory_space<vmem>>, vector<1x16xf32>,
      %get3A_537 = vector.shape_cast %get3A_536 : vector<1x16xf32> to vector<16xf32>
      %swap3A_538 = arith.index_cast %scan3A_515 : i32 to index
      %swap3A_539 = arith.constant 32 : index
      %swap3A_540 = tpu.vector_load %arg11[%swap3A_538, %swap3A_539] {strides = array<i32>} : memref<200x64xf32, #tpu.memory_space<vmem>>, vector<1x16xf32>,
      %swap3A_541 = vector.shape_cast %swap3A_540 : vector<1x16xf32> to vector<16xf32>
      %swap3A_542 = vector.shape_cast %get3A_537 : vector<16xf32> to vector<1x16xf32>
      tpu.vector_store %arg11[%swap3A_538, %swap3A_539], %swap3A_542 {add = true, strides = array<i32>} : memref<200x64xf32, #tpu.memory_space<vmem>>, vector<1x16xf32>,
      %get3A_543 = arith.index_cast %scan3A_515 : i32 to index
      %get3A_544 = arith.constant 48 : index
      %get3A_545 = tpu.vector_load %arg7[%get3A_543, %get3A_544] {strides = array<i32>} : memref<200x64xf32, #tpu.memory_space<vmem>>, vector<1x16xf32>,
      %get3A_546 = vector.shape_cast %get3A_545 : vector<1x16xf32> to vector<16xf32>
      %swap3A_547 = arith.index_cast %scan3A_515 : i32 to index
      %swap3A_548 = arith.constant 48 : index
      %swap3A_549 = tpu.vector_load %arg11[%swap3A_547, %swap3A_548] {strides = array<i32>} : memref<200x64xf32, #tpu.memory_space<vmem>>, vector<1x16xf32>,
      %swap3A_550 = vector.shape_cast %swap3A_549 : vector<1x16xf32> to vector<16xf32>
      %swap3A_551 = vector.shape_cast %get3A_546 : vector<16xf32> to vector<1x16xf32>
      tpu.vector_store %arg11[%swap3A_547, %swap3A_548], %swap3A_551 {add = true, strides = array<i32>} : memref<200x64xf32, #tpu.memory_space<vmem>>, vector<1x16xf32>,
      %scan3A_552 = arith.constant 2 : i32
      %scan3A_553 = arith.addi %scan3A_479, %scan3A_552 : i32
      %get3A_554 = arith.index_cast %scan3A_553 : i32 to index
      %get3A_555 = arith.constant 0 : index
      %get3A_556 = tpu.vector_load %arg7[%get3A_554, %get3A_555] {strides = array<i32>} : memref<200x64xf32, #tpu.memory_space<vmem>>, vector<1x16xf32>,
      %get3A_557 = vector.shape_cast %get3A_556 : vector<1x16xf32> to vector<16xf32>
      %swap3A_558 = arith.index_cast %scan3A_553 : i32 to index
      %swap3A_559 = arith.constant 0 : index
      %swap3A_560 = tpu.vector_load %arg11[%swap3A_558, %swap3A_559] {strides = array<i32>} : memref<200x64xf32, #tpu.memory_space<vmem>>, vector<1x16xf32>,
      %swap3A_561 = vector.shape_cast %swap3A_560 : vector<1x16xf32> to vector<16xf32>
      %swap3A_562 = vector.shape_cast %get3A_557 : vector<16xf32> to vector<1x16xf32>
      tpu.vector_store %arg11[%swap3A_558, %swap3A_559], %swap3A_562 {add = true, strides = array<i32>} : memref<200x64xf32, #tpu.memory_space<vmem>>, vector<1x16xf32>,
      %get3A_563 = arith.index_cast %scan3A_553 : i32 to index
      %get3A_564 = arith.constant 16 : index
      %get3A_565 = tpu.vector_load %arg7[%get3A_563, %get3A_564] {strides = array<i32>} : memref<200x64xf32, #tpu.memory_space<vmem>>, vector<1x16xf32>,
      %get3A_566 = vector.shape_cast %get3A_565 : vector<1x16xf32> to vector<16xf32>
      %swap3A_567 = arith.index_cast %scan3A_553 : i32 to index
      %swap3A_568 = arith.constant 16 : index
      %swap3A_569 = tpu.vector_load %arg11[%swap3A_567, %swap3A_568] {strides = array<i32>} : memref<200x64xf32, #tpu.memory_space<vmem>>, vector<1x16xf32>,
      %swap3A_570 = vector.shape_cast %swap3A_569 : vector<1x16xf32> to vector<16xf32>
      %swap3A_571 = vector.shape_cast %get3A_566 : vector<16xf32> to vector<1x16xf32>
      tpu.vector_store %arg11[%swap3A_567, %swap3A_568], %swap3A_571 {add = true, strides = array<i32>} : memref<200x64xf32, #tpu.memory_space<vmem>>, vector<1x16xf32>,
      %get3A_572 = arith.index_cast %scan3A_553 : i32 to index
      %get3A_573 = arith.constant 32 : index
      %get3A_574 = tpu.vector_load %arg7[%get3A_572, %get3A_573] {strides = array<i32>} : memref<200x64xf32, #tpu.memory_space<vmem>>, vector<1x16xf32>,
      %get3A_575 = vector.shape_cast %get3A_574 : vector<1x16xf32> to vector<16xf32>
      %swap3A_576 = arith.index_cast %scan3A_553 : i32 to index
      %swap3A_577 = arith.constant 32 : index
      %swap3A_578 = tpu.vector_load %arg11[%swap3A_576, %swap3A_577] {strides = array<i32>} : memref<200x64xf32, #tpu.memory_space<vmem>>, vector<1x16xf32>,
      %swap3A_579 = vector.shape_cast %swap3A_578 : vector<1x16xf32> to vector<16xf32>
      %swap3A_580 = vector.shape_cast %get3A_575 : vector<16xf32> to vector<1x16xf32>
      tpu.vector_store %arg11[%swap3A_576, %swap3A_577], %swap3A_580 {add = true, strides = array<i32>} : memref<200x64xf32, #tpu.memory_space<vmem>>, vector<1x16xf32>,
      %get3A_581 = arith.index_cast %scan3A_553 : i32 to index
      %get3A_582 = arith.constant 48 : index
      %get3A_583 = tpu.vector_load %arg7[%get3A_581, %get3A_582] {strides = array<i32>} : memref<200x64xf32, #tpu.memory_space<vmem>>, vector<1x16xf32>,
      %get3A_584 = vector.shape_cast %get3A_583 : vector<1x16xf32> to vector<16xf32>
      %swap3A_585 = arith.index_cast %scan3A_553 : i32 to index
      %swap3A_586 = arith.constant 48 : index
      %swap3A_587 = tpu.vector_load %arg11[%swap3A_585, %swap3A_586] {strides = array<i32>} : memref<200x64xf32, #tpu.memory_space<vmem>>, vector<1x16xf32>,
      %swap3A_588 = vector.shape_cast %swap3A_587 : vector<1x16xf32> to vector<16xf32>
      %swap3A_589 = vector.shape_cast %get3A_584 : vector<16xf32> to vector<1x16xf32>
      tpu.vector_store %arg11[%swap3A_585, %swap3A_586], %swap3A_589 {add = true, strides = array<i32>} : memref<200x64xf32, #tpu.memory_space<vmem>>, vector<1x16xf32>,
      %scan3A_590 = arith.constant 3 : i32
      %scan3A_591 = arith.addi %scan3A_479, %scan3A_590 : i32
      %get3A_592 = arith.index_cast %scan3A_591 : i32 to index
      %get3A_593 = arith.constant 0 : index
      %get3A_594 = tpu.vector_load %arg7[%get3A_592, %get3A_593] {strides = array<i32>} : memref<200x64xf32, #tpu.memory_space<vmem>>, vector<1x16xf32>,
      %get3A_595 = vector.shape_cast %get3A_594 : vector<1x16xf32> to vector<16xf32>
      %swap3A_596 = arith.index_cast %scan3A_591 : i32 to index
      %swap3A_597 = arith.constant 0 : index
      %swap3A_598 = tpu.vector_load %arg11[%swap3A_596, %swap3A_597] {strides = array<i32>} : memref<200x64xf32, #tpu.memory_space<vmem>>, vector<1x16xf32>,
      %swap3A_599 = vector.shape_cast %swap3A_598 : vector<1x16xf32> to vector<16xf32>
      %swap3A_600 = vector.shape_cast %get3A_595 : vector<16xf32> to vector<1x16xf32>
      tpu.vector_store %arg11[%swap3A_596, %swap3A_597], %swap3A_600 {add = true, strides = array<i32>} : memref<200x64xf32, #tpu.memory_space<vmem>>, vector<1x16xf32>,
      %get3A_601 = arith.index_cast %scan3A_591 : i32 to index
      %get3A_602 = arith.constant 16 : index
      %get3A_603 = tpu.vector_load %arg7[%get3A_601, %get3A_602] {strides = array<i32>} : memref<200x64xf32, #tpu.memory_space<vmem>>, vector<1x16xf32>,
      %get3A_604 = vector.shape_cast %get3A_603 : vector<1x16xf32> to vector<16xf32>
      %swap3A_605 = arith.index_cast %scan3A_591 : i32 to index
      %swap3A_606 = arith.constant 16 : index
      %swap3A_607 = tpu.vector_load %arg11[%swap3A_605, %swap3A_606] {strides = array<i32>} : memref<200x64xf32, #tpu.memory_space<vmem>>, vector<1x16xf32>,
      %swap3A_608 = vector.shape_cast %swap3A_607 : vector<1x16xf32> to vector<16xf32>
      %swap3A_609 = vector.shape_cast %get3A_604 : vector<16xf32> to vector<1x16xf32>
      tpu.vector_store %arg11[%swap3A_605, %swap3A_606], %swap3A_609 {add = true, strides = array<i32>} : memref<200x64xf32, #tpu.memory_space<vmem>>, vector<1x16xf32>,
      %get3A_610 = arith.index_cast %scan3A_591 : i32 to index
      %get3A_611 = arith.constant 32 : index
      %get3A_612 = tpu.vector_load %arg7[%get3A_610, %get3A_611] {strides = array<i32>} : memref<200x64xf32, #tpu.memory_space<vmem>>, vector<1x16xf32>,
      %get3A_613 = vector.shape_cast %get3A_612 : vector<1x16xf32> to vector<16xf32>
      %swap3A_614 = arith.index_cast %scan3A_591 : i32 to index
      %swap3A_615 = arith.constant 32 : index
      %swap3A_616 = tpu.vector_load %arg11[%swap3A_614, %swap3A_615] {strides = array<i32>} : memref<200x64xf32, #tpu.memory_space<vmem>>, vector<1x16xf32>,
      %swap3A_617 = vector.shape_cast %swap3A_616 : vector<1x16xf32> to vector<16xf32>
      %swap3A_618 = vector.shape_cast %get3A_613 : vector<16xf32> to vector<1x16xf32>
      tpu.vector_store %arg11[%swap3A_614, %swap3A_615], %swap3A_618 {add = true, strides = array<i32>} : memref<200x64xf32, #tpu.memory_space<vmem>>, vector<1x16xf32>,
      %get3A_619 = arith.index_cast %scan3A_591 : i32 to index
      %get3A_620 = arith.constant 48 : index
      %get3A_621 = tpu.vector_load %arg7[%get3A_619, %get3A_620] {strides = array<i32>} : memref<200x64xf32, #tpu.memory_space<vmem>>, vector<1x16xf32>,
      %get3A_622 = vector.shape_cast %get3A_621 : vector<1x16xf32> to vector<16xf32>
      %swap3A_623 = arith.index_cast %scan3A_591 : i32 to index
      %swap3A_624 = arith.constant 48 : index
      %swap3A_625 = tpu.vector_load %arg11[%swap3A_623, %swap3A_624] {strides = array<i32>} : memref<200x64xf32, #tpu.memory_space<vmem>>, vector<1x16xf32>,
      %swap3A_626 = vector.shape_cast %swap3A_625 : vector<1x16xf32> to vector<16xf32>
      %swap3A_627 = vector.shape_cast %get3A_622 : vector<16xf32> to vector<1x16xf32>
      tpu.vector_store %arg11[%swap3A_623, %swap3A_624], %swap3A_627 {add = true, strides = array<i32>} : memref<200x64xf32, #tpu.memory_space<vmem>>, vector<1x16xf32>,
    }
    %scan3A_459 = arith.constant 200 : i32
    %add3A_460 = arith.constant 25400 : i32
    %add3A_461 = arith.addi %mul3A_4, %add3A_460 : i32
    %multiple_of3A_462 = tpu.assume_multiple %add3A_461, 8 : i32
    %dma_start3A_463 = arith.constant 0 : i32
    %dma_start3A_464 = tpu.memref_slice %arg5[%multiple_of3A_462, %dma_start3A_463] : memref<819200x64xf32, #tpu.memory_space<hbm>> -> memref<200x64xf32, #tpu.memory_space<hbm>>
    %dma_start3A_465 = arith.constant 0 : i32
    %dma_start3A_466 = tpu.memref_slice %arg5[%multiple_of3A_462, %dma_start3A_465] : memref<819200x64xf32, #tpu.memory_space<hbm>> -> memref<200x64xf32, #tpu.memory_space<hbm>>
    tpu.enqueue_dma source(%arg11 : memref<200x64xf32, #tpu.memory_space<vmem>>) target(%dma_start3A_466 : memref<200x64xf32, #tpu.memory_space<hbm>>) target_semaphore(%arg19 : memref<!tpu.dma_semaphore, #tpu.memory_space<semaphore_mem>>)
    %dma_wait3A_467 = arith.constant 0 : i32
    %dma_wait3A_468 = arith.constant 0 : i32
    %dma_wait3A_469 = tpu.memref_slice %arg5[%dma_wait3A_467, %dma_wait3A_468] : memref<819200x64xf32, #tpu.memory_space<hbm>> -> memref<200x64xf32, #tpu.memory_space<hbm>>
    %dma_wait3A_470 = arith.constant 0 : i32
    %dma_wait3A_471 = arith.constant 0 : i32
    %dma_wait3A_472 = tpu.memref_slice %arg5[%dma_wait3A_470, %dma_wait3A_471] : memref<819200x64xf32, #tpu.memory_space<hbm>> -> memref<200x64xf32, #tpu.memory_space<hbm>>
    tpu.wait_dma2 semaphore(%arg18 : memref<!tpu.dma_semaphore, #tpu.memory_space<semaphore_mem>>) src(%arg10 : memref<200x64xf32, #tpu.memory_space<vmem>>) dst(%dma_wait3A_472 : memref<200x64xf32, #tpu.memory_space<hbm>>)
    %dma_wait3A_473 = arith.constant 0 : i32
    %dma_wait3A_474 = arith.constant 0 : i32
    %dma_wait3A_475 = tpu.memref_slice %arg5[%dma_wait3A_473, %dma_wait3A_474] : memref<819200x64xf32, #tpu.memory_space<hbm>> -> memref<200x64xf32, #tpu.memory_space<hbm>>
    %dma_wait3A_476 = arith.constant 0 : i32
    %dma_wait3A_477 = arith.constant 0 : i32
    %dma_wait3A_478 = tpu.memref_slice %arg5[%dma_wait3A_476, %dma_wait3A_477] : memref<819200x64xf32, #tpu.memory_space<hbm>> -> memref<200x64xf32, #tpu.memory_space<hbm>>
    tpu.wait_dma2 semaphore(%arg19 : memref<!tpu.dma_semaphore, #tpu.memory_space<semaphore_mem>>) src(%arg11 : memref<200x64xf32, #tpu.memory_space<vmem>>) dst(%dma_wait3A_478 : memref<200x64xf32, #tpu.memory_space<hbm>>)
    return
  }
}

</mosaic_0001>

<sc_bundles>
// kernel: kernel.3.cloned.1.call-start
scs
__scs_entry_jumppad:
0x0: {  	(pc) =	sbr.rel $0x88, $3  }
0x1: {  	(tag) =	ssettag $0x0;
	lr =	simm.s32 $0x1  }
0x2: {  	[smem:$0x3F9E] =	sst lr;
	_ =	strace $0xD0000000  }
0x3: {  	_ = 	snop  }
0x4: {  	_ = 	snop  }
0x5: {  	_ = 	snop  }
0x6: {  	_ = 	snop  }
0x7: {  	_ = 	snop  }
__scs_overlays_trampoline_lowered:
0x8: {  	[smem:$0x3FAD] =	sst s0  }
0x9: {  	[smem:$0x3FAE] =	sst s1  }
0xa: {  	[smem:$0x3FAF] =	sst s2  }
0xb: {  	[smem:$0x3FB0] =	sst s3  }
0xc: {  	[smem:$0x3FB1] =	sst s4  }
0xd: {  	[smem:$0x3FB2] =	sst s5  }
0xe: {  	[smem:$0x3FB3] =	sst s6  }
0xf: {  	[smem:$0x3FB4] =	sst s7  }
0x10: {  	[smem:$0x3FB5] =	sst s8  }
0x11: {  	[smem:$0x3FB6] =	sst s9;
	s0 =	simm.s32 @!p0 $0x0  }
0x12: {  	s1 =	sld [smem:$0x3F9C];
	s0 =	simm.s32 @p0 $0x1  }
0x13: {  	[smem:$0x3FB7] =	sst s0;
	s0 =	simm.s32 @!p1 $0x0  }
0x14: {  	s2 =	sld [smem:$0x3F9B];
	s0 =	simm.s32 @p1 $0x1  }
0x15: {  	[smem:$0x3FB8] =	sst s0;
	s0 =	simm.s32 @!p2 $0x0  }
0x16: {  	s3 =	sld [smem:$0x3FDB];
	s0 =	simm.s32 @p2 $0x1  }
0x17: {  	s4 =	simm.s32 $0x1BF5;
	[smem:$0x3FBA] =	sst s0  }
0x18: {  	s0 =	sld [smem:$0x3F9D];
	_ =	swait.ge [sflag:s4], $0x0  }
0x19: {  	s7 =	sld [smem:$0x3F9E]  }
0x1a: {  	s8 =	sadd.s32 $0xFFFFE003, lr  }
0x1b: {  	s9 =	sadd.s32 $0xFFFFFEF7, lr;
	s5 =	simm.s32 $0xFFFFFFFF;
	p2 =	slt.u32 s8, $0xFFFFF086  }
0x1c: {  	p1 =	slt.u32 s9, $0xF7A;
	s5 =	simm.s32 @!p2 $0x0  }
0x1d: {  	s5 =	simm.s32 @p1 $0x1;
	p0 =	seq.s32 s7, s2  }
0x1e: {  	s7 =	smul.u32 @!p0 $0xF7A, s2;
	p2 =	seq.s32 @!p0 s5, $0x0  }
0x1f: {  	s9 =	smul.u32 $0xF7A, s1;
	s8 =	simm.s32 @!p0 $0x1BF5;
	p2 =	por !p2, p0  }
0x20: {  	[sflag:s8] =	ssyncset.s32 @!p0 $0xFFFFF086;
	s6 =	sadd.s32 @!p0 s3, s7;
	s7 =	simm.s32 @!p0 $0x108  }
0x21: {  	s3 =	sadd.s32 s3, s9;
	s6 =	sadd.s32 @!p0 $0x88, s6;
	s7 =	simm.s32 @p2 $0x1082  }
0x22: {  	[simem:s7], [sflag:s8] =	dma.local @!p0 [hbm:s6], $0xF7A  }
0x23: {  	s9 =	sor.u32 $0xD0000000, s2;
	s6 =	simm.s32 $0x108;
	_ =	swait.ge @!p0 [sflag:s8], $0x0  }
0x24: {  	s3 =	sadd.s32 $0x88, s3;
	s6 =	simm.s32 @!p1 $0x1082;
	[sflag:s4] =	ssyncset.s32 $0xFFFFF086  }
0x25: {  	[simem:s6], [sflag:s4] =	dma.local [hbm:s3], $0xF7A  }
0x26: {  	[smem:$0x3F9E] =	sst s1;
	(tag) =	ssettag s2;
	_ =	strace s9  }
0x27: {  	s1 =	sld [smem:$0x3FAE]  }
0x28: {  	s2 =	sld [smem:$0x3FAF]  }
0x29: {  	s4 =	sld [smem:$0x3FB1]  }
0x2a: {  	p0 =	seq.s32 s5, $0x0;
	s5 =	sld [smem:$0x3FB2]  }
0x2b: {  	s6 =	sld [smem:$0x3FB3]  }
0x2c: {  	s7 =	sld [smem:$0x3FB4]  }
0x2d: {  	s3 =	simm.s32 $0x108;
	s8 =	sld [smem:$0x3FB5]  }
0x2e: {  	s3 =	simm.s32 @!p0 $0x1082;
	s9 =	sld [smem:$0x3FB6]  }
0x2f: {  	lr =	sadd.s32 s0, s3;
	s0 =	sld [smem:$0x3FAD]  }
0x30: {  	s3 =	sld [smem:$0x3FB0]  }
0x31: {  	[smem:$0x3FB9] =	sst s10  }
0x32: {  	s10 =	sld [smem:$0x3FB7];
	_ =	sdelay $0x3  }
0x33: {  	p0 =	seq.s32 s10, $0x1;
	s10 =	sld [smem:$0x3FB9];
	_ =	sdelay $0x3  }
0x34: {  	[smem:$0x3FB9] =	sst s10  }
0x35: {  	s10 =	sld [smem:$0x3FB8];
	_ =	sdelay $0x3  }
0x36: {  	p1 =	seq.s32 s10, $0x1;
	s10 =	sld [smem:$0x3FB9];
	_ =	sdelay $0x3  }
0x37: {  	[smem:$0x3FB9] =	sst s10  }
0x38: {  	s10 =	sld [smem:$0x3FBA]  }
0x39: {  	_ = 	snop;
	(pc) =	sbr.ind lr, $3  }
0x3a: {  	_ = 	snop  }
0x3b: {  	_ = 	snop  }
0x3c: {  	p2 =	seq.s32 s10, $0x1;
	s10 =	sld [smem:$0x3FB9]  }
0x3d: {  	_ =	shalt  }
0x3e: {  	_ =	shalt  }
0x3f: {  	_ =	shalt  }
0x40: {  	_ =	shalt  }
0x41: {  	_ =	shalt  }
0x42: {  	_ =	shalt  }
0x43: {  	_ =	shalt  }
0x44: {  	_ =	shalt  }
0x45: {  	_ =	shalt  }
0x46: {  	_ =	shalt  }
0x47: {  	_ =	shalt  }
0x48: {  	_ =	shalt  }
0x49: {  	_ =	shalt  }
0x4a: {  	_ =	shalt  }
0x4b: {  	_ =	shalt  }
0x4c: {  	_ =	shalt  }
0x4d: {  	_ =	shalt  }
0x4e: {  	_ =	shalt  }
0x4f: {  	_ =	shalt  }
0x50: {  	_ =	shalt  }
0x51: {  	_ =	shalt  }
0x52: {  	_ =	shalt  }
0x53: {  	_ =	shalt  }
0x54: {  	_ =	shalt  }
0x55: {  	_ =	shalt  }
0x56: {  	_ =	shalt  }
0x57: {  	_ =	shalt  }
0x58: {  	_ =	shalt  }
0x59: {  	_ =	shalt  }
0x5a: {  	_ =	shalt  }
0x5b: {  	_ =	shalt  }
0x5c: {  	_ =	shalt  }
0x5d: {  	_ =	shalt  }
0x5e: {  	_ =	shalt  }
0x5f: {  	_ =	shalt  }
0x60: {  	_ =	shalt  }
0x61: {  	_ =	shalt  }
0x62: {  	_ =	shalt  }
0x63: {  	_ =	shalt  }
0x64: {  	_ =	shalt  }
0x65: {  	_ =	shalt  }
0x66: {  	_ =	shalt  }
0x67: {  	_ =	shalt  }
0x68: {  	_ =	shalt  }
0x69: {  	_ =	shalt  }
0x6a: {  	_ =	shalt  }
0x6b: {  	_ =	shalt  }
0x6c: {  	_ =	shalt  }
0x6d: {  	_ =	shalt  }
0x6e: {  	_ =	shalt  }
0x6f: {  	_ =	shalt  }
0x70: {  	_ =	shalt  }
0x71: {  	_ =	shalt  }
0x72: {  	_ =	shalt  }
0x73: {  	_ =	shalt  }
0x74: {  	_ =	shalt  }
0x75: {  	_ =	shalt  }
0x76: {  	_ =	shalt  }
0x77: {  	_ =	shalt  }
0x78: {  	_ =	shalt  }
0x79: {  	_ =	shalt  }
0x7a: {  	_ =	shalt  }
0x7b: {  	_ =	shalt  }
0x7c: {  	_ =	shalt  }
0x7d: {  	_ =	shalt  }
0x7e: {  	_ =	shalt  }
0x7f: {  	_ =	shalt  }
0x80: {  	_ =	shalt  }
0x81: {  	_ =	shalt  }
0x82: {  	_ =	shalt  }
0x83: {  	_ =	shalt  }
0x84: {  	_ =	shalt  }
0x85: {  	_ =	shalt  }
0x86: {  	_ =	shalt  }
0x87: {  	_ =	shalt  }
.Lfunc_end0:
.L_simem_size_0:
called_computation.1_lowered:
.L_overlay_start_0:
0x88: {  	s2 =	sld [smem:$0x3FD9]  }
0x89: {  	s3 =	sld [smem:$0x3FFE];
	_ =	sdelay $0x1  }
0x8a: {  	s1 =	srdreg.scid  }
0x8b: {  	s0 =	sand.u32 $0x1, s1  }
0x8c: {  	s17 =	sshll.u32 s0, $0xA;
	s2 =	sadd.s32 s3, s2  }
0x8d: {  	s2 =	sadd.s32 s2, s17  }
0x8e: {  	[smem:$0x3FC5] =	sst s2  }
0x8f: {  	_ = 	snop  }
0x90: {  	s2 =	sld [smem:$0x3FD0];
	(tm) =	ssettm $0x1  }
0x91: {  	s18 =	sld [smem:$0x3FFB];
	_ =	sdelay $0x3  }
0x92: {  	_ =	strace s18  }
0x93: {  	s3 =	sld [smem:$0x3FFC];
	_ =	sdelay $0x3  }
0x94: {  	_ =	strace s3  }
0x95: {  	s3 =	sld [smem:$0x3FFD];
	_ =	sdelay $0x3  }
0x96: {  	_ =	strace s3  }
0x97: {  	_ =	strace $0x8FFFFFFF  }
0x98: {  	s19 =	sld [smem:$0x3FDB];
	_ =	sdelay $0x1  }
0x99: {  	s4 =	simm.s32 $_scs_section_size  }
0x9a: {  	s5 =	simm.s32 $_size__tile_overlayer_lowered;
	s6 =	simm.s32 $_tile_overlayer_lowered  }
0x9b: {  	s22 =	simm.s32 $0x1BFF;
	s21 =	sshll.u32 s6, $0x1;
	s3 =	sadd.s32 s4, s19  }
0x9c: {  	s7 =	simm.s32 $0x0;
	s20 =	sshll.u32 s5, $0x1;
	s5 =	sadd.s32 s21, s3  }
0x9d: {  	[timem:s7], [sflag:s22] =	dma.local [hbm:s5], s20  }
0x9e: {  	_ =	swait.ge [sflag:s22], s20  }
0x9f: {  	s4 =	ssub.s32 $0x0, s20;
	[sflag:s22] =	ssyncset.done $0x0  }
0xa0: {  	[sflag:s22] =	ssyncadd.s32 s4;
	_ =	sdelay $0x1  }
0xa1: {  	s23 =	simm.s32 $0x1B8B  }
0xa2: {  	_ =	swait.ge [sflag:s23], $0x1  }
0xa3: {  	[sflag:s23] =	ssyncset.done $0x0  }
0xa4: {  	s25 =	simm.s32 $0x1B8E;
	s24 =	sld [smem:$0x3FFE];
	[sflag:s23] =	ssyncadd.s32 $0xFFFFFFFF  }
0xa5: {  	s26 =	simm.s32 $execute0_lowered;
	[smem:$0x3FD2] =	sst s25  }
0xa6: {  	s5 =	sshll.u32 s26, $0x1;
	_ =	strace $0x80000046;
	[dreg:$0x1] =	wrdreg $0xFFFFFFFF  }
0xa7: {  	s28 =	simm.s32 $_size_execute0_lowered;
	s3 =	sadd.s32 s3, s5;
	[dreg:$0x0] =	wrdreg $0x0  }
0xa8: {  	s5 =	sshll.u32 s28, $0x1;
	[dreg:$0x2] =	wrdreg s3  }
0xa9: {  	[dreg:$0x3] =	wrdreg s5  }
0xaa: {  	[dreg:$0x4] =	wrdreg $0xC0  }
0xab: {  	_ =	task [dreg:s7], $0x5FFFF  }
0xac: {  	[dreg:$0x1] =	wrdreg $0xFFFFFFFF  }
0xad: {  	[dreg:$0x0] =	wrdreg $0x60  }
0xae: {  	[dreg:$0x2] =	wrdreg s24  }
0xaf: {  	[dreg:$0x3] =	wrdreg s2  }
0xb0: {  	[dreg:$0x4] =	wrdreg $0x9  }
0xb1: {  	_ =	task.clear_ibuf [dreg:s7], $0x5FFFF;
	_ =	strace $0x90000046  }
0xb2: {  	s29 =	simm.s32 $0x9;
	_ =	strace $0x80000048  }
0xb3: {  	_ =	swait.ge [sflag:s29], $0x1  }
0xb4: {  	[sflag:s29] =	ssyncadd.s32 $0xFFFFFFFF  }
0xb5: {  	_ =	strace $0x90000048  }
0xb6: {  	_ =	sfence  }
0xb7: {  	s30 =	sld [smem:$0x0];
	_ =	sdelay $0x2  }
0xb8: {  	s31 =	sshll.u32 s1, $0xD;
	s1 =	sshrl.u32 s1, $0x2  }
0xb9: {  	s3 =	sand.u32 $0x4000, s31;
	s1 =	sadd.s32 s1, s30  }
0xba: {  	s0 =	sor.u32 s3, s0;
	s1 =	sshll.u32 s1, $0x11  }
0xbb: {  	s0 =	sor.u32 s1, s0  }
0xbc: {  	s0 =	sadd.s32 $0x8F2B, s0  }
0xbd: {  	[sflag:s0] =	ssyncadd.remote.s32 $0x1  }
0xbe: {  	_ =	sfence.sel $0xFFFF  }
0xbf: {  	[dreg:$0x0] =	wrdreg $0xFFFFFFFF;
	(pc) =	sbr.abs _section_cstart, $3  }
0xc0: {  	[dreg:$0x1] =	wrdreg $0xFFFFFFFF  }
0xc1: {  	_ =	task.clear_ibuf [dreg:s7], $0x2FFFF;
	_ =	strace $0x9FFFFFFF  }
0xc2: {  	(tm) =	ssettm $0x7FFFFFFF  }
0xc3: {  	_ =	shalt  }
tec
execute0_lowered:
.L_overlay_start_1:
0x0: {  	(tag) =	ssettag $0x1  }
0x1: {  	s0 =	rddreg [dreg:$0x0]  }
0x2: {  	s1 =	srdreg.scid;
	s3 =	stileid.u32  }
0x3: {  	s2 =	rddreg [dreg:$0x1];
	s28 =	simm.s32 $0xE500;
	s29 =	simm.s32 $0x1  }
0x4: {  	s31 =	simm.s32 $0xFE00;
	s1 =	sand.u32 $0x1, s1;
	s4 =	sshll.u32 s3, $0x1  }
0x5: {  	s30 =	simm.s32 $0x14900;
	s10 =	simm.s32 $0x0;
	s5 =	sor.u32 s1, s4  }
0x6: {  	s3 =	simm.s32 $0x0;
	s1 =	ssub.s32 $0x2, s1;
	s4 =	smul.u32 $0xD00, s5  }
0x7: {  	[smem:$0x7FF] =	sst s3;
	s8 =	smul.u32 $0x32000, s5;
	s6 =	sshrl.u32 s1, $0x1  }
0x8: {  	_ =	strace $0x80000047;
	s9 =	smul.u32 $0x190000, s5;
	s18 =	ssub.s32 s1, s6  }
0x9: {  	s6 =	smul.u32 $0x6400, s5;
	s7 =	sadd.s32 s4, s0;
	s4 =	sadd.s32 $0x1B200, s0  }
0xa: {  	s0 =	sadd.s32 $0xA00, s0;
	s20 =	sadd.s32 s2, s8;
	s21 =	sshrl.u32 s9, $0x3  }
0xb: {  	s9 =	simm.s32 $0x8;
	[dreg:$0x3] =	wrdreg s0;
	s19 =	sadd.s32 $0x1200, s7  }
0xc: {  	s22 =	sadd.s32 $0x640, s20;
	s23 =	sadd.s32 $0xC80, s20;
	[dreg:$0x5] =	wrdreg s20  }
0xd: {  	s1 =	sadd.s32 s2, s21;
	s5 =	sadd.s32 $0x12C0, s20;
	[dreg:$0x4] =	wrdreg s19  }
0xe: {  	s12 =	sor.u32 $0xC8, s6;
	s0 =	smax.u32 s18, $0x1;
	[dreg:$0x6] =	wrdreg s22  }
0xf: {  	s18 =	simm.s32 $0x9;
	s20 =	simm.s32 $0x64;
	[dreg:$0x7] =	wrdreg s23  }
0x10: {  	s21 =	simm.s32 $0x9A00;
	s7 =	simm.s32 $0x7;
	[dreg:$0x8] =	wrdreg s5  }
0x11: {  	s24 =	sadd.s32 $0x30700, s1;
	s25 =	sadd.s32 $0x30D40, s1;
	[dreg:$0xd] =	wrdreg s0  }
0x12: {  	s26 =	sadd.s32 $0x31380, s1;
	s1 =	sadd.s32 $0x319C0, s1;
	[dreg:$0x9] =	wrdreg s24  }
0x13: {  	s23 =	simm.s32 $0xB300;
	s0 =	simm.s32 $0x11700;
	[dreg:$0xa] =	wrdreg s25  }
0x14: {  	s19 =	simm.s32 $0x2;
	s22 =	simm.s32 $0x5;
	[dreg:$0xb] =	wrdreg s26  }
0x15: {  	s5 =	simm.s32 $0x6;
	[dreg:$0xc] =	wrdreg s1;
	s25 =	simm.s32 $0xCC00  }
0x16: {  	s24 =	simm.s32 $0x13000;
	s1 =	simm.s32 $0x3;
	s26 =	simm.s32 $0x4  }
.LBB2_1:
0x17: {  	s8 =	rddreg [dreg:$0x4]  }
0x18: {  	[tilespmem:s3], [sflag:$0x9] =	stream.linear.gather [hbm4b:s8+s3], $0x6800, $0x38;
	[tilespmem:$0x16200] =	vst v63  }
0x19: {  	_ =	swait.ge [sflag:s18], $0x6800  }
0x1a: {  	[sflag:s18] =	ssyncset.done $0x0  }
0x1b: {  	s11 =	simm.s32 $0x6800;
	s17 =	rddreg [dreg:$0x3];
	[sflag:s18] =	ssyncadd.s32 $0xFFFF9800  }
0x1c: {  	[tilespmem:s11], [sflag:$0x9] =	stream.linear.gather [hbm4b:s17+s3], $0x3200, $0x38;
	[tilespmem:$0x16200] =	vst v63  }
0x1d: {  	_ =	swait.ge [sflag:s18], $0x3200  }
0x1e: {  	[sflag:s18] =	ssyncset.done $0x0  }
0x1f: {  	[sflag:s18] =	ssyncadd.s32 $0xFFFFCE00  }
0x20: {  	[tilespmem:s21], [sflag:$0x1] =	stream.indirect.gather [hbm4b:s4+s20], $0x40, s3, s20, $0xb8;
	[tilespmem:$0x16200] =	vst v63  }
0x21: {  	s13 =	simm.s32 $0x68  }
0x22: {  	[tilespmem:s23], [sflag:$0x1] =	stream.indirect.gather [hbm4b:s4+s20], $0x40, s13, s20, $0xb8;
	[tilespmem:$0x16200] =	vst v63  }
0x23: {  	s14 =	simm.s32 $0xD0  }
0x24: {  	[tilespmem:s25], [sflag:$0x2] =	stream.indirect.gather [hbm4b:s4+s20], $0x40, s14, s20, $0xb8;
	[tilespmem:$0x16200] =	vst v63  }
0x25: {  	s15 =	simm.s32 $0x138  }
0x26: {  	[tilespmem:s28], [sflag:$0x2] =	stream.indirect.gather [hbm4b:s4+s20], $0x40, s15, s20, $0xb8;
	[tilespmem:$0x16200] =	vst v63  }
0x27: {  	_ =	swait.ge [sflag:s29], $0x1900  }
0x28: {  	[sflag:s29] =	ssyncset.done $0x0  }
0x29: {  	[sflag:s29] =	ssyncadd.s32 $0xFFFFE700  }
0x2a: {  	_ =	swait.ge [sflag:s29], $0x1900  }
0x2b: {  	[sflag:s29] =	ssyncset.done $0x0  }
0x2c: {  	s16 =	simm.s32 $0x1A0;
	[sflag:s29] =	ssyncadd.s32 $0xFFFFE700  }
0x2d: {  	[tilespmem:s31], [sflag:$0x3] =	stream.indirect.gather [hbm4b:s4+s20], $0x40, s16, s20, $0xb8;
	[tilespmem:$0x16200] =	vst v63  }
0x2e: {  	s17 =	simm.s32 $0x208;
	s11 =	simm.s32 $0x0  }
0x2f: {  	[tilespmem:s0], [sflag:$0x3] =	stream.indirect.gather [hbm4b:s4+s20], $0x40, s17, s20, $0xb8;
	[tilespmem:$0x16200] =	vst v63  }
0x30: {  	v0 =	vld [tilespmem:s11+$0x68F0]  }
0x31: {  	v1 =	vld [tilespmem:s11+$0x6800]  }
0x32: {  	v2 =	vld [tilespmem:s11+$0x6810]  }
0x33: {  	v3 =	vld [tilespmem:s11+$0x6820]  }
0x34: {  	v4 =	vld [tilespmem:s11+$0x6830]  }
0x35: {  	v5 =	vld [tilespmem:s11+$0x6840]  }
0x36: {  	v6 =	vld [tilespmem:s11+$0x6850]  }
0x37: {  	v7 =	vld [tilespmem:s11+$0x6860]  }
0x38: {  	v8 =	vld [tilespmem:s11+$0x6870]  }
0x39: {  	v9 =	vld [tilespmem:s11+$0x6880]  }
0x3a: {  	v10 =	vld [tilespmem:s11+$0x6890]  }
0x3b: {  	v11 =	vld [tilespmem:s11+$0x68A0]  }
0x3c: {  	v12 =	vld [tilespmem:s11+$0x68B0]  }
0x3d: {  	v13 =	vld [tilespmem:s11+$0x68C0]  }
0x3e: {  	v14 =	vld [tilespmem:s11+$0x68D0]  }
0x3f: {  	[tilespmem:s11+$0x9AF0] =	vst.add.f32.msk $0xffff, v0  }
0x40: {  	v0 =	vld [tilespmem:s11+$0x68E0]  }
0x41: {  	[tilespmem:s11+$0x9A00] =	vst.add.f32.msk $0xffff, v1  }
0x42: {  	[tilespmem:s11+$0x9A10] =	vst.add.f32.msk $0xffff, v2  }
0x43: {  	[tilespmem:s11+$0x9A20] =	vst.add.f32.msk $0xffff, v3  }
0x44: {  	[tilespmem:s11+$0x9A30] =	vst.add.f32.msk $0xffff, v4  }
0x45: {  	[tilespmem:s11+$0x9A40] =	vst.add.f32.msk $0xffff, v5  }
0x46: {  	[tilespmem:s11+$0x9A50] =	vst.add.f32.msk $0xffff, v6  }
0x47: {  	[tilespmem:s11+$0x9A60] =	vst.add.f32.msk $0xffff, v7  }
0x48: {  	[tilespmem:s11+$0x9A70] =	vst.add.f32.msk $0xffff, v8  }
0x49: {  	[tilespmem:s11+$0x9A80] =	vst.add.f32.msk $0xffff, v9  }
0x4a: {  	[tilespmem:s11+$0x9A90] =	vst.add.f32.msk $0xffff, v10  }
0x4b: {  	[tilespmem:s11+$0x9AA0] =	vst.add.f32.msk $0xffff, v11  }
0x4c: {  	[tilespmem:s11+$0x9AB0] =	vst.add.f32.msk $0xffff, v12  }
0x4d: {  	[tilespmem:s11+$0x9AC0] =	vst.add.f32.msk $0xffff, v13  }
0x4e: {  	s13 =	simm.s32 $0x0;
	s14 =	simm.s32 $0x400;
	[tilespmem:s11+$0x9AD0] =	vst.add.f32.msk $0xffff, v14  }
.LBB2_2:
0x4f: {  	s13 =	sadd.s32 $0x4, s13;
	[tilespmem:s11+$0x9AE0] =	vst.add.f32.msk $0xffff, v0;
	s11 =	sshra.s32 s14, $0x2  }
0x50: {  	v0 =	vld [tilespmem:s11+$0x68F0];
	p0 =	slt.u32 s13, $0xC4  }
0x51: {  	v1 =	vld [tilespmem:s11+$0x6800]  }
0x52: {  	v2 =	vld [tilespmem:s11+$0x6810]  }
0x53: {  	v3 =	vld [tilespmem:s11+$0x6820]  }
0x54: {  	v4 =	vld [tilespmem:s11+$0x6830]  }
0x55: {  	[tilespmem:s11+$0x9AF0] =	vst.add.f32.msk $0xffff, v0  }
0x56: {  	v5 =	vld [tilespmem:s11+$0x6840]  }
0x57: {  	v6 =	vld [tilespmem:s11+$0x6850]  }
0x58: {  	v7 =	vld [tilespmem:s11+$0x6860]  }
0x59: {  	v8 =	vld [tilespmem:s11+$0x6870]  }
0x5a: {  	v9 =	vld [tilespmem:s11+$0x6880]  }
0x5b: {  	v10 =	vld [tilespmem:s11+$0x6890]  }
0x5c: {  	v11 =	vld [tilespmem:s11+$0x68A0]  }
0x5d: {  	v12 =	vld [tilespmem:s11+$0x68B0]  }
0x5e: {  	v13 =	vld [tilespmem:s11+$0x68C0]  }
0x5f: {  	v14 =	vld [tilespmem:s11+$0x68D0]  }
0x60: {  	v0 =	vld [tilespmem:s11+$0x68E0]  }
0x61: {  	[tilespmem:s11+$0x9A00] =	vst.add.f32.msk $0xffff, v1  }
0x62: {  	[tilespmem:s11+$0x9A10] =	vst.add.f32.msk $0xffff, v2  }
0x63: {  	[tilespmem:s11+$0x9A20] =	vst.add.f32.msk $0xffff, v3  }
0x64: {  	[tilespmem:s11+$0x9A30] =	vst.add.f32.msk $0xffff, v4  }
0x65: {  	[tilespmem:s11+$0x9A40] =	vst.add.f32.msk $0xffff, v5  }
0x66: {  	[tilespmem:s11+$0x9A50] =	vst.add.f32.msk $0xffff, v6  }
0x67: {  	[tilespmem:s11+$0x9A60] =	vst.add.f32.msk $0xffff, v7  }
0x68: {  	[tilespmem:s11+$0x9A70] =	vst.add.f32.msk $0xffff, v8  }
0x69: {  	[tilespmem:s11+$0x9A80] =	vst.add.f32.msk $0xffff, v9  }
.Ltmp0:
0x6a: {  	[tilespmem:s11+$0x9A90] =	vst.add.f32.msk $0xffff, v10;
	(pc) =	sbr.rel @p0 .LBB2_2-.Ltmp0, $4  }
0x6b: {  	[tilespmem:s11+$0x9AA0] =	vst.add.f32.msk $0xffff, v11  }
0x6c: {  	[tilespmem:s11+$0x9AB0] =	vst.add.f32.msk $0xffff, v12  }
0x6d: {  	[tilespmem:s11+$0x9AC0] =	vst.add.f32.msk $0xffff, v13  }
0x6e: {  	s14 =	sadd.s32 $0x400, s14;
	[tilespmem:s11+$0x9AD0] =	vst.add.f32.msk $0xffff, v14  }
0x6f: {  	[tilespmem:s11+$0x9AE0] =	vst.add.f32.msk $0xffff, v0;
	s8 =	simm.s32 $0x0;
	s15 =	rddreg [dreg:$0x5]  }
0x70: {  	[hbm4b:s15+s8] =	stream.linear.scatter [tilespmem:s21], [sflag:$0x5], $0x3200, $0x38;
	[tilespmem:$0x16200] =	vst v63  }
0x71: {  	_ =	swait.ge [sflag:s19], $0x1900  }
0x72: {  	[sflag:s19] =	ssyncset.done $0x0  }
0x73: {  	[sflag:s19] =	ssyncadd.s32 $0xFFFFE700  }
0x74: {  	_ =	swait.ge [sflag:s19], $0x1900  }
0x75: {  	[sflag:s19] =	ssyncset.done $0x0  }
0x76: {  	s16 =	simm.s32 $0x270;
	[sflag:s19] =	ssyncadd.s32 $0xFFFFE700  }
0x77: {  	[tilespmem:s24], [sflag:$0x4] =	stream.indirect.gather [hbm4b:s4+s20], $0x40, s16, s20, $0xb8;
	[tilespmem:$0x16200] =	vst v63  }
0x78: {  	s17 =	simm.s32 $0x2D8;
	s11 =	simm.s32 $0x0  }
0x79: {  	[tilespmem:s30], [sflag:$0x4] =	stream.indirect.gather [hbm4b:s4+s20], $0x40, s17, s20, $0xb8;
	[tilespmem:$0x16200] =	vst v63  }
0x7a: {  	v0 =	vld [tilespmem:s11+$0x68F0]  }
0x7b: {  	v1 =	vld [tilespmem:s11+$0x6800]  }
0x7c: {  	v2 =	vld [tilespmem:s11+$0x6810]  }
0x7d: {  	v3 =	vld [tilespmem:s11+$0x6820]  }
0x7e: {  	v4 =	vld [tilespmem:s11+$0x6830]  }
0x7f: {  	v5 =	vld [tilespmem:s11+$0x6840]  }
0x80: {  	v6 =	vld [tilespmem:s11+$0x6850]  }
0x81: {  	v7 =	vld [tilespmem:s11+$0x6860]  }
0x82: {  	v8 =	vld [tilespmem:s11+$0x6870]  }
0x83: {  	v9 =	vld [tilespmem:s11+$0x6880]  }
0x84: {  	v10 =	vld [tilespmem:s11+$0x6890]  }
0x85: {  	v11 =	vld [tilespmem:s11+$0x68A0]  }
0x86: {  	v12 =	vld [tilespmem:s11+$0x68B0]  }
0x87: {  	v13 =	vld [tilespmem:s11+$0x68C0]  }
0x88: {  	v14 =	vld [tilespmem:s11+$0x68D0]  }
0x89: {  	[tilespmem:s11+$0xCCF0] =	vst.add.f32.msk $0xffff, v0  }
0x8a: {  	v0 =	vld [tilespmem:s11+$0x68E0]  }
0x8b: {  	[tilespmem:s11+$0xCC00] =	vst.add.f32.msk $0xffff, v1  }
0x8c: {  	[tilespmem:s11+$0xCC10] =	vst.add.f32.msk $0xffff, v2  }
0x8d: {  	[tilespmem:s11+$0xCC20] =	vst.add.f32.msk $0xffff, v3  }
0x8e: {  	[tilespmem:s11+$0xCC30] =	vst.add.f32.msk $0xffff, v4  }
0x8f: {  	[tilespmem:s11+$0xCC40] =	vst.add.f32.msk $0xffff, v5  }
0x90: {  	[tilespmem:s11+$0xCC50] =	vst.add.f32.msk $0xffff, v6  }
0x91: {  	[tilespmem:s11+$0xCC60] =	vst.add.f32.msk $0xffff, v7  }
0x92: {  	[tilespmem:s11+$0xCC70] =	vst.add.f32.msk $0xffff, v8  }
0x93: {  	[tilespmem:s11+$0xCC80] =	vst.add.f32.msk $0xffff, v9  }
0x94: {  	[tilespmem:s11+$0xCC90] =	vst.add.f32.msk $0xffff, v10  }
0x95: {  	[tilespmem:s11+$0xCCA0] =	vst.add.f32.msk $0xffff, v11  }
0x96: {  	[tilespmem:s11+$0xCCB0] =	vst.add.f32.msk $0xffff, v12  }
0x97: {  	[tilespmem:s11+$0xCCC0] =	vst.add.f32.msk $0xffff, v13  }
0x98: {  	s13 =	simm.s32 $0x0;
	s14 =	simm.s32 $0x400;
	[tilespmem:s11+$0xCCD0] =	vst.add.f32.msk $0xffff, v14  }
.LBB2_4:
0x99: {  	s13 =	sadd.s32 $0x4, s13;
	[tilespmem:s11+$0xCCE0] =	vst.add.f32.msk $0xffff, v0;
	s11 =	sshra.s32 s14, $0x2  }
0x9a: {  	v0 =	vld [tilespmem:s11+$0x68F0];
	p0 =	slt.u32 s13, $0xC4  }
0x9b: {  	v1 =	vld [tilespmem:s11+$0x6800]  }
0x9c: {  	v2 =	vld [tilespmem:s11+$0x6810]  }
0x9d: {  	v3 =	vld [tilespmem:s11+$0x6820]  }
0x9e: {  	v4 =	vld [tilespmem:s11+$0x6830]  }
0x9f: {  	[tilespmem:s11+$0xCCF0] =	vst.add.f32.msk $0xffff, v0  }
0xa0: {  	v5 =	vld [tilespmem:s11+$0x6840]  }
0xa1: {  	v6 =	vld [tilespmem:s11+$0x6850]  }
0xa2: {  	v7 =	vld [tilespmem:s11+$0x6860]  }
0xa3: {  	v8 =	vld [tilespmem:s11+$0x6870]  }
0xa4: {  	v9 =	vld [tilespmem:s11+$0x6880]  }
0xa5: {  	v10 =	vld [tilespmem:s11+$0x6890]  }
0xa6: {  	v11 =	vld [tilespmem:s11+$0x68A0]  }
0xa7: {  	v12 =	vld [tilespmem:s11+$0x68B0]  }
0xa8: {  	v13 =	vld [tilespmem:s11+$0x68C0]  }
0xa9: {  	v14 =	vld [tilespmem:s11+$0x68D0]  }
0xaa: {  	v0 =	vld [tilespmem:s11+$0x68E0]  }
0xab: {  	[tilespmem:s11+$0xCC00] =	vst.add.f32.msk $0xffff, v1  }
0xac: {  	[tilespmem:s11+$0xCC10] =	vst.add.f32.msk $0xffff, v2  }
0xad: {  	[tilespmem:s11+$0xCC20] =	vst.add.f32.msk $0xffff, v3  }
0xae: {  	[tilespmem:s11+$0xCC30] =	vst.add.f32.msk $0xffff, v4  }
0xaf: {  	[tilespmem:s11+$0xCC40] =	vst.add.f32.msk $0xffff, v5  }
0xb0: {  	[tilespmem:s11+$0xCC50] =	vst.add.f32.msk $0xffff, v6  }
0xb1: {  	[tilespmem:s11+$0xCC60] =	vst.add.f32.msk $0xffff, v7  }
0xb2: {  	[tilespmem:s11+$0xCC70] =	vst.add.f32.msk $0xffff, v8  }
0xb3: {  	[tilespmem:s11+$0xCC80] =	vst.add.f32.msk $0xffff, v9  }
.Ltmp1:
0xb4: {  	[tilespmem:s11+$0xCC90] =	vst.add.f32.msk $0xffff, v10;
	(pc) =	sbr.rel @p0 .LBB2_4-.Ltmp1, $4  }
0xb5: {  	[tilespmem:s11+$0xCCA0] =	vst.add.f32.msk $0xffff, v11  }
0xb6: {  	[tilespmem:s11+$0xCCB0] =	vst.add.f32.msk $0xffff, v12  }
0xb7: {  	[tilespmem:s11+$0xCCC0] =	vst.add.f32.msk $0xffff, v13  }
0xb8: {  	s14 =	sadd.s32 $0x400, s14;
	[tilespmem:s11+$0xCCD0] =	vst.add.f32.msk $0xffff, v14  }
0xb9: {  	[tilespmem:s11+$0xCCE0] =	vst.add.f32.msk $0xffff, v0;
	s8 =	simm.s32 $0x0;
	s15 =	rddreg [dreg:$0x6]  }
0xba: {  	[hbm4b:s15+s8] =	stream.linear.scatter [tilespmem:s25], [sflag:$0x6], $0x3200, $0x38;
	[tilespmem:$0x16200] =	vst v63  }
0xbb: {  	_ =	swait.ge [sflag:s1], $0x1900  }
0xbc: {  	[sflag:s1] =	ssyncset.done $0x0  }
0xbd: {  	[sflag:s1] =	ssyncadd.s32 $0xFFFFE700  }
0xbe: {  	_ =	swait.ge [sflag:s1], $0x1900  }
0xbf: {  	[sflag:s1] =	ssyncset.done $0x0  }
0xc0: {  	[sflag:s1] =	ssyncadd.s32 $0xFFFFE700  }
0xc1: {  	_ =	swait.ge [sflag:s22], $0x3200  }
0xc2: {  	[sflag:s22] =	ssyncset.done $0x0  }
0xc3: {  	s16 =	simm.s32 $0x340;
	[sflag:s22] =	ssyncadd.s32 $0xFFFFCE00  }
0xc4: {  	[tilespmem:s21], [sflag:$0x1] =	stream.indirect.gather [hbm4b:s4+s20], $0x40, s16, s20, $0xb8;
	[tilespmem:$0x16200] =	vst v63  }
0xc5: {  	s17 =	simm.s32 $0x3A8;
	s11 =	simm.s32 $0x0  }
0xc6: {  	[tilespmem:s23], [sflag:$0x1] =	stream.indirect.gather [hbm4b:s4+s20], $0x40, s17, s20, $0xb8;
	[tilespmem:$0x16200] =	vst v63  }
0xc7: {  	v0 =	vld [tilespmem:s11+$0x68F0]  }
0xc8: {  	v1 =	vld [tilespmem:s11+$0x6800]  }
0xc9: {  	v2 =	vld [tilespmem:s11+$0x6810]  }
0xca: {  	v3 =	vld [tilespmem:s11+$0x6820]  }
0xcb: {  	v4 =	vld [tilespmem:s11+$0x6830]  }
0xcc: {  	v5 =	vld [tilespmem:s11+$0x6840]  }
0xcd: {  	v6 =	vld [tilespmem:s11+$0x6850]  }
0xce: {  	v7 =	vld [tilespmem:s11+$0x6860]  }
0xcf: {  	v8 =	vld [tilespmem:s11+$0x6870]  }
0xd0: {  	v9 =	vld [tilespmem:s11+$0x6880]  }
0xd1: {  	v10 =	vld [tilespmem:s11+$0x6890]  }
0xd2: {  	v11 =	vld [tilespmem:s11+$0x68A0]  }
0xd3: {  	v12 =	vld [tilespmem:s11+$0x68B0]  }
0xd4: {  	v13 =	vld [tilespmem:s11+$0x68C0]  }
0xd5: {  	v14 =	vld [tilespmem:s11+$0x68D0]  }
0xd6: {  	[tilespmem:s11+$0xFEF0] =	vst.add.f32.msk $0xffff, v0  }
0xd7: {  	v0 =	vld [tilespmem:s11+$0x68E0]  }
0xd8: {  	[tilespmem:s11+$0xFE00] =	vst.add.f32.msk $0xffff, v1  }
0xd9: {  	[tilespmem:s11+$0xFE10] =	vst.add.f32.msk $0xffff, v2  }
0xda: {  	[tilespmem:s11+$0xFE20] =	vst.add.f32.msk $0xffff, v3  }
0xdb: {  	[tilespmem:s11+$0xFE30] =	vst.add.f32.msk $0xffff, v4  }
0xdc: {  	[tilespmem:s11+$0xFE40] =	vst.add.f32.msk $0xffff, v5  }
0xdd: {  	[tilespmem:s11+$0xFE50] =	vst.add.f32.msk $0xffff, v6  }
0xde: {  	[tilespmem:s11+$0xFE60] =	vst.add.f32.msk $0xffff, v7  }
0xdf: {  	[tilespmem:s11+$0xFE70] =	vst.add.f32.msk $0xffff, v8  }
0xe0: {  	[tilespmem:s11+$0xFE80] =	vst.add.f32.msk $0xffff, v9  }
0xe1: {  	[tilespmem:s11+$0xFE90] =	vst.add.f32.msk $0xffff, v10  }
0xe2: {  	[tilespmem:s11+$0xFEA0] =	vst.add.f32.msk $0xffff, v11  }
0xe3: {  	[tilespmem:s11+$0xFEB0] =	vst.add.f32.msk $0xffff, v12  }
0xe4: {  	[tilespmem:s11+$0xFEC0] =	vst.add.f32.msk $0xffff, v13  }
0xe5: {  	s13 =	simm.s32 $0x0;
	s14 =	simm.s32 $0x400;
	[tilespmem:s11+$0xFED0] =	vst.add.f32.msk $0xffff, v14  }
.LBB2_6:
0xe6: {  	s13 =	sadd.s32 $0x4, s13;
	[tilespmem:s11+$0xFEE0] =	vst.add.f32.msk $0xffff, v0;
	s11 =	sshra.s32 s14, $0x2  }
0xe7: {  	v0 =	vld [tilespmem:s11+$0x68F0];
	p0 =	slt.u32 s13, $0xC4  }
0xe8: {  	v1 =	vld [tilespmem:s11+$0x6800]  }
0xe9: {  	v2 =	vld [tilespmem:s11+$0x6810]  }
0xea: {  	v3 =	vld [tilespmem:s11+$0x6820]  }
0xeb: {  	v4 =	vld [tilespmem:s11+$0x6830]  }
0xec: {  	[tilespmem:s11+$0xFEF0] =	vst.add.f32.msk $0xffff, v0  }
0xed: {  	v5 =	vld [tilespmem:s11+$0x6840]  }
0xee: {  	v6 =	vld [tilespmem:s11+$0x6850]  }
0xef: {  	v7 =	vld [tilespmem:s11+$0x6860]  }
0xf0: {  	v8 =	vld [tilespmem:s11+$0x6870]  }
0xf1: {  	v9 =	vld [tilespmem:s11+$0x6880]  }
0xf2: {  	v10 =	vld [tilespmem:s11+$0x6890]  }
0xf3: {  	v11 =	vld [tilespmem:s11+$0x68A0]  }
0xf4: {  	v12 =	vld [tilespmem:s11+$0x68B0]  }
0xf5: {  	v13 =	vld [tilespmem:s11+$0x68C0]  }
0xf6: {  	v14 =	vld [tilespmem:s11+$0x68D0]  }
0xf7: {  	v0 =	vld [tilespmem:s11+$0x68E0]  }
0xf8: {  	[tilespmem:s11+$0xFE00] =	vst.add.f32.msk $0xffff, v1  }
0xf9: {  	[tilespmem:s11+$0xFE10] =	vst.add.f32.msk $0xffff, v2  }
0xfa: {  	[tilespmem:s11+$0xFE20] =	vst.add.f32.msk $0xffff, v3  }
0xfb: {  	[tilespmem:s11+$0xFE30] =	vst.add.f32.msk $0xffff, v4  }
0xfc: {  	[tilespmem:s11+$0xFE40] =	vst.add.f32.msk $0xffff, v5  }
0xfd: {  	[tilespmem:s11+$0xFE50] =	vst.add.f32.msk $0xffff, v6  }
0xfe: {  	[tilespmem:s11+$0xFE60] =	vst.add.f32.msk $0xffff, v7  }
0xff: {  	[tilespmem:s11+$0xFE70] =	vst.add.f32.msk $0xffff, v8  }
0x100: {  	[tilespmem:s11+$0xFE80] =	vst.add.f32.msk $0xffff, v9  }
.Ltmp2:
0x101: {  	[tilespmem:s11+$0xFE90] =	vst.add.f32.msk $0xffff, v10;
	(pc) =	sbr.rel @p0 .LBB2_6-.Ltmp2, $4  }
0x102: {  	[tilespmem:s11+$0xFEA0] =	vst.add.f32.msk $0xffff, v11  }
0x103: {  	[tilespmem:s11+$0xFEB0] =	vst.add.f32.msk $0xffff, v12  }
0x104: {  	[tilespmem:s11+$0xFEC0] =	vst.add.f32.msk $0xffff, v13  }
0x105: {  	s14 =	sadd.s32 $0x400, s14;
	[tilespmem:s11+$0xFED0] =	vst.add.f32.msk $0xffff, v14  }
0x106: {  	[tilespmem:s11+$0xFEE0] =	vst.add.f32.msk $0xffff, v0;
	s8 =	simm.s32 $0x0;
	s15 =	rddreg [dreg:$0x7]  }
0x107: {  	[hbm4b:s15+s8] =	stream.linear.scatter [tilespmem:s31], [sflag:$0x7], $0x3200, $0x38;
	[tilespmem:$0x16200] =	vst v63  }
0x108: {  	_ =	swait.ge [sflag:s26], $0x1900  }
0x109: {  	[sflag:s26] =	ssyncset.done $0x0  }
0x10a: {  	[sflag:s26] =	ssyncadd.s32 $0xFFFFE700  }
0x10b: {  	_ =	swait.ge [sflag:s26], $0x1900  }
0x10c: {  	[sflag:s26] =	ssyncset.done $0x0  }
0x10d: {  	[sflag:s26] =	ssyncadd.s32 $0xFFFFE700  }
0x10e: {  	_ =	swait.ge [sflag:s5], $0x3200  }
0x10f: {  	[sflag:s5] =	ssyncset.done $0x0  }
0x110: {  	s16 =	simm.s32 $0x410;
	[sflag:s5] =	ssyncadd.s32 $0xFFFFCE00  }
0x111: {  	[tilespmem:s25], [sflag:$0x2] =	stream.indirect.gather [hbm4b:s4+s20], $0x40, s16, s20, $0xb8;
	[tilespmem:$0x16200] =	vst v63  }
0x112: {  	s17 =	simm.s32 $0x478;
	s11 =	simm.s32 $0x0  }
0x113: {  	[tilespmem:s28], [sflag:$0x2] =	stream.indirect.gather [hbm4b:s4+s20], $0x40, s17, s20, $0xb8;
	[tilespmem:$0x16200] =	vst v63  }
0x114: {  	v0 =	vld [tilespmem:s11+$0x68F0]  }
0x115: {  	v1 =	vld [tilespmem:s11+$0x6800]  }
0x116: {  	v2 =	vld [tilespmem:s11+$0x6810]  }
0x117: {  	v3 =	vld [tilespmem:s11+$0x6820]  }
0x118: {  	v4 =	vld [tilespmem:s11+$0x6830]  }
0x119: {  	v5 =	vld [tilespmem:s11+$0x6840]  }
0x11a: {  	v6 =	vld [tilespmem:s11+$0x6850]  }
0x11b: {  	v7 =	vld [tilespmem:s11+$0x6860]  }
0x11c: {  	v8 =	vld [tilespmem:s11+$0x6870]  }
0x11d: {  	v9 =	vld [tilespmem:s11+$0x6880]  }
0x11e: {  	v10 =	vld [tilespmem:s11+$0x6890]  }
0x11f: {  	v11 =	vld [tilespmem:s11+$0x68A0]  }
0x120: {  	v12 =	vld [tilespmem:s11+$0x68B0]  }
0x121: {  	v13 =	vld [tilespmem:s11+$0x68C0]  }
0x122: {  	v14 =	vld [tilespmem:s11+$0x68D0]  }
0x123: {  	[tilespmem:s11+$0x130F0] =	vst.add.f32.msk $0xffff, v0  }
0x124: {  	v0 =	vld [tilespmem:s11+$0x68E0]  }
0x125: {  	[tilespmem:s11+$0x13000] =	vst.add.f32.msk $0xffff, v1  }
0x126: {  	[tilespmem:s11+$0x13010] =	vst.add.f32.msk $0xffff, v2  }
0x127: {  	[tilespmem:s11+$0x13020] =	vst.add.f32.msk $0xffff, v3  }
0x128: {  	[tilespmem:s11+$0x13030] =	vst.add.f32.msk $0xffff, v4  }
0x129: {  	[tilespmem:s11+$0x13040] =	vst.add.f32.msk $0xffff, v5  }
0x12a: {  	[tilespmem:s11+$0x13050] =	vst.add.f32.msk $0xffff, v6  }
0x12b: {  	[tilespmem:s11+$0x13060] =	vst.add.f32.msk $0xffff, v7  }
0x12c: {  	[tilespmem:s11+$0x13070] =	vst.add.f32.msk $0xffff, v8  }
0x12d: {  	[tilespmem:s11+$0x13080] =	vst.add.f32.msk $0xffff, v9  }
0x12e: {  	[tilespmem:s11+$0x13090] =	vst.add.f32.msk $0xffff, v10  }
0x12f: {  	[tilespmem:s11+$0x130A0] =	vst.add.f32.msk $0xffff, v11  }
0x130: {  	[tilespmem:s11+$0x130B0] =	vst.add.f32.msk $0xffff, v12  }
0x131: {  	[tilespmem:s11+$0x130C0] =	vst.add.f32.msk $0xffff, v13  }
0x132: {  	s13 =	simm.s32 $0x0;
	s14 =	simm.s32 $0x400;
	[tilespmem:s11+$0x130D0] =	vst.add.f32.msk $0xffff, v14  }
.LBB2_8:
0x133: {  	s13 =	sadd.s32 $0x4, s13;
	[tilespmem:s11+$0x130E0] =	vst.add.f32.msk $0xffff, v0;
	s11 =	sshra.s32 s14, $0x2  }
0x134: {  	v0 =	vld [tilespmem:s11+$0x68F0];
	p0 =	slt.u32 s13, $0xC4  }
0x135: {  	v1 =	vld [tilespmem:s11+$0x6800]  }
0x136: {  	v2 =	vld [tilespmem:s11+$0x6810]  }
0x137: {  	v3 =	vld [tilespmem:s11+$0x6820]  }
0x138: {  	v4 =	vld [tilespmem:s11+$0x6830]  }
0x139: {  	[tilespmem:s11+$0x130F0] =	vst.add.f32.msk $0xffff, v0  }
0x13a: {  	v5 =	vld [tilespmem:s11+$0x6840]  }
0x13b: {  	v6 =	vld [tilespmem:s11+$0x6850]  }
0x13c: {  	v7 =	vld [tilespmem:s11+$0x6860]  }
0x13d: {  	v8 =	vld [tilespmem:s11+$0x6870]  }
0x13e: {  	v9 =	vld [tilespmem:s11+$0x6880]  }
0x13f: {  	v10 =	vld [tilespmem:s11+$0x6890]  }
0x140: {  	v11 =	vld [tilespmem:s11+$0x68A0]  }
0x141: {  	v12 =	vld [tilespmem:s11+$0x68B0]  }
0x142: {  	v13 =	vld [tilespmem:s11+$0x68C0]  }
0x143: {  	v14 =	vld [tilespmem:s11+$0x68D0]  }
0x144: {  	v0 =	vld [tilespmem:s11+$0x68E0]  }
0x145: {  	[tilespmem:s11+$0x13000] =	vst.add.f32.msk $0xffff, v1  }
0x146: {  	[tilespmem:s11+$0x13010] =	vst.add.f32.msk $0xffff, v2  }
0x147: {  	[tilespmem:s11+$0x13020] =	vst.add.f32.msk $0xffff, v3  }
0x148: {  	[tilespmem:s11+$0x13030] =	vst.add.f32.msk $0xffff, v4  }
0x149: {  	[tilespmem:s11+$0x13040] =	vst.add.f32.msk $0xffff, v5  }
0x14a: {  	[tilespmem:s11+$0x13050] =	vst.add.f32.msk $0xffff, v6  }
0x14b: {  	[tilespmem:s11+$0x13060] =	vst.add.f32.msk $0xffff, v7  }
0x14c: {  	[tilespmem:s11+$0x13070] =	vst.add.f32.msk $0xffff, v8  }
0x14d: {  	[tilespmem:s11+$0x13080] =	vst.add.f32.msk $0xffff, v9  }
.Ltmp3:
0x14e: {  	[tilespmem:s11+$0x13090] =	vst.add.f32.msk $0xffff, v10;
	(pc) =	sbr.rel @p0 .LBB2_8-.Ltmp3, $4  }
0x14f: {  	[tilespmem:s11+$0x130A0] =	vst.add.f32.msk $0xffff, v11  }
0x150: {  	[tilespmem:s11+$0x130B0] =	vst.add.f32.msk $0xffff, v12  }
0x151: {  	[tilespmem:s11+$0x130C0] =	vst.add.f32.msk $0xffff, v13  }
0x152: {  	s14 =	sadd.s32 $0x400, s14;
	[tilespmem:s11+$0x130D0] =	vst.add.f32.msk $0xffff, v14  }
0x153: {  	[tilespmem:s11+$0x130E0] =	vst.add.f32.msk $0xffff, v0;
	s8 =	rddreg [dreg:$0x8];
	s11 =	simm.s32 $0x1  }
0x154: {  	[hbm4b:s8+s3] =	stream.linear.scatter [tilespmem:s24], [sflag:$0x8], $0x3200, $0x38;
	[tilespmem:$0x16200] =	vst v63  }
.LBB2_10:
0x155: {  	_ =	swait.ge [sflag:s29], $0x1900  }
0x156: {  	[sflag:s29] =	ssyncset.done $0x0  }
0x157: {  	[sflag:s29] =	ssyncadd.s32 $0xFFFFE700  }
0x158: {  	_ =	swait.ge [sflag:s29], $0x1900  }
0x159: {  	s14 =	sshll.u32 s11, $0x2;
	[sflag:s29] =	ssyncset.done $0x0  }
0x15a: {  	s13 =	sor.u32 $0x2, s14;
	[sflag:s29] =	ssyncadd.s32 $0xFFFFE700  }
0x15b: {  	s8 =	smul.u32 $0x340, s13;
	_ =	swait.ge [sflag:s7], $0x3200  }
0x15c: {  	[sflag:s7] =	ssyncset.done $0x0  }
0x15d: {  	s8 =	sshra.s32 s8, $0x2;
	[sflag:s7] =	ssyncadd.s32 $0xFFFFCE00  }
0x15e: {  	[tilespmem:s31], [sflag:$0x3] =	stream.indirect.gather [hbm4b:s4+s20], $0x40, s8, s20, $0xb8;
	[tilespmem:$0x16200] =	vst v63  }
0x15f: {  	s16 =	simm.s32 $0x0;
	s8 =	sadd.s32 $0x68, s8  }
0x160: {  	[tilespmem:s0], [sflag:$0x3] =	stream.indirect.gather [hbm4b:s4+s20], $0x40, s8, s20, $0xb8;
	[tilespmem:$0x16200] =	vst v63  }
0x161: {  	v0 =	vld [tilespmem:s16+$0x68F0]  }
0x162: {  	v1 =	vld [tilespmem:s16+$0x6800]  }
0x163: {  	v2 =	vld [tilespmem:s16+$0x6810]  }
0x164: {  	v3 =	vld [tilespmem:s16+$0x6820]  }
0x165: {  	v4 =	vld [tilespmem:s16+$0x6830]  }
0x166: {  	v5 =	vld [tilespmem:s16+$0x6840]  }
0x167: {  	v6 =	vld [tilespmem:s16+$0x6850]  }
0x168: {  	v7 =	vld [tilespmem:s16+$0x6860]  }
0x169: {  	v8 =	vld [tilespmem:s16+$0x6870]  }
0x16a: {  	v9 =	vld [tilespmem:s16+$0x6880]  }
0x16b: {  	v10 =	vld [tilespmem:s16+$0x6890]  }
0x16c: {  	v11 =	vld [tilespmem:s16+$0x68A0]  }
0x16d: {  	v12 =	vld [tilespmem:s16+$0x68B0]  }
0x16e: {  	v13 =	vld [tilespmem:s16+$0x68C0]  }
0x16f: {  	v14 =	vld [tilespmem:s16+$0x68D0]  }
0x170: {  	[tilespmem:s16+$0x9AF0] =	vst.add.f32.msk $0xffff, v0  }
0x171: {  	v0 =	vld [tilespmem:s16+$0x68E0]  }
0x172: {  	[tilespmem:s16+$0x9A00] =	vst.add.f32.msk $0xffff, v1  }
0x173: {  	[tilespmem:s16+$0x9A10] =	vst.add.f32.msk $0xffff, v2  }
0x174: {  	[tilespmem:s16+$0x9A20] =	vst.add.f32.msk $0xffff, v3  }
0x175: {  	[tilespmem:s16+$0x9A30] =	vst.add.f32.msk $0xffff, v4  }
0x176: {  	[tilespmem:s16+$0x9A40] =	vst.add.f32.msk $0xffff, v5  }
0x177: {  	[tilespmem:s16+$0x9A50] =	vst.add.f32.msk $0xffff, v6  }
0x178: {  	[tilespmem:s16+$0x9A60] =	vst.add.f32.msk $0xffff, v7  }
0x179: {  	[tilespmem:s16+$0x9A70] =	vst.add.f32.msk $0xffff, v8  }
0x17a: {  	[tilespmem:s16+$0x9A80] =	vst.add.f32.msk $0xffff, v9  }
0x17b: {  	[tilespmem:s16+$0x9A90] =	vst.add.f32.msk $0xffff, v10  }
0x17c: {  	[tilespmem:s16+$0x9AA0] =	vst.add.f32.msk $0xffff, v11  }
0x17d: {  	[tilespmem:s16+$0x9AB0] =	vst.add.f32.msk $0xffff, v12  }
0x17e: {  	[tilespmem:s16+$0x9AC0] =	vst.add.f32.msk $0xffff, v13  }
0x17f: {  	s15 =	simm.s32 $0x0;
	s17 =	simm.s32 $0x400;
	[tilespmem:s16+$0x9AD0] =	vst.add.f32.msk $0xffff, v14  }
.LBB2_11:
0x180: {  	s15 =	sadd.s32 $0x4, s15;
	[tilespmem:s16+$0x9AE0] =	vst.add.f32.msk $0xffff, v0;
	s16 =	sshra.s32 s17, $0x2  }
0x181: {  	v0 =	vld [tilespmem:s16+$0x68F0];
	p0 =	slt.u32 s15, $0xC4  }
0x182: {  	v1 =	vld [tilespmem:s16+$0x6800]  }
0x183: {  	v2 =	vld [tilespmem:s16+$0x6810]  }
0x184: {  	v3 =	vld [tilespmem:s16+$0x6820]  }
0x185: {  	v4 =	vld [tilespmem:s16+$0x6830]  }
0x186: {  	[tilespmem:s16+$0x9AF0] =	vst.add.f32.msk $0xffff, v0  }
0x187: {  	v5 =	vld [tilespmem:s16+$0x6840]  }
0x188: {  	v6 =	vld [tilespmem:s16+$0x6850]  }
0x189: {  	v7 =	vld [tilespmem:s16+$0x6860]  }
0x18a: {  	v8 =	vld [tilespmem:s16+$0x6870]  }
0x18b: {  	v9 =	vld [tilespmem:s16+$0x6880]  }
0x18c: {  	v10 =	vld [tilespmem:s16+$0x6890]  }
0x18d: {  	v11 =	vld [tilespmem:s16+$0x68A0]  }
0x18e: {  	v12 =	vld [tilespmem:s16+$0x68B0]  }
0x18f: {  	v13 =	vld [tilespmem:s16+$0x68C0]  }
0x190: {  	v14 =	vld [tilespmem:s16+$0x68D0]  }
0x191: {  	v0 =	vld [tilespmem:s16+$0x68E0]  }
0x192: {  	[tilespmem:s16+$0x9A00] =	vst.add.f32.msk $0xffff, v1  }
0x193: {  	[tilespmem:s16+$0x9A10] =	vst.add.f32.msk $0xffff, v2  }
0x194: {  	[tilespmem:s16+$0x9A20] =	vst.add.f32.msk $0xffff, v3  }
0x195: {  	[tilespmem:s16+$0x9A30] =	vst.add.f32.msk $0xffff, v4  }
0x196: {  	[tilespmem:s16+$0x9A40] =	vst.add.f32.msk $0xffff, v5  }
0x197: {  	[tilespmem:s16+$0x9A50] =	vst.add.f32.msk $0xffff, v6  }
0x198: {  	[tilespmem:s16+$0x9A60] =	vst.add.f32.msk $0xffff, v7  }
0x199: {  	[tilespmem:s16+$0x9A70] =	vst.add.f32.msk $0xffff, v8  }
0x19a: {  	[tilespmem:s16+$0x9A80] =	vst.add.f32.msk $0xffff, v9  }
.Ltmp4:
0x19b: {  	[tilespmem:s16+$0x9A90] =	vst.add.f32.msk $0xffff, v10;
	(pc) =	sbr.rel @p0 .LBB2_11-.Ltmp4, $4  }
0x19c: {  	[tilespmem:s16+$0x9AA0] =	vst.add.f32.msk $0xffff, v11  }
0x19d: {  	[tilespmem:s16+$0x9AB0] =	vst.add.f32.msk $0xffff, v12  }
0x19e: {  	[tilespmem:s16+$0x9AC0] =	vst.add.f32.msk $0xffff, v13  }
0x19f: {  	s17 =	sadd.s32 $0x400, s17;
	[tilespmem:s16+$0x9AD0] =	vst.add.f32.msk $0xffff, v14  }
0x1a0: {  	s15 =	smul.u32 $0x320, s11;
	_ =	sdelay $0x1  }
0x1a1: {  	s8 =	sadd.s32 s6, s15  }
0x1a2: {  	s8 =	sshll.u32 s8, $0x3  }
0x1a3: {  	s8 =	sand.u32 $0x1FFFFF00, s8  }
0x1a4: {  	[tilespmem:s16+$0x9AE0] =	vst.add.f32.msk $0xffff, v0;
	s17 =	simm.s32 $0x0;
	s8 =	sadd.s32 s2, s8  }
0x1a5: {  	[hbm4b:s8+s17] =	stream.linear.scatter [tilespmem:s21], [sflag:$0x5], $0x3200, $0x38;
	[tilespmem:$0x16200] =	vst v63  }
0x1a6: {  	_ =	swait.ge [sflag:s19], $0x1900  }
0x1a7: {  	[sflag:s19] =	ssyncset.done $0x0  }
0x1a8: {  	[sflag:s19] =	ssyncadd.s32 $0xFFFFE700  }
0x1a9: {  	_ =	swait.ge [sflag:s19], $0x1900  }
0x1aa: {  	[sflag:s19] =	ssyncset.done $0x0  }
0x1ab: {  	s14 =	sor.u32 $0x3, s14;
	[sflag:s19] =	ssyncadd.s32 $0xFFFFE700  }
0x1ac: {  	s17 =	smul.u32 $0x340, s14;
	_ =	swait.ge [sflag:s9], $0x3200  }
0x1ad: {  	[sflag:s9] =	ssyncset.done $0x0  }
0x1ae: {  	s8 =	sshra.s32 s17, $0x2;
	[sflag:s9] =	ssyncadd.s32 $0xFFFFCE00  }
0x1af: {  	[tilespmem:s24], [sflag:$0x4] =	stream.indirect.gather [hbm4b:s4+s20], $0x40, s8, s20, $0xb8;
	[tilespmem:$0x16200] =	vst v63  }
0x1b0: {  	s16 =	simm.s32 $0x0;
	s8 =	sadd.s32 $0x68, s8  }
0x1b1: {  	[tilespmem:s30], [sflag:$0x4] =	stream.indirect.gather [hbm4b:s4+s20], $0x40, s8, s20, $0xb8;
	[tilespmem:$0x16200] =	vst v63  }
0x1b2: {  	v0 =	vld [tilespmem:s16+$0x68F0]  }
0x1b3: {  	v1 =	vld [tilespmem:s16+$0x6800]  }
0x1b4: {  	v2 =	vld [tilespmem:s16+$0x6810]  }
0x1b5: {  	v3 =	vld [tilespmem:s16+$0x6820]  }
0x1b6: {  	v4 =	vld [tilespmem:s16+$0x6830]  }
0x1b7: {  	v5 =	vld [tilespmem:s16+$0x6840]  }
0x1b8: {  	v6 =	vld [tilespmem:s16+$0x6850]  }
0x1b9: {  	v7 =	vld [tilespmem:s16+$0x6860]  }
0x1ba: {  	v8 =	vld [tilespmem:s16+$0x6870]  }
0x1bb: {  	v9 =	vld [tilespmem:s16+$0x6880]  }
0x1bc: {  	v10 =	vld [tilespmem:s16+$0x6890]  }
0x1bd: {  	v11 =	vld [tilespmem:s16+$0x68A0]  }
0x1be: {  	v12 =	vld [tilespmem:s16+$0x68B0]  }
0x1bf: {  	v13 =	vld [tilespmem:s16+$0x68C0]  }
0x1c0: {  	v14 =	vld [tilespmem:s16+$0x68D0]  }
0x1c1: {  	[tilespmem:s16+$0xCCF0] =	vst.add.f32.msk $0xffff, v0  }
0x1c2: {  	v0 =	vld [tilespmem:s16+$0x68E0]  }
0x1c3: {  	[tilespmem:s16+$0xCC00] =	vst.add.f32.msk $0xffff, v1  }
0x1c4: {  	[tilespmem:s16+$0xCC10] =	vst.add.f32.msk $0xffff, v2  }
0x1c5: {  	[tilespmem:s16+$0xCC20] =	vst.add.f32.msk $0xffff, v3  }
0x1c6: {  	[tilespmem:s16+$0xCC30] =	vst.add.f32.msk $0xffff, v4  }
0x1c7: {  	[tilespmem:s16+$0xCC40] =	vst.add.f32.msk $0xffff, v5  }
0x1c8: {  	[tilespmem:s16+$0xCC50] =	vst.add.f32.msk $0xffff, v6  }
0x1c9: {  	[tilespmem:s16+$0xCC60] =	vst.add.f32.msk $0xffff, v7  }
0x1ca: {  	[tilespmem:s16+$0xCC70] =	vst.add.f32.msk $0xffff, v8  }
0x1cb: {  	[tilespmem:s16+$0xCC80] =	vst.add.f32.msk $0xffff, v9  }
0x1cc: {  	[tilespmem:s16+$0xCC90] =	vst.add.f32.msk $0xffff, v10  }
0x1cd: {  	[tilespmem:s16+$0xCCA0] =	vst.add.f32.msk $0xffff, v11  }
0x1ce: {  	[tilespmem:s16+$0xCCB0] =	vst.add.f32.msk $0xffff, v12  }
0x1cf: {  	[tilespmem:s16+$0xCCC0] =	vst.add.f32.msk $0xffff, v13  }
0x1d0: {  	s17 =	simm.s32 $0x0;
	s8 =	simm.s32 $0x400;
	[tilespmem:s16+$0xCCD0] =	vst.add.f32.msk $0xffff, v14  }
.LBB2_13:
0x1d1: {  	s17 =	sadd.s32 $0x4, s17;
	[tilespmem:s16+$0xCCE0] =	vst.add.f32.msk $0xffff, v0;
	s16 =	sshra.s32 s8, $0x2  }
0x1d2: {  	v0 =	vld [tilespmem:s16+$0x68F0];
	p0 =	slt.u32 s17, $0xC4  }
0x1d3: {  	v1 =	vld [tilespmem:s16+$0x6800]  }
0x1d4: {  	v2 =	vld [tilespmem:s16+$0x6810]  }
0x1d5: {  	v3 =	vld [tilespmem:s16+$0x6820]  }
0x1d6: {  	v4 =	vld [tilespmem:s16+$0x6830]  }
0x1d7: {  	[tilespmem:s16+$0xCCF0] =	vst.add.f32.msk $0xffff, v0  }
0x1d8: {  	v5 =	vld [tilespmem:s16+$0x6840]  }
0x1d9: {  	v6 =	vld [tilespmem:s16+$0x6850]  }
0x1da: {  	v7 =	vld [tilespmem:s16+$0x6860]  }
0x1db: {  	v8 =	vld [tilespmem:s16+$0x6870]  }
0x1dc: {  	v9 =	vld [tilespmem:s16+$0x6880]  }
0x1dd: {  	v10 =	vld [tilespmem:s16+$0x6890]  }
0x1de: {  	v11 =	vld [tilespmem:s16+$0x68A0]  }
0x1df: {  	v12 =	vld [tilespmem:s16+$0x68B0]  }
0x1e0: {  	v13 =	vld [tilespmem:s16+$0x68C0]  }
0x1e1: {  	v14 =	vld [tilespmem:s16+$0x68D0]  }
0x1e2: {  	v0 =	vld [tilespmem:s16+$0x68E0]  }
0x1e3: {  	[tilespmem:s16+$0xCC00] =	vst.add.f32.msk $0xffff, v1  }
0x1e4: {  	[tilespmem:s16+$0xCC10] =	vst.add.f32.msk $0xffff, v2  }
0x1e5: {  	[tilespmem:s16+$0xCC20] =	vst.add.f32.msk $0xffff, v3  }
0x1e6: {  	[tilespmem:s16+$0xCC30] =	vst.add.f32.msk $0xffff, v4  }
0x1e7: {  	[tilespmem:s16+$0xCC40] =	vst.add.f32.msk $0xffff, v5  }
0x1e8: {  	[tilespmem:s16+$0xCC50] =	vst.add.f32.msk $0xffff, v6  }
0x1e9: {  	[tilespmem:s16+$0xCC60] =	vst.add.f32.msk $0xffff, v7  }
0x1ea: {  	[tilespmem:s16+$0xCC70] =	vst.add.f32.msk $0xffff, v8  }
0x1eb: {  	[tilespmem:s16+$0xCC80] =	vst.add.f32.msk $0xffff, v9  }
.Ltmp5:
0x1ec: {  	[tilespmem:s16+$0xCC90] =	vst.add.f32.msk $0xffff, v10;
	(pc) =	sbr.rel @p0 .LBB2_13-.Ltmp5, $4  }
0x1ed: {  	[tilespmem:s16+$0xCCA0] =	vst.add.f32.msk $0xffff, v11  }
0x1ee: {  	[tilespmem:s16+$0xCCB0] =	vst.add.f32.msk $0xffff, v12  }
0x1ef: {  	[tilespmem:s16+$0xCCC0] =	vst.add.f32.msk $0xffff, v13  }
0x1f0: {  	s8 =	sadd.s32 $0x400, s8;
	[tilespmem:s16+$0xCCD0] =	vst.add.f32.msk $0xffff, v14  }
0x1f1: {  	s8 =	sadd.s32 s15, s12  }
0x1f2: {  	s8 =	sshll.u32 s8, $0x3  }
0x1f3: {  	s8 =	sand.u32 $0x1FFFFF40, s8  }
0x1f4: {  	[tilespmem:s16+$0xCCE0] =	vst.add.f32.msk $0xffff, v0;
	s17 =	simm.s32 $0x0;
	s8 =	sadd.s32 s2, s8  }
0x1f5: {  	[hbm4b:s8+s17] =	stream.linear.scatter [tilespmem:s25], [sflag:$0x6], $0x3200, $0x38;
	[tilespmem:$0x16200] =	vst v63  }
0x1f6: {  	_ =	swait.ge [sflag:s1], $0x1900  }
0x1f7: {  	[sflag:s1] =	ssyncset.done $0x0  }
0x1f8: {  	[sflag:s1] =	ssyncadd.s32 $0xFFFFE700  }
0x1f9: {  	_ =	swait.ge [sflag:s1], $0x1900  }
0x1fa: {  	[sflag:s1] =	ssyncset.done $0x0  }
0x1fb: {  	s16 =	smul.u32 $0xD00, s11;
	[sflag:s1] =	ssyncadd.s32 $0xFFFFE700  }
0x1fc: {  	_ =	swait.ge [sflag:s22], $0x3200  }
0x1fd: {  	s15 =	sshra.s32 s16, $0x2;
	[sflag:s22] =	ssyncset.done $0x0  }
0x1fe: {  	s8 =	sadd.s32 $0x340, s15;
	[sflag:s22] =	ssyncadd.s32 $0xFFFFCE00  }
0x1ff: {  	[tilespmem:s21], [sflag:$0x1] =	stream.indirect.gather [hbm4b:s4+s20], $0x40, s8, s20, $0xb8;
	[tilespmem:$0x16200] =	vst v63  }
0x200: {  	s16 =	simm.s32 $0x0;
	s17 =	sadd.s32 $0x3A8, s15  }
0x201: {  	[tilespmem:s23], [sflag:$0x1] =	stream.indirect.gather [hbm4b:s4+s20], $0x40, s17, s20, $0xb8;
	[tilespmem:$0x16200] =	vst v63  }
0x202: {  	v0 =	vld [tilespmem:s16+$0x68F0]  }
0x203: {  	v1 =	vld [tilespmem:s16+$0x6800]  }
0x204: {  	v2 =	vld [tilespmem:s16+$0x6810]  }
0x205: {  	v3 =	vld [tilespmem:s16+$0x6820]  }
0x206: {  	v4 =	vld [tilespmem:s16+$0x6830]  }
0x207: {  	v5 =	vld [tilespmem:s16+$0x6840]  }
0x208: {  	v6 =	vld [tilespmem:s16+$0x6850]  }
0x209: {  	v7 =	vld [tilespmem:s16+$0x6860]  }
0x20a: {  	v8 =	vld [tilespmem:s16+$0x6870]  }
0x20b: {  	v9 =	vld [tilespmem:s16+$0x6880]  }
0x20c: {  	v10 =	vld [tilespmem:s16+$0x6890]  }
0x20d: {  	v11 =	vld [tilespmem:s16+$0x68A0]  }
0x20e: {  	v12 =	vld [tilespmem:s16+$0x68B0]  }
0x20f: {  	v13 =	vld [tilespmem:s16+$0x68C0]  }
0x210: {  	v14 =	vld [tilespmem:s16+$0x68D0]  }
0x211: {  	[tilespmem:s16+$0xFEF0] =	vst.add.f32.msk $0xffff, v0  }
0x212: {  	v0 =	vld [tilespmem:s16+$0x68E0]  }
0x213: {  	[tilespmem:s16+$0xFE00] =	vst.add.f32.msk $0xffff, v1  }
0x214: {  	[tilespmem:s16+$0xFE10] =	vst.add.f32.msk $0xffff, v2  }
0x215: {  	[tilespmem:s16+$0xFE20] =	vst.add.f32.msk $0xffff, v3  }
0x216: {  	[tilespmem:s16+$0xFE30] =	vst.add.f32.msk $0xffff, v4  }
0x217: {  	[tilespmem:s16+$0xFE40] =	vst.add.f32.msk $0xffff, v5  }
0x218: {  	[tilespmem:s16+$0xFE50] =	vst.add.f32.msk $0xffff, v6  }
0x219: {  	[tilespmem:s16+$0xFE60] =	vst.add.f32.msk $0xffff, v7  }
0x21a: {  	[tilespmem:s16+$0xFE70] =	vst.add.f32.msk $0xffff, v8  }
0x21b: {  	[tilespmem:s16+$0xFE80] =	vst.add.f32.msk $0xffff, v9  }
0x21c: {  	[tilespmem:s16+$0xFE90] =	vst.add.f32.msk $0xffff, v10  }
0x21d: {  	[tilespmem:s16+$0xFEA0] =	vst.add.f32.msk $0xffff, v11  }
0x21e: {  	[tilespmem:s16+$0xFEB0] =	vst.add.f32.msk $0xffff, v12  }
0x21f: {  	[tilespmem:s16+$0xFEC0] =	vst.add.f32.msk $0xffff, v13  }
0x220: {  	s8 =	simm.s32 $0x400;
	s17 =	simm.s32 $0x0;
	[tilespmem:s16+$0xFED0] =	vst.add.f32.msk $0xffff, v14  }
.LBB2_15:
0x221: {  	s17 =	sadd.s32 $0x4, s17;
	[tilespmem:s16+$0xFEE0] =	vst.add.f32.msk $0xffff, v0;
	s16 =	sshra.s32 s8, $0x2  }
0x222: {  	v0 =	vld [tilespmem:s16+$0x68F0];
	p0 =	slt.u32 s17, $0xC4  }
0x223: {  	v1 =	vld [tilespmem:s16+$0x6800]  }
0x224: {  	v2 =	vld [tilespmem:s16+$0x6810]  }
0x225: {  	v3 =	vld [tilespmem:s16+$0x6820]  }
0x226: {  	v4 =	vld [tilespmem:s16+$0x6830]  }
0x227: {  	[tilespmem:s16+$0xFEF0] =	vst.add.f32.msk $0xffff, v0  }
0x228: {  	v5 =	vld [tilespmem:s16+$0x6840]  }
0x229: {  	v6 =	vld [tilespmem:s16+$0x6850]  }
0x22a: {  	v7 =	vld [tilespmem:s16+$0x6860]  }
0x22b: {  	v8 =	vld [tilespmem:s16+$0x6870]  }
0x22c: {  	v9 =	vld [tilespmem:s16+$0x6880]  }
0x22d: {  	v10 =	vld [tilespmem:s16+$0x6890]  }
0x22e: {  	v11 =	vld [tilespmem:s16+$0x68A0]  }
0x22f: {  	v12 =	vld [tilespmem:s16+$0x68B0]  }
0x230: {  	v13 =	vld [tilespmem:s16+$0x68C0]  }
0x231: {  	v14 =	vld [tilespmem:s16+$0x68D0]  }
0x232: {  	v0 =	vld [tilespmem:s16+$0x68E0]  }
0x233: {  	[tilespmem:s16+$0xFE00] =	vst.add.f32.msk $0xffff, v1  }
0x234: {  	[tilespmem:s16+$0xFE10] =	vst.add.f32.msk $0xffff, v2  }
0x235: {  	[tilespmem:s16+$0xFE20] =	vst.add.f32.msk $0xffff, v3  }
0x236: {  	[tilespmem:s16+$0xFE30] =	vst.add.f32.msk $0xffff, v4  }
0x237: {  	[tilespmem:s16+$0xFE40] =	vst.add.f32.msk $0xffff, v5  }
0x238: {  	[tilespmem:s16+$0xFE50] =	vst.add.f32.msk $0xffff, v6  }
0x239: {  	[tilespmem:s16+$0xFE60] =	vst.add.f32.msk $0xffff, v7  }
0x23a: {  	[tilespmem:s16+$0xFE70] =	vst.add.f32.msk $0xffff, v8  }
0x23b: {  	[tilespmem:s16+$0xFE80] =	vst.add.f32.msk $0xffff, v9  }
.Ltmp6:
0x23c: {  	[tilespmem:s16+$0xFE90] =	vst.add.f32.msk $0xffff, v10;
	(pc) =	sbr.rel @p0 .LBB2_15-.Ltmp6, $4  }
0x23d: {  	[tilespmem:s16+$0xFEA0] =	vst.add.f32.msk $0xffff, v11  }
0x23e: {  	[tilespmem:s16+$0xFEB0] =	vst.add.f32.msk $0xffff, v12  }
0x23f: {  	[tilespmem:s16+$0xFEC0] =	vst.add.f32.msk $0xffff, v13  }
0x240: {  	s8 =	sadd.s32 $0x400, s8;
	[tilespmem:s16+$0xFED0] =	vst.add.f32.msk $0xffff, v14  }
0x241: {  	s8 =	smul.u32 $0xC8, s13;
	_ =	sdelay $0x1  }
0x242: {  	s8 =	sadd.s32 s6, s8  }
0x243: {  	s8 =	sshll.u32 s8, $0x3  }
0x244: {  	s8 =	sand.u32 $0x1FFFFF80, s8  }
0x245: {  	[tilespmem:s16+$0xFEE0] =	vst.add.f32.msk $0xffff, v0;
	s17 =	simm.s32 $0x0;
	s8 =	sadd.s32 s2, s8  }
0x246: {  	[hbm4b:s8+s17] =	stream.linear.scatter [tilespmem:s31], [sflag:$0x7], $0x3200, $0x38;
	[tilespmem:$0x16200] =	vst v63  }
0x247: {  	_ =	swait.ge [sflag:s26], $0x1900  }
0x248: {  	[sflag:s26] =	ssyncset.done $0x0  }
0x249: {  	[sflag:s26] =	ssyncadd.s32 $0xFFFFE700  }
0x24a: {  	_ =	swait.ge [sflag:s26], $0x1900  }
0x24b: {  	[sflag:s26] =	ssyncset.done $0x0  }
0x24c: {  	[sflag:s26] =	ssyncadd.s32 $0xFFFFE700  }
0x24d: {  	_ =	swait.ge [sflag:s5], $0x3200  }
0x24e: {  	[sflag:s5] =	ssyncset.done $0x0  }
0x24f: {  	s16 =	sadd.s32 $0x410, s15;
	[sflag:s5] =	ssyncadd.s32 $0xFFFFCE00  }
0x250: {  	[tilespmem:s25], [sflag:$0x2] =	stream.indirect.gather [hbm4b:s4+s20], $0x40, s16, s20, $0xb8;
	[tilespmem:$0x16200] =	vst v63  }
0x251: {  	s13 =	simm.s32 $0x0;
	s17 =	sadd.s32 $0x478, s15  }
0x252: {  	[tilespmem:s28], [sflag:$0x2] =	stream.indirect.gather [hbm4b:s4+s20], $0x40, s17, s20, $0xb8;
	[tilespmem:$0x16200] =	vst v63  }
0x253: {  	v0 =	vld [tilespmem:s13+$0x68F0]  }
0x254: {  	v1 =	vld [tilespmem:s13+$0x6800]  }
0x255: {  	v2 =	vld [tilespmem:s13+$0x6810]  }
0x256: {  	v3 =	vld [tilespmem:s13+$0x6820]  }
0x257: {  	v4 =	vld [tilespmem:s13+$0x6830]  }
0x258: {  	v5 =	vld [tilespmem:s13+$0x6840]  }
0x259: {  	v6 =	vld [tilespmem:s13+$0x6850]  }
0x25a: {  	v7 =	vld [tilespmem:s13+$0x6860]  }
0x25b: {  	v8 =	vld [tilespmem:s13+$0x6870]  }
0x25c: {  	v9 =	vld [tilespmem:s13+$0x6880]  }
0x25d: {  	v10 =	vld [tilespmem:s13+$0x6890]  }
0x25e: {  	v11 =	vld [tilespmem:s13+$0x68A0]  }
0x25f: {  	v12 =	vld [tilespmem:s13+$0x68B0]  }
0x260: {  	v13 =	vld [tilespmem:s13+$0x68C0]  }
0x261: {  	v14 =	vld [tilespmem:s13+$0x68D0]  }
0x262: {  	[tilespmem:s13+$0x130F0] =	vst.add.f32.msk $0xffff, v0  }
0x263: {  	v0 =	vld [tilespmem:s13+$0x68E0]  }
0x264: {  	[tilespmem:s13+$0x13000] =	vst.add.f32.msk $0xffff, v1  }
0x265: {  	[tilespmem:s13+$0x13010] =	vst.add.f32.msk $0xffff, v2  }
0x266: {  	[tilespmem:s13+$0x13020] =	vst.add.f32.msk $0xffff, v3  }
0x267: {  	[tilespmem:s13+$0x13030] =	vst.add.f32.msk $0xffff, v4  }
0x268: {  	[tilespmem:s13+$0x13040] =	vst.add.f32.msk $0xffff, v5  }
0x269: {  	[tilespmem:s13+$0x13050] =	vst.add.f32.msk $0xffff, v6  }
0x26a: {  	[tilespmem:s13+$0x13060] =	vst.add.f32.msk $0xffff, v7  }
0x26b: {  	[tilespmem:s13+$0x13070] =	vst.add.f32.msk $0xffff, v8  }
0x26c: {  	[tilespmem:s13+$0x13080] =	vst.add.f32.msk $0xffff, v9  }
0x26d: {  	[tilespmem:s13+$0x13090] =	vst.add.f32.msk $0xffff, v10  }
0x26e: {  	[tilespmem:s13+$0x130A0] =	vst.add.f32.msk $0xffff, v11  }
0x26f: {  	[tilespmem:s13+$0x130B0] =	vst.add.f32.msk $0xffff, v12  }
0x270: {  	[tilespmem:s13+$0x130C0] =	vst.add.f32.msk $0xffff, v13  }
0x271: {  	s15 =	simm.s32 $0x0;
	s8 =	simm.s32 $0x400;
	[tilespmem:s13+$0x130D0] =	vst.add.f32.msk $0xffff, v14  }
.LBB2_17:
0x272: {  	s15 =	sadd.s32 $0x4, s15;
	[tilespmem:s13+$0x130E0] =	vst.add.f32.msk $0xffff, v0;
	s13 =	sshra.s32 s8, $0x2  }
0x273: {  	v0 =	vld [tilespmem:s13+$0x68F0];
	p0 =	slt.u32 s15, $0xC4  }
0x274: {  	v1 =	vld [tilespmem:s13+$0x6800]  }
0x275: {  	v2 =	vld [tilespmem:s13+$0x6810]  }
0x276: {  	v3 =	vld [tilespmem:s13+$0x6820]  }
0x277: {  	v4 =	vld [tilespmem:s13+$0x6830]  }
0x278: {  	[tilespmem:s13+$0x130F0] =	vst.add.f32.msk $0xffff, v0  }
0x279: {  	v5 =	vld [tilespmem:s13+$0x6840]  }
0x27a: {  	v6 =	vld [tilespmem:s13+$0x6850]  }
0x27b: {  	v7 =	vld [tilespmem:s13+$0x6860]  }
0x27c: {  	v8 =	vld [tilespmem:s13+$0x6870]  }
0x27d: {  	v9 =	vld [tilespmem:s13+$0x6880]  }
0x27e: {  	v10 =	vld [tilespmem:s13+$0x6890]  }
0x27f: {  	v11 =	vld [tilespmem:s13+$0x68A0]  }
0x280: {  	v12 =	vld [tilespmem:s13+$0x68B0]  }
0x281: {  	v13 =	vld [tilespmem:s13+$0x68C0]  }
0x282: {  	v14 =	vld [tilespmem:s13+$0x68D0]  }
0x283: {  	v0 =	vld [tilespmem:s13+$0x68E0]  }
0x284: {  	[tilespmem:s13+$0x13000] =	vst.add.f32.msk $0xffff, v1  }
0x285: {  	[tilespmem:s13+$0x13010] =	vst.add.f32.msk $0xffff, v2  }
0x286: {  	[tilespmem:s13+$0x13020] =	vst.add.f32.msk $0xffff, v3  }
0x287: {  	[tilespmem:s13+$0x13030] =	vst.add.f32.msk $0xffff, v4  }
0x288: {  	[tilespmem:s13+$0x13040] =	vst.add.f32.msk $0xffff, v5  }
0x289: {  	[tilespmem:s13+$0x13050] =	vst.add.f32.msk $0xffff, v6  }
0x28a: {  	[tilespmem:s13+$0x13060] =	vst.add.f32.msk $0xffff, v7  }
0x28b: {  	[tilespmem:s13+$0x13070] =	vst.add.f32.msk $0xffff, v8  }
0x28c: {  	[tilespmem:s13+$0x13080] =	vst.add.f32.msk $0xffff, v9  }
.Ltmp7:
0x28d: {  	[tilespmem:s13+$0x13090] =	vst.add.f32.msk $0xffff, v10;
	(pc) =	sbr.rel @p0 .LBB2_17-.Ltmp7, $4  }
0x28e: {  	[tilespmem:s13+$0x130A0] =	vst.add.f32.msk $0xffff, v11  }
0x28f: {  	[tilespmem:s13+$0x130B0] =	vst.add.f32.msk $0xffff, v12  }
0x290: {  	[tilespmem:s13+$0x130C0] =	vst.add.f32.msk $0xffff, v13  }
0x291: {  	s8 =	sadd.s32 $0x400, s8;
	[tilespmem:s13+$0x130D0] =	vst.add.f32.msk $0xffff, v14  }
0x292: {  	s8 =	smul.u32 $0xC8, s14;
	s11 =	sadd.s32 $0x1, s11  }
0x293: {  	p0 =	sne.s32 s11, $0x1F  }
.Ltmp8:
0x294: {  	s8 =	sadd.s32 s6, s8;
	(pc) =	sbr.rel @p0 .LBB2_10-.Ltmp8, $4  }
0x295: {  	s8 =	sshll.u32 s8, $0x3  }
0x296: {  	s8 =	sand.u32 $0x1FFFFFC0, s8  }
0x297: {  	[tilespmem:s13+$0x130E0] =	vst.add.f32.msk $0xffff, v0;
	s8 =	sadd.s32 s2, s8  }
0x298: {  	[hbm4b:s8+s3] =	stream.linear.scatter [tilespmem:s24], [sflag:$0x8], $0x3200, $0x38;
	[tilespmem:$0x16200] =	vst v63  }
0x299: {  	_ =	swait.ge [sflag:s29], $0x1900  }
0x29a: {  	[sflag:s29] =	ssyncset.done $0x0  }
0x29b: {  	[sflag:s29] =	ssyncadd.s32 $0xFFFFE700  }
0x29c: {  	_ =	swait.ge [sflag:s29], $0x1900  }
0x29d: {  	[sflag:s29] =	ssyncset.done $0x0  }
0x29e: {  	[sflag:s29] =	ssyncadd.s32 $0xFFFFE700  }
0x29f: {  	_ =	swait.ge [sflag:s7], $0x3200  }
0x2a0: {  	[sflag:s7] =	ssyncset.done $0x0  }
0x2a1: {  	s8 =	simm.s32 $0x6660;
	[sflag:s7] =	ssyncadd.s32 $0xFFFFCE00  }
0x2a2: {  	[tilespmem:s31], [sflag:$0x3] =	stream.indirect.gather [hbm4b:s4+s20], $0x40, s8, s20, $0xb8;
	[tilespmem:$0x16200] =	vst v63  }
0x2a3: {  	s17 =	simm.s32 $0x66C8;
	s11 =	simm.s32 $0x0  }
0x2a4: {  	[tilespmem:s0], [sflag:$0x3] =	stream.indirect.gather [hbm4b:s4+s20], $0x40, s17, s20, $0xb8;
	[tilespmem:$0x16200] =	vst v63  }
0x2a5: {  	v0 =	vld [tilespmem:s11+$0x68F0]  }
0x2a6: {  	v1 =	vld [tilespmem:s11+$0x6800]  }
0x2a7: {  	v2 =	vld [tilespmem:s11+$0x6810]  }
0x2a8: {  	v3 =	vld [tilespmem:s11+$0x6820]  }
0x2a9: {  	v4 =	vld [tilespmem:s11+$0x6830]  }
0x2aa: {  	v5 =	vld [tilespmem:s11+$0x6840]  }
0x2ab: {  	v6 =	vld [tilespmem:s11+$0x6850]  }
0x2ac: {  	v7 =	vld [tilespmem:s11+$0x6860]  }
0x2ad: {  	v8 =	vld [tilespmem:s11+$0x6870]  }
0x2ae: {  	v9 =	vld [tilespmem:s11+$0x6880]  }
0x2af: {  	v10 =	vld [tilespmem:s11+$0x6890]  }
0x2b0: {  	v11 =	vld [tilespmem:s11+$0x68A0]  }
0x2b1: {  	v12 =	vld [tilespmem:s11+$0x68B0]  }
0x2b2: {  	v13 =	vld [tilespmem:s11+$0x68C0]  }
0x2b3: {  	v14 =	vld [tilespmem:s11+$0x68D0]  }
0x2b4: {  	[tilespmem:s11+$0x9AF0] =	vst.add.f32.msk $0xffff, v0  }
0x2b5: {  	v0 =	vld [tilespmem:s11+$0x68E0]  }
0x2b6: {  	[tilespmem:s11+$0x9A00] =	vst.add.f32.msk $0xffff, v1  }
0x2b7: {  	[tilespmem:s11+$0x9A10] =	vst.add.f32.msk $0xffff, v2  }
0x2b8: {  	[tilespmem:s11+$0x9A20] =	vst.add.f32.msk $0xffff, v3  }
0x2b9: {  	[tilespmem:s11+$0x9A30] =	vst.add.f32.msk $0xffff, v4  }
0x2ba: {  	[tilespmem:s11+$0x9A40] =	vst.add.f32.msk $0xffff, v5  }
0x2bb: {  	[tilespmem:s11+$0x9A50] =	vst.add.f32.msk $0xffff, v6  }
0x2bc: {  	[tilespmem:s11+$0x9A60] =	vst.add.f32.msk $0xffff, v7  }
0x2bd: {  	[tilespmem:s11+$0x9A70] =	vst.add.f32.msk $0xffff, v8  }
0x2be: {  	[tilespmem:s11+$0x9A80] =	vst.add.f32.msk $0xffff, v9  }
0x2bf: {  	[tilespmem:s11+$0x9A90] =	vst.add.f32.msk $0xffff, v10  }
0x2c0: {  	[tilespmem:s11+$0x9AA0] =	vst.add.f32.msk $0xffff, v11  }
0x2c1: {  	[tilespmem:s11+$0x9AB0] =	vst.add.f32.msk $0xffff, v12  }
0x2c2: {  	[tilespmem:s11+$0x9AC0] =	vst.add.f32.msk $0xffff, v13  }
0x2c3: {  	s13 =	simm.s32 $0x0;
	s8 =	simm.s32 $0x400;
	[tilespmem:s11+$0x9AD0] =	vst.add.f32.msk $0xffff, v14  }
.LBB2_20:
0x2c4: {  	s13 =	sadd.s32 $0x4, s13;
	[tilespmem:s11+$0x9AE0] =	vst.add.f32.msk $0xffff, v0;
	s11 =	sshra.s32 s8, $0x2  }
0x2c5: {  	v0 =	vld [tilespmem:s11+$0x68F0];
	p0 =	slt.u32 s13, $0xC4  }
0x2c6: {  	v1 =	vld [tilespmem:s11+$0x6800]  }
0x2c7: {  	v2 =	vld [tilespmem:s11+$0x6810]  }
0x2c8: {  	v3 =	vld [tilespmem:s11+$0x6820]  }
0x2c9: {  	v4 =	vld [tilespmem:s11+$0x6830]  }
0x2ca: {  	[tilespmem:s11+$0x9AF0] =	vst.add.f32.msk $0xffff, v0  }
0x2cb: {  	v5 =	vld [tilespmem:s11+$0x6840]  }
0x2cc: {  	v6 =	vld [tilespmem:s11+$0x6850]  }
0x2cd: {  	v7 =	vld [tilespmem:s11+$0x6860]  }
0x2ce: {  	v8 =	vld [tilespmem:s11+$0x6870]  }
0x2cf: {  	v9 =	vld [tilespmem:s11+$0x6880]  }
0x2d0: {  	v10 =	vld [tilespmem:s11+$0x6890]  }
0x2d1: {  	v11 =	vld [tilespmem:s11+$0x68A0]  }
0x2d2: {  	v12 =	vld [tilespmem:s11+$0x68B0]  }
0x2d3: {  	v13 =	vld [tilespmem:s11+$0x68C0]  }
0x2d4: {  	v14 =	vld [tilespmem:s11+$0x68D0]  }
0x2d5: {  	v0 =	vld [tilespmem:s11+$0x68E0]  }
0x2d6: {  	[tilespmem:s11+$0x9A00] =	vst.add.f32.msk $0xffff, v1  }
0x2d7: {  	[tilespmem:s11+$0x9A10] =	vst.add.f32.msk $0xffff, v2  }
0x2d8: {  	[tilespmem:s11+$0x9A20] =	vst.add.f32.msk $0xffff, v3  }
0x2d9: {  	[tilespmem:s11+$0x9A30] =	vst.add.f32.msk $0xffff, v4  }
0x2da: {  	[tilespmem:s11+$0x9A40] =	vst.add.f32.msk $0xffff, v5  }
0x2db: {  	[tilespmem:s11+$0x9A50] =	vst.add.f32.msk $0xffff, v6  }
0x2dc: {  	[tilespmem:s11+$0x9A60] =	vst.add.f32.msk $0xffff, v7  }
0x2dd: {  	[tilespmem:s11+$0x9A70] =	vst.add.f32.msk $0xffff, v8  }
0x2de: {  	[tilespmem:s11+$0x9A80] =	vst.add.f32.msk $0xffff, v9  }
.Ltmp9:
0x2df: {  	[tilespmem:s11+$0x9A90] =	vst.add.f32.msk $0xffff, v10;
	(pc) =	sbr.rel @p0 .LBB2_20-.Ltmp9, $4  }
0x2e0: {  	[tilespmem:s11+$0x9AA0] =	vst.add.f32.msk $0xffff, v11  }
0x2e1: {  	[tilespmem:s11+$0x9AB0] =	vst.add.f32.msk $0xffff, v12  }
0x2e2: {  	[tilespmem:s11+$0x9AC0] =	vst.add.f32.msk $0xffff, v13  }
0x2e3: {  	s8 =	sadd.s32 $0x400, s8;
	[tilespmem:s11+$0x9AD0] =	vst.add.f32.msk $0xffff, v14  }
0x2e4: {  	[tilespmem:s11+$0x9AE0] =	vst.add.f32.msk $0xffff, v0;
	s8 =	simm.s32 $0x0;
	s15 =	rddreg [dreg:$0x9]  }
0x2e5: {  	[hbm4b:s15+s8] =	stream.linear.scatter [tilespmem:s21], [sflag:$0x5], $0x3200, $0x38;
	[tilespmem:$0x16200] =	vst v63  }
0x2e6: {  	_ =	swait.ge [sflag:s19], $0x1900  }
0x2e7: {  	[sflag:s19] =	ssyncset.done $0x0  }
0x2e8: {  	[sflag:s19] =	ssyncadd.s32 $0xFFFFE700  }
0x2e9: {  	_ =	swait.ge [sflag:s19], $0x1900  }
0x2ea: {  	[sflag:s19] =	ssyncset.done $0x0  }
0x2eb: {  	[sflag:s19] =	ssyncadd.s32 $0xFFFFE700  }
0x2ec: {  	_ =	swait.ge [sflag:s9], $0x3200  }
0x2ed: {  	[sflag:s9] =	ssyncset.done $0x0  }
0x2ee: {  	s16 =	simm.s32 $0x6730;
	[sflag:s9] =	ssyncadd.s32 $0xFFFFCE00  }
0x2ef: {  	[tilespmem:s24], [sflag:$0x4] =	stream.indirect.gather [hbm4b:s4+s20], $0x40, s16, s20, $0xb8;
	[tilespmem:$0x16200] =	vst v63  }
0x2f0: {  	s17 =	simm.s32 $0x6798;
	s11 =	simm.s32 $0x0  }
0x2f1: {  	[tilespmem:s30], [sflag:$0x4] =	stream.indirect.gather [hbm4b:s4+s20], $0x40, s17, s20, $0xb8;
	[tilespmem:$0x16200] =	vst v63  }
0x2f2: {  	v0 =	vld [tilespmem:s11+$0x68F0]  }
0x2f3: {  	v1 =	vld [tilespmem:s11+$0x6800]  }
0x2f4: {  	v2 =	vld [tilespmem:s11+$0x6810]  }
0x2f5: {  	v3 =	vld [tilespmem:s11+$0x6820]  }
0x2f6: {  	v4 =	vld [tilespmem:s11+$0x6830]  }
0x2f7: {  	v5 =	vld [tilespmem:s11+$0x6840]  }
0x2f8: {  	v6 =	vld [tilespmem:s11+$0x6850]  }
0x2f9: {  	v7 =	vld [tilespmem:s11+$0x6860]  }
0x2fa: {  	v8 =	vld [tilespmem:s11+$0x6870]  }
0x2fb: {  	v9 =	vld [tilespmem:s11+$0x6880]  }
0x2fc: {  	v10 =	vld [tilespmem:s11+$0x6890]  }
0x2fd: {  	v11 =	vld [tilespmem:s11+$0x68A0]  }
0x2fe: {  	v12 =	vld [tilespmem:s11+$0x68B0]  }
0x2ff: {  	v13 =	vld [tilespmem:s11+$0x68C0]  }
0x300: {  	v14 =	vld [tilespmem:s11+$0x68D0]  }
0x301: {  	[tilespmem:s11+$0xCCF0] =	vst.add.f32.msk $0xffff, v0  }
0x302: {  	v0 =	vld [tilespmem:s11+$0x68E0]  }
0x303: {  	[tilespmem:s11+$0xCC00] =	vst.add.f32.msk $0xffff, v1  }
0x304: {  	[tilespmem:s11+$0xCC10] =	vst.add.f32.msk $0xffff, v2  }
0x305: {  	[tilespmem:s11+$0xCC20] =	vst.add.f32.msk $0xffff, v3  }
0x306: {  	[tilespmem:s11+$0xCC30] =	vst.add.f32.msk $0xffff, v4  }
0x307: {  	[tilespmem:s11+$0xCC40] =	vst.add.f32.msk $0xffff, v5  }
0x308: {  	[tilespmem:s11+$0xCC50] =	vst.add.f32.msk $0xffff, v6  }
0x309: {  	[tilespmem:s11+$0xCC60] =	vst.add.f32.msk $0xffff, v7  }
0x30a: {  	[tilespmem:s11+$0xCC70] =	vst.add.f32.msk $0xffff, v8  }
0x30b: {  	[tilespmem:s11+$0xCC80] =	vst.add.f32.msk $0xffff, v9  }
0x30c: {  	[tilespmem:s11+$0xCC90] =	vst.add.f32.msk $0xffff, v10  }
0x30d: {  	[tilespmem:s11+$0xCCA0] =	vst.add.f32.msk $0xffff, v11  }
0x30e: {  	[tilespmem:s11+$0xCCB0] =	vst.add.f32.msk $0xffff, v12  }
0x30f: {  	[tilespmem:s11+$0xCCC0] =	vst.add.f32.msk $0xffff, v13  }
0x310: {  	s13 =	simm.s32 $0x0;
	s8 =	simm.s32 $0x400;
	[tilespmem:s11+$0xCCD0] =	vst.add.f32.msk $0xffff, v14  }
.LBB2_22:
0x311: {  	s13 =	sadd.s32 $0x4, s13;
	[tilespmem:s11+$0xCCE0] =	vst.add.f32.msk $0xffff, v0;
	s11 =	sshra.s32 s8, $0x2  }
0x312: {  	v0 =	vld [tilespmem:s11+$0x68F0];
	p0 =	slt.u32 s13, $0xC4  }
0x313: {  	v1 =	vld [tilespmem:s11+$0x6800]  }
0x314: {  	v2 =	vld [tilespmem:s11+$0x6810]  }
0x315: {  	v3 =	vld [tilespmem:s11+$0x6820]  }
0x316: {  	v4 =	vld [tilespmem:s11+$0x6830]  }
0x317: {  	[tilespmem:s11+$0xCCF0] =	vst.add.f32.msk $0xffff, v0  }
0x318: {  	v5 =	vld [tilespmem:s11+$0x6840]  }
0x319: {  	v6 =	vld [tilespmem:s11+$0x6850]  }
0x31a: {  	v7 =	vld [tilespmem:s11+$0x6860]  }
0x31b: {  	v8 =	vld [tilespmem:s11+$0x6870]  }
0x31c: {  	v9 =	vld [tilespmem:s11+$0x6880]  }
0x31d: {  	v10 =	vld [tilespmem:s11+$0x6890]  }
0x31e: {  	v11 =	vld [tilespmem:s11+$0x68A0]  }
0x31f: {  	v12 =	vld [tilespmem:s11+$0x68B0]  }
0x320: {  	v13 =	vld [tilespmem:s11+$0x68C0]  }
0x321: {  	v14 =	vld [tilespmem:s11+$0x68D0]  }
0x322: {  	v0 =	vld [tilespmem:s11+$0x68E0]  }
0x323: {  	[tilespmem:s11+$0xCC00] =	vst.add.f32.msk $0xffff, v1  }
0x324: {  	[tilespmem:s11+$0xCC10] =	vst.add.f32.msk $0xffff, v2  }
0x325: {  	[tilespmem:s11+$0xCC20] =	vst.add.f32.msk $0xffff, v3  }
0x326: {  	[tilespmem:s11+$0xCC30] =	vst.add.f32.msk $0xffff, v4  }
0x327: {  	[tilespmem:s11+$0xCC40] =	vst.add.f32.msk $0xffff, v5  }
0x328: {  	[tilespmem:s11+$0xCC50] =	vst.add.f32.msk $0xffff, v6  }
0x329: {  	[tilespmem:s11+$0xCC60] =	vst.add.f32.msk $0xffff, v7  }
0x32a: {  	[tilespmem:s11+$0xCC70] =	vst.add.f32.msk $0xffff, v8  }
0x32b: {  	[tilespmem:s11+$0xCC80] =	vst.add.f32.msk $0xffff, v9  }
.Ltmp10:
0x32c: {  	[tilespmem:s11+$0xCC90] =	vst.add.f32.msk $0xffff, v10;
	(pc) =	sbr.rel @p0 .LBB2_22-.Ltmp10, $4  }
0x32d: {  	[tilespmem:s11+$0xCCA0] =	vst.add.f32.msk $0xffff, v11  }
0x32e: {  	[tilespmem:s11+$0xCCB0] =	vst.add.f32.msk $0xffff, v12  }
0x32f: {  	[tilespmem:s11+$0xCCC0] =	vst.add.f32.msk $0xffff, v13  }
0x330: {  	s8 =	sadd.s32 $0x400, s8;
	[tilespmem:s11+$0xCCD0] =	vst.add.f32.msk $0xffff, v14  }
0x331: {  	[tilespmem:s11+$0xCCE0] =	vst.add.f32.msk $0xffff, v0;
	s8 =	simm.s32 $0x0;
	s17 =	rddreg [dreg:$0xa]  }
0x332: {  	[hbm4b:s17+s8] =	stream.linear.scatter [tilespmem:s25], [sflag:$0x6], $0x3200, $0x38;
	[tilespmem:$0x16200] =	vst v63  }
0x333: {  	_ =	swait.ge [sflag:s1], $0x1900  }
0x334: {  	[sflag:s1] =	ssyncset.done $0x0  }
0x335: {  	[sflag:s1] =	ssyncadd.s32 $0xFFFFE700  }
0x336: {  	_ =	swait.ge [sflag:s1], $0x1900  }
0x337: {  	[sflag:s1] =	ssyncset.done $0x0  }
0x338: {  	[sflag:s1] =	ssyncadd.s32 $0xFFFFE700  }
0x339: {  	_ =	swait.ge [sflag:s22], $0x3200  }
0x33a: {  	[sflag:s22] =	ssyncset.done $0x0  }
0x33b: {  	s11 =	simm.s32 $0x0;
	[sflag:s22] =	ssyncadd.s32 $0xFFFFCE00  }
0x33c: {  	v0 =	vld [tilespmem:s11+$0x68F0]  }
0x33d: {  	v1 =	vld [tilespmem:s11+$0x6800]  }
0x33e: {  	v2 =	vld [tilespmem:s11+$0x6810]  }
0x33f: {  	v3 =	vld [tilespmem:s11+$0x6820]  }
0x340: {  	v4 =	vld [tilespmem:s11+$0x6830]  }
0x341: {  	v5 =	vld [tilespmem:s11+$0x6840]  }
0x342: {  	v6 =	vld [tilespmem:s11+$0x6850]  }
0x343: {  	v7 =	vld [tilespmem:s11+$0x6860]  }
0x344: {  	v8 =	vld [tilespmem:s11+$0x6870]  }
0x345: {  	v9 =	vld [tilespmem:s11+$0x6880]  }
0x346: {  	v10 =	vld [tilespmem:s11+$0x6890]  }
0x347: {  	v11 =	vld [tilespmem:s11+$0x68A0]  }
0x348: {  	v12 =	vld [tilespmem:s11+$0x68B0]  }
0x349: {  	v13 =	vld [tilespmem:s11+$0x68C0]  }
0x34a: {  	v14 =	vld [tilespmem:s11+$0x68D0]  }
0x34b: {  	[tilespmem:s11+$0xFEF0] =	vst.add.f32.msk $0xffff, v0  }
0x34c: {  	v0 =	vld [tilespmem:s11+$0x68E0]  }
0x34d: {  	[tilespmem:s11+$0xFE00] =	vst.add.f32.msk $0xffff, v1  }
0x34e: {  	[tilespmem:s11+$0xFE10] =	vst.add.f32.msk $0xffff, v2  }
0x34f: {  	[tilespmem:s11+$0xFE20] =	vst.add.f32.msk $0xffff, v3  }
0x350: {  	[tilespmem:s11+$0xFE30] =	vst.add.f32.msk $0xffff, v4  }
0x351: {  	[tilespmem:s11+$0xFE40] =	vst.add.f32.msk $0xffff, v5  }
0x352: {  	[tilespmem:s11+$0xFE50] =	vst.add.f32.msk $0xffff, v6  }
0x353: {  	[tilespmem:s11+$0xFE60] =	vst.add.f32.msk $0xffff, v7  }
0x354: {  	[tilespmem:s11+$0xFE70] =	vst.add.f32.msk $0xffff, v8  }
0x355: {  	[tilespmem:s11+$0xFE80] =	vst.add.f32.msk $0xffff, v9  }
0x356: {  	[tilespmem:s11+$0xFE90] =	vst.add.f32.msk $0xffff, v10  }
0x357: {  	[tilespmem:s11+$0xFEA0] =	vst.add.f32.msk $0xffff, v11  }
0x358: {  	[tilespmem:s11+$0xFEB0] =	vst.add.f32.msk $0xffff, v12  }
0x359: {  	[tilespmem:s11+$0xFEC0] =	vst.add.f32.msk $0xffff, v13  }
0x35a: {  	s13 =	simm.s32 $0x0;
	s8 =	simm.s32 $0x400;
	[tilespmem:s11+$0xFED0] =	vst.add.f32.msk $0xffff, v14  }
.LBB2_24:
0x35b: {  	s13 =	sadd.s32 $0x4, s13;
	[tilespmem:s11+$0xFEE0] =	vst.add.f32.msk $0xffff, v0;
	s11 =	sshra.s32 s8, $0x2  }
0x35c: {  	v0 =	vld [tilespmem:s11+$0x68F0];
	p0 =	slt.u32 s13, $0xC4  }
0x35d: {  	v1 =	vld [tilespmem:s11+$0x6800]  }
0x35e: {  	v2 =	vld [tilespmem:s11+$0x6810]  }
0x35f: {  	v3 =	vld [tilespmem:s11+$0x6820]  }
0x360: {  	v4 =	vld [tilespmem:s11+$0x6830]  }
0x361: {  	[tilespmem:s11+$0xFEF0] =	vst.add.f32.msk $0xffff, v0  }
0x362: {  	v5 =	vld [tilespmem:s11+$0x6840]  }
0x363: {  	v6 =	vld [tilespmem:s11+$0x6850]  }
0x364: {  	v7 =	vld [tilespmem:s11+$0x6860]  }
0x365: {  	v8 =	vld [tilespmem:s11+$0x6870]  }
0x366: {  	v9 =	vld [tilespmem:s11+$0x6880]  }
0x367: {  	v10 =	vld [tilespmem:s11+$0x6890]  }
0x368: {  	v11 =	vld [tilespmem:s11+$0x68A0]  }
0x369: {  	v12 =	vld [tilespmem:s11+$0x68B0]  }
0x36a: {  	v13 =	vld [tilespmem:s11+$0x68C0]  }
0x36b: {  	v14 =	vld [tilespmem:s11+$0x68D0]  }
0x36c: {  	v0 =	vld [tilespmem:s11+$0x68E0]  }
0x36d: {  	[tilespmem:s11+$0xFE00] =	vst.add.f32.msk $0xffff, v1  }
0x36e: {  	[tilespmem:s11+$0xFE10] =	vst.add.f32.msk $0xffff, v2  }
0x36f: {  	[tilespmem:s11+$0xFE20] =	vst.add.f32.msk $0xffff, v3  }
0x370: {  	[tilespmem:s11+$0xFE30] =	vst.add.f32.msk $0xffff, v4  }
0x371: {  	[tilespmem:s11+$0xFE40] =	vst.add.f32.msk $0xffff, v5  }
0x372: {  	[tilespmem:s11+$0xFE50] =	vst.add.f32.msk $0xffff, v6  }
0x373: {  	[tilespmem:s11+$0xFE60] =	vst.add.f32.msk $0xffff, v7  }
0x374: {  	[tilespmem:s11+$0xFE70] =	vst.add.f32.msk $0xffff, v8  }
0x375: {  	[tilespmem:s11+$0xFE80] =	vst.add.f32.msk $0xffff, v9  }
.Ltmp11:
0x376: {  	[tilespmem:s11+$0xFE90] =	vst.add.f32.msk $0xffff, v10;
	(pc) =	sbr.rel @p0 .LBB2_24-.Ltmp11, $4  }
0x377: {  	[tilespmem:s11+$0xFEA0] =	vst.add.f32.msk $0xffff, v11  }
0x378: {  	[tilespmem:s11+$0xFEB0] =	vst.add.f32.msk $0xffff, v12  }
0x379: {  	[tilespmem:s11+$0xFEC0] =	vst.add.f32.msk $0xffff, v13  }
0x37a: {  	s8 =	sadd.s32 $0x400, s8;
	[tilespmem:s11+$0xFED0] =	vst.add.f32.msk $0xffff, v14  }
0x37b: {  	[tilespmem:s11+$0xFEE0] =	vst.add.f32.msk $0xffff, v0;
	s8 =	simm.s32 $0x0;
	s17 =	rddreg [dreg:$0xb]  }
0x37c: {  	[hbm4b:s17+s8] =	stream.linear.scatter [tilespmem:s31], [sflag:$0x7], $0x3200, $0x38;
	[tilespmem:$0x16200] =	vst v63  }
0x37d: {  	_ =	swait.ge [sflag:s26], $0x1900  }
0x37e: {  	[sflag:s26] =	ssyncset.done $0x0  }
0x37f: {  	[sflag:s26] =	ssyncadd.s32 $0xFFFFE700  }
0x380: {  	_ =	swait.ge [sflag:s26], $0x1900  }
0x381: {  	[sflag:s26] =	ssyncset.done $0x0  }
0x382: {  	[sflag:s26] =	ssyncadd.s32 $0xFFFFE700  }
0x383: {  	_ =	swait.ge [sflag:s5], $0x3200  }
0x384: {  	[sflag:s5] =	ssyncset.done $0x0  }
0x385: {  	s11 =	simm.s32 $0x0;
	[sflag:s5] =	ssyncadd.s32 $0xFFFFCE00  }
0x386: {  	v0 =	vld [tilespmem:s11+$0x68F0]  }
0x387: {  	v1 =	vld [tilespmem:s11+$0x6800]  }
0x388: {  	v2 =	vld [tilespmem:s11+$0x6810]  }
0x389: {  	v3 =	vld [tilespmem:s11+$0x6820]  }
0x38a: {  	v4 =	vld [tilespmem:s11+$0x6830]  }
0x38b: {  	v5 =	vld [tilespmem:s11+$0x6840]  }
0x38c: {  	v6 =	vld [tilespmem:s11+$0x6850]  }
0x38d: {  	v7 =	vld [tilespmem:s11+$0x6860]  }
0x38e: {  	v8 =	vld [tilespmem:s11+$0x6870]  }
0x38f: {  	v9 =	vld [tilespmem:s11+$0x6880]  }
0x390: {  	v10 =	vld [tilespmem:s11+$0x6890]  }
0x391: {  	v11 =	vld [tilespmem:s11+$0x68A0]  }
0x392: {  	v12 =	vld [tilespmem:s11+$0x68B0]  }
0x393: {  	v13 =	vld [tilespmem:s11+$0x68C0]  }
0x394: {  	v14 =	vld [tilespmem:s11+$0x68D0]  }
0x395: {  	[tilespmem:s11+$0x130F0] =	vst.add.f32.msk $0xffff, v0  }
0x396: {  	v0 =	vld [tilespmem:s11+$0x68E0]  }
0x397: {  	[tilespmem:s11+$0x13000] =	vst.add.f32.msk $0xffff, v1  }
0x398: {  	[tilespmem:s11+$0x13010] =	vst.add.f32.msk $0xffff, v2  }
0x399: {  	[tilespmem:s11+$0x13020] =	vst.add.f32.msk $0xffff, v3  }
0x39a: {  	[tilespmem:s11+$0x13030] =	vst.add.f32.msk $0xffff, v4  }
0x39b: {  	[tilespmem:s11+$0x13040] =	vst.add.f32.msk $0xffff, v5  }
0x39c: {  	[tilespmem:s11+$0x13050] =	vst.add.f32.msk $0xffff, v6  }
0x39d: {  	[tilespmem:s11+$0x13060] =	vst.add.f32.msk $0xffff, v7  }
0x39e: {  	[tilespmem:s11+$0x13070] =	vst.add.f32.msk $0xffff, v8  }
0x39f: {  	[tilespmem:s11+$0x13080] =	vst.add.f32.msk $0xffff, v9  }
0x3a0: {  	[tilespmem:s11+$0x13090] =	vst.add.f32.msk $0xffff, v10  }
0x3a1: {  	[tilespmem:s11+$0x130A0] =	vst.add.f32.msk $0xffff, v11  }
0x3a2: {  	[tilespmem:s11+$0x130B0] =	vst.add.f32.msk $0xffff, v12  }
0x3a3: {  	[tilespmem:s11+$0x130C0] =	vst.add.f32.msk $0xffff, v13  }
0x3a4: {  	s13 =	simm.s32 $0x0;
	s8 =	simm.s32 $0x400;
	[tilespmem:s11+$0x130D0] =	vst.add.f32.msk $0xffff, v14  }
.LBB2_26:
0x3a5: {  	s13 =	sadd.s32 $0x4, s13;
	[tilespmem:s11+$0x130E0] =	vst.add.f32.msk $0xffff, v0;
	s11 =	sshra.s32 s8, $0x2  }
0x3a6: {  	v0 =	vld [tilespmem:s11+$0x68F0];
	p0 =	slt.u32 s13, $0xC4  }
0x3a7: {  	v1 =	vld [tilespmem:s11+$0x6800]  }
0x3a8: {  	v2 =	vld [tilespmem:s11+$0x6810]  }
0x3a9: {  	v3 =	vld [tilespmem:s11+$0x6820]  }
0x3aa: {  	v4 =	vld [tilespmem:s11+$0x6830]  }
0x3ab: {  	[tilespmem:s11+$0x130F0] =	vst.add.f32.msk $0xffff, v0  }
0x3ac: {  	v5 =	vld [tilespmem:s11+$0x6840]  }
0x3ad: {  	v6 =	vld [tilespmem:s11+$0x6850]  }
0x3ae: {  	v7 =	vld [tilespmem:s11+$0x6860]  }
0x3af: {  	v8 =	vld [tilespmem:s11+$0x6870]  }
0x3b0: {  	v9 =	vld [tilespmem:s11+$0x6880]  }
0x3b1: {  	v10 =	vld [tilespmem:s11+$0x6890]  }
0x3b2: {  	v11 =	vld [tilespmem:s11+$0x68A0]  }
0x3b3: {  	v12 =	vld [tilespmem:s11+$0x68B0]  }
0x3b4: {  	v13 =	vld [tilespmem:s11+$0x68C0]  }
0x3b5: {  	v14 =	vld [tilespmem:s11+$0x68D0]  }
0x3b6: {  	v0 =	vld [tilespmem:s11+$0x68E0]  }
0x3b7: {  	[tilespmem:s11+$0x13000] =	vst.add.f32.msk $0xffff, v1  }
0x3b8: {  	[tilespmem:s11+$0x13010] =	vst.add.f32.msk $0xffff, v2  }
0x3b9: {  	[tilespmem:s11+$0x13020] =	vst.add.f32.msk $0xffff, v3  }
0x3ba: {  	[tilespmem:s11+$0x13030] =	vst.add.f32.msk $0xffff, v4  }
0x3bb: {  	[tilespmem:s11+$0x13040] =	vst.add.f32.msk $0xffff, v5  }
0x3bc: {  	[tilespmem:s11+$0x13050] =	vst.add.f32.msk $0xffff, v6  }
0x3bd: {  	[tilespmem:s11+$0x13060] =	vst.add.f32.msk $0xffff, v7  }
0x3be: {  	[tilespmem:s11+$0x13070] =	vst.add.f32.msk $0xffff, v8  }
0x3bf: {  	[tilespmem:s11+$0x13080] =	vst.add.f32.msk $0xffff, v9  }
.Ltmp12:
0x3c0: {  	[tilespmem:s11+$0x13090] =	vst.add.f32.msk $0xffff, v10;
	(pc) =	sbr.rel @p0 .LBB2_26-.Ltmp12, $4  }
0x3c1: {  	[tilespmem:s11+$0x130A0] =	vst.add.f32.msk $0xffff, v11  }
0x3c2: {  	[tilespmem:s11+$0x130B0] =	vst.add.f32.msk $0xffff, v12  }
0x3c3: {  	[tilespmem:s11+$0x130C0] =	vst.add.f32.msk $0xffff, v13  }
0x3c4: {  	s8 =	sadd.s32 $0x400, s8;
	[tilespmem:s11+$0x130D0] =	vst.add.f32.msk $0xffff, v14  }
0x3c5: {  	[tilespmem:s11+$0x130E0] =	vst.add.f32.msk $0xffff, v0;
	s8 =	rddreg [dreg:$0xc]  }
0x3c6: {  	[hbm4b:s8+s3] =	stream.linear.scatter [tilespmem:s24], [sflag:$0x8], $0x3200, $0x38;
	[tilespmem:$0x16200] =	vst v63  }
0x3c7: {  	_ =	swait.ge [sflag:s7], $0x3200  }
0x3c8: {  	[sflag:s7] =	ssyncset.done $0x0  }
0x3c9: {  	[sflag:s7] =	ssyncadd.s32 $0xFFFFCE00  }
0x3ca: {  	_ =	swait.ge [sflag:s9], $0x3200  }
0x3cb: {  	s10 =	sadd.s32 $0x1, s10;
	s17 =	rddreg [dreg:$0xd]  }
0x3cc: {  	p0 =	sne.s32 s10, s17  }
.Ltmp13:
0x3cd: {  	_ = 	snop;
	(pc) =	sbr.rel @p0 .LBB2_1-.Ltmp13, $3  }
0x3ce: {  	_ =	sdelay $0x1  }
0x3cf: {  	[sflag:s9] =	ssyncset.done $0x0  }
0x3d0: {  	[sflag:s9] =	ssyncadd.s32 $0xFFFFCE00  }
0x3d1: {  	_ =	sfence.sel $0x180000  }
0x3d2: {  	[bflag:$0x0] =	sbarrier.arrive $0xFFFF  }
0x3d3: {  	_ =	strace $0x90000047  }
0x3d4: {  	s0 =	stileid.u32;
	[bflag:$0x2] =	sbarrier.arrive $0xFFFF  }
0x3d5: {  	p0 =	sne.s32 s0, $0x0;
	s0 =	rddreg [dreg:$0x2]  }
0x3d6: {  	s0 =	sadd.s32 @!p0 $0x100000, s0  }
0x3d7: {  	[sflag:s0] =	ssyncadd.tile.s32 @!p0 $0x1;
	_ =	shalt  }
.Lfunc_end2:
_tile_overlayer_lowered:
.L_overlay_start_2:
0x3d8: {  	(tag) =	ssettag $0x2  }
0x3d9: {  	s0 =	rddreg [dreg:$0x0];
	s2 =	stileid.u32  }
0x3da: {  	s1 =	rddreg [dreg:$0x1];
	p0 =	sne.s32 s2, $0x0  }
0x3db: {  	s3 =	rddreg [dreg:$0x2];
	[bflag:$0x3] =	sbarrier.arrive $0xFFFF;
	s2 =	simm.s32 @!p0 $0x1C09  }
0x3dc: {  	[timem:s3], [sflag:s2] =	dma.local @!p0 [hbm:s0], s1  }
0x3dd: {  	s0 =	simm.s32 @!p0 $0x9  }
0x3de: {  	_ =	swait.ge @!p0 [sflag:s0], s1  }
0x3df: {  	s1 =	ssub.s32 @!p0 $0x0, s1;
	[sflag:s0] =	ssyncset.done @!p0 $0x0  }
0x3e0: {  	[sflag:s0] =	ssyncadd.s32 @!p0 s1  }
0x3e1: {  	[bflag:$0x3] =	sbarrier.arrive $0xFFFF  }
0x3e2: {  	_ =	shalt  }

// kernel: sparse-core-data-format-call.cloned.1.call-start
scs
called_computation_lowered:
.L_overlay_start_0:
0x0: {  	s2 =	sld [smem:$0x3FD9]  }
0x1: {  	s3 =	sld [smem:$0x3FFE];
	_ =	sdelay $0x1  }
0x2: {  	s1 =	srdreg.scid  }
0x3: {  	s0 =	sand.u32 $0x1, s1  }
0x4: {  	s18 =	sshll.u32 s0, $0xA;
	s2 =	sadd.s32 s3, s2  }
0x5: {  	s2 =	sadd.s32 s2, s18  }
0x6: {  	[smem:$0x3FC5] =	sst s2  }
0x7: {  	_ = 	snop  }
0x8: {  	s2 =	sld [smem:$0x3FD0];
	(tm) =	ssettm $0x1  }
0x9: {  	s19 =	sld [smem:$0x3FFB];
	_ =	sdelay $0x3  }
0xa: {  	_ =	strace s19  }
0xb: {  	s3 =	sld [smem:$0x3FFC];
	_ =	sdelay $0x3  }
0xc: {  	_ =	strace s3  }
0xd: {  	s3 =	sld [smem:$0x3FFD];
	_ =	sdelay $0x3  }
0xe: {  	_ =	strace s3  }
0xf: {  	_ =	strace $0x8FFFFFFF  }
0x10: {  	s20 =	sld [smem:$0x3FDB];
	_ =	sdelay $0x1  }
0x11: {  	s4 =	simm.s32 $_scs_section_size  }
0x12: {  	s5 =	simm.s32 $_size__tile_overlayer_lowered;
	s6 =	simm.s32 $_tile_overlayer_lowered  }
0x13: {  	s23 =	simm.s32 $0x1BFF;
	s22 =	sshll.u32 s6, $0x1;
	s3 =	sadd.s32 s4, s20  }
0x14: {  	s7 =	simm.s32 $0x0;
	s21 =	sshll.u32 s5, $0x1;
	s5 =	sadd.s32 s22, s3  }
0x15: {  	[timem:s7], [sflag:s23] =	dma.local [hbm:s5], s21  }
0x16: {  	_ =	swait.ge [sflag:s23], s21  }
0x17: {  	s4 =	ssub.s32 $0x0, s21;
	[sflag:s23] =	ssyncset.done $0x0  }
0x18: {  	[sflag:s23] =	ssyncadd.s32 s4;
	_ =	sdelay $0x1  }
0x19: {  	s24 =	simm.s32 $0x1B8B  }
0x1a: {  	_ =	swait.ge [sflag:s24], $0x1  }
0x1b: {  	[sflag:s24] =	ssyncset.done $0x0  }
0x1c: {  	s26 =	simm.s32 $0x1B8E;
	s25 =	sld [smem:$0x3FFE];
	[sflag:s24] =	ssyncadd.s32 $0xFFFFFFFF  }
0x1d: {  	s27 =	simm.s32 $execute0_lowered;
	[smem:$0x3FD2] =	sst s26  }
0x1e: {  	s5 =	sshll.u32 s27, $0x1;
	_ =	strace $0x80000049;
	[dreg:$0x1] =	wrdreg $0xFFFFFFFF  }
0x1f: {  	s28 =	simm.s32 $_size_execute0_lowered;
	s3 =	sadd.s32 s3, s5;
	[dreg:$0x0] =	wrdreg $0x0  }
0x20: {  	s5 =	sshll.u32 s28, $0x1;
	[dreg:$0x2] =	wrdreg s3  }
0x21: {  	[dreg:$0x3] =	wrdreg s5  }
0x22: {  	[dreg:$0x4] =	wrdreg $0xC0  }
0x23: {  	_ =	task [dreg:s7], $0x5FFFF  }
0x24: {  	[dreg:$0x1] =	wrdreg $0xFFFFFFFF  }
0x25: {  	[dreg:$0x0] =	wrdreg $0x60  }
0x26: {  	[dreg:$0x2] =	wrdreg s25  }
0x27: {  	[dreg:$0x3] =	wrdreg s2  }
0x28: {  	[dreg:$0x4] =	wrdreg $0x9  }
0x29: {  	_ =	task.clear_ibuf [dreg:s7], $0x5FFFF;
	_ =	strace $0x90000049  }
0x2a: {  	s29 =	simm.s32 $0x9;
	_ =	strace $0x8000004B  }
0x2b: {  	_ =	swait.ge [sflag:s29], $0x1  }
0x2c: {  	[sflag:s29] =	ssyncadd.s32 $0xFFFFFFFF  }
0x2d: {  	_ =	strace $0x9000004B  }
0x2e: {  	_ =	sfence  }
0x2f: {  	s30 =	sld [smem:$0x0];
	_ =	sdelay $0x2  }
0x30: {  	s31 =	sshll.u32 s1, $0xD;
	s1 =	sshrl.u32 s1, $0x2  }
0x31: {  	s3 =	sand.u32 $0x4000, s31;
	s1 =	sadd.s32 s1, s30  }
0x32: {  	s0 =	sor.u32 s3, s0;
	s1 =	sshll.u32 s1, $0x11  }
0x33: {  	s0 =	sor.u32 s1, s0  }
0x34: {  	s0 =	sadd.s32 $0x8F2B, s0  }
0x35: {  	[sflag:s0] =	ssyncadd.remote.s32 $0x1  }
0x36: {  	_ =	sfence.sel $0xFFFF  }
0x37: {  	[dreg:$0x0] =	wrdreg $0xFFFFFFFF;
	(pc) =	sbr.abs _section_cstart, $3  }
0x38: {  	[dreg:$0x1] =	wrdreg $0xFFFFFFFF  }
0x39: {  	_ =	task.clear_ibuf [dreg:s7], $0x2FFFF;
	_ =	strace $0x9FFFFFFF  }
0x3a: {  	(tm) =	ssettm $0x7FFFFFFF  }
0x3b: {  	_ =	shalt  }
tec
execute0_lowered:
.L_overlay_start_1:
0x0: {  	(tag) =	ssettag $0x1  }
0x1: {  	s0 =	srdreg.scid  }
0x2: {  	s1 =	sshll.u32 s0, $0x4  }
0x3: {  	s0 =	stileid.u32;
	s1 =	sand.u32 $0x10, s1  }
0x4: {  	s1 =	sor.u32 s0, s1  }
0x5: {  	s6 =	rddreg [dreg:$0x0];
	s4 =	simm.s32 $0x1;
	s2 =	sshll.u32 s1, $0x7  }
0x6: {  	s7 =	simm.s32 $0x2;
	s12 =	simm.s32 $0x0;
	s1 =	ssub.s32 $0x1000, s2  }
0x7: {  	s8 =	simm.s32 $0x8000;
	s13 =	simm.s32 $0x0;
	s3 =	sand.u32 $0xF80, s1  }
0x8: {  	s9 =	simm.s32 $0x0;
	s5 =	sshrl.u32 s1, $0xC;
	p0 =	sne.s32 s3, $0x0  }
.Ltmp0:
0x9: {  	s1 =	rddreg [dreg:$0x2];
	s4 =	simm.s32 @!p0 $0x0;
	(pc) =	sbr.rel .LBB1_1-.Ltmp0, $4  }
0xa: {  	s11 =	simm.s32 $0x0;
	s3 =	rddreg [dreg:$0x1];
	s5 =	sadd.s32 s4, s5  }
0xb: {  	_ =	strace $0x8000004A;
	s4 =	simm.s32 $0x1;
	s5 =	smul.u32 $0xC8, s5  }
0xc: {  	s6 =	sadd.s32 $0xA00, s6;
	s10 =	smov.u32 s2;
	[sflag:s4] =	ssyncpa.u1 $0x0  }
0xd: {  	p0 =	por $0x0, $0x0;
	[sflag:s7] =	ssyncpa.u1 $0x0;
	s7 =	sor.u32 $0x1, s5  }
.LBB1_4:
0xe: {  	s16 =	sshll.u32 s13, $0x3;
	s17 =	sand.u32 $0x78, s13  }
0xf: {  	s30 =	sand.u32 $0x7E00, s13;
	s12 =	sshll.u32 s12, $0xF;
	s16 =	sand.u32 $0xC00, s16  }
0x10: {  	[tilespmem:s15+$0x810 ss:$0x81] =	vst.msk $0xffff, v2;
	s31 =	sand.u32 $0x7, s13;
	s16 =	sor.u32 s17, s16;
	s17 =	sadd.s32 s3, s30  }
0x11: {  	[tilespmem:s15+$0x1020 ss:$0x81] =	vst.msk $0xffff, v0;
	s13 =	sshll.u32 s31, $0x12;
	s12 =	sadd.s32 s12, s17;
	s16 =	sshrl.u32 s16, $0x3  }
0x12: {  	[tilespmem:s15+$0x0 ss:$0x81] =	vst.msk $0xffff, v1;
	s13 =	sor.u32 $0x400, s13;
	s12 =	sadd.s32 s16, s12  }
0x13: {  	[hbm4b:s12+s13] =	stream.strided.scatter [tilespmem:s14], [sflag:$0x2], $0x2000, s8, s13, $0x20;
	[tilespmem:$0x8080] =	vst v63  }
.LBB1_5:
0x14: {  	s14 =	sadd.s32 $0x1, s9  }
0x15: {  	s12 =	sadd.s32 $0x1000, s10;
	s16 =	smov.u32 s10;
	p2 =	sgt.s32 s14, $0xC7  }
0x16: {  	s16 =	smov.u32 @p2 s12  }
0x17: {  	s14 =	simm.s32 @p2 $0x0;
	p2 =	sgt.s32 s16, $0xFFF  }
0x18: {  	s16 =	smov.u32 @p2 s2;
	p2 =	sne.s32 s11, s7  }
.Ltmp1:
0x19: {  	p1 =	slt.u32 s11, $0x2;
	(pc) =	sbr.rel @!p2 .LBB1_6-.Ltmp1, $4  }
0x1a: {  	s15 =	simm.s32 @!p1 $0x2  }
0x1b: {  	s13 =	smov.u32 s10;
	p0 =	por !p0, !p0;
	_ =	swait.ge @!p1 [sflag:s15], $0x2000  }
0x1c: {  	s12 =	smov.u32 s9;
	[sflag:s15] =	ssyncset.done @!p1 $0x0;
	s9 =	smov.u32 s14  }
0x1d: {  	s11 =	sadd.s32 $0x1, s11;
	[sflag:s15] =	ssyncadd.s32 @!p1 $0xFFFFE000;
	s10 =	smov.u32 s16  }
.LBB1_1:
0x1e: {  	p1 =	sge.u32 s11, s5  }
0x1f: {  	s14 =	sand.u32 @!p1 $0x1FFFFFF, s9  }
0x20: {  	s15 =	smulhi.u32 @!p1 $0x147AE15, s14;
	_ =	sdelay $0x1  }
0x21: {  	s15 =	smul.u32 @!p1 $0xC8, s15  }
0x22: {  	s16 =	sxor.u32 @!p1 $0xFFFFFFFF, s11;
	s17 =	smul.u32 @!p1 $0xC80, s10  }
0x23: {  	s31 =	sadd.s32 $0xFFFFFFFF, s11;
	s16 =	sshll.u32 @!p1 s16, $0xD;
	s14 =	ssub.s32 @!p1 s14, s15  }
0x24: {  	s15 =	sand.u32 @!p1 $0x2000, s16;
	s16 =	sadd.s32 @!p1 s6, s17;
	s14 =	sshll.u32 @!p1 s14, $0x4  }
0x25: {  	s17 =	simm.s32 @!p1 $0x6400;
	s14 =	sadd.s32 @!p1 s14, s16;
	s16 =	simm.s32 @!p1 $0x40  }
0x26: {  	[tilespmem:s15], [sflag:$0x1] =	stream.strided.gather @!p1 [hbm4b:s14+s16], $0x2000, s17, s16, $0x38;
	[tilespmem:$0x8080] =	vst v63  }
0x27: {  	p1 =	sge.u32 s31, s5  }
.Ltmp2:
0x28: {  	_ = 	snop;
	(pc) =	sbr.rel @p1 .LBB1_5-.Ltmp2, $1  }
0x29: {  	_ =	sdelay $0x3  }
0x2a: {  	s14 =	simm.s32 $0x1  }
0x2b: {  	_ =	swait.ge [sflag:s4], $0x2000;
	s14 =	simm.s32 @!p0 $0x0  }
0x2c: {  	[sflag:s4] =	ssyncset.done $0x0;
	s15 =	sshll.u32 s14, $0xD  }
0x2d: {  	[sflag:s4] =	ssyncadd.s32 $0xFFFFE000;
	s18 =	sor.u32 $0x20, s15  }
0x2e: {  	s14 =	smul.u32 $0x8100, s14;
	v3 =	vld [tilespmem:s18+$0x10]  }
0x2f: {  	s30 =	sand.u32 $0x1, s11;
	v2 =	vld [tilespmem:s18+$0xFFFFFFF0]  }
0x30: {  	s15 =	smul.u32 $0x8100, s30;
	s14 =	sshrl.u32 s14, $0x2;
	v0 =	vld [tilespmem:s18+$0x0]  }
0x31: {  	v1 =	vld [tilespmem:s18+$0xFFFFFFE0];
	s16 =	sor.u32 $0x4000, s14  }
0x32: {  	s31 =	sshrl.u32 s15, $0x2;
	s15 =	sadd.s32 $0x0, s16  }
0x33: {  	s17 =	simm.s32 $0x4;
	s18 =	sadd.s32 $0x40, s18;
	s14 =	sor.u32 $0x4000, s31;
	[tilespmem:s15+$0x1830 ss:$0x81] =	vst.msk $0xffff, v3  }
.LBB1_3:
0x34: {  	v3 =	vld [tilespmem:s18+$0x10];
	p1 =	sne.s32 s17, $0x1FC;
	[tilespmem:s15+$0x810 ss:$0x81] =	vst.msk $0xffff, v2;
	s19 =	smov.u32 s17;
	s17 =	sadd.s32 $0x4, s17  }
.Ltmp3:
0x35: {  	v2 =	vld [tilespmem:s18+$0xFFFFFFF0];
	[tilespmem:s15+$0x1020 ss:$0x81] =	vst.msk $0xffff, v0;
	(pc) =	sbr.rel @p1 .LBB1_3-.Ltmp3, $4  }
0x36: {  	v0 =	vld [tilespmem:s18+$0x0];
	[tilespmem:s15+$0x0 ss:$0x81] =	vst.msk $0xffff, v1  }
0x37: {  	s15 =	sshra.s32 s19, $0x2;
	v1 =	vld [tilespmem:s18+$0xFFFFFFE0]  }
0x38: {  	s15 =	sadd.s32 s15, s16  }
0x39: {  	s18 =	sadd.s32 $0x40, s18;
	[tilespmem:s15+$0x1830 ss:$0x81] =	vst.msk $0xffff, v3  }
.Ltmp4:
0x3a: {  	_ = 	snop;
	(pc) =	sbr.rel .LBB1_4-.Ltmp4, $1  }
0x3b: {  	_ =	sdelay $0x3  }
.LBB1_6:
0x3c: {  	_ =	sfence.sel $0x180000  }
0x3d: {  	s2 =	simm.s32 $0x1;
	[bflag:$0x0] =	sbarrier.arrive $0xFFFF  }
0x3e: {  	s31 =	simm.s32 $0x2;
	[sflag:s2] =	ssyncpa.u1 $0x1  }
0x3f: {  	[sflag:s31] =	ssyncpa.u1 $0x1  }
0x40: {  	p0 =	sne.s32 s0, $0x0;
	_ =	strace $0x9000004A  }
0x41: {  	s0 =	sadd.s32 @!p0 $0x100000, s1;
	[bflag:$0x2] =	sbarrier.arrive $0xFFFF  }
0x42: {  	[sflag:s0] =	ssyncadd.tile.s32 @!p0 $0x1;
	_ =	shalt  }
.Lfunc_end1:
_tile_overlayer_lowered:
.L_overlay_start_2:
0x43: {  	(tag) =	ssettag $0x2  }
0x44: {  	s0 =	rddreg [dreg:$0x0];
	s2 =	stileid.u32  }
0x45: {  	s1 =	rddreg [dreg:$0x1];
	p0 =	sne.s32 s2, $0x0  }
0x46: {  	s3 =	rddreg [dreg:$0x2];
	[bflag:$0x3] =	sbarrier.arrive $0xFFFF;
	s2 =	simm.s32 @!p0 $0x1C01  }
0x47: {  	[timem:s3], [sflag:s2] =	dma.local @!p0 [hbm:s0], s1  }
0x48: {  	s0 =	simm.s32 @!p0 $0x1  }
0x49: {  	_ =	swait.ge @!p0 [sflag:s0], s1  }
0x4a: {  	s1 =	ssub.s32 @!p0 $0x0, s1;
	[sflag:s0] =	ssyncset.done @!p0 $0x0  }
0x4b: {  	[sflag:s0] =	ssyncadd.s32 @!p0 s1  }
0x4c: {  	[bflag:$0x3] =	sbarrier.arrive $0xFFFF  }
0x4d: {  	_ =	shalt  }

</sc_bundles>
